<compile_context>
chip_gen: v7x
topology: tpu7x:2x2x1
jax: 0.10.2.dev20260603
libtpu: 0.0.44.dev20260713+nightly
codegen_flags: <defaults>
</compile_context>

<pallas_src>
import functools

import jax
import jax.numpy as jnp
from jax import lax
from jax.experimental import pallas as pl
from jax.experimental.pallas import tpu as pltpu
from jax.experimental.pallas import tpu_sc as plsc

_BA = 16
_K = 16


def _sc_compact(distT, idx_tensor):
    c = distT.shape[1]
    ng = c // 16
    mesh = plsc.VectorSubcoreMesh(core_axis_name="c", subcore_axis_name="s")

    @functools.partial(
        pl.kernel, mesh=mesh,
        out_type=[jax.ShapeDtypeStruct((c,), jnp.int32),
                  jax.ShapeDtypeStruct((c,), jnp.int32),
                  jax.ShapeDtypeStruct((16,), jnp.int32)],
        scratch_types=[pltpu.VMEM((6, c), jnp.float32),
                       pltpu.VMEM((c,), jnp.int32),
                       pltpu.VMEM((c,), jnp.int32),
                       pltpu.VMEM((c,), jnp.int32),
                       pltpu.VMEM((16,), jnp.int32),
                       pltpu.VMEM((c,), jnp.int32),
                       pltpu.SemaphoreType.DMA,
                       pltpu.SemaphoreType.DMA],
    )
    def k(distT_hbm, idx_hbm, order_hbm, chunkid_hbm, cnt_hbm,
          dist_v, idx_v, vis_v, order_v, cnt_v, pos_v, sem1, sem2):
        cid = lax.axis_index("c")
        sid = lax.axis_index("s")

        @pl.when(jnp.logical_and(cid == 0, sid == 0))
        def _():
            pltpu.sync_copy(distT_hbm, dist_v)
            pltpu.sync_copy(idx_hbm, idx_v)

            idxs = lax.iota(jnp.int32, 16)
            dn16 = lax.GatherDimensionNumbers(
                offset_dims=(), collapsed_slice_dims=(0,),
                start_index_map=(0,))

            def _perm(x, idx):
                return lax.gather(
                    x, idx[:, None], dn16, (1,),
                    mode=lax.GatherScatterMode.PROMISE_IN_BOUNDS)

            def _cumsum16(x):
                s = x
                for sh in (1, 2, 4, 8):
                    down = _perm(s, jnp.maximum(idxs - sh, 0))
                    s = s + jnp.where(idxs >= sh, down, 0)
                return s

            def _splat_last(x):
                return _perm(x, jnp.full((16,), 15, jnp.int32))

            cnt_v[...] = jnp.zeros((16,), jnp.int32)

            def pass_a(i, dummy):
                sl = pl.ds(i * 16, 16)
                ok = dist_v[0, sl] >= 0.0
                for p in range(1, 6):
                    ok = jnp.logical_and(ok, dist_v[p, sl] >= 0.0)
                oki = jnp.where(ok, 1, 0)
                vis_v[sl] = oki
                cnt_v[...] = cnt_v[...] + oki
                return dummy

            lax.fori_loop(0, ng, pass_a, 0)
            tot = _splat_last(_cumsum16(cnt_v[...]))
            cnt_v[...] = tot

            def pass_b(i, carry):
                sv, si = carry
                sl = pl.ds(i * 16, 16)
                visv = vis_v[sl]
                okm = visv > 0
                cv = _cumsum16(visv)
                pos = jnp.where(okm, sv + cv - 1, si + idxs - cv)
                pos_v[sl] = pos
                order_v[sl] = idxs + (16 * i)
                nv = _splat_last(cv)
                return (sv + nv, si + (16 - nv))

            lax.fori_loop(0, ng, pass_b,
                          (jnp.zeros((16,), jnp.int32), tot))

            pltpu.async_copy(order_v, order_hbm.at[pos_v], sem1).wait()
            pltpu.async_copy(idx_v, chunkid_hbm.at[pos_v], sem2).wait()
            pltpu.sync_copy(cnt_v, cnt_hbm)

    return k(distT, idx_tensor)


def _basis_rows(x, y, z):
    xx = x * x; yy = y * y; zz = z * z
    xy = x * y; yz = y * z; xz = x * z
    return [
        -0.4886025119029199 * y,
        0.4886025119029199 * z,
        -0.4886025119029199 * x,
        1.0925484305920792 * xy,
        -1.0925484305920792 * yz,
        0.31539156525252005 * (2.0 * zz - xx - yy),
        -1.0925484305920792 * xz,
        0.5462742152960396 * (xx - yy),
        -0.5900435899266435 * y * (3.0 * xx - yy),
        2.890611442640554 * xy * z,
        -0.4570457994644658 * y * (4.0 * zz - xx - yy),
        0.3731763325901154 * z * (2.0 * zz - 3.0 * xx - 3.0 * yy),
        -0.4570457994644658 * x * (4.0 * zz - xx - yy),
        1.445305721320277 * z * (xx - yy),
        -0.5900435899266435 * x * (xx - yy - zz),
    ]


def _math_body(camT_ref, xyz_ref, sc_ref, rot_ref, sh0_ref, shr_ref, op_ref,
               out_ref):
    ba, _, cs = xyz_ref.shape
    xyz = xyz_ref[...]
    rot = rot_ref[...]

    out_ref[:, 0:3] = xyz
    out_ref[:, 3:6] = jnp.exp(sc_ref[...])
    qn = jnp.sqrt(jnp.sum(rot * rot, axis=1, keepdims=True))
    out_ref[:, 6:10] = rot * (1.0 / (qn + 1e-8))
    out_ref[:, 13:14] = 1.0 / (1.0 + jnp.exp(-op_ref[...]))

    d = xyz - camT_ref[...][None]
    dn = jnp.sqrt(jnp.sum(d * d, axis=1, keepdims=True))
    dirs = d * (1.0 / (dn + 1e-8))

    shr = shr_ref[...]
    sh0 = sh0_ref[...]
    for jj in range(ba):
        lo, hi = jj * cs, (jj + 1) * cs
        dj = dirs[jj]
        x = dj[0:1]; y = dj[1:2]; z = dj[2:3]
        basis = jnp.concatenate(_basis_rows(x, y, z), axis=0)
        rows = [
            jnp.sum(basis * shr[ch, :, lo:hi], axis=0, keepdims=True)
            + 0.28209479177387814 * sh0[ch, :, lo:hi]
            for ch in range(3)
        ]
        colT = jnp.maximum(jnp.concatenate(rows, axis=0) + 0.5, 0.0)
        out_ref[jj, 10:13] = colT


def _dense_math(camT, xyz_v, sc_v, rot_v, sh0_v, shr_v, op_v):
    c, _, cs = xyz_v.shape
    ba = _BA if c % _BA == 0 else 1
    idx_c = lambda i: (i, 0, 0)
    idx_n = lambda i: (0, 0, i)
    return pl.pallas_call(
        _math_body,
        grid=(c // ba,),
        in_specs=[
            pl.BlockSpec((3, cs), lambda i: (0, 0)),
            pl.BlockSpec((ba, 3, cs), idx_c),
            pl.BlockSpec((ba, 3, cs), idx_c),
            pl.BlockSpec((ba, 4, cs), idx_c),
            pl.BlockSpec((3, 1, ba * cs), idx_n),
            pl.BlockSpec((3, 15, ba * cs), idx_n),
            pl.BlockSpec((ba, 1, cs), idx_c),
        ],
        out_specs=pl.BlockSpec((ba, 14, cs), idx_c),
        out_shape=jax.ShapeDtypeStruct((c, 14, cs), jnp.float32),
        compiler_params=pltpu.CompilerParams(
            dimension_semantics=("arbitrary",)),
    )(camT, xyz_v, sc_v, rot_v, sh0_v, shr_v, op_v)


def _compact_body(order_ref, cnt_ref, *refs):
    k = len(refs) - 5
    ins = refs[:k]
    cx_ref, csc_ref, crt_ref, col_ref, cop_ref = refs[k:]
    i = pl.program_id(0)
    for j in range(k):
        pk_ref = ins[j]
        valid = (k * i + j) < cnt_ref[0]
        pk = pk_ref[0]
        cx_ref[j] = jnp.where(valid, pk[0:3], 0.0)
        csc_ref[j] = jnp.where(valid, pk[3:6], 1.0)
        crt_ref[j] = jnp.where(valid, pk[6:10], 0.0)
        col_ref[j] = jnp.where(valid, pk[10:13], 0.5)
        cop_ref[j] = jnp.where(valid, pk[13:14], 0.5)


def _compact(order, cnt, packed):
    c, _, cs = packed.shape
    k = _K if c % _K == 0 else 1

    chunk_specs = []
    ins = []
    for j in range(k):
        idx3 = (lambda jj: lambda i, o, n: (o[k * i + jj], 0, 0))(j)
        chunk_specs += [pl.BlockSpec((1, 14, cs), idx3)]
        ins += [packed]

    out_specs = [pl.BlockSpec((k, d, cs), lambda i, o, n: (i, 0, 0))
                 for d in (3, 3, 4, 3, 1)]
    out_shapes = [jax.ShapeDtypeStruct((c, d, cs), jnp.float32)
                  for d in (3, 3, 4, 3, 1)]

    grid_spec = pltpu.PrefetchScalarGridSpec(
        num_scalar_prefetch=2,
        grid=(c // k,),
        in_specs=chunk_specs,
        out_specs=out_specs,
    )
    return pl.pallas_call(
        _compact_body,
        grid_spec=grid_spec,
        out_shape=out_shapes,
        compiler_params=pltpu.CompilerParams(
            dimension_semantics=("arbitrary",)),
    )(order, cnt, *ins)


def kernel(view_matrix, frustumplane, idx_tensor, feedback_visible_chunks_num,
           xyz, scale, rot, sh_0, sh_rest, opacity, cluster_origin,
           cluster_extend):
    c = cluster_origin.shape[0]
    n = xyz.shape[0]
    cs = n // c

    cam = view_matrix[3, :3]
    camT = jnp.broadcast_to(cam[:, None], (3, cs))

    xyz_v = xyz.reshape(c, cs, 3).transpose(0, 2, 1)
    sc_v = scale.reshape(c, cs, 3).transpose(0, 2, 1)
    rot_v = rot.reshape(c, cs, 4).transpose(0, 2, 1)
    op_v = opacity.reshape(c, cs, 1).transpose(0, 2, 1)
    sh0_v = sh_0.transpose(2, 1, 0)
    shr_v = sh_rest.transpose(2, 1, 0)

    packed = _dense_math(camT, xyz_v, sc_v, rot_v, sh0_v, shr_v, op_v)

    nrm = frustumplane[:, :3]
    dpl = frustumplane[:, 3]
    dist = (cluster_origin @ nrm.T + cluster_extend @ jnp.abs(nrm).T
            + dpl[None, :])
    order, visible_chunkid, cnt_vec = _sc_compact(
        dist.T, idx_tensor.astype(jnp.int32))
    cnt = cnt_vec[0]
    cx, csc, crt, col, cop = _compact(order, cnt_vec[0:1], packed)

    valid_length = cnt * cs
    return (visible_chunkid, cnt, valid_length,
            cx.transpose(0, 2, 1).reshape(n, 3),
            csc.transpose(0, 2, 1).reshape(n, 3),
            crt.transpose(0, 2, 1).reshape(n, 4),
            col.transpose(0, 2, 1).reshape(n, 3),
            cop.transpose(0, 2, 1).reshape(n, 1))

# --- scband reference (transcript-rebuilt; emitter-appended) ---
"""Pipeline reference for scband-gaussian-splatting-model-55774445306111 (READ-ONLY COPY).

The authoritative reference and input builder live on the scoring server;
editing this copy changes nothing except your own understanding.
"""

import jax, jax.numpy as jnp
import numpy as np

N = 524288
CS = 256
C = N // CS


def eval_sh(sh, dirs):
    x = dirs[:, 0:1]; y = dirs[:, 1:2]; z = dirs[:, 2:3]
    res = 0.28209479177387814 * sh[:, 0]
    res = res - 0.4886025119029199 * y * sh[:, 1] + 0.4886025119029199 * z * sh[:, 2] - 0.4886025119029199 * x * sh[:, 3]
    xx = x * x; yy = y * y; zz = z * z; xy = x * y; yz = y * z; xz = x * z
    res = (res + 1.0925484305920792 * xy * sh[:, 4]
           - 1.0925484305920792 * yz * sh[:, 5]
           + 0.31539156525252005 * (2.0 * zz - xx - yy) * sh[:, 6]
           - 1.0925484305920792 * xz * sh[:, 7]
           + 0.5462742152960396 * (xx - yy) * sh[:, 8])
    res = (res - 0.5900435899266435 * y * (3.0 * xx - yy) * sh[:, 9]
           + 2.890611442640554 * xy * z * sh[:, 10]
           - 0.4570457994644658 * y * (4.0 * zz - xx - yy) * sh[:, 11]
           + 0.3731763325901154 * z * (2.0 * zz - 3.0 * xx - 3.0 * yy) * sh[:, 12]
           - 0.4570457994644658 * x * (4.0 * zz - xx - yy) * sh[:, 13]
           + 1.445305721320277 * z * (xx - yy) * sh[:, 14]
           - 0.5900435899266435 * x * (xx - yy - zz) * sh[:, 15])
    return res


def setup_inputs(seed: int = 0) -> dict:
    key = jax.random.key(seed)
    ks = jax.random.split(key, 10)
    centers = jax.random.normal(ks[8], (C, 1, 3), jnp.float32) * 20.0
    xyz = (centers + jax.random.normal(ks[0], (C, CS, 3), jnp.float32) * 2.0).reshape(N, 3)
    scale = jax.random.normal(ks[1], (N, 3), jnp.float32) * 0.5 - 2.0
    rot = jax.random.normal(ks[2], (N, 4), jnp.float32)
    sh_0 = jax.random.normal(ks[3], (N, 1, 3), jnp.float32)
    sh_rest = jax.random.normal(ks[4], (N, 15, 3), jnp.float32) * 0.1
    opacity = jax.random.normal(ks[5], (N, 1), jnp.float32)
    view_matrix = jax.random.normal(ks[6], (4, 4), jnp.float32)
    fp = jax.random.normal(ks[7], (6, 4), jnp.float32)
    frustumplane = fp.at[:, 3].set(jnp.abs(fp[:, 3]) * 10.0 + 25.0)
    xc = xyz.reshape(C, CS, 3)
    mn = xc.min(axis=1); mx = xc.max(axis=1)
    cluster_origin = (mn + mx) * 0.5
    cluster_extend = (mx - mn) * 0.5 + 0.1
    idx_tensor = jnp.arange(C, dtype=jnp.int32)
    feedback_visible_chunks_num = jnp.zeros((1,), jnp.int32)
    return {
        'view_matrix': view_matrix,
        'frustumplane': frustumplane,
        'idx_tensor': idx_tensor,
        'feedback_visible_chunks_num': feedback_visible_chunks_num,
        'xyz': xyz,
        'scale': scale,
        'rot': rot,
        'sh_0': sh_0,
        'sh_rest': sh_rest,
        'opacity': opacity,
        'cluster_origin': cluster_origin,
        'cluster_extend': cluster_extend,
    }


def reference(view_matrix, frustumplane, idx_tensor, feedback_visible_chunks_num,
              xyz, scale, rot, sh_0, sh_rest, opacity, cluster_origin, cluster_extend):
    c = cluster_origin.shape[0]
    n = xyz.shape[0]
    cs = n // c
    # chunk-level frustum culling (AABB vs 6 planes)
    nrm = frustumplane[:, :3]
    d = frustumplane[:, 3]
    dist = cluster_origin @ nrm.T + cluster_extend @ jnp.abs(nrm).T + d[None, :]
    mask = jnp.all(dist >= 0.0, axis=1)
    visible_chunks_num = jnp.sum(mask.astype(jnp.int32))
    # stable compaction: visible chunks first, original order preserved
    keys = jnp.where(mask, 0, 1) * c + jnp.arange(c)
    order = jnp.argsort(keys)
    visible_chunkid = jnp.take(idx_tensor, order)
    valid = (jnp.arange(c) < visible_chunks_num).astype(xyz.dtype)

    def g(p):
        dshape = p.shape[1:]
        pc = p.reshape((c, cs) + dshape)
        out = jnp.take(pc, order, axis=0)
        v = valid.reshape((c,) + (1,) * (out.ndim - 1))
        return (out * v).reshape((n,) + dshape)

    cx = g(xyz)
    csc = g(scale)
    crt = g(rot)
    csh0 = g(sh_0)
    cshr = g(sh_rest)
    cop = g(opacity)
    # activations
    culled_scale = jnp.exp(csc)
    culled_rot = crt / (jnp.linalg.norm(crt, axis=-1, keepdims=True) + 1e-8)
    culled_opacity = jax.nn.sigmoid(cop)
    # SH -> color (active_sh_degree == sh_degree == 3)
    cam = view_matrix[3, :3]
    dirs = cx - cam[None, :]
    dirs = dirs / (jnp.linalg.norm(dirs, axis=-1, keepdims=True) + 1e-8)
    sh = jnp.concatenate([csh0, cshr], axis=1)
    color = jnp.clip(eval_sh(sh, dirs) + 0.5, 0.0, None)
    valid_length = visible_chunks_num * cs
    return (visible_chunkid, visible_chunks_num, valid_length, cx, culled_scale, culled_rot, color, culled_opacity)

if __name__ == "__main__":
    import jax
    _d = setup_inputs()
    print(jax.jit(kernel)(*tuple(_d.values())))

</pallas_src>

<mosaic_0001>
#map = affine_map<(d0, d1) -> (0, 0)>
#map1 = affine_map<(d0, d1) -> (0)>
module attributes {stable_mosaic.version = 14 : i64} {
  func.func @k(%arg0: i32, %arg1: i32, %arg2: memref<6x2048xf32, #tpu.memory_space<hbm>>, %arg3: memref<2048xi32, #tpu.memory_space<hbm>>, %arg4: memref<2048xi32, #tpu.memory_space<hbm>>, %arg5: memref<2048xi32, #tpu.memory_space<hbm>>, %arg6: memref<16xi32, #tpu.memory_space<hbm>>, %arg7: memref<6x2048xf32, #tpu.memory_space<vmem>>, %arg8: memref<2048xi32, #tpu.memory_space<vmem>>, %arg9: memref<2048xi32, #tpu.memory_space<vmem>>, %arg10: memref<2048xi32, #tpu.memory_space<vmem>>, %arg11: memref<16xi32, #tpu.memory_space<vmem>>, %arg12: memref<2048xi32, #tpu.memory_space<vmem>>, %arg13: memref<!tpu.dma_semaphore, #tpu.memory_space<semaphore_mem>>, %arg14: memref<!tpu.dma_semaphore, #tpu.memory_space<semaphore_mem>>) attributes {dimension_semantics = [#tpu.dimension_semantics<core_parallel>, #tpu.dimension_semantics<subcore_parallel>], iteration_bounds = array<i64: 2, 16>, scalar_prefetch = 0 : i64, scratch_operands = 8 : i64, tpu.core_type = #tpu.core_type<sc_vector_subcore>, window_params = [{transform_indices = #map}, {transform_indices = #map1}, {transform_indices = #map1}, {transform_indices = #map1}, {transform_indices = #map1}]} {
    %eq3A = arith.constant 0 : i32
    %eq3A_0 = arith.cmpi eq, %arg0, %eq3A : i32
    %eq3A_1 = arith.constant 0 : i32
    %eq3A_2 = arith.cmpi eq, %arg1, %eq3A_1 : i32
    %and3A = arith.andi %eq3A_0, %eq3A_2 : i1
    %convert_element_type3A = arith.extui %and3A : i1 to i32
    %cond3A = arith.constant 0 : i32
    %cond3A_3 = arith.cmpi ne, %convert_element_type3A, %cond3A : i32
    scf.if %cond3A_3 {
      "tpu.region"() ({
        %run_scoped3A = tpu.sem_alloc : memref<!tpu.dma_semaphore, #tpu.memory_space<semaphore_mem>>
        tpu.enqueue_dma source(%arg2 : memref<6x2048xf32, #tpu.memory_space<hbm>>) target(%arg7 : memref<6x2048xf32, #tpu.memory_space<vmem>>) target_semaphore(%run_scoped3A : memref<!tpu.dma_semaphore, #tpu.memory_space<semaphore_mem>>)
        tpu.wait_dma2 semaphore(%run_scoped3A : memref<!tpu.dma_semaphore, #tpu.memory_space<semaphore_mem>>) src(%arg2 : memref<6x2048xf32, #tpu.memory_space<hbm>>) dst(%arg7 : memref<6x2048xf32, #tpu.memory_space<vmem>>)
        tpu.yield
      }) : () -> ()
      "tpu.region"() ({
        %run_scoped3A = tpu.sem_alloc : memref<!tpu.dma_semaphore, #tpu.memory_space<semaphore_mem>>
        tpu.enqueue_dma source(%arg3 : memref<2048xi32, #tpu.memory_space<hbm>>) target(%arg8 : memref<2048xi32, #tpu.memory_space<vmem>>) target_semaphore(%run_scoped3A : memref<!tpu.dma_semaphore, #tpu.memory_space<semaphore_mem>>)
        tpu.wait_dma2 semaphore(%run_scoped3A : memref<!tpu.dma_semaphore, #tpu.memory_space<semaphore_mem>>) src(%arg3 : memref<2048xi32, #tpu.memory_space<hbm>>) dst(%arg8 : memref<2048xi32, #tpu.memory_space<vmem>>)
        tpu.yield
      }) : () -> ()
      %iota3A = tpu.iota {dimensions = array<i32: 0>} : vector<16xi32>
      %broadcast_in_dim3A = arith.constant 0 : i32
      %broadcast_in_dim3A_4 = vector.broadcast %broadcast_in_dim3A : i32 to vector<16xi32>
      %swap3A = arith.constant 0 : index
      %swap3A_5 = tpu.vector_load %arg11[%swap3A] {strides = array<i32>} : memref<16xi32, #tpu.memory_space<vmem>>, vector<16xi32>,
      %swap3A_6 = vector.shape_cast %swap3A_5 : vector<16xi32> to vector<16xi32>
      %swap3A_7 = vector.shape_cast %broadcast_in_dim3A_4 : vector<16xi32> to vector<16xi32>
      tpu.vector_store %arg11[%swap3A], %swap3A_7 {strides = array<i32>} : memref<16xi32, #tpu.memory_space<vmem>>, vector<16xi32>,
      %scan3A = arith.constant 0 : i32
      %scan3A_8 = arith.constant 0 : i32
      %scan3A_9 = arith.constant 128 : i32
      %scan3A_10 = arith.addi %scan3A_8, %scan3A_9 : i32
      %scan3A_11 = arith.constant 1 : i32
      scf.for %scan3A_95 = %scan3A_8 to %scan3A_10 step %scan3A_11  : i32 {
        %mul3A = arith.constant 16 : i32
        %mul3A_96 = arith.muli %scan3A_95, %mul3A : i32
        %get3A_97 = arith.constant 0 : i32
        %get3A_98 = arith.index_cast %get3A_97 : i32 to index
        %get3A_99 = arith.index_cast %mul3A_96 : i32 to index
        %get3A_100 = tpu.vector_load %arg7[%get3A_98, %get3A_99] {strides = array<i32>} : memref<6x2048xf32, #tpu.memory_space<vmem>>, vector<1x16xf32>,
        %get3A_101 = vector.shape_cast %get3A_100 : vector<1x16xf32> to vector<16xf32>
        %ge3A_102 = arith.constant 0.000000e+00 : f32
        %ge3A_103 = vector.broadcast %ge3A_102 : f32 to vector<16xf32>
        %ge3A_104 = arith.cmpf oge, %get3A_101, %ge3A_103 : vector<16xf32>
        %get3A_105 = arith.constant 1 : i32
        %get3A_106 = arith.index_cast %get3A_105 : i32 to index
        %get3A_107 = arith.index_cast %mul3A_96 : i32 to index
        %get3A_108 = tpu.vector_load %arg7[%get3A_106, %get3A_107] {strides = array<i32>} : memref<6x2048xf32, #tpu.memory_space<vmem>>, vector<1x16xf32>,
        %get3A_109 = vector.shape_cast %get3A_108 : vector<1x16xf32> to vector<16xf32>
        %ge3A_110 = arith.constant 0.000000e+00 : f32
        %ge3A_111 = vector.broadcast %ge3A_110 : f32 to vector<16xf32>
        %ge3A_112 = arith.cmpf oge, %get3A_109, %ge3A_111 : vector<16xf32>
        %and3A_113 = arith.andi %ge3A_104, %ge3A_112 : vector<16xi1>
        %get3A_114 = arith.constant 2 : i32
        %get3A_115 = arith.index_cast %get3A_114 : i32 to index
        %get3A_116 = arith.index_cast %mul3A_96 : i32 to index
        %get3A_117 = tpu.vector_load %arg7[%get3A_115, %get3A_116] {strides = array<i32>} : memref<6x2048xf32, #tpu.memory_space<vmem>>, vector<1x16xf32>,
        %get3A_118 = vector.shape_cast %get3A_117 : vector<1x16xf32> to vector<16xf32>
        %ge3A_119 = arith.constant 0.000000e+00 : f32
        %ge3A_120 = vector.broadcast %ge3A_119 : f32 to vector<16xf32>
        %ge3A_121 = arith.cmpf oge, %get3A_118, %ge3A_120 : vector<16xf32>
        %and3A_122 = arith.andi %and3A_113, %ge3A_121 : vector<16xi1>
        %get3A_123 = arith.constant 3 : i32
        %get3A_124 = arith.index_cast %get3A_123 : i32 to index
        %get3A_125 = arith.index_cast %mul3A_96 : i32 to index
        %get3A_126 = tpu.vector_load %arg7[%get3A_124, %get3A_125] {strides = array<i32>} : memref<6x2048xf32, #tpu.memory_space<vmem>>, vector<1x16xf32>,
        %get3A_127 = vector.shape_cast %get3A_126 : vector<1x16xf32> to vector<16xf32>
        %ge3A_128 = arith.constant 0.000000e+00 : f32
        %ge3A_129 = vector.broadcast %ge3A_128 : f32 to vector<16xf32>
        %ge3A_130 = arith.cmpf oge, %get3A_127, %ge3A_129 : vector<16xf32>
        %and3A_131 = arith.andi %and3A_122, %ge3A_130 : vector<16xi1>
        %get3A_132 = arith.constant 4 : i32
        %get3A_133 = arith.index_cast %get3A_132 : i32 to index
        %get3A_134 = arith.index_cast %mul3A_96 : i32 to index
        %get3A_135 = tpu.vector_load %arg7[%get3A_133, %get3A_134] {strides = array<i32>} : memref<6x2048xf32, #tpu.memory_space<vmem>>, vector<1x16xf32>,
        %get3A_136 = vector.shape_cast %get3A_135 : vector<1x16xf32> to vector<16xf32>
        %ge3A_137 = arith.constant 0.000000e+00 : f32
        %ge3A_138 = vector.broadcast %ge3A_137 : f32 to vector<16xf32>
        %ge3A_139 = arith.cmpf oge, %get3A_136, %ge3A_138 : vector<16xf32>
        %and3A_140 = arith.andi %and3A_131, %ge3A_139 : vector<16xi1>
        %get3A_141 = arith.constant 5 : i32
        %get3A_142 = arith.index_cast %get3A_141 : i32 to index
        %get3A_143 = arith.index_cast %mul3A_96 : i32 to index
        %get3A_144 = tpu.vector_load %arg7[%get3A_142, %get3A_143] {strides = array<i32>} : memref<6x2048xf32, #tpu.memory_space<vmem>>, vector<1x16xf32>,
        %get3A_145 = vector.shape_cast %get3A_144 : vector<1x16xf32> to vector<16xf32>
        %ge3A_146 = arith.constant 0.000000e+00 : f32
        %ge3A_147 = vector.broadcast %ge3A_146 : f32 to vector<16xf32>
        %ge3A_148 = arith.cmpf oge, %get3A_145, %ge3A_147 : vector<16xf32>
        %and3A_149 = arith.andi %and3A_140, %ge3A_148 : vector<16xi1>
        %jit3A_150 = arith.constant 1 : i32
        %jit3A_151 = arith.constant 0 : i32
        %broadcast_in_dim3A_152 = vector.broadcast %jit3A_150 : i32 to vector<16xi32>
        %broadcast_in_dim3A_153 = vector.broadcast %jit3A_151 : i32 to vector<16xi32>
        %select_n3A_154 = arith.select %and3A_149, %broadcast_in_dim3A_152, %broadcast_in_dim3A_153 : vector<16xi1>, vector<16xi32>
        %swap3A_155 = arith.index_cast %mul3A_96 : i32 to index
        %swap3A_156 = tpu.vector_load %arg9[%swap3A_155] {strides = array<i32>} : memref<2048xi32, #tpu.memory_space<vmem>>, vector<16xi32>,
        %swap3A_157 = vector.shape_cast %swap3A_156 : vector<16xi32> to vector<16xi32>
        %swap3A_158 = vector.shape_cast %select_n3A_154 : vector<16xi32> to vector<16xi32>
        tpu.vector_store %arg9[%swap3A_155], %swap3A_158 {strides = array<i32>} : memref<2048xi32, #tpu.memory_space<vmem>>, vector<16xi32>,
        %get3A_159 = arith.constant 0 : index
        %get3A_160 = tpu.vector_load %arg11[%get3A_159] {strides = array<i32>} : memref<16xi32, #tpu.memory_space<vmem>>, vector<16xi32>,
        %get3A_161 = vector.shape_cast %get3A_160 : vector<16xi32> to vector<16xi32>
        %add3A_162 = arith.addi %get3A_161, %select_n3A_154 : vector<16xi32>
        %swap3A_163 = arith.constant 0 : index
        %swap3A_164 = tpu.vector_load %arg11[%swap3A_163] {strides = array<i32>} : memref<16xi32, #tpu.memory_space<vmem>>, vector<16xi32>,
        %swap3A_165 = vector.shape_cast %swap3A_164 : vector<16xi32> to vector<16xi32>
        %swap3A_166 = vector.shape_cast %add3A_162 : vector<16xi32> to vector<16xi32>
        tpu.vector_store %arg11[%swap3A_163], %swap3A_166 {strides = array<i32>} : memref<16xi32, #tpu.memory_space<vmem>>, vector<16xi32>,
      }
      %scan3A_12 = arith.constant 128 : i32
      %get3A = arith.constant 0 : index
      %get3A_13 = tpu.vector_load %arg11[%get3A] {strides = array<i32>} : memref<16xi32, #tpu.memory_space<vmem>>, vector<16xi32>,
      %get3A_14 = vector.shape_cast %get3A_13 : vector<16xi32> to vector<16xi32>
      %sub3A = arith.constant 1 : i32
      %sub3A_15 = vector.broadcast %sub3A : i32 to vector<16xi32>
      %sub3A_16 = arith.subi %iota3A, %sub3A_15 : vector<16xi32>
      %max3A = arith.constant 0 : i32
      %max3A_17 = vector.broadcast %max3A : i32 to vector<16xi32>
      %max3A_18 = arith.maxsi %sub3A_16, %max3A_17 : vector<16xi32>
      %broadcast_in_dim3A_19 = vector.shape_cast %max3A_18 : vector<16xi32> to vector<16x1xi32>
      %gather3A = vector.shape_cast %broadcast_in_dim3A_19 : vector<16x1xi32> to vector<16xi32>
      %gather3A_20 = tpu.dynamic_gather %get3A_14[%gather3A] in [0] : vector<16xi32>, vector<16xi32> -> vector<16xi32>
      %ge3A = arith.constant 1 : i32
      %ge3A_21 = vector.broadcast %ge3A : i32 to vector<16xi32>
      %ge3A_22 = arith.cmpi sge, %iota3A, %ge3A_21 : vector<16xi32>
      %jit3A = arith.constant 0 : i32
      %broadcast_in_dim3A_23 = vector.broadcast %jit3A : i32 to vector<16xi32>
      %select_n3A = arith.select %ge3A_22, %gather3A_20, %broadcast_in_dim3A_23 : vector<16xi1>, vector<16xi32>
      %add3A = arith.addi %get3A_14, %select_n3A : vector<16xi32>
      %sub3A_24 = arith.constant 2 : i32
      %sub3A_25 = vector.broadcast %sub3A_24 : i32 to vector<16xi32>
      %sub3A_26 = arith.subi %iota3A, %sub3A_25 : vector<16xi32>
      %max3A_27 = arith.constant 0 : i32
      %max3A_28 = vector.broadcast %max3A_27 : i32 to vector<16xi32>
      %max3A_29 = arith.maxsi %sub3A_26, %max3A_28 : vector<16xi32>
      %broadcast_in_dim3A_30 = vector.shape_cast %max3A_29 : vector<16xi32> to vector<16x1xi32>
      %gather3A_31 = vector.shape_cast %broadcast_in_dim3A_30 : vector<16x1xi32> to vector<16xi32>
      %gather3A_32 = tpu.dynamic_gather %add3A[%gather3A_31] in [0] : vector<16xi32>, vector<16xi32> -> vector<16xi32>
      %ge3A_33 = arith.constant 2 : i32
      %ge3A_34 = vector.broadcast %ge3A_33 : i32 to vector<16xi32>
      %ge3A_35 = arith.cmpi sge, %iota3A, %ge3A_34 : vector<16xi32>
      %jit3A_36 = arith.constant 0 : i32
      %broadcast_in_dim3A_37 = vector.broadcast %jit3A_36 : i32 to vector<16xi32>
      %select_n3A_38 = arith.select %ge3A_35, %gather3A_32, %broadcast_in_dim3A_37 : vector<16xi1>, vector<16xi32>
      %add3A_39 = arith.addi %add3A, %select_n3A_38 : vector<16xi32>
      %sub3A_40 = arith.constant 4 : i32
      %sub3A_41 = vector.broadcast %sub3A_40 : i32 to vector<16xi32>
      %sub3A_42 = arith.subi %iota3A, %sub3A_41 : vector<16xi32>
      %max3A_43 = arith.constant 0 : i32
      %max3A_44 = vector.broadcast %max3A_43 : i32 to vector<16xi32>
      %max3A_45 = arith.maxsi %sub3A_42, %max3A_44 : vector<16xi32>
      %broadcast_in_dim3A_46 = vector.shape_cast %max3A_45 : vector<16xi32> to vector<16x1xi32>
      %gather3A_47 = vector.shape_cast %broadcast_in_dim3A_46 : vector<16x1xi32> to vector<16xi32>
      %gather3A_48 = tpu.dynamic_gather %add3A_39[%gather3A_47] in [0] : vector<16xi32>, vector<16xi32> -> vector<16xi32>
      %ge3A_49 = arith.constant 4 : i32
      %ge3A_50 = vector.broadcast %ge3A_49 : i32 to vector<16xi32>
      %ge3A_51 = arith.cmpi sge, %iota3A, %ge3A_50 : vector<16xi32>
      %jit3A_52 = arith.constant 0 : i32
      %broadcast_in_dim3A_53 = vector.broadcast %jit3A_52 : i32 to vector<16xi32>
      %select_n3A_54 = arith.select %ge3A_51, %gather3A_48, %broadcast_in_dim3A_53 : vector<16xi1>, vector<16xi32>
      %add3A_55 = arith.addi %add3A_39, %select_n3A_54 : vector<16xi32>
      %sub3A_56 = arith.constant 8 : i32
      %sub3A_57 = vector.broadcast %sub3A_56 : i32 to vector<16xi32>
      %sub3A_58 = arith.subi %iota3A, %sub3A_57 : vector<16xi32>
      %max3A_59 = arith.constant 0 : i32
      %max3A_60 = vector.broadcast %max3A_59 : i32 to vector<16xi32>
      %max3A_61 = arith.maxsi %sub3A_58, %max3A_60 : vector<16xi32>
      %broadcast_in_dim3A_62 = vector.shape_cast %max3A_61 : vector<16xi32> to vector<16x1xi32>
      %gather3A_63 = vector.shape_cast %broadcast_in_dim3A_62 : vector<16x1xi32> to vector<16xi32>
      %gather3A_64 = tpu.dynamic_gather %add3A_55[%gather3A_63] in [0] : vector<16xi32>, vector<16xi32> -> vector<16xi32>
      %ge3A_65 = arith.constant 8 : i32
      %ge3A_66 = vector.broadcast %ge3A_65 : i32 to vector<16xi32>
      %ge3A_67 = arith.cmpi sge, %iota3A, %ge3A_66 : vector<16xi32>
      %jit3A_68 = arith.constant 0 : i32
      %broadcast_in_dim3A_69 = vector.broadcast %jit3A_68 : i32 to vector<16xi32>
      %select_n3A_70 = arith.select %ge3A_67, %gather3A_64, %broadcast_in_dim3A_69 : vector<16xi1>, vector<16xi32>
      %add3A_71 = arith.addi %add3A_55, %select_n3A_70 : vector<16xi32>
      %broadcast_in_dim3A_72 = arith.constant 15 : i32
      %broadcast_in_dim3A_73 = vector.broadcast %broadcast_in_dim3A_72 : i32 to vector<16xi32>
      %broadcast_in_dim3A_74 = vector.shape_cast %broadcast_in_dim3A_73 : vector<16xi32> to vector<16x1xi32>
      %gather3A_75 = vector.shape_cast %broadcast_in_dim3A_74 : vector<16x1xi32> to vector<16xi32>
      %gather3A_76 = tpu.dynamic_gather %add3A_71[%gather3A_75] in [0] : vector<16xi32>, vector<16xi32> -> vector<16xi32>
      %swap3A_77 = arith.constant 0 : index
      %swap3A_78 = tpu.vector_load %arg11[%swap3A_77] {strides = array<i32>} : memref<16xi32, #tpu.memory_space<vmem>>, vector<16xi32>,
      %swap3A_79 = vector.shape_cast %swap3A_78 : vector<16xi32> to vector<16xi32>
      %swap3A_80 = vector.shape_cast %gather3A_76 : vector<16xi32> to vector<16xi32>
      tpu.vector_store %arg11[%swap3A_77], %swap3A_80 {strides = array<i32>} : memref<16xi32, #tpu.memory_space<vmem>>, vector<16xi32>,
      %broadcast_in_dim3A_81 = arith.constant 0 : i32
      %broadcast_in_dim3A_82 = vector.broadcast %broadcast_in_dim3A_81 : i32 to vector<16xi32>
      %scan3A_83 = arith.constant 0 : i32
      %scan3A_84 = arith.constant 128 : i32
      %scan3A_85 = arith.addi %scan3A_83, %scan3A_84 : i32
      %scan3A_86 = arith.constant 1 : i32
      %scan3A_87:2 = scf.for %scan3A_95 = %scan3A_83 to %scan3A_85 step %scan3A_86 iter_args(%scan3A_96 = %broadcast_in_dim3A_82, %scan3A_97 = %gather3A_76) -> (vector<16xi32>, vector<16xi32>)  : i32 {
        %mul3A = arith.constant 16 : i32
        %mul3A_98 = arith.muli %scan3A_95, %mul3A : i32
        %get3A_99 = arith.index_cast %mul3A_98 : i32 to index
        %get3A_100 = tpu.vector_load %arg9[%get3A_99] {strides = array<i32>} : memref<2048xi32, #tpu.memory_space<vmem>>, vector<16xi32>,
        %get3A_101 = vector.shape_cast %get3A_100 : vector<16xi32> to vector<16xi32>
        %gt3A = arith.constant 0 : i32
        %gt3A_102 = vector.broadcast %gt3A : i32 to vector<16xi32>
        %gt3A_103 = arith.cmpi sgt, %get3A_101, %gt3A_102 : vector<16xi32>
        %sub3A_104 = arith.constant 1 : i32
        %sub3A_105 = vector.broadcast %sub3A_104 : i32 to vector<16xi32>
        %sub3A_106 = arith.subi %iota3A, %sub3A_105 : vector<16xi32>
        %max3A_107 = arith.constant 0 : i32
        %max3A_108 = vector.broadcast %max3A_107 : i32 to vector<16xi32>
        %max3A_109 = arith.maxsi %sub3A_106, %max3A_108 : vector<16xi32>
        %broadcast_in_dim3A_110 = vector.shape_cast %max3A_109 : vector<16xi32> to vector<16x1xi32>
        %gather3A_111 = vector.shape_cast %broadcast_in_dim3A_110 : vector<16x1xi32> to vector<16xi32>
        %gather3A_112 = tpu.dynamic_gather %get3A_101[%gather3A_111] in [0] : vector<16xi32>, vector<16xi32> -> vector<16xi32>
        %ge3A_113 = arith.constant 1 : i32
        %ge3A_114 = vector.broadcast %ge3A_113 : i32 to vector<16xi32>
        %ge3A_115 = arith.cmpi sge, %iota3A, %ge3A_114 : vector<16xi32>
        %jit3A_116 = arith.constant 0 : i32
        %broadcast_in_dim3A_117 = vector.broadcast %jit3A_116 : i32 to vector<16xi32>
        %select_n3A_118 = arith.select %ge3A_115, %gather3A_112, %broadcast_in_dim3A_117 : vector<16xi1>, vector<16xi32>
        %add3A_119 = arith.addi %get3A_101, %select_n3A_118 : vector<16xi32>
        %sub3A_120 = arith.constant 2 : i32
        %sub3A_121 = vector.broadcast %sub3A_120 : i32 to vector<16xi32>
        %sub3A_122 = arith.subi %iota3A, %sub3A_121 : vector<16xi32>
        %max3A_123 = arith.constant 0 : i32
        %max3A_124 = vector.broadcast %max3A_123 : i32 to vector<16xi32>
        %max3A_125 = arith.maxsi %sub3A_122, %max3A_124 : vector<16xi32>
        %broadcast_in_dim3A_126 = vector.shape_cast %max3A_125 : vector<16xi32> to vector<16x1xi32>
        %gather3A_127 = vector.shape_cast %broadcast_in_dim3A_126 : vector<16x1xi32> to vector<16xi32>
        %gather3A_128 = tpu.dynamic_gather %add3A_119[%gather3A_127] in [0] : vector<16xi32>, vector<16xi32> -> vector<16xi32>
        %ge3A_129 = arith.constant 2 : i32
        %ge3A_130 = vector.broadcast %ge3A_129 : i32 to vector<16xi32>
        %ge3A_131 = arith.cmpi sge, %iota3A, %ge3A_130 : vector<16xi32>
        %jit3A_132 = arith.constant 0 : i32
        %broadcast_in_dim3A_133 = vector.broadcast %jit3A_132 : i32 to vector<16xi32>
        %select_n3A_134 = arith.select %ge3A_131, %gather3A_128, %broadcast_in_dim3A_133 : vector<16xi1>, vector<16xi32>
        %add3A_135 = arith.addi %add3A_119, %select_n3A_134 : vector<16xi32>
        %sub3A_136 = arith.constant 4 : i32
        %sub3A_137 = vector.broadcast %sub3A_136 : i32 to vector<16xi32>
        %sub3A_138 = arith.subi %iota3A, %sub3A_137 : vector<16xi32>
        %max3A_139 = arith.constant 0 : i32
        %max3A_140 = vector.broadcast %max3A_139 : i32 to vector<16xi32>
        %max3A_141 = arith.maxsi %sub3A_138, %max3A_140 : vector<16xi32>
        %broadcast_in_dim3A_142 = vector.shape_cast %max3A_141 : vector<16xi32> to vector<16x1xi32>
        %gather3A_143 = vector.shape_cast %broadcast_in_dim3A_142 : vector<16x1xi32> to vector<16xi32>
        %gather3A_144 = tpu.dynamic_gather %add3A_135[%gather3A_143] in [0] : vector<16xi32>, vector<16xi32> -> vector<16xi32>
        %ge3A_145 = arith.constant 4 : i32
        %ge3A_146 = vector.broadcast %ge3A_145 : i32 to vector<16xi32>
        %ge3A_147 = arith.cmpi sge, %iota3A, %ge3A_146 : vector<16xi32>
        %jit3A_148 = arith.constant 0 : i32
        %broadcast_in_dim3A_149 = vector.broadcast %jit3A_148 : i32 to vector<16xi32>
        %select_n3A_150 = arith.select %ge3A_147, %gather3A_144, %broadcast_in_dim3A_149 : vector<16xi1>, vector<16xi32>
        %add3A_151 = arith.addi %add3A_135, %select_n3A_150 : vector<16xi32>
        %sub3A_152 = arith.constant 8 : i32
        %sub3A_153 = vector.broadcast %sub3A_152 : i32 to vector<16xi32>
        %sub3A_154 = arith.subi %iota3A, %sub3A_153 : vector<16xi32>
        %max3A_155 = arith.constant 0 : i32
        %max3A_156 = vector.broadcast %max3A_155 : i32 to vector<16xi32>
        %max3A_157 = arith.maxsi %sub3A_154, %max3A_156 : vector<16xi32>
        %broadcast_in_dim3A_158 = vector.shape_cast %max3A_157 : vector<16xi32> to vector<16x1xi32>
        %gather3A_159 = vector.shape_cast %broadcast_in_dim3A_158 : vector<16x1xi32> to vector<16xi32>
        %gather3A_160 = tpu.dynamic_gather %add3A_151[%gather3A_159] in [0] : vector<16xi32>, vector<16xi32> -> vector<16xi32>
        %ge3A_161 = arith.constant 8 : i32
        %ge3A_162 = vector.broadcast %ge3A_161 : i32 to vector<16xi32>
        %ge3A_163 = arith.cmpi sge, %iota3A, %ge3A_162 : vector<16xi32>
        %jit3A_164 = arith.constant 0 : i32
        %broadcast_in_dim3A_165 = vector.broadcast %jit3A_164 : i32 to vector<16xi32>
        %select_n3A_166 = arith.select %ge3A_163, %gather3A_160, %broadcast_in_dim3A_165 : vector<16xi1>, vector<16xi32>
        %add3A_167 = arith.addi %add3A_151, %select_n3A_166 : vector<16xi32>
        %add3A_168 = arith.addi %scan3A_96, %add3A_167 : vector<16xi32>
        %sub3A_169 = arith.constant 1 : i32
        %sub3A_170 = vector.broadcast %sub3A_169 : i32 to vector<16xi32>
        %sub3A_171 = arith.subi %add3A_168, %sub3A_170 : vector<16xi32>
        %add3A_172 = arith.addi %scan3A_97, %iota3A : vector<16xi32>
        %sub3A_173 = arith.subi %add3A_172, %add3A_167 : vector<16xi32>
        %select_n3A_174 = arith.select %gt3A_103, %sub3A_171, %sub3A_173 : vector<16xi1>, vector<16xi32>
        %swap3A_175 = arith.index_cast %mul3A_98 : i32 to index
        %swap3A_176 = tpu.vector_load %arg12[%swap3A_175] {strides = array<i32>} : memref<2048xi32, #tpu.memory_space<vmem>>, vector<16xi32>,
        %swap3A_177 = vector.shape_cast %swap3A_176 : vector<16xi32> to vector<16xi32>
        %swap3A_178 = vector.shape_cast %select_n3A_174 : vector<16xi32> to vector<16xi32>
        tpu.vector_store %arg12[%swap3A_175], %swap3A_178 {strides = array<i32>} : memref<2048xi32, #tpu.memory_space<vmem>>, vector<16xi32>,
        %mul3A_179 = arith.constant 16 : i32
        %mul3A_180 = arith.muli %mul3A_179, %scan3A_95 : i32
        %add3A_181 = vector.broadcast %mul3A_180 : i32 to vector<16xi32>
        %add3A_182 = arith.addi %iota3A, %add3A_181 : vector<16xi32>
        %swap3A_183 = arith.index_cast %mul3A_98 : i32 to index
        %swap3A_184 = tpu.vector_load %arg10[%swap3A_183] {strides = array<i32>} : memref<2048xi32, #tpu.memory_space<vmem>>, vector<16xi32>,
        %swap3A_185 = vector.shape_cast %swap3A_184 : vector<16xi32> to vector<16xi32>
        %swap3A_186 = vector.shape_cast %add3A_182 : vector<16xi32> to vector<16xi32>
        tpu.vector_store %arg10[%swap3A_183], %swap3A_186 {strides = array<i32>} : memref<2048xi32, #tpu.memory_space<vmem>>, vector<16xi32>,
        %broadcast_in_dim3A_187 = arith.constant 15 : i32
        %broadcast_in_dim3A_188 = vector.broadcast %broadcast_in_dim3A_187 : i32 to vector<16xi32>
        %broadcast_in_dim3A_189 = vector.shape_cast %broadcast_in_dim3A_188 : vector<16xi32> to vector<16x1xi32>
        %gather3A_190 = vector.shape_cast %broadcast_in_dim3A_189 : vector<16x1xi32> to vector<16xi32>
        %gather3A_191 = tpu.dynamic_gather %add3A_167[%gather3A_190] in [0] : vector<16xi32>, vector<16xi32> -> vector<16xi32>
        %add3A_192 = arith.addi %scan3A_96, %gather3A_191 : vector<16xi32>
        %sub3A_193 = arith.constant 16 : i32
        %sub3A_194 = vector.broadcast %sub3A_193 : i32 to vector<16xi32>
        %sub3A_195 = arith.subi %sub3A_194, %gather3A_191 : vector<16xi32>
        %add3A_196 = arith.addi %scan3A_97, %sub3A_195 : vector<16xi32>
        scf.yield %add3A_192, %add3A_196 : vector<16xi32>, vector<16xi32>
      }
      %scan3A_88 = arith.constant 128 : i32
      %dma_start3A = arith.constant 0 : i32
      %dma_start3A_89 = tpu.memref_slice %arg4[%dma_start3A] : memref<2048xi32, #tpu.memory_space<hbm>> -> memref<2048xi32, #tpu.memory_space<hbm>>
      tpu.enqueue_indirect_dma source(%arg10 : memref<2048xi32, #tpu.memory_space<vmem>>) target(%dma_start3A_89 : memref<2048xi32, #tpu.memory_space<hbm>>) offsets(%arg12 : memref<2048xi32, #tpu.memory_space<vmem>>) semaphore(%arg13 : memref<!tpu.dma_semaphore, #tpu.memory_space<semaphore_mem>>)
      %dma_wait3A = arith.constant 0 : i32
      %dma_wait3A_90 = tpu.memref_slice %arg4[%dma_wait3A] : memref<2048xi32, #tpu.memory_space<hbm>> -> memref<2048xi32, #tpu.memory_space<hbm>>
      tpu.wait_indirect_dma semaphore(%arg13 : memref<!tpu.dma_semaphore, #tpu.memory_space<semaphore_mem>>) src(%arg10 : memref<2048xi32, #tpu.memory_space<vmem>>) dst(%dma_wait3A_90 : memref<2048xi32, #tpu.memory_space<hbm>>)
      %dma_start3A_91 = arith.constant 0 : i32
      %dma_start3A_92 = tpu.memref_slice %arg5[%dma_start3A_91] : memref<2048xi32, #tpu.memory_space<hbm>> -> memref<2048xi32, #tpu.memory_space<hbm>>
      tpu.enqueue_indirect_dma source(%arg8 : memref<2048xi32, #tpu.memory_space<vmem>>) target(%dma_start3A_92 : memref<2048xi32, #tpu.memory_space<hbm>>) offsets(%arg12 : memref<2048xi32, #tpu.memory_space<vmem>>) semaphore(%arg14 : memref<!tpu.dma_semaphore, #tpu.memory_space<semaphore_mem>>)
      %dma_wait3A_93 = arith.constant 0 : i32
      %dma_wait3A_94 = tpu.memref_slice %arg5[%dma_wait3A_93] : memref<2048xi32, #tpu.memory_space<hbm>> -> memref<2048xi32, #tpu.memory_space<hbm>>
      tpu.wait_indirect_dma semaphore(%arg14 : memref<!tpu.dma_semaphore, #tpu.memory_space<semaphore_mem>>) src(%arg8 : memref<2048xi32, #tpu.memory_space<vmem>>) dst(%dma_wait3A_94 : memref<2048xi32, #tpu.memory_space<hbm>>)
      "tpu.region"() ({
        %run_scoped3A = tpu.sem_alloc : memref<!tpu.dma_semaphore, #tpu.memory_space<semaphore_mem>>
        tpu.enqueue_dma source(%arg11 : memref<16xi32, #tpu.memory_space<vmem>>) target(%arg6 : memref<16xi32, #tpu.memory_space<hbm>>) target_semaphore(%run_scoped3A : memref<!tpu.dma_semaphore, #tpu.memory_space<semaphore_mem>>)
        tpu.wait_dma2 semaphore(%run_scoped3A : memref<!tpu.dma_semaphore, #tpu.memory_space<semaphore_mem>>) src(%arg11 : memref<16xi32, #tpu.memory_space<vmem>>) dst(%arg6 : memref<16xi32, #tpu.memory_space<hbm>>)
        tpu.yield
      }) : () -> ()
    } else {
    }
    return
  }
}

module attributes {stable_mosaic.version = 14 : i64} {
  func.func @_compact_body(%arg0: i32, %arg1: memref<2048xi32, #tpu.memory_space<smem>>, %arg2: memref<1xi32, #tpu.memory_space<smem>>, %arg3: memref<1x14x256xf32, #tpu.memory_space<vmem>>, %arg4: memref<1x14x256xf32, #tpu.memory_space<vmem>>, %arg5: memref<1x14x256xf32, #tpu.memory_space<vmem>>, %arg6: memref<1x14x256xf32, #tpu.memory_space<vmem>>, %arg7: memref<1x14x256xf32, #tpu.memory_space<vmem>>, %arg8: memref<1x14x256xf32, #tpu.memory_space<vmem>>, %arg9: memref<1x14x256xf32, #tpu.memory_space<vmem>>, %arg10: memref<1x14x256xf32, #tpu.memory_space<vmem>>, %arg11: memref<1x14x256xf32, #tpu.memory_space<vmem>>, %arg12: memref<1x14x256xf32, #tpu.memory_space<vmem>>, %arg13: memref<1x14x256xf32, #tpu.memory_space<vmem>>, %arg14: memref<1x14x256xf32, #tpu.memory_space<vmem>>, %arg15: memref<1x14x256xf32, #tpu.memory_space<vmem>>, %arg16: memref<1x14x256xf32, #tpu.memory_space<vmem>>, %arg17: memref<1x14x256xf32, #tpu.memory_space<vmem>>, %arg18: memref<1x14x256xf32, #tpu.memory_space<vmem>>, %arg19: memref<16x3x256xf32, #tpu.memory_space<vmem>>, %arg20: memref<16x3x256xf32, #tpu.memory_space<vmem>>, %arg21: memref<16x4x256xf32, #tpu.memory_space<vmem>>, %arg22: memref<16x3x256xf32, #tpu.memory_space<vmem>>, %arg23: memref<16x1x256xf32, #tpu.memory_space<vmem>>) attributes {dimension_semantics = [#tpu.dimension_semantics<arbitrary>], iteration_bounds = array<i64: 128>, scalar_prefetch = 2 : i64, scratch_operands = 0 : i64, tpu.core_type = #tpu.core_type<tc>, window_params = [{transform_indices = @transform_0, window_bounds = array<i64: 1, 14, 256>}, {transform_indices = @transform_1, window_bounds = array<i64: 1, 14, 256>}, {transform_indices = @transform_2, window_bounds = array<i64: 1, 14, 256>}, {transform_indices = @transform_3, window_bounds = array<i64: 1, 14, 256>}, {transform_indices = @transform_4, window_bounds = array<i64: 1, 14, 256>}, {transform_indices = @transform_5, window_bounds = array<i64: 1, 14, 256>}, {transform_indices = @transform_6, window_bounds = array<i64: 1, 14, 256>}, {transform_indices = @transform_7, window_bounds = array<i64: 1, 14, 256>}, {transform_indices = @transform_8, window_bounds = array<i64: 1, 14, 256>}, {transform_indices = @transform_9, window_bounds = array<i64: 1, 14, 256>}, {transform_indices = @transform_10, window_bounds = array<i64: 1, 14, 256>}, {transform_indices = @transform_11, window_bounds = array<i64: 1, 14, 256>}, {transform_indices = @transform_12, window_bounds = array<i64: 1, 14, 256>}, {transform_indices = @transform_13, window_bounds = array<i64: 1, 14, 256>}, {transform_indices = @transform_14, window_bounds = array<i64: 1, 14, 256>}, {transform_indices = @transform_15, window_bounds = array<i64: 1, 14, 256>}, {transform_indices = @transform_16, window_bounds = array<i64: 16, 3, 256>}, {transform_indices = @transform_17, window_bounds = array<i64: 16, 3, 256>}, {transform_indices = @transform_18, window_bounds = array<i64: 16, 4, 256>}, {transform_indices = @transform_19, window_bounds = array<i64: 16, 3, 256>}, {transform_indices = @transform_20, window_bounds = array<i64: 16, 1, 256>}]} {
    %mul3A = arith.constant 16 : i32
    %mul3A_0 = arith.muli %mul3A, %arg0 : i32
    %add3A = arith.constant 0 : i32
    %add3A_1 = arith.addi %mul3A_0, %add3A : i32
    %get3A = arith.constant 0 : index
    %get3A_2 = memref.load %arg2[%get3A] : memref<1xi32, #tpu.memory_space<smem>>
    %lt3A = arith.cmpi slt, %add3A_1, %get3A_2 : i32
    %get3A_3 = arith.constant 0 : index
    %get3A_4 = arith.constant 0 : index
    %get3A_5 = arith.constant 0 : index
    %get3A_6 = vector.load %arg3[%get3A_3, %get3A_4, %get3A_5] : memref<1x14x256xf32, #tpu.memory_space<vmem>>, vector<1x14x256xf32>
    %get3A_7 = vector.shape_cast %get3A_6 : vector<1x14x256xf32> to vector<14x256xf32>
    %slice3A = vector.extract_strided_slice %get3A_7 {offsets = [0, 0], sizes = [3, 256], strides = [1, 1]} : vector<14x256xf32> to vector<3x256xf32>
    %jit3A = arith.constant 0.000000e+00 : f32
    %broadcast_in_dim3A = vector.broadcast %jit3A : f32 to vector<3x256xf32>
    %select_n3A = arith.select %lt3A, %slice3A, %broadcast_in_dim3A : vector<3x256xf32>
    %swap3A = arith.constant 0 : index
    %swap3A_8 = arith.constant 0 : index
    %swap3A_9 = arith.constant 0 : index
    %swap3A_10 = vector.load %arg19[%swap3A, %swap3A_8, %swap3A_9] : memref<16x3x256xf32, #tpu.memory_space<vmem>>, vector<1x3x256xf32>
    %swap3A_11 = vector.shape_cast %swap3A_10 : vector<1x3x256xf32> to vector<3x256xf32>
    %swap3A_12 = vector.shape_cast %select_n3A : vector<3x256xf32> to vector<1x3x256xf32>
    tpu.vector_store %arg19[%swap3A, %swap3A_8, %swap3A_9], %swap3A_12 {strides = array<i32>} : memref<16x3x256xf32, #tpu.memory_space<vmem>>, vector<1x3x256xf32>,
    %slice3A_13 = vector.extract_strided_slice %get3A_7 {offsets = [3, 0], sizes = [3, 256], strides = [1, 1]} : vector<14x256xf32> to vector<3x256xf32>
    %jit3A_14 = arith.constant 1.000000e+00 : f32
    %broadcast_in_dim3A_15 = vector.broadcast %jit3A_14 : f32 to vector<3x256xf32>
    %select_n3A_16 = arith.select %lt3A, %slice3A_13, %broadcast_in_dim3A_15 : vector<3x256xf32>
    %swap3A_17 = arith.constant 0 : index
    %swap3A_18 = arith.constant 0 : index
    %swap3A_19 = arith.constant 0 : index
    %swap3A_20 = vector.load %arg20[%swap3A_17, %swap3A_18, %swap3A_19] : memref<16x3x256xf32, #tpu.memory_space<vmem>>, vector<1x3x256xf32>
    %swap3A_21 = vector.shape_cast %swap3A_20 : vector<1x3x256xf32> to vector<3x256xf32>
    %swap3A_22 = vector.shape_cast %select_n3A_16 : vector<3x256xf32> to vector<1x3x256xf32>
    tpu.vector_store %arg20[%swap3A_17, %swap3A_18, %swap3A_19], %swap3A_22 {strides = array<i32>} : memref<16x3x256xf32, #tpu.memory_space<vmem>>, vector<1x3x256xf32>,
    %slice3A_23 = vector.extract_strided_slice %get3A_7 {offsets = [6, 0], sizes = [4, 256], strides = [1, 1]} : vector<14x256xf32> to vector<4x256xf32>
    %jit3A_24 = arith.constant 0.000000e+00 : f32
    %broadcast_in_dim3A_25 = vector.broadcast %jit3A_24 : f32 to vector<4x256xf32>
    %select_n3A_26 = arith.select %lt3A, %slice3A_23, %broadcast_in_dim3A_25 : vector<4x256xf32>
    %swap3A_27 = arith.constant 0 : index
    %swap3A_28 = arith.constant 0 : index
    %swap3A_29 = arith.constant 0 : index
    %swap3A_30 = vector.load %arg21[%swap3A_27, %swap3A_28, %swap3A_29] : memref<16x4x256xf32, #tpu.memory_space<vmem>>, vector<1x4x256xf32>
    %swap3A_31 = vector.shape_cast %swap3A_30 : vector<1x4x256xf32> to vector<4x256xf32>
    %swap3A_32 = vector.shape_cast %select_n3A_26 : vector<4x256xf32> to vector<1x4x256xf32>
    tpu.vector_store %arg21[%swap3A_27, %swap3A_28, %swap3A_29], %swap3A_32 {strides = array<i32>} : memref<16x4x256xf32, #tpu.memory_space<vmem>>, vector<1x4x256xf32>,
    %slice3A_33 = vector.extract_strided_slice %get3A_7 {offsets = [10, 0], sizes = [3, 256], strides = [1, 1]} : vector<14x256xf32> to vector<3x256xf32>
    %jit3A_34 = arith.constant 5.000000e-01 : f32
    %broadcast_in_dim3A_35 = vector.broadcast %jit3A_34 : f32 to vector<3x256xf32>
    %select_n3A_36 = arith.select %lt3A, %slice3A_33, %broadcast_in_dim3A_35 : vector<3x256xf32>
    %swap3A_37 = arith.constant 0 : index
    %swap3A_38 = arith.constant 0 : index
    %swap3A_39 = arith.constant 0 : index
    %swap3A_40 = vector.load %arg22[%swap3A_37, %swap3A_38, %swap3A_39] : memref<16x3x256xf32, #tpu.memory_space<vmem>>, vector<1x3x256xf32>
    %swap3A_41 = vector.shape_cast %swap3A_40 : vector<1x3x256xf32> to vector<3x256xf32>
    %swap3A_42 = vector.shape_cast %select_n3A_36 : vector<3x256xf32> to vector<1x3x256xf32>
    tpu.vector_store %arg22[%swap3A_37, %swap3A_38, %swap3A_39], %swap3A_42 {strides = array<i32>} : memref<16x3x256xf32, #tpu.memory_space<vmem>>, vector<1x3x256xf32>,
    %slice3A_43 = vector.extract_strided_slice %get3A_7 {offsets = [13, 0], sizes = [1, 256], strides = [1, 1]} : vector<14x256xf32> to vector<1x256xf32>
    %jit3A_44 = arith.constant 5.000000e-01 : f32
    %broadcast_in_dim3A_45 = vector.broadcast %jit3A_44 : f32 to vector<1x256xf32>
    %select_n3A_46 = arith.select %lt3A, %slice3A_43, %broadcast_in_dim3A_45 : vector<1x256xf32>
    %swap3A_47 = arith.constant 0 : index
    %swap3A_48 = arith.constant 0 : index
    %swap3A_49 = arith.constant 0 : index
    %swap3A_50 = vector.load %arg23[%swap3A_47, %swap3A_48, %swap3A_49] : memref<16x1x256xf32, #tpu.memory_space<vmem>>, vector<1x1x256xf32>
    %swap3A_51 = vector.shape_cast %swap3A_50 : vector<1x1x256xf32> to vector<1x256xf32>
    %swap3A_52 = vector.shape_cast %select_n3A_46 : vector<1x256xf32> to vector<1x1x256xf32>
    tpu.vector_store %arg23[%swap3A_47, %swap3A_48, %swap3A_49], %swap3A_52 {strides = array<i32>} : memref<16x1x256xf32, #tpu.memory_space<vmem>>, vector<1x1x256xf32>,
    %mul3A_53 = arith.constant 16 : i32
    %mul3A_54 = arith.muli %mul3A_53, %arg0 : i32
    %add3A_55 = arith.constant 1 : i32
    %add3A_56 = arith.addi %mul3A_54, %add3A_55 : i32
    %get3A_57 = arith.constant 0 : index
    %get3A_58 = memref.load %arg2[%get3A_57] : memref<1xi32, #tpu.memory_space<smem>>
    %lt3A_59 = arith.cmpi slt, %add3A_56, %get3A_58 : i32
    %get3A_60 = arith.constant 0 : index
    %get3A_61 = arith.constant 0 : index
    %get3A_62 = arith.constant 0 : index
    %get3A_63 = vector.load %arg4[%get3A_60, %get3A_61, %get3A_62] : memref<1x14x256xf32, #tpu.memory_space<vmem>>, vector<1x14x256xf32>
    %get3A_64 = vector.shape_cast %get3A_63 : vector<1x14x256xf32> to vector<14x256xf32>
    %slice3A_65 = vector.extract_strided_slice %get3A_64 {offsets = [0, 0], sizes = [3, 256], strides = [1, 1]} : vector<14x256xf32> to vector<3x256xf32>
    %jit3A_66 = arith.constant 0.000000e+00 : f32
    %broadcast_in_dim3A_67 = vector.broadcast %jit3A_66 : f32 to vector<3x256xf32>
    %select_n3A_68 = arith.select %lt3A_59, %slice3A_65, %broadcast_in_dim3A_67 : vector<3x256xf32>
    %swap3A_69 = arith.constant 1 : index
    %swap3A_70 = arith.constant 0 : index
    %swap3A_71 = arith.constant 0 : index
    %swap3A_72 = vector.load %arg19[%swap3A_69, %swap3A_70, %swap3A_71] : memref<16x3x256xf32, #tpu.memory_space<vmem>>, vector<1x3x256xf32>
    %swap3A_73 = vector.shape_cast %swap3A_72 : vector<1x3x256xf32> to vector<3x256xf32>
    %swap3A_74 = vector.shape_cast %select_n3A_68 : vector<3x256xf32> to vector<1x3x256xf32>
    tpu.vector_store %arg19[%swap3A_69, %swap3A_70, %swap3A_71], %swap3A_74 {strides = array<i32>} : memref<16x3x256xf32, #tpu.memory_space<vmem>>, vector<1x3x256xf32>,
    %slice3A_75 = vector.extract_strided_slice %get3A_64 {offsets = [3, 0], sizes = [3, 256], strides = [1, 1]} : vector<14x256xf32> to vector<3x256xf32>
    %jit3A_76 = arith.constant 1.000000e+00 : f32
    %broadcast_in_dim3A_77 = vector.broadcast %jit3A_76 : f32 to vector<3x256xf32>
    %select_n3A_78 = arith.select %lt3A_59, %slice3A_75, %broadcast_in_dim3A_77 : vector<3x256xf32>
    %swap3A_79 = arith.constant 1 : index
    %swap3A_80 = arith.constant 0 : index
    %swap3A_81 = arith.constant 0 : index
    %swap3A_82 = vector.load %arg20[%swap3A_79, %swap3A_80, %swap3A_81] : memref<16x3x256xf32, #tpu.memory_space<vmem>>, vector<1x3x256xf32>
    %swap3A_83 = vector.shape_cast %swap3A_82 : vector<1x3x256xf32> to vector<3x256xf32>
    %swap3A_84 = vector.shape_cast %select_n3A_78 : vector<3x256xf32> to vector<1x3x256xf32>
    tpu.vector_store %arg20[%swap3A_79, %swap3A_80, %swap3A_81], %swap3A_84 {strides = array<i32>} : memref<16x3x256xf32, #tpu.memory_space<vmem>>, vector<1x3x256xf32>,
    %slice3A_85 = vector.extract_strided_slice %get3A_64 {offsets = [6, 0], sizes = [4, 256], strides = [1, 1]} : vector<14x256xf32> to vector<4x256xf32>
    %jit3A_86 = arith.constant 0.000000e+00 : f32
    %broadcast_in_dim3A_87 = vector.broadcast %jit3A_86 : f32 to vector<4x256xf32>
    %select_n3A_88 = arith.select %lt3A_59, %slice3A_85, %broadcast_in_dim3A_87 : vector<4x256xf32>
    %swap3A_89 = arith.constant 1 : index
    %swap3A_90 = arith.constant 0 : index
    %swap3A_91 = arith.constant 0 : index
    %swap3A_92 = vector.load %arg21[%swap3A_89, %swap3A_90, %swap3A_91] : memref<16x4x256xf32, #tpu.memory_space<vmem>>, vector<1x4x256xf32>
    %swap3A_93 = vector.shape_cast %swap3A_92 : vector<1x4x256xf32> to vector<4x256xf32>
    %swap3A_94 = vector.shape_cast %select_n3A_88 : vector<4x256xf32> to vector<1x4x256xf32>
    tpu.vector_store %arg21[%swap3A_89, %swap3A_90, %swap3A_91], %swap3A_94 {strides = array<i32>} : memref<16x4x256xf32, #tpu.memory_space<vmem>>, vector<1x4x256xf32>,
    %slice3A_95 = vector.extract_strided_slice %get3A_64 {offsets = [10, 0], sizes = [3, 256], strides = [1, 1]} : vector<14x256xf32> to vector<3x256xf32>
    %jit3A_96 = arith.constant 5.000000e-01 : f32
    %broadcast_in_dim3A_97 = vector.broadcast %jit3A_96 : f32 to vector<3x256xf32>
    %select_n3A_98 = arith.select %lt3A_59, %slice3A_95, %broadcast_in_dim3A_97 : vector<3x256xf32>
    %swap3A_99 = arith.constant 1 : index
    %swap3A_100 = arith.constant 0 : index
    %swap3A_101 = arith.constant 0 : index
    %swap3A_102 = vector.load %arg22[%swap3A_99, %swap3A_100, %swap3A_101] : memref<16x3x256xf32, #tpu.memory_space<vmem>>, vector<1x3x256xf32>
    %swap3A_103 = vector.shape_cast %swap3A_102 : vector<1x3x256xf32> to vector<3x256xf32>
    %swap3A_104 = vector.shape_cast %select_n3A_98 : vector<3x256xf32> to vector<1x3x256xf32>
    tpu.vector_store %arg22[%swap3A_99, %swap3A_100, %swap3A_101], %swap3A_104 {strides = array<i32>} : memref<16x3x256xf32, #tpu.memory_space<vmem>>, vector<1x3x256xf32>,
    %slice3A_105 = vector.extract_strided_slice %get3A_64 {offsets = [13, 0], sizes = [1, 256], strides = [1, 1]} : vector<14x256xf32> to vector<1x256xf32>
    %jit3A_106 = arith.constant 5.000000e-01 : f32
    %broadcast_in_dim3A_107 = vector.broadcast %jit3A_106 : f32 to vector<1x256xf32>
    %select_n3A_108 = arith.select %lt3A_59, %slice3A_105, %broadcast_in_dim3A_107 : vector<1x256xf32>
    %swap3A_109 = arith.constant 1 : index
    %swap3A_110 = arith.constant 0 : index
    %swap3A_111 = arith.constant 0 : index
    %swap3A_112 = vector.load %arg23[%swap3A_109, %swap3A_110, %swap3A_111] : memref<16x1x256xf32, #tpu.memory_space<vmem>>, vector<1x1x256xf32>
    %swap3A_113 = vector.shape_cast %swap3A_112 : vector<1x1x256xf32> to vector<1x256xf32>
    %swap3A_114 = vector.shape_cast %select_n3A_108 : vector<1x256xf32> to vector<1x1x256xf32>
    tpu.vector_store %arg23[%swap3A_109, %swap3A_110, %swap3A_111], %swap3A_114 {strides = array<i32>} : memref<16x1x256xf32, #tpu.memory_space<vmem>>, vector<1x1x256xf32>,
    %mul3A_115 = arith.constant 16 : i32
    %mul3A_116 = arith.muli %mul3A_115, %arg0 : i32
    %add3A_117 = arith.constant 2 : i32
    %add3A_118 = arith.addi %mul3A_116, %add3A_117 : i32
    %get3A_119 = arith.constant 0 : index
    %get3A_120 = memref.load %arg2[%get3A_119] : memref<1xi32, #tpu.memory_space<smem>>
    %lt3A_121 = arith.cmpi slt, %add3A_118, %get3A_120 : i32
    %get3A_122 = arith.constant 0 : index
    %get3A_123 = arith.constant 0 : index
    %get3A_124 = arith.constant 0 : index
    %get3A_125 = vector.load %arg5[%get3A_122, %get3A_123, %get3A_124] : memref<1x14x256xf32, #tpu.memory_space<vmem>>, vector<1x14x256xf32>
    %get3A_126 = vector.shape_cast %get3A_125 : vector<1x14x256xf32> to vector<14x256xf32>
    %slice3A_127 = vector.extract_strided_slice %get3A_126 {offsets = [0, 0], sizes = [3, 256], strides = [1, 1]} : vector<14x256xf32> to vector<3x256xf32>
    %jit3A_128 = arith.constant 0.000000e+00 : f32
    %broadcast_in_dim3A_129 = vector.broadcast %jit3A_128 : f32 to vector<3x256xf32>
    %select_n3A_130 = arith.select %lt3A_121, %slice3A_127, %broadcast_in_dim3A_129 : vector<3x256xf32>
    %swap3A_131 = arith.constant 2 : index
    %swap3A_132 = arith.constant 0 : index
    %swap3A_133 = arith.constant 0 : index
    %swap3A_134 = vector.load %arg19[%swap3A_131, %swap3A_132, %swap3A_133] : memref<16x3x256xf32, #tpu.memory_space<vmem>>, vector<1x3x256xf32>
    %swap3A_135 = vector.shape_cast %swap3A_134 : vector<1x3x256xf32> to vector<3x256xf32>
    %swap3A_136 = vector.shape_cast %select_n3A_130 : vector<3x256xf32> to vector<1x3x256xf32>
    tpu.vector_store %arg19[%swap3A_131, %swap3A_132, %swap3A_133], %swap3A_136 {strides = array<i32>} : memref<16x3x256xf32, #tpu.memory_space<vmem>>, vector<1x3x256xf32>,
    %slice3A_137 = vector.extract_strided_slice %get3A_126 {offsets = [3, 0], sizes = [3, 256], strides = [1, 1]} : vector<14x256xf32> to vector<3x256xf32>
    %jit3A_138 = arith.constant 1.000000e+00 : f32
    %broadcast_in_dim3A_139 = vector.broadcast %jit3A_138 : f32 to vector<3x256xf32>
    %select_n3A_140 = arith.select %lt3A_121, %slice3A_137, %broadcast_in_dim3A_139 : vector<3x256xf32>
    %swap3A_141 = arith.constant 2 : index
    %swap3A_142 = arith.constant 0 : index
    %swap3A_143 = arith.constant 0 : index
    %swap3A_144 = vector.load %arg20[%swap3A_141, %swap3A_142, %swap3A_143] : memref<16x3x256xf32, #tpu.memory_space<vmem>>, vector<1x3x256xf32>
    %swap3A_145 = vector.shape_cast %swap3A_144 : vector<1x3x256xf32> to vector<3x256xf32>
    %swap3A_146 = vector.shape_cast %select_n3A_140 : vector<3x256xf32> to vector<1x3x256xf32>
    tpu.vector_store %arg20[%swap3A_141, %swap3A_142, %swap3A_143], %swap3A_146 {strides = array<i32>} : memref<16x3x256xf32, #tpu.memory_space<vmem>>, vector<1x3x256xf32>,
    %slice3A_147 = vector.extract_strided_slice %get3A_126 {offsets = [6, 0], sizes = [4, 256], strides = [1, 1]} : vector<14x256xf32> to vector<4x256xf32>
    %jit3A_148 = arith.constant 0.000000e+00 : f32
    %broadcast_in_dim3A_149 = vector.broadcast %jit3A_148 : f32 to vector<4x256xf32>
    %select_n3A_150 = arith.select %lt3A_121, %slice3A_147, %broadcast_in_dim3A_149 : vector<4x256xf32>
    %swap3A_151 = arith.constant 2 : index
    %swap3A_152 = arith.constant 0 : index
    %swap3A_153 = arith.constant 0 : index
    %swap3A_154 = vector.load %arg21[%swap3A_151, %swap3A_152, %swap3A_153] : memref<16x4x256xf32, #tpu.memory_space<vmem>>, vector<1x4x256xf32>
    %swap3A_155 = vector.shape_cast %swap3A_154 : vector<1x4x256xf32> to vector<4x256xf32>
    %swap3A_156 = vector.shape_cast %select_n3A_150 : vector<4x256xf32> to vector<1x4x256xf32>
    tpu.vector_store %arg21[%swap3A_151, %swap3A_152, %swap3A_153], %swap3A_156 {strides = array<i32>} : memref<16x4x256xf32, #tpu.memory_space<vmem>>, vector<1x4x256xf32>,
    %slice3A_157 = vector.extract_strided_slice %get3A_126 {offsets = [10, 0], sizes = [3, 256], strides = [1, 1]} : vector<14x256xf32> to vector<3x256xf32>
    %jit3A_158 = arith.constant 5.000000e-01 : f32
    %broadcast_in_dim3A_159 = vector.broadcast %jit3A_158 : f32 to vector<3x256xf32>
    %select_n3A_160 = arith.select %lt3A_121, %slice3A_157, %broadcast_in_dim3A_159 : vector<3x256xf32>
    %swap3A_161 = arith.constant 2 : index
    %swap3A_162 = arith.constant 0 : index
    %swap3A_163 = arith.constant 0 : index
    %swap3A_164 = vector.load %arg22[%swap3A_161, %swap3A_162, %swap3A_163] : memref<16x3x256xf32, #tpu.memory_space<vmem>>, vector<1x3x256xf32>
    %swap3A_165 = vector.shape_cast %swap3A_164 : vector<1x3x256xf32> to vector<3x256xf32>
    %swap3A_166 = vector.shape_cast %select_n3A_160 : vector<3x256xf32> to vector<1x3x256xf32>
    tpu.vector_store %arg22[%swap3A_161, %swap3A_162, %swap3A_163], %swap3A_166 {strides = array<i32>} : memref<16x3x256xf32, #tpu.memory_space<vmem>>, vector<1x3x256xf32>,
    %slice3A_167 = vector.extract_strided_slice %get3A_126 {offsets = [13, 0], sizes = [1, 256], strides = [1, 1]} : vector<14x256xf32> to vector<1x256xf32>
    %jit3A_168 = arith.constant 5.000000e-01 : f32
    %broadcast_in_dim3A_169 = vector.broadcast %jit3A_168 : f32 to vector<1x256xf32>
    %select_n3A_170 = arith.select %lt3A_121, %slice3A_167, %broadcast_in_dim3A_169 : vector<1x256xf32>
    %swap3A_171 = arith.constant 2 : index
    %swap3A_172 = arith.constant 0 : index
    %swap3A_173 = arith.constant 0 : index
    %swap3A_174 = vector.load %arg23[%swap3A_171, %swap3A_172, %swap3A_173] : memref<16x1x256xf32, #tpu.memory_space<vmem>>, vector<1x1x256xf32>
    %swap3A_175 = vector.shape_cast %swap3A_174 : vector<1x1x256xf32> to vector<1x256xf32>
    %swap3A_176 = vector.shape_cast %select_n3A_170 : vector<1x256xf32> to vector<1x1x256xf32>
    tpu.vector_store %arg23[%swap3A_171, %swap3A_172, %swap3A_173], %swap3A_176 {strides = array<i32>} : memref<16x1x256xf32, #tpu.memory_space<vmem>>, vector<1x1x256xf32>,
    %mul3A_177 = arith.constant 16 : i32
    %mul3A_178 = arith.muli %mul3A_177, %arg0 : i32
    %add3A_179 = arith.constant 3 : i32
    %add3A_180 = arith.addi %mul3A_178, %add3A_179 : i32
    %get3A_181 = arith.constant 0 : index
    %get3A_182 = memref.load %arg2[%get3A_181] : memref<1xi32, #tpu.memory_space<smem>>
    %lt3A_183 = arith.cmpi slt, %add3A_180, %get3A_182 : i32
    %get3A_184 = arith.constant 0 : index
    %get3A_185 = arith.constant 0 : index
    %get3A_186 = arith.constant 0 : index
    %get3A_187 = vector.load %arg6[%get3A_184, %get3A_185, %get3A_186] : memref<1x14x256xf32, #tpu.memory_space<vmem>>, vector<1x14x256xf32>
    %get3A_188 = vector.shape_cast %get3A_187 : vector<1x14x256xf32> to vector<14x256xf32>
    %slice3A_189 = vector.extract_strided_slice %get3A_188 {offsets = [0, 0], sizes = [3, 256], strides = [1, 1]} : vector<14x256xf32> to vector<3x256xf32>
    %jit3A_190 = arith.constant 0.000000e+00 : f32
    %broadcast_in_dim3A_191 = vector.broadcast %jit3A_190 : f32 to vector<3x256xf32>
    %select_n3A_192 = arith.select %lt3A_183, %slice3A_189, %broadcast_in_dim3A_191 : vector<3x256xf32>
    %swap3A_193 = arith.constant 3 : index
    %swap3A_194 = arith.constant 0 : index
    %swap3A_195 = arith.constant 0 : index
    %swap3A_196 = vector.load %arg19[%swap3A_193, %swap3A_194, %swap3A_195] : memref<16x3x256xf32, #tpu.memory_space<vmem>>, vector<1x3x256xf32>
    %swap3A_197 = vector.shape_cast %swap3A_196 : vector<1x3x256xf32> to vector<3x256xf32>
    %swap3A_198 = vector.shape_cast %select_n3A_192 : vector<3x256xf32> to vector<1x3x256xf32>
    tpu.vector_store %arg19[%swap3A_193, %swap3A_194, %swap3A_195], %swap3A_198 {strides = array<i32>} : memref<16x3x256xf32, #tpu.memory_space<vmem>>, vector<1x3x256xf32>,
    %slice3A_199 = vector.extract_strided_slice %get3A_188 {offsets = [3, 0], sizes = [3, 256], strides = [1, 1]} : vector<14x256xf32> to vector<3x256xf32>
    %jit3A_200 = arith.constant 1.000000e+00 : f32
    %broadcast_in_dim3A_201 = vector.broadcast %jit3A_200 : f32 to vector<3x256xf32>
    %select_n3A_202 = arith.select %lt3A_183, %slice3A_199, %broadcast_in_dim3A_201 : vector<3x256xf32>
    %swap3A_203 = arith.constant 3 : index
    %swap3A_204 = arith.constant 0 : index
    %swap3A_205 = arith.constant 0 : index
    %swap3A_206 = vector.load %arg20[%swap3A_203, %swap3A_204, %swap3A_205] : memref<16x3x256xf32, #tpu.memory_space<vmem>>, vector<1x3x256xf32>
    %swap3A_207 = vector.shape_cast %swap3A_206 : vector<1x3x256xf32> to vector<3x256xf32>
    %swap3A_208 = vector.shape_cast %select_n3A_202 : vector<3x256xf32> to vector<1x3x256xf32>
    tpu.vector_store %arg20[%swap3A_203, %swap3A_204, %swap3A_205], %swap3A_208 {strides = array<i32>} : memref<16x3x256xf32, #tpu.memory_space<vmem>>, vector<1x3x256xf32>,
    %slice3A_209 = vector.extract_strided_slice %get3A_188 {offsets = [6, 0], sizes = [4, 256], strides = [1, 1]} : vector<14x256xf32> to vector<4x256xf32>
    %jit3A_210 = arith.constant 0.000000e+00 : f32
    %broadcast_in_dim3A_211 = vector.broadcast %jit3A_210 : f32 to vector<4x256xf32>
    %select_n3A_212 = arith.select %lt3A_183, %slice3A_209, %broadcast_in_dim3A_211 : vector<4x256xf32>
    %swap3A_213 = arith.constant 3 : index
    %swap3A_214 = arith.constant 0 : index
    %swap3A_215 = arith.constant 0 : index
    %swap3A_216 = vector.load %arg21[%swap3A_213, %swap3A_214, %swap3A_215] : memref<16x4x256xf32, #tpu.memory_space<vmem>>, vector<1x4x256xf32>
    %swap3A_217 = vector.shape_cast %swap3A_216 : vector<1x4x256xf32> to vector<4x256xf32>
    %swap3A_218 = vector.shape_cast %select_n3A_212 : vector<4x256xf32> to vector<1x4x256xf32>
    tpu.vector_store %arg21[%swap3A_213, %swap3A_214, %swap3A_215], %swap3A_218 {strides = array<i32>} : memref<16x4x256xf32, #tpu.memory_space<vmem>>, vector<1x4x256xf32>,
    %slice3A_219 = vector.extract_strided_slice %get3A_188 {offsets = [10, 0], sizes = [3, 256], strides = [1, 1]} : vector<14x256xf32> to vector<3x256xf32>
    %jit3A_220 = arith.constant 5.000000e-01 : f32
    %broadcast_in_dim3A_221 = vector.broadcast %jit3A_220 : f32 to vector<3x256xf32>
    %select_n3A_222 = arith.select %lt3A_183, %slice3A_219, %broadcast_in_dim3A_221 : vector<3x256xf32>
    %swap3A_223 = arith.constant 3 : index
    %swap3A_224 = arith.constant 0 : index
    %swap3A_225 = arith.constant 0 : index
    %swap3A_226 = vector.load %arg22[%swap3A_223, %swap3A_224, %swap3A_225] : memref<16x3x256xf32, #tpu.memory_space<vmem>>, vector<1x3x256xf32>
    %swap3A_227 = vector.shape_cast %swap3A_226 : vector<1x3x256xf32> to vector<3x256xf32>
    %swap3A_228 = vector.shape_cast %select_n3A_222 : vector<3x256xf32> to vector<1x3x256xf32>
    tpu.vector_store %arg22[%swap3A_223, %swap3A_224, %swap3A_225], %swap3A_228 {strides = array<i32>} : memref<16x3x256xf32, #tpu.memory_space<vmem>>, vector<1x3x256xf32>,
    %slice3A_229 = vector.extract_strided_slice %get3A_188 {offsets = [13, 0], sizes = [1, 256], strides = [1, 1]} : vector<14x256xf32> to vector<1x256xf32>
    %jit3A_230 = arith.constant 5.000000e-01 : f32
    %broadcast_in_dim3A_231 = vector.broadcast %jit3A_230 : f32 to vector<1x256xf32>
    %select_n3A_232 = arith.select %lt3A_183, %slice3A_229, %broadcast_in_dim3A_231 : vector<1x256xf32>
    %swap3A_233 = arith.constant 3 : index
    %swap3A_234 = arith.constant 0 : index
    %swap3A_235 = arith.constant 0 : index
    %swap3A_236 = vector.load %arg23[%swap3A_233, %swap3A_234, %swap3A_235] : memref<16x1x256xf32, #tpu.memory_space<vmem>>, vector<1x1x256xf32>
    %swap3A_237 = vector.shape_cast %swap3A_236 : vector<1x1x256xf32> to vector<1x256xf32>
    %swap3A_238 = vector.shape_cast %select_n3A_232 : vector<1x256xf32> to vector<1x1x256xf32>
    tpu.vector_store %arg23[%swap3A_233, %swap3A_234, %swap3A_235], %swap3A_238 {strides = array<i32>} : memref<16x1x256xf32, #tpu.memory_space<vmem>>, vector<1x1x256xf32>,
    %mul3A_239 = arith.constant 16 : i32
    %mul3A_240 = arith.muli %mul3A_239, %arg0 : i32
    %add3A_241 = arith.constant 4 : i32
    %add3A_242 = arith.addi %mul3A_240, %add3A_241 : i32
    %get3A_243 = arith.constant 0 : index
    %get3A_244 = memref.load %arg2[%get3A_243] : memref<1xi32, #tpu.memory_space<smem>>
    %lt3A_245 = arith.cmpi slt, %add3A_242, %get3A_244 : i32
    %get3A_246 = arith.constant 0 : index
    %get3A_247 = arith.constant 0 : index
    %get3A_248 = arith.constant 0 : index
    %get3A_249 = vector.load %arg7[%get3A_246, %get3A_247, %get3A_248] : memref<1x14x256xf32, #tpu.memory_space<vmem>>, vector<1x14x256xf32>
    %get3A_250 = vector.shape_cast %get3A_249 : vector<1x14x256xf32> to vector<14x256xf32>
    %slice3A_251 = vector.extract_strided_slice %get3A_250 {offsets = [0, 0], sizes = [3, 256], strides = [1, 1]} : vector<14x256xf32> to vector<3x256xf32>
    %jit3A_252 = arith.constant 0.000000e+00 : f32
    %broadcast_in_dim3A_253 = vector.broadcast %jit3A_252 : f32 to vector<3x256xf32>
    %select_n3A_254 = arith.select %lt3A_245, %slice3A_251, %broadcast_in_dim3A_253 : vector<3x256xf32>
    %swap3A_255 = arith.constant 4 : index
    %swap3A_256 = arith.constant 0 : index
    %swap3A_257 = arith.constant 0 : index
    %swap3A_258 = vector.load %arg19[%swap3A_255, %swap3A_256, %swap3A_257] : memref<16x3x256xf32, #tpu.memory_space<vmem>>, vector<1x3x256xf32>
    %swap3A_259 = vector.shape_cast %swap3A_258 : vector<1x3x256xf32> to vector<3x256xf32>
    %swap3A_260 = vector.shape_cast %select_n3A_254 : vector<3x256xf32> to vector<1x3x256xf32>
    tpu.vector_store %arg19[%swap3A_255, %swap3A_256, %swap3A_257], %swap3A_260 {strides = array<i32>} : memref<16x3x256xf32, #tpu.memory_space<vmem>>, vector<1x3x256xf32>,
    %slice3A_261 = vector.extract_strided_slice %get3A_250 {offsets = [3, 0], sizes = [3, 256], strides = [1, 1]} : vector<14x256xf32> to vector<3x256xf32>
    %jit3A_262 = arith.constant 1.000000e+00 : f32
    %broadcast_in_dim3A_263 = vector.broadcast %jit3A_262 : f32 to vector<3x256xf32>
    %select_n3A_264 = arith.select %lt3A_245, %slice3A_261, %broadcast_in_dim3A_263 : vector<3x256xf32>
    %swap3A_265 = arith.constant 4 : index
    %swap3A_266 = arith.constant 0 : index
    %swap3A_267 = arith.constant 0 : index
    %swap3A_268 = vector.load %arg20[%swap3A_265, %swap3A_266, %swap3A_267] : memref<16x3x256xf32, #tpu.memory_space<vmem>>, vector<1x3x256xf32>
    %swap3A_269 = vector.shape_cast %swap3A_268 : vector<1x3x256xf32> to vector<3x256xf32>
    %swap3A_270 = vector.shape_cast %select_n3A_264 : vector<3x256xf32> to vector<1x3x256xf32>
    tpu.vector_store %arg20[%swap3A_265, %swap3A_266, %swap3A_267], %swap3A_270 {strides = array<i32>} : memref<16x3x256xf32, #tpu.memory_space<vmem>>, vector<1x3x256xf32>,
    %slice3A_271 = vector.extract_strided_slice %get3A_250 {offsets = [6, 0], sizes = [4, 256], strides = [1, 1]} : vector<14x256xf32> to vector<4x256xf32>
    %jit3A_272 = arith.constant 0.000000e+00 : f32
    %broadcast_in_dim3A_273 = vector.broadcast %jit3A_272 : f32 to vector<4x256xf32>
    %select_n3A_274 = arith.select %lt3A_245, %slice3A_271, %broadcast_in_dim3A_273 : vector<4x256xf32>
    %swap3A_275 = arith.constant 4 : index
    %swap3A_276 = arith.constant 0 : index
    %swap3A_277 = arith.constant 0 : index
    %swap3A_278 = vector.load %arg21[%swap3A_275, %swap3A_276, %swap3A_277] : memref<16x4x256xf32, #tpu.memory_space<vmem>>, vector<1x4x256xf32>
    %swap3A_279 = vector.shape_cast %swap3A_278 : vector<1x4x256xf32> to vector<4x256xf32>
    %swap3A_280 = vector.shape_cast %select_n3A_274 : vector<4x256xf32> to vector<1x4x256xf32>
    tpu.vector_store %arg21[%swap3A_275, %swap3A_276, %swap3A_277], %swap3A_280 {strides = array<i32>} : memref<16x4x256xf32, #tpu.memory_space<vmem>>, vector<1x4x256xf32>,
    %slice3A_281 = vector.extract_strided_slice %get3A_250 {offsets = [10, 0], sizes = [3, 256], strides = [1, 1]} : vector<14x256xf32> to vector<3x256xf32>
    %jit3A_282 = arith.constant 5.000000e-01 : f32
    %broadcast_in_dim3A_283 = vector.broadcast %jit3A_282 : f32 to vector<3x256xf32>
    %select_n3A_284 = arith.select %lt3A_245, %slice3A_281, %broadcast_in_dim3A_283 : vector<3x256xf32>
    %swap3A_285 = arith.constant 4 : index
    %swap3A_286 = arith.constant 0 : index
    %swap3A_287 = arith.constant 0 : index
    %swap3A_288 = vector.load %arg22[%swap3A_285, %swap3A_286, %swap3A_287] : memref<16x3x256xf32, #tpu.memory_space<vmem>>, vector<1x3x256xf32>
    %swap3A_289 = vector.shape_cast %swap3A_288 : vector<1x3x256xf32> to vector<3x256xf32>
    %swap3A_290 = vector.shape_cast %select_n3A_284 : vector<3x256xf32> to vector<1x3x256xf32>
    tpu.vector_store %arg22[%swap3A_285, %swap3A_286, %swap3A_287], %swap3A_290 {strides = array<i32>} : memref<16x3x256xf32, #tpu.memory_space<vmem>>, vector<1x3x256xf32>,
    %slice3A_291 = vector.extract_strided_slice %get3A_250 {offsets = [13, 0], sizes = [1, 256], strides = [1, 1]} : vector<14x256xf32> to vector<1x256xf32>
    %jit3A_292 = arith.constant 5.000000e-01 : f32
    %broadcast_in_dim3A_293 = vector.broadcast %jit3A_292 : f32 to vector<1x256xf32>
    %select_n3A_294 = arith.select %lt3A_245, %slice3A_291, %broadcast_in_dim3A_293 : vector<1x256xf32>
    %swap3A_295 = arith.constant 4 : index
    %swap3A_296 = arith.constant 0 : index
    %swap3A_297 = arith.constant 0 : index
    %swap3A_298 = vector.load %arg23[%swap3A_295, %swap3A_296, %swap3A_297] : memref<16x1x256xf32, #tpu.memory_space<vmem>>, vector<1x1x256xf32>
    %swap3A_299 = vector.shape_cast %swap3A_298 : vector<1x1x256xf32> to vector<1x256xf32>
    %swap3A_300 = vector.shape_cast %select_n3A_294 : vector<1x256xf32> to vector<1x1x256xf32>
    tpu.vector_store %arg23[%swap3A_295, %swap3A_296, %swap3A_297], %swap3A_300 {strides = array<i32>} : memref<16x1x256xf32, #tpu.memory_space<vmem>>, vector<1x1x256xf32>,
    %mul3A_301 = arith.constant 16 : i32
    %mul3A_302 = arith.muli %mul3A_301, %arg0 : i32
    %add3A_303 = arith.constant 5 : i32
    %add3A_304 = arith.addi %mul3A_302, %add3A_303 : i32
    %get3A_305 = arith.constant 0 : index
    %get3A_306 = memref.load %arg2[%get3A_305] : memref<1xi32, #tpu.memory_space<smem>>
    %lt3A_307 = arith.cmpi slt, %add3A_304, %get3A_306 : i32
    %get3A_308 = arith.constant 0 : index
    %get3A_309 = arith.constant 0 : index
    %get3A_310 = arith.constant 0 : index
    %get3A_311 = vector.load %arg8[%get3A_308, %get3A_309, %get3A_310] : memref<1x14x256xf32, #tpu.memory_space<vmem>>, vector<1x14x256xf32>
    %get3A_312 = vector.shape_cast %get3A_311 : vector<1x14x256xf32> to vector<14x256xf32>
    %slice3A_313 = vector.extract_strided_slice %get3A_312 {offsets = [0, 0], sizes = [3, 256], strides = [1, 1]} : vector<14x256xf32> to vector<3x256xf32>
    %jit3A_314 = arith.constant 0.000000e+00 : f32
    %broadcast_in_dim3A_315 = vector.broadcast %jit3A_314 : f32 to vector<3x256xf32>
    %select_n3A_316 = arith.select %lt3A_307, %slice3A_313, %broadcast_in_dim3A_315 : vector<3x256xf32>
    %swap3A_317 = arith.constant 5 : index
    %swap3A_318 = arith.constant 0 : index
    %swap3A_319 = arith.constant 0 : index
    %swap3A_320 = vector.load %arg19[%swap3A_317, %swap3A_318, %swap3A_319] : memref<16x3x256xf32, #tpu.memory_space<vmem>>, vector<1x3x256xf32>
    %swap3A_321 = vector.shape_cast %swap3A_320 : vector<1x3x256xf32> to vector<3x256xf32>
    %swap3A_322 = vector.shape_cast %select_n3A_316 : vector<3x256xf32> to vector<1x3x256xf32>
    tpu.vector_store %arg19[%swap3A_317, %swap3A_318, %swap3A_319], %swap3A_322 {strides = array<i32>} : memref<16x3x256xf32, #tpu.memory_space<vmem>>, vector<1x3x256xf32>,
    %slice3A_323 = vector.extract_strided_slice %get3A_312 {offsets = [3, 0], sizes = [3, 256], strides = [1, 1]} : vector<14x256xf32> to vector<3x256xf32>
    %jit3A_324 = arith.constant 1.000000e+00 : f32
    %broadcast_in_dim3A_325 = vector.broadcast %jit3A_324 : f32 to vector<3x256xf32>
    %select_n3A_326 = arith.select %lt3A_307, %slice3A_323, %broadcast_in_dim3A_325 : vector<3x256xf32>
    %swap3A_327 = arith.constant 5 : index
    %swap3A_328 = arith.constant 0 : index
    %swap3A_329 = arith.constant 0 : index
    %swap3A_330 = vector.load %arg20[%swap3A_327, %swap3A_328, %swap3A_329] : memref<16x3x256xf32, #tpu.memory_space<vmem>>, vector<1x3x256xf32>
    %swap3A_331 = vector.shape_cast %swap3A_330 : vector<1x3x256xf32> to vector<3x256xf32>
    %swap3A_332 = vector.shape_cast %select_n3A_326 : vector<3x256xf32> to vector<1x3x256xf32>
    tpu.vector_store %arg20[%swap3A_327, %swap3A_328, %swap3A_329], %swap3A_332 {strides = array<i32>} : memref<16x3x256xf32, #tpu.memory_space<vmem>>, vector<1x3x256xf32>,
    %slice3A_333 = vector.extract_strided_slice %get3A_312 {offsets = [6, 0], sizes = [4, 256], strides = [1, 1]} : vector<14x256xf32> to vector<4x256xf32>
    %jit3A_334 = arith.constant 0.000000e+00 : f32
    %broadcast_in_dim3A_335 = vector.broadcast %jit3A_334 : f32 to vector<4x256xf32>
    %select_n3A_336 = arith.select %lt3A_307, %slice3A_333, %broadcast_in_dim3A_335 : vector<4x256xf32>
    %swap3A_337 = arith.constant 5 : index
    %swap3A_338 = arith.constant 0 : index
    %swap3A_339 = arith.constant 0 : index
    %swap3A_340 = vector.load %arg21[%swap3A_337, %swap3A_338, %swap3A_339] : memref<16x4x256xf32, #tpu.memory_space<vmem>>, vector<1x4x256xf32>
    %swap3A_341 = vector.shape_cast %swap3A_340 : vector<1x4x256xf32> to vector<4x256xf32>
    %swap3A_342 = vector.shape_cast %select_n3A_336 : vector<4x256xf32> to vector<1x4x256xf32>
    tpu.vector_store %arg21[%swap3A_337, %swap3A_338, %swap3A_339], %swap3A_342 {strides = array<i32>} : memref<16x4x256xf32, #tpu.memory_space<vmem>>, vector<1x4x256xf32>,
    %slice3A_343 = vector.extract_strided_slice %get3A_312 {offsets = [10, 0], sizes = [3, 256], strides = [1, 1]} : vector<14x256xf32> to vector<3x256xf32>
    %jit3A_344 = arith.constant 5.000000e-01 : f32
    %broadcast_in_dim3A_345 = vector.broadcast %jit3A_344 : f32 to vector<3x256xf32>
    %select_n3A_346 = arith.select %lt3A_307, %slice3A_343, %broadcast_in_dim3A_345 : vector<3x256xf32>
    %swap3A_347 = arith.constant 5 : index
    %swap3A_348 = arith.constant 0 : index
    %swap3A_349 = arith.constant 0 : index
    %swap3A_350 = vector.load %arg22[%swap3A_347, %swap3A_348, %swap3A_349] : memref<16x3x256xf32, #tpu.memory_space<vmem>>, vector<1x3x256xf32>
    %swap3A_351 = vector.shape_cast %swap3A_350 : vector<1x3x256xf32> to vector<3x256xf32>
    %swap3A_352 = vector.shape_cast %select_n3A_346 : vector<3x256xf32> to vector<1x3x256xf32>
    tpu.vector_store %arg22[%swap3A_347, %swap3A_348, %swap3A_349], %swap3A_352 {strides = array<i32>} : memref<16x3x256xf32, #tpu.memory_space<vmem>>, vector<1x3x256xf32>,
    %slice3A_353 = vector.extract_strided_slice %get3A_312 {offsets = [13, 0], sizes = [1, 256], strides = [1, 1]} : vector<14x256xf32> to vector<1x256xf32>
    %jit3A_354 = arith.constant 5.000000e-01 : f32
    %broadcast_in_dim3A_355 = vector.broadcast %jit3A_354 : f32 to vector<1x256xf32>
    %select_n3A_356 = arith.select %lt3A_307, %slice3A_353, %broadcast_in_dim3A_355 : vector<1x256xf32>
    %swap3A_357 = arith.constant 5 : index
    %swap3A_358 = arith.constant 0 : index
    %swap3A_359 = arith.constant 0 : index
    %swap3A_360 = vector.load %arg23[%swap3A_357, %swap3A_358, %swap3A_359] : memref<16x1x256xf32, #tpu.memory_space<vmem>>, vector<1x1x256xf32>
    %swap3A_361 = vector.shape_cast %swap3A_360 : vector<1x1x256xf32> to vector<1x256xf32>
    %swap3A_362 = vector.shape_cast %select_n3A_356 : vector<1x256xf32> to vector<1x1x256xf32>
    tpu.vector_store %arg23[%swap3A_357, %swap3A_358, %swap3A_359], %swap3A_362 {strides = array<i32>} : memref<16x1x256xf32, #tpu.memory_space<vmem>>, vector<1x1x256xf32>,
    %mul3A_363 = arith.constant 16 : i32
    %mul3A_364 = arith.muli %mul3A_363, %arg0 : i32
    %add3A_365 = arith.constant 6 : i32
    %add3A_366 = arith.addi %mul3A_364, %add3A_365 : i32
    %get3A_367 = arith.constant 0 : index
    %get3A_368 = memref.load %arg2[%get3A_367] : memref<1xi32, #tpu.memory_space<smem>>
    %lt3A_369 = arith.cmpi slt, %add3A_366, %get3A_368 : i32
    %get3A_370 = arith.constant 0 : index
    %get3A_371 = arith.constant 0 : index
    %get3A_372 = arith.constant 0 : index
    %get3A_373 = vector.load %arg9[%get3A_370, %get3A_371, %get3A_372] : memref<1x14x256xf32, #tpu.memory_space<vmem>>, vector<1x14x256xf32>
    %get3A_374 = vector.shape_cast %get3A_373 : vector<1x14x256xf32> to vector<14x256xf32>
    %slice3A_375 = vector.extract_strided_slice %get3A_374 {offsets = [0, 0], sizes = [3, 256], strides = [1, 1]} : vector<14x256xf32> to vector<3x256xf32>
    %jit3A_376 = arith.constant 0.000000e+00 : f32
    %broadcast_in_dim3A_377 = vector.broadcast %jit3A_376 : f32 to vector<3x256xf32>
    %select_n3A_378 = arith.select %lt3A_369, %slice3A_375, %broadcast_in_dim3A_377 : vector<3x256xf32>
    %swap3A_379 = arith.constant 6 : index
    %swap3A_380 = arith.constant 0 : index
    %swap3A_381 = arith.constant 0 : index
    %swap3A_382 = vector.load %arg19[%swap3A_379, %swap3A_380, %swap3A_381] : memref<16x3x256xf32, #tpu.memory_space<vmem>>, vector<1x3x256xf32>
    %swap3A_383 = vector.shape_cast %swap3A_382 : vector<1x3x256xf32> to vector<3x256xf32>
    %swap3A_384 = vector.shape_cast %select_n3A_378 : vector<3x256xf32> to vector<1x3x256xf32>
    tpu.vector_store %arg19[%swap3A_379, %swap3A_380, %swap3A_381], %swap3A_384 {strides = array<i32>} : memref<16x3x256xf32, #tpu.memory_space<vmem>>, vector<1x3x256xf32>,
    %slice3A_385 = vector.extract_strided_slice %get3A_374 {offsets = [3, 0], sizes = [3, 256], strides = [1, 1]} : vector<14x256xf32> to vector<3x256xf32>
    %jit3A_386 = arith.constant 1.000000e+00 : f32
    %broadcast_in_dim3A_387 = vector.broadcast %jit3A_386 : f32 to vector<3x256xf32>
    %select_n3A_388 = arith.select %lt3A_369, %slice3A_385, %broadcast_in_dim3A_387 : vector<3x256xf32>
    %swap3A_389 = arith.constant 6 : index
    %swap3A_390 = arith.constant 0 : index
    %swap3A_391 = arith.constant 0 : index
    %swap3A_392 = vector.load %arg20[%swap3A_389, %swap3A_390, %swap3A_391] : memref<16x3x256xf32, #tpu.memory_space<vmem>>, vector<1x3x256xf32>
    %swap3A_393 = vector.shape_cast %swap3A_392 : vector<1x3x256xf32> to vector<3x256xf32>
    %swap3A_394 = vector.shape_cast %select_n3A_388 : vector<3x256xf32> to vector<1x3x256xf32>
    tpu.vector_store %arg20[%swap3A_389, %swap3A_390, %swap3A_391], %swap3A_394 {strides = array<i32>} : memref<16x3x256xf32, #tpu.memory_space<vmem>>, vector<1x3x256xf32>,
    %slice3A_395 = vector.extract_strided_slice %get3A_374 {offsets = [6, 0], sizes = [4, 256], strides = [1, 1]} : vector<14x256xf32> to vector<4x256xf32>
    %jit3A_396 = arith.constant 0.000000e+00 : f32
    %broadcast_in_dim3A_397 = vector.broadcast %jit3A_396 : f32 to vector<4x256xf32>
    %select_n3A_398 = arith.select %lt3A_369, %slice3A_395, %broadcast_in_dim3A_397 : vector<4x256xf32>
    %swap3A_399 = arith.constant 6 : index
    %swap3A_400 = arith.constant 0 : index
    %swap3A_401 = arith.constant 0 : index
    %swap3A_402 = vector.load %arg21[%swap3A_399, %swap3A_400, %swap3A_401] : memref<16x4x256xf32, #tpu.memory_space<vmem>>, vector<1x4x256xf32>
    %swap3A_403 = vector.shape_cast %swap3A_402 : vector<1x4x256xf32> to vector<4x256xf32>
    %swap3A_404 = vector.shape_cast %select_n3A_398 : vector<4x256xf32> to vector<1x4x256xf32>
    tpu.vector_store %arg21[%swap3A_399, %swap3A_400, %swap3A_401], %swap3A_404 {strides = array<i32>} : memref<16x4x256xf32, #tpu.memory_space<vmem>>, vector<1x4x256xf32>,
    %slice3A_405 = vector.extract_strided_slice %get3A_374 {offsets = [10, 0], sizes = [3, 256], strides = [1, 1]} : vector<14x256xf32> to vector<3x256xf32>
    %jit3A_406 = arith.constant 5.000000e-01 : f32
    %broadcast_in_dim3A_407 = vector.broadcast %jit3A_406 : f32 to vector<3x256xf32>
    %select_n3A_408 = arith.select %lt3A_369, %slice3A_405, %broadcast_in_dim3A_407 : vector<3x256xf32>
    %swap3A_409 = arith.constant 6 : index
    %swap3A_410 = arith.constant 0 : index
    %swap3A_411 = arith.constant 0 : index
    %swap3A_412 = vector.load %arg22[%swap3A_409, %swap3A_410, %swap3A_411] : memref<16x3x256xf32, #tpu.memory_space<vmem>>, vector<1x3x256xf32>
    %swap3A_413 = vector.shape_cast %swap3A_412 : vector<1x3x256xf32> to vector<3x256xf32>
    %swap3A_414 = vector.shape_cast %select_n3A_408 : vector<3x256xf32> to vector<1x3x256xf32>
    tpu.vector_store %arg22[%swap3A_409, %swap3A_410, %swap3A_411], %swap3A_414 {strides = array<i32>} : memref<16x3x256xf32, #tpu.memory_space<vmem>>, vector<1x3x256xf32>,
    %slice3A_415 = vector.extract_strided_slice %get3A_374 {offsets = [13, 0], sizes = [1, 256], strides = [1, 1]} : vector<14x256xf32> to vector<1x256xf32>
    %jit3A_416 = arith.constant 5.000000e-01 : f32
    %broadcast_in_dim3A_417 = vector.broadcast %jit3A_416 : f32 to vector<1x256xf32>
    %select_n3A_418 = arith.select %lt3A_369, %slice3A_415, %broadcast_in_dim3A_417 : vector<1x256xf32>
    %swap3A_419 = arith.constant 6 : index
    %swap3A_420 = arith.constant 0 : index
    %swap3A_421 = arith.constant 0 : index
    %swap3A_422 = vector.load %arg23[%swap3A_419, %swap3A_420, %swap3A_421] : memref<16x1x256xf32, #tpu.memory_space<vmem>>, vector<1x1x256xf32>
    %swap3A_423 = vector.shape_cast %swap3A_422 : vector<1x1x256xf32> to vector<1x256xf32>
    %swap3A_424 = vector.shape_cast %select_n3A_418 : vector<1x256xf32> to vector<1x1x256xf32>
    tpu.vector_store %arg23[%swap3A_419, %swap3A_420, %swap3A_421], %swap3A_424 {strides = array<i32>} : memref<16x1x256xf32, #tpu.memory_space<vmem>>, vector<1x1x256xf32>,
    %mul3A_425 = arith.constant 16 : i32
    %mul3A_426 = arith.muli %mul3A_425, %arg0 : i32
    %add3A_427 = arith.constant 7 : i32
    %add3A_428 = arith.addi %mul3A_426, %add3A_427 : i32
    %get3A_429 = arith.constant 0 : index
    %get3A_430 = memref.load %arg2[%get3A_429] : memref<1xi32, #tpu.memory_space<smem>>
    %lt3A_431 = arith.cmpi slt, %add3A_428, %get3A_430 : i32
    %get3A_432 = arith.constant 0 : index
    %get3A_433 = arith.constant 0 : index
    %get3A_434 = arith.constant 0 : index
    %get3A_435 = vector.load %arg10[%get3A_432, %get3A_433, %get3A_434] : memref<1x14x256xf32, #tpu.memory_space<vmem>>, vector<1x14x256xf32>
    %get3A_436 = vector.shape_cast %get3A_435 : vector<1x14x256xf32> to vector<14x256xf32>
    %slice3A_437 = vector.extract_strided_slice %get3A_436 {offsets = [0, 0], sizes = [3, 256], strides = [1, 1]} : vector<14x256xf32> to vector<3x256xf32>
    %jit3A_438 = arith.constant 0.000000e+00 : f32
    %broadcast_in_dim3A_439 = vector.broadcast %jit3A_438 : f32 to vector<3x256xf32>
    %select_n3A_440 = arith.select %lt3A_431, %slice3A_437, %broadcast_in_dim3A_439 : vector<3x256xf32>
    %swap3A_441 = arith.constant 7 : index
    %swap3A_442 = arith.constant 0 : index
    %swap3A_443 = arith.constant 0 : index
    %swap3A_444 = vector.load %arg19[%swap3A_441, %swap3A_442, %swap3A_443] : memref<16x3x256xf32, #tpu.memory_space<vmem>>, vector<1x3x256xf32>
    %swap3A_445 = vector.shape_cast %swap3A_444 : vector<1x3x256xf32> to vector<3x256xf32>
    %swap3A_446 = vector.shape_cast %select_n3A_440 : vector<3x256xf32> to vector<1x3x256xf32>
    tpu.vector_store %arg19[%swap3A_441, %swap3A_442, %swap3A_443], %swap3A_446 {strides = array<i32>} : memref<16x3x256xf32, #tpu.memory_space<vmem>>, vector<1x3x256xf32>,
    %slice3A_447 = vector.extract_strided_slice %get3A_436 {offsets = [3, 0], sizes = [3, 256], strides = [1, 1]} : vector<14x256xf32> to vector<3x256xf32>
    %jit3A_448 = arith.constant 1.000000e+00 : f32
    %broadcast_in_dim3A_449 = vector.broadcast %jit3A_448 : f32 to vector<3x256xf32>
    %select_n3A_450 = arith.select %lt3A_431, %slice3A_447, %broadcast_in_dim3A_449 : vector<3x256xf32>
    %swap3A_451 = arith.constant 7 : index
    %swap3A_452 = arith.constant 0 : index
    %swap3A_453 = arith.constant 0 : index
    %swap3A_454 = vector.load %arg20[%swap3A_451, %swap3A_452, %swap3A_453] : memref<16x3x256xf32, #tpu.memory_space<vmem>>, vector<1x3x256xf32>
    %swap3A_455 = vector.shape_cast %swap3A_454 : vector<1x3x256xf32> to vector<3x256xf32>
    %swap3A_456 = vector.shape_cast %select_n3A_450 : vector<3x256xf32> to vector<1x3x256xf32>
    tpu.vector_store %arg20[%swap3A_451, %swap3A_452, %swap3A_453], %swap3A_456 {strides = array<i32>} : memref<16x3x256xf32, #tpu.memory_space<vmem>>, vector<1x3x256xf32>,
    %slice3A_457 = vector.extract_strided_slice %get3A_436 {offsets = [6, 0], sizes = [4, 256], strides = [1, 1]} : vector<14x256xf32> to vector<4x256xf32>
    %jit3A_458 = arith.constant 0.000000e+00 : f32
    %broadcast_in_dim3A_459 = vector.broadcast %jit3A_458 : f32 to vector<4x256xf32>
    %select_n3A_460 = arith.select %lt3A_431, %slice3A_457, %broadcast_in_dim3A_459 : vector<4x256xf32>
    %swap3A_461 = arith.constant 7 : index
    %swap3A_462 = arith.constant 0 : index
    %swap3A_463 = arith.constant 0 : index
    %swap3A_464 = vector.load %arg21[%swap3A_461, %swap3A_462, %swap3A_463] : memref<16x4x256xf32, #tpu.memory_space<vmem>>, vector<1x4x256xf32>
    %swap3A_465 = vector.shape_cast %swap3A_464 : vector<1x4x256xf32> to vector<4x256xf32>
    %swap3A_466 = vector.shape_cast %select_n3A_460 : vector<4x256xf32> to vector<1x4x256xf32>
    tpu.vector_store %arg21[%swap3A_461, %swap3A_462, %swap3A_463], %swap3A_466 {strides = array<i32>} : memref<16x4x256xf32, #tpu.memory_space<vmem>>, vector<1x4x256xf32>,
    %slice3A_467 = vector.extract_strided_slice %get3A_436 {offsets = [10, 0], sizes = [3, 256], strides = [1, 1]} : vector<14x256xf32> to vector<3x256xf32>
    %jit3A_468 = arith.constant 5.000000e-01 : f32
    %broadcast_in_dim3A_469 = vector.broadcast %jit3A_468 : f32 to vector<3x256xf32>
    %select_n3A_470 = arith.select %lt3A_431, %slice3A_467, %broadcast_in_dim3A_469 : vector<3x256xf32>
    %swap3A_471 = arith.constant 7 : index
    %swap3A_472 = arith.constant 0 : index
    %swap3A_473 = arith.constant 0 : index
    %swap3A_474 = vector.load %arg22[%swap3A_471, %swap3A_472, %swap3A_473] : memref<16x3x256xf32, #tpu.memory_space<vmem>>, vector<1x3x256xf32>
    %swap3A_475 = vector.shape_cast %swap3A_474 : vector<1x3x256xf32> to vector<3x256xf32>
    %swap3A_476 = vector.shape_cast %select_n3A_470 : vector<3x256xf32> to vector<1x3x256xf32>
    tpu.vector_store %arg22[%swap3A_471, %swap3A_472, %swap3A_473], %swap3A_476 {strides = array<i32>} : memref<16x3x256xf32, #tpu.memory_space<vmem>>, vector<1x3x256xf32>,
    %slice3A_477 = vector.extract_strided_slice %get3A_436 {offsets = [13, 0], sizes = [1, 256], strides = [1, 1]} : vector<14x256xf32> to vector<1x256xf32>
    %jit3A_478 = arith.constant 5.000000e-01 : f32
    %broadcast_in_dim3A_479 = vector.broadcast %jit3A_478 : f32 to vector<1x256xf32>
    %select_n3A_480 = arith.select %lt3A_431, %slice3A_477, %broadcast_in_dim3A_479 : vector<1x256xf32>
    %swap3A_481 = arith.constant 7 : index
    %swap3A_482 = arith.constant 0 : index
    %swap3A_483 = arith.constant 0 : index
    %swap3A_484 = vector.load %arg23[%swap3A_481, %swap3A_482, %swap3A_483] : memref<16x1x256xf32, #tpu.memory_space<vmem>>, vector<1x1x256xf32>
    %swap3A_485 = vector.shape_cast %swap3A_484 : vector<1x1x256xf32> to vector<1x256xf32>
    %swap3A_486 = vector.shape_cast %select_n3A_480 : vector<1x256xf32> to vector<1x1x256xf32>
    tpu.vector_store %arg23[%swap3A_481, %swap3A_482, %swap3A_483], %swap3A_486 {strides = array<i32>} : memref<16x1x256xf32, #tpu.memory_space<vmem>>, vector<1x1x256xf32>,
    %mul3A_487 = arith.constant 16 : i32
    %mul3A_488 = arith.muli %mul3A_487, %arg0 : i32
    %add3A_489 = arith.constant 8 : i32
    %add3A_490 = arith.addi %mul3A_488, %add3A_489 : i32
    %get3A_491 = arith.constant 0 : index
    %get3A_492 = memref.load %arg2[%get3A_491] : memref<1xi32, #tpu.memory_space<smem>>
    %lt3A_493 = arith.cmpi slt, %add3A_490, %get3A_492 : i32
    %get3A_494 = arith.constant 0 : index
    %get3A_495 = arith.constant 0 : index
    %get3A_496 = arith.constant 0 : index
    %get3A_497 = vector.load %arg11[%get3A_494, %get3A_495, %get3A_496] : memref<1x14x256xf32, #tpu.memory_space<vmem>>, vector<1x14x256xf32>
    %get3A_498 = vector.shape_cast %get3A_497 : vector<1x14x256xf32> to vector<14x256xf32>
    %slice3A_499 = vector.extract_strided_slice %get3A_498 {offsets = [0, 0], sizes = [3, 256], strides = [1, 1]} : vector<14x256xf32> to vector<3x256xf32>
    %jit3A_500 = arith.constant 0.000000e+00 : f32
    %broadcast_in_dim3A_501 = vector.broadcast %jit3A_500 : f32 to vector<3x256xf32>
    %select_n3A_502 = arith.select %lt3A_493, %slice3A_499, %broadcast_in_dim3A_501 : vector<3x256xf32>
    %swap3A_503 = arith.constant 8 : index
    %swap3A_504 = arith.constant 0 : index
    %swap3A_505 = arith.constant 0 : index
    %swap3A_506 = vector.load %arg19[%swap3A_503, %swap3A_504, %swap3A_505] : memref<16x3x256xf32, #tpu.memory_space<vmem>>, vector<1x3x256xf32>
    %swap3A_507 = vector.shape_cast %swap3A_506 : vector<1x3x256xf32> to vector<3x256xf32>
    %swap3A_508 = vector.shape_cast %select_n3A_502 : vector<3x256xf32> to vector<1x3x256xf32>
    tpu.vector_store %arg19[%swap3A_503, %swap3A_504, %swap3A_505], %swap3A_508 {strides = array<i32>} : memref<16x3x256xf32, #tpu.memory_space<vmem>>, vector<1x3x256xf32>,
    %slice3A_509 = vector.extract_strided_slice %get3A_498 {offsets = [3, 0], sizes = [3, 256], strides = [1, 1]} : vector<14x256xf32> to vector<3x256xf32>
    %jit3A_510 = arith.constant 1.000000e+00 : f32
    %broadcast_in_dim3A_511 = vector.broadcast %jit3A_510 : f32 to vector<3x256xf32>
    %select_n3A_512 = arith.select %lt3A_493, %slice3A_509, %broadcast_in_dim3A_511 : vector<3x256xf32>
    %swap3A_513 = arith.constant 8 : index
    %swap3A_514 = arith.constant 0 : index
    %swap3A_515 = arith.constant 0 : index
    %swap3A_516 = vector.load %arg20[%swap3A_513, %swap3A_514, %swap3A_515] : memref<16x3x256xf32, #tpu.memory_space<vmem>>, vector<1x3x256xf32>
    %swap3A_517 = vector.shape_cast %swap3A_516 : vector<1x3x256xf32> to vector<3x256xf32>
    %swap3A_518 = vector.shape_cast %select_n3A_512 : vector<3x256xf32> to vector<1x3x256xf32>
    tpu.vector_store %arg20[%swap3A_513, %swap3A_514, %swap3A_515], %swap3A_518 {strides = array<i32>} : memref<16x3x256xf32, #tpu.memory_space<vmem>>, vector<1x3x256xf32>,
    %slice3A_519 = vector.extract_strided_slice %get3A_498 {offsets = [6, 0], sizes = [4, 256], strides = [1, 1]} : vector<14x256xf32> to vector<4x256xf32>
    %jit3A_520 = arith.constant 0.000000e+00 : f32
    %broadcast_in_dim3A_521 = vector.broadcast %jit3A_520 : f32 to vector<4x256xf32>
    %select_n3A_522 = arith.select %lt3A_493, %slice3A_519, %broadcast_in_dim3A_521 : vector<4x256xf32>
    %swap3A_523 = arith.constant 8 : index
    %swap3A_524 = arith.constant 0 : index
    %swap3A_525 = arith.constant 0 : index
    %swap3A_526 = vector.load %arg21[%swap3A_523, %swap3A_524, %swap3A_525] : memref<16x4x256xf32, #tpu.memory_space<vmem>>, vector<1x4x256xf32>
    %swap3A_527 = vector.shape_cast %swap3A_526 : vector<1x4x256xf32> to vector<4x256xf32>
    %swap3A_528 = vector.shape_cast %select_n3A_522 : vector<4x256xf32> to vector<1x4x256xf32>
    tpu.vector_store %arg21[%swap3A_523, %swap3A_524, %swap3A_525], %swap3A_528 {strides = array<i32>} : memref<16x4x256xf32, #tpu.memory_space<vmem>>, vector<1x4x256xf32>,
    %slice3A_529 = vector.extract_strided_slice %get3A_498 {offsets = [10, 0], sizes = [3, 256], strides = [1, 1]} : vector<14x256xf32> to vector<3x256xf32>
    %jit3A_530 = arith.constant 5.000000e-01 : f32
    %broadcast_in_dim3A_531 = vector.broadcast %jit3A_530 : f32 to vector<3x256xf32>
    %select_n3A_532 = arith.select %lt3A_493, %slice3A_529, %broadcast_in_dim3A_531 : vector<3x256xf32>
    %swap3A_533 = arith.constant 8 : index
    %swap3A_534 = arith.constant 0 : index
    %swap3A_535 = arith.constant 0 : index
    %swap3A_536 = vector.load %arg22[%swap3A_533, %swap3A_534, %swap3A_535] : memref<16x3x256xf32, #tpu.memory_space<vmem>>, vector<1x3x256xf32>
    %swap3A_537 = vector.shape_cast %swap3A_536 : vector<1x3x256xf32> to vector<3x256xf32>
    %swap3A_538 = vector.shape_cast %select_n3A_532 : vector<3x256xf32> to vector<1x3x256xf32>
    tpu.vector_store %arg22[%swap3A_533, %swap3A_534, %swap3A_535], %swap3A_538 {strides = array<i32>} : memref<16x3x256xf32, #tpu.memory_space<vmem>>, vector<1x3x256xf32>,
    %slice3A_539 = vector.extract_strided_slice %get3A_498 {offsets = [13, 0], sizes = [1, 256], strides = [1, 1]} : vector<14x256xf32> to vector<1x256xf32>
    %jit3A_540 = arith.constant 5.000000e-01 : f32
    %broadcast_in_dim3A_541 = vector.broadcast %jit3A_540 : f32 to vector<1x256xf32>
    %select_n3A_542 = arith.select %lt3A_493, %slice3A_539, %broadcast_in_dim3A_541 : vector<1x256xf32>
    %swap3A_543 = arith.constant 8 : index
    %swap3A_544 = arith.constant 0 : index
    %swap3A_545 = arith.constant 0 : index
    %swap3A_546 = vector.load %arg23[%swap3A_543, %swap3A_544, %swap3A_545] : memref<16x1x256xf32, #tpu.memory_space<vmem>>, vector<1x1x256xf32>
    %swap3A_547 = vector.shape_cast %swap3A_546 : vector<1x1x256xf32> to vector<1x256xf32>
    %swap3A_548 = vector.shape_cast %select_n3A_542 : vector<1x256xf32> to vector<1x1x256xf32>
    tpu.vector_store %arg23[%swap3A_543, %swap3A_544, %swap3A_545], %swap3A_548 {strides = array<i32>} : memref<16x1x256xf32, #tpu.memory_space<vmem>>, vector<1x1x256xf32>,
    %mul3A_549 = arith.constant 16 : i32
    %mul3A_550 = arith.muli %mul3A_549, %arg0 : i32
    %add3A_551 = arith.constant 9 : i32
    %add3A_552 = arith.addi %mul3A_550, %add3A_551 : i32
    %get3A_553 = arith.constant 0 : index
    %get3A_554 = memref.load %arg2[%get3A_553] : memref<1xi32, #tpu.memory_space<smem>>
    %lt3A_555 = arith.cmpi slt, %add3A_552, %get3A_554 : i32
    %get3A_556 = arith.constant 0 : index
    %get3A_557 = arith.constant 0 : index
    %get3A_558 = arith.constant 0 : index
    %get3A_559 = vector.load %arg12[%get3A_556, %get3A_557, %get3A_558] : memref<1x14x256xf32, #tpu.memory_space<vmem>>, vector<1x14x256xf32>
    %get3A_560 = vector.shape_cast %get3A_559 : vector<1x14x256xf32> to vector<14x256xf32>
    %slice3A_561 = vector.extract_strided_slice %get3A_560 {offsets = [0, 0], sizes = [3, 256], strides = [1, 1]} : vector<14x256xf32> to vector<3x256xf32>
    %jit3A_562 = arith.constant 0.000000e+00 : f32
    %broadcast_in_dim3A_563 = vector.broadcast %jit3A_562 : f32 to vector<3x256xf32>
    %select_n3A_564 = arith.select %lt3A_555, %slice3A_561, %broadcast_in_dim3A_563 : vector<3x256xf32>
    %swap3A_565 = arith.constant 9 : index
    %swap3A_566 = arith.constant 0 : index
    %swap3A_567 = arith.constant 0 : index
    %swap3A_568 = vector.load %arg19[%swap3A_565, %swap3A_566, %swap3A_567] : memref<16x3x256xf32, #tpu.memory_space<vmem>>, vector<1x3x256xf32>
    %swap3A_569 = vector.shape_cast %swap3A_568 : vector<1x3x256xf32> to vector<3x256xf32>
    %swap3A_570 = vector.shape_cast %select_n3A_564 : vector<3x256xf32> to vector<1x3x256xf32>
    tpu.vector_store %arg19[%swap3A_565, %swap3A_566, %swap3A_567], %swap3A_570 {strides = array<i32>} : memref<16x3x256xf32, #tpu.memory_space<vmem>>, vector<1x3x256xf32>,
    %slice3A_571 = vector.extract_strided_slice %get3A_560 {offsets = [3, 0], sizes = [3, 256], strides = [1, 1]} : vector<14x256xf32> to vector<3x256xf32>
    %jit3A_572 = arith.constant 1.000000e+00 : f32
    %broadcast_in_dim3A_573 = vector.broadcast %jit3A_572 : f32 to vector<3x256xf32>
    %select_n3A_574 = arith.select %lt3A_555, %slice3A_571, %broadcast_in_dim3A_573 : vector<3x256xf32>
    %swap3A_575 = arith.constant 9 : index
    %swap3A_576 = arith.constant 0 : index
    %swap3A_577 = arith.constant 0 : index
    %swap3A_578 = vector.load %arg20[%swap3A_575, %swap3A_576, %swap3A_577] : memref<16x3x256xf32, #tpu.memory_space<vmem>>, vector<1x3x256xf32>
    %swap3A_579 = vector.shape_cast %swap3A_578 : vector<1x3x256xf32> to vector<3x256xf32>
    %swap3A_580 = vector.shape_cast %select_n3A_574 : vector<3x256xf32> to vector<1x3x256xf32>
    tpu.vector_store %arg20[%swap3A_575, %swap3A_576, %swap3A_577], %swap3A_580 {strides = array<i32>} : memref<16x3x256xf32, #tpu.memory_space<vmem>>, vector<1x3x256xf32>,
    %slice3A_581 = vector.extract_strided_slice %get3A_560 {offsets = [6, 0], sizes = [4, 256], strides = [1, 1]} : vector<14x256xf32> to vector<4x256xf32>
    %jit3A_582 = arith.constant 0.000000e+00 : f32
    %broadcast_in_dim3A_583 = vector.broadcast %jit3A_582 : f32 to vector<4x256xf32>
    %select_n3A_584 = arith.select %lt3A_555, %slice3A_581, %broadcast_in_dim3A_583 : vector<4x256xf32>
    %swap3A_585 = arith.constant 9 : index
    %swap3A_586 = arith.constant 0 : index
    %swap3A_587 = arith.constant 0 : index
    %swap3A_588 = vector.load %arg21[%swap3A_585, %swap3A_586, %swap3A_587] : memref<16x4x256xf32, #tpu.memory_space<vmem>>, vector<1x4x256xf32>
    %swap3A_589 = vector.shape_cast %swap3A_588 : vector<1x4x256xf32> to vector<4x256xf32>
    %swap3A_590 = vector.shape_cast %select_n3A_584 : vector<4x256xf32> to vector<1x4x256xf32>
    tpu.vector_store %arg21[%swap3A_585, %swap3A_586, %swap3A_587], %swap3A_590 {strides = array<i32>} : memref<16x4x256xf32, #tpu.memory_space<vmem>>, vector<1x4x256xf32>,
    %slice3A_591 = vector.extract_strided_slice %get3A_560 {offsets = [10, 0], sizes = [3, 256], strides = [1, 1]} : vector<14x256xf32> to vector<3x256xf32>
    %jit3A_592 = arith.constant 5.000000e-01 : f32
    %broadcast_in_dim3A_593 = vector.broadcast %jit3A_592 : f32 to vector<3x256xf32>
    %select_n3A_594 = arith.select %lt3A_555, %slice3A_591, %broadcast_in_dim3A_593 : vector<3x256xf32>
    %swap3A_595 = arith.constant 9 : index
    %swap3A_596 = arith.constant 0 : index
    %swap3A_597 = arith.constant 0 : index
    %swap3A_598 = vector.load %arg22[%swap3A_595, %swap3A_596, %swap3A_597] : memref<16x3x256xf32, #tpu.memory_space<vmem>>, vector<1x3x256xf32>
    %swap3A_599 = vector.shape_cast %swap3A_598 : vector<1x3x256xf32> to vector<3x256xf32>
    %swap3A_600 = vector.shape_cast %select_n3A_594 : vector<3x256xf32> to vector<1x3x256xf32>
    tpu.vector_store %arg22[%swap3A_595, %swap3A_596, %swap3A_597], %swap3A_600 {strides = array<i32>} : memref<16x3x256xf32, #tpu.memory_space<vmem>>, vector<1x3x256xf32>,
    %slice3A_601 = vector.extract_strided_slice %get3A_560 {offsets = [13, 0], sizes = [1, 256], strides = [1, 1]} : vector<14x256xf32> to vector<1x256xf32>
    %jit3A_602 = arith.constant 5.000000e-01 : f32
    %broadcast_in_dim3A_603 = vector.broadcast %jit3A_602 : f32 to vector<1x256xf32>
    %select_n3A_604 = arith.select %lt3A_555, %slice3A_601, %broadcast_in_dim3A_603 : vector<1x256xf32>
    %swap3A_605 = arith.constant 9 : index
    %swap3A_606 = arith.constant 0 : index
    %swap3A_607 = arith.constant 0 : index
    %swap3A_608 = vector.load %arg23[%swap3A_605, %swap3A_606, %swap3A_607] : memref<16x1x256xf32, #tpu.memory_space<vmem>>, vector<1x1x256xf32>
    %swap3A_609 = vector.shape_cast %swap3A_608 : vector<1x1x256xf32> to vector<1x256xf32>
    %swap3A_610 = vector.shape_cast %select_n3A_604 : vector<1x256xf32> to vector<1x1x256xf32>
    tpu.vector_store %arg23[%swap3A_605, %swap3A_606, %swap3A_607], %swap3A_610 {strides = array<i32>} : memref<16x1x256xf32, #tpu.memory_space<vmem>>, vector<1x1x256xf32>,
    %mul3A_611 = arith.constant 16 : i32
    %mul3A_612 = arith.muli %mul3A_611, %arg0 : i32
    %add3A_613 = arith.constant 10 : i32
    %add3A_614 = arith.addi %mul3A_612, %add3A_613 : i32
    %get3A_615 = arith.constant 0 : index
    %get3A_616 = memref.load %arg2[%get3A_615] : memref<1xi32, #tpu.memory_space<smem>>
    %lt3A_617 = arith.cmpi slt, %add3A_614, %get3A_616 : i32
    %get3A_618 = arith.constant 0 : index
    %get3A_619 = arith.constant 0 : index
    %get3A_620 = arith.constant 0 : index
    %get3A_621 = vector.load %arg13[%get3A_618, %get3A_619, %get3A_620] : memref<1x14x256xf32, #tpu.memory_space<vmem>>, vector<1x14x256xf32>
    %get3A_622 = vector.shape_cast %get3A_621 : vector<1x14x256xf32> to vector<14x256xf32>
    %slice3A_623 = vector.extract_strided_slice %get3A_622 {offsets = [0, 0], sizes = [3, 256], strides = [1, 1]} : vector<14x256xf32> to vector<3x256xf32>
    %jit3A_624 = arith.constant 0.000000e+00 : f32
    %broadcast_in_dim3A_625 = vector.broadcast %jit3A_624 : f32 to vector<3x256xf32>
    %select_n3A_626 = arith.select %lt3A_617, %slice3A_623, %broadcast_in_dim3A_625 : vector<3x256xf32>
    %swap3A_627 = arith.constant 10 : index
    %swap3A_628 = arith.constant 0 : index
    %swap3A_629 = arith.constant 0 : index
    %swap3A_630 = vector.load %arg19[%swap3A_627, %swap3A_628, %swap3A_629] : memref<16x3x256xf32, #tpu.memory_space<vmem>>, vector<1x3x256xf32>
    %swap3A_631 = vector.shape_cast %swap3A_630 : vector<1x3x256xf32> to vector<3x256xf32>
    %swap3A_632 = vector.shape_cast %select_n3A_626 : vector<3x256xf32> to vector<1x3x256xf32>
    tpu.vector_store %arg19[%swap3A_627, %swap3A_628, %swap3A_629], %swap3A_632 {strides = array<i32>} : memref<16x3x256xf32, #tpu.memory_space<vmem>>, vector<1x3x256xf32>,
    %slice3A_633 = vector.extract_strided_slice %get3A_622 {offsets = [3, 0], sizes = [3, 256], strides = [1, 1]} : vector<14x256xf32> to vector<3x256xf32>
    %jit3A_634 = arith.constant 1.000000e+00 : f32
    %broadcast_in_dim3A_635 = vector.broadcast %jit3A_634 : f32 to vector<3x256xf32>
    %select_n3A_636 = arith.select %lt3A_617, %slice3A_633, %broadcast_in_dim3A_635 : vector<3x256xf32>
    %swap3A_637 = arith.constant 10 : index
    %swap3A_638 = arith.constant 0 : index
    %swap3A_639 = arith.constant 0 : index
    %swap3A_640 = vector.load %arg20[%swap3A_637, %swap3A_638, %swap3A_639] : memref<16x3x256xf32, #tpu.memory_space<vmem>>, vector<1x3x256xf32>
    %swap3A_641 = vector.shape_cast %swap3A_640 : vector<1x3x256xf32> to vector<3x256xf32>
    %swap3A_642 = vector.shape_cast %select_n3A_636 : vector<3x256xf32> to vector<1x3x256xf32>
    tpu.vector_store %arg20[%swap3A_637, %swap3A_638, %swap3A_639], %swap3A_642 {strides = array<i32>} : memref<16x3x256xf32, #tpu.memory_space<vmem>>, vector<1x3x256xf32>,
    %slice3A_643 = vector.extract_strided_slice %get3A_622 {offsets = [6, 0], sizes = [4, 256], strides = [1, 1]} : vector<14x256xf32> to vector<4x256xf32>
    %jit3A_644 = arith.constant 0.000000e+00 : f32
    %broadcast_in_dim3A_645 = vector.broadcast %jit3A_644 : f32 to vector<4x256xf32>
    %select_n3A_646 = arith.select %lt3A_617, %slice3A_643, %broadcast_in_dim3A_645 : vector<4x256xf32>
    %swap3A_647 = arith.constant 10 : index
    %swap3A_648 = arith.constant 0 : index
    %swap3A_649 = arith.constant 0 : index
    %swap3A_650 = vector.load %arg21[%swap3A_647, %swap3A_648, %swap3A_649] : memref<16x4x256xf32, #tpu.memory_space<vmem>>, vector<1x4x256xf32>
    %swap3A_651 = vector.shape_cast %swap3A_650 : vector<1x4x256xf32> to vector<4x256xf32>
    %swap3A_652 = vector.shape_cast %select_n3A_646 : vector<4x256xf32> to vector<1x4x256xf32>
    tpu.vector_store %arg21[%swap3A_647, %swap3A_648, %swap3A_649], %swap3A_652 {strides = array<i32>} : memref<16x4x256xf32, #tpu.memory_space<vmem>>, vector<1x4x256xf32>,
    %slice3A_653 = vector.extract_strided_slice %get3A_622 {offsets = [10, 0], sizes = [3, 256], strides = [1, 1]} : vector<14x256xf32> to vector<3x256xf32>
    %jit3A_654 = arith.constant 5.000000e-01 : f32
    %broadcast_in_dim3A_655 = vector.broadcast %jit3A_654 : f32 to vector<3x256xf32>
    %select_n3A_656 = arith.select %lt3A_617, %slice3A_653, %broadcast_in_dim3A_655 : vector<3x256xf32>
    %swap3A_657 = arith.constant 10 : index
    %swap3A_658 = arith.constant 0 : index
    %swap3A_659 = arith.constant 0 : index
    %swap3A_660 = vector.load %arg22[%swap3A_657, %swap3A_658, %swap3A_659] : memref<16x3x256xf32, #tpu.memory_space<vmem>>, vector<1x3x256xf32>
    %swap3A_661 = vector.shape_cast %swap3A_660 : vector<1x3x256xf32> to vector<3x256xf32>
    %swap3A_662 = vector.shape_cast %select_n3A_656 : vector<3x256xf32> to vector<1x3x256xf32>
    tpu.vector_store %arg22[%swap3A_657, %swap3A_658, %swap3A_659], %swap3A_662 {strides = array<i32>} : memref<16x3x256xf32, #tpu.memory_space<vmem>>, vector<1x3x256xf32>,
    %slice3A_663 = vector.extract_strided_slice %get3A_622 {offsets = [13, 0], sizes = [1, 256], strides = [1, 1]} : vector<14x256xf32> to vector<1x256xf32>
    %jit3A_664 = arith.constant 5.000000e-01 : f32
    %broadcast_in_dim3A_665 = vector.broadcast %jit3A_664 : f32 to vector<1x256xf32>
    %select_n3A_666 = arith.select %lt3A_617, %slice3A_663, %broadcast_in_dim3A_665 : vector<1x256xf32>
    %swap3A_667 = arith.constant 10 : index
    %swap3A_668 = arith.constant 0 : index
    %swap3A_669 = arith.constant 0 : index
    %swap3A_670 = vector.load %arg23[%swap3A_667, %swap3A_668, %swap3A_669] : memref<16x1x256xf32, #tpu.memory_space<vmem>>, vector<1x1x256xf32>
    %swap3A_671 = vector.shape_cast %swap3A_670 : vector<1x1x256xf32> to vector<1x256xf32>
    %swap3A_672 = vector.shape_cast %select_n3A_666 : vector<1x256xf32> to vector<1x1x256xf32>
    tpu.vector_store %arg23[%swap3A_667, %swap3A_668, %swap3A_669], %swap3A_672 {strides = array<i32>} : memref<16x1x256xf32, #tpu.memory_space<vmem>>, vector<1x1x256xf32>,
    %mul3A_673 = arith.constant 16 : i32
    %mul3A_674 = arith.muli %mul3A_673, %arg0 : i32
    %add3A_675 = arith.constant 11 : i32
    %add3A_676 = arith.addi %mul3A_674, %add3A_675 : i32
    %get3A_677 = arith.constant 0 : index
    %get3A_678 = memref.load %arg2[%get3A_677] : memref<1xi32, #tpu.memory_space<smem>>
    %lt3A_679 = arith.cmpi slt, %add3A_676, %get3A_678 : i32
    %get3A_680 = arith.constant 0 : index
    %get3A_681 = arith.constant 0 : index
    %get3A_682 = arith.constant 0 : index
    %get3A_683 = vector.load %arg14[%get3A_680, %get3A_681, %get3A_682] : memref<1x14x256xf32, #tpu.memory_space<vmem>>, vector<1x14x256xf32>
    %get3A_684 = vector.shape_cast %get3A_683 : vector<1x14x256xf32> to vector<14x256xf32>
    %slice3A_685 = vector.extract_strided_slice %get3A_684 {offsets = [0, 0], sizes = [3, 256], strides = [1, 1]} : vector<14x256xf32> to vector<3x256xf32>
    %jit3A_686 = arith.constant 0.000000e+00 : f32
    %broadcast_in_dim3A_687 = vector.broadcast %jit3A_686 : f32 to vector<3x256xf32>
    %select_n3A_688 = arith.select %lt3A_679, %slice3A_685, %broadcast_in_dim3A_687 : vector<3x256xf32>
    %swap3A_689 = arith.constant 11 : index
    %swap3A_690 = arith.constant 0 : index
    %swap3A_691 = arith.constant 0 : index
    %swap3A_692 = vector.load %arg19[%swap3A_689, %swap3A_690, %swap3A_691] : memref<16x3x256xf32, #tpu.memory_space<vmem>>, vector<1x3x256xf32>
    %swap3A_693 = vector.shape_cast %swap3A_692 : vector<1x3x256xf32> to vector<3x256xf32>
    %swap3A_694 = vector.shape_cast %select_n3A_688 : vector<3x256xf32> to vector<1x3x256xf32>
    tpu.vector_store %arg19[%swap3A_689, %swap3A_690, %swap3A_691], %swap3A_694 {strides = array<i32>} : memref<16x3x256xf32, #tpu.memory_space<vmem>>, vector<1x3x256xf32>,
    %slice3A_695 = vector.extract_strided_slice %get3A_684 {offsets = [3, 0], sizes = [3, 256], strides = [1, 1]} : vector<14x256xf32> to vector<3x256xf32>
    %jit3A_696 = arith.constant 1.000000e+00 : f32
    %broadcast_in_dim3A_697 = vector.broadcast %jit3A_696 : f32 to vector<3x256xf32>
    %select_n3A_698 = arith.select %lt3A_679, %slice3A_695, %broadcast_in_dim3A_697 : vector<3x256xf32>
    %swap3A_699 = arith.constant 11 : index
    %swap3A_700 = arith.constant 0 : index
    %swap3A_701 = arith.constant 0 : index
    %swap3A_702 = vector.load %arg20[%swap3A_699, %swap3A_700, %swap3A_701] : memref<16x3x256xf32, #tpu.memory_space<vmem>>, vector<1x3x256xf32>
    %swap3A_703 = vector.shape_cast %swap3A_702 : vector<1x3x256xf32> to vector<3x256xf32>
    %swap3A_704 = vector.shape_cast %select_n3A_698 : vector<3x256xf32> to vector<1x3x256xf32>
    tpu.vector_store %arg20[%swap3A_699, %swap3A_700, %swap3A_701], %swap3A_704 {strides = array<i32>} : memref<16x3x256xf32, #tpu.memory_space<vmem>>, vector<1x3x256xf32>,
    %slice3A_705 = vector.extract_strided_slice %get3A_684 {offsets = [6, 0], sizes = [4, 256], strides = [1, 1]} : vector<14x256xf32> to vector<4x256xf32>
    %jit3A_706 = arith.constant 0.000000e+00 : f32
    %broadcast_in_dim3A_707 = vector.broadcast %jit3A_706 : f32 to vector<4x256xf32>
    %select_n3A_708 = arith.select %lt3A_679, %slice3A_705, %broadcast_in_dim3A_707 : vector<4x256xf32>
    %swap3A_709 = arith.constant 11 : index
    %swap3A_710 = arith.constant 0 : index
    %swap3A_711 = arith.constant 0 : index
    %swap3A_712 = vector.load %arg21[%swap3A_709, %swap3A_710, %swap3A_711] : memref<16x4x256xf32, #tpu.memory_space<vmem>>, vector<1x4x256xf32>
    %swap3A_713 = vector.shape_cast %swap3A_712 : vector<1x4x256xf32> to vector<4x256xf32>
    %swap3A_714 = vector.shape_cast %select_n3A_708 : vector<4x256xf32> to vector<1x4x256xf32>
    tpu.vector_store %arg21[%swap3A_709, %swap3A_710, %swap3A_711], %swap3A_714 {strides = array<i32>} : memref<16x4x256xf32, #tpu.memory_space<vmem>>, vector<1x4x256xf32>,
    %slice3A_715 = vector.extract_strided_slice %get3A_684 {offsets = [10, 0], sizes = [3, 256], strides = [1, 1]} : vector<14x256xf32> to vector<3x256xf32>
    %jit3A_716 = arith.constant 5.000000e-01 : f32
    %broadcast_in_dim3A_717 = vector.broadcast %jit3A_716 : f32 to vector<3x256xf32>
    %select_n3A_718 = arith.select %lt3A_679, %slice3A_715, %broadcast_in_dim3A_717 : vector<3x256xf32>
    %swap3A_719 = arith.constant 11 : index
    %swap3A_720 = arith.constant 0 : index
    %swap3A_721 = arith.constant 0 : index
    %swap3A_722 = vector.load %arg22[%swap3A_719, %swap3A_720, %swap3A_721] : memref<16x3x256xf32, #tpu.memory_space<vmem>>, vector<1x3x256xf32>
    %swap3A_723 = vector.shape_cast %swap3A_722 : vector<1x3x256xf32> to vector<3x256xf32>
    %swap3A_724 = vector.shape_cast %select_n3A_718 : vector<3x256xf32> to vector<1x3x256xf32>
    tpu.vector_store %arg22[%swap3A_719, %swap3A_720, %swap3A_721], %swap3A_724 {strides = array<i32>} : memref<16x3x256xf32, #tpu.memory_space<vmem>>, vector<1x3x256xf32>,
    %slice3A_725 = vector.extract_strided_slice %get3A_684 {offsets = [13, 0], sizes = [1, 256], strides = [1, 1]} : vector<14x256xf32> to vector<1x256xf32>
    %jit3A_726 = arith.constant 5.000000e-01 : f32
    %broadcast_in_dim3A_727 = vector.broadcast %jit3A_726 : f32 to vector<1x256xf32>
    %select_n3A_728 = arith.select %lt3A_679, %slice3A_725, %broadcast_in_dim3A_727 : vector<1x256xf32>
    %swap3A_729 = arith.constant 11 : index
    %swap3A_730 = arith.constant 0 : index
    %swap3A_731 = arith.constant 0 : index
    %swap3A_732 = vector.load %arg23[%swap3A_729, %swap3A_730, %swap3A_731] : memref<16x1x256xf32, #tpu.memory_space<vmem>>, vector<1x1x256xf32>
    %swap3A_733 = vector.shape_cast %swap3A_732 : vector<1x1x256xf32> to vector<1x256xf32>
    %swap3A_734 = vector.shape_cast %select_n3A_728 : vector<1x256xf32> to vector<1x1x256xf32>
    tpu.vector_store %arg23[%swap3A_729, %swap3A_730, %swap3A_731], %swap3A_734 {strides = array<i32>} : memref<16x1x256xf32, #tpu.memory_space<vmem>>, vector<1x1x256xf32>,
    %mul3A_735 = arith.constant 16 : i32
    %mul3A_736 = arith.muli %mul3A_735, %arg0 : i32
    %add3A_737 = arith.constant 12 : i32
    %add3A_738 = arith.addi %mul3A_736, %add3A_737 : i32
    %get3A_739 = arith.constant 0 : index
    %get3A_740 = memref.load %arg2[%get3A_739] : memref<1xi32, #tpu.memory_space<smem>>
    %lt3A_741 = arith.cmpi slt, %add3A_738, %get3A_740 : i32
    %get3A_742 = arith.constant 0 : index
    %get3A_743 = arith.constant 0 : index
    %get3A_744 = arith.constant 0 : index
    %get3A_745 = vector.load %arg15[%get3A_742, %get3A_743, %get3A_744] : memref<1x14x256xf32, #tpu.memory_space<vmem>>, vector<1x14x256xf32>
    %get3A_746 = vector.shape_cast %get3A_745 : vector<1x14x256xf32> to vector<14x256xf32>
    %slice3A_747 = vector.extract_strided_slice %get3A_746 {offsets = [0, 0], sizes = [3, 256], strides = [1, 1]} : vector<14x256xf32> to vector<3x256xf32>
    %jit3A_748 = arith.constant 0.000000e+00 : f32
    %broadcast_in_dim3A_749 = vector.broadcast %jit3A_748 : f32 to vector<3x256xf32>
    %select_n3A_750 = arith.select %lt3A_741, %slice3A_747, %broadcast_in_dim3A_749 : vector<3x256xf32>
    %swap3A_751 = arith.constant 12 : index
    %swap3A_752 = arith.constant 0 : index
    %swap3A_753 = arith.constant 0 : index
    %swap3A_754 = vector.load %arg19[%swap3A_751, %swap3A_752, %swap3A_753] : memref<16x3x256xf32, #tpu.memory_space<vmem>>, vector<1x3x256xf32>
    %swap3A_755 = vector.shape_cast %swap3A_754 : vector<1x3x256xf32> to vector<3x256xf32>
    %swap3A_756 = vector.shape_cast %select_n3A_750 : vector<3x256xf32> to vector<1x3x256xf32>
    tpu.vector_store %arg19[%swap3A_751, %swap3A_752, %swap3A_753], %swap3A_756 {strides = array<i32>} : memref<16x3x256xf32, #tpu.memory_space<vmem>>, vector<1x3x256xf32>,
    %slice3A_757 = vector.extract_strided_slice %get3A_746 {offsets = [3, 0], sizes = [3, 256], strides = [1, 1]} : vector<14x256xf32> to vector<3x256xf32>
    %jit3A_758 = arith.constant 1.000000e+00 : f32
    %broadcast_in_dim3A_759 = vector.broadcast %jit3A_758 : f32 to vector<3x256xf32>
    %select_n3A_760 = arith.select %lt3A_741, %slice3A_757, %broadcast_in_dim3A_759 : vector<3x256xf32>
    %swap3A_761 = arith.constant 12 : index
    %swap3A_762 = arith.constant 0 : index
    %swap3A_763 = arith.constant 0 : index
    %swap3A_764 = vector.load %arg20[%swap3A_761, %swap3A_762, %swap3A_763] : memref<16x3x256xf32, #tpu.memory_space<vmem>>, vector<1x3x256xf32>
    %swap3A_765 = vector.shape_cast %swap3A_764 : vector<1x3x256xf32> to vector<3x256xf32>
    %swap3A_766 = vector.shape_cast %select_n3A_760 : vector<3x256xf32> to vector<1x3x256xf32>
    tpu.vector_store %arg20[%swap3A_761, %swap3A_762, %swap3A_763], %swap3A_766 {strides = array<i32>} : memref<16x3x256xf32, #tpu.memory_space<vmem>>, vector<1x3x256xf32>,
    %slice3A_767 = vector.extract_strided_slice %get3A_746 {offsets = [6, 0], sizes = [4, 256], strides = [1, 1]} : vector<14x256xf32> to vector<4x256xf32>
    %jit3A_768 = arith.constant 0.000000e+00 : f32
    %broadcast_in_dim3A_769 = vector.broadcast %jit3A_768 : f32 to vector<4x256xf32>
    %select_n3A_770 = arith.select %lt3A_741, %slice3A_767, %broadcast_in_dim3A_769 : vector<4x256xf32>
    %swap3A_771 = arith.constant 12 : index
    %swap3A_772 = arith.constant 0 : index
    %swap3A_773 = arith.constant 0 : index
    %swap3A_774 = vector.load %arg21[%swap3A_771, %swap3A_772, %swap3A_773] : memref<16x4x256xf32, #tpu.memory_space<vmem>>, vector<1x4x256xf32>
    %swap3A_775 = vector.shape_cast %swap3A_774 : vector<1x4x256xf32> to vector<4x256xf32>
    %swap3A_776 = vector.shape_cast %select_n3A_770 : vector<4x256xf32> to vector<1x4x256xf32>
    tpu.vector_store %arg21[%swap3A_771, %swap3A_772, %swap3A_773], %swap3A_776 {strides = array<i32>} : memref<16x4x256xf32, #tpu.memory_space<vmem>>, vector<1x4x256xf32>,
    %slice3A_777 = vector.extract_strided_slice %get3A_746 {offsets = [10, 0], sizes = [3, 256], strides = [1, 1]} : vector<14x256xf32> to vector<3x256xf32>
    %jit3A_778 = arith.constant 5.000000e-01 : f32
    %broadcast_in_dim3A_779 = vector.broadcast %jit3A_778 : f32 to vector<3x256xf32>
    %select_n3A_780 = arith.select %lt3A_741, %slice3A_777, %broadcast_in_dim3A_779 : vector<3x256xf32>
    %swap3A_781 = arith.constant 12 : index
    %swap3A_782 = arith.constant 0 : index
    %swap3A_783 = arith.constant 0 : index
    %swap3A_784 = vector.load %arg22[%swap3A_781, %swap3A_782, %swap3A_783] : memref<16x3x256xf32, #tpu.memory_space<vmem>>, vector<1x3x256xf32>
    %swap3A_785 = vector.shape_cast %swap3A_784 : vector<1x3x256xf32> to vector<3x256xf32>
    %swap3A_786 = vector.shape_cast %select_n3A_780 : vector<3x256xf32> to vector<1x3x256xf32>
    tpu.vector_store %arg22[%swap3A_781, %swap3A_782, %swap3A_783], %swap3A_786 {strides = array<i32>} : memref<16x3x256xf32, #tpu.memory_space<vmem>>, vector<1x3x256xf32>,
    %slice3A_787 = vector.extract_strided_slice %get3A_746 {offsets = [13, 0], sizes = [1, 256], strides = [1, 1]} : vector<14x256xf32> to vector<1x256xf32>
    %jit3A_788 = arith.constant 5.000000e-01 : f32
    %broadcast_in_dim3A_789 = vector.broadcast %jit3A_788 : f32 to vector<1x256xf32>
    %select_n3A_790 = arith.select %lt3A_741, %slice3A_787, %broadcast_in_dim3A_789 : vector<1x256xf32>
    %swap3A_791 = arith.constant 12 : index
    %swap3A_792 = arith.constant 0 : index
    %swap3A_793 = arith.constant 0 : index
    %swap3A_794 = vector.load %arg23[%swap3A_791, %swap3A_792, %swap3A_793] : memref<16x1x256xf32, #tpu.memory_space<vmem>>, vector<1x1x256xf32>
    %swap3A_795 = vector.shape_cast %swap3A_794 : vector<1x1x256xf32> to vector<1x256xf32>
    %swap3A_796 = vector.shape_cast %select_n3A_790 : vector<1x256xf32> to vector<1x1x256xf32>
    tpu.vector_store %arg23[%swap3A_791, %swap3A_792, %swap3A_793], %swap3A_796 {strides = array<i32>} : memref<16x1x256xf32, #tpu.memory_space<vmem>>, vector<1x1x256xf32>,
    %mul3A_797 = arith.constant 16 : i32
    %mul3A_798 = arith.muli %mul3A_797, %arg0 : i32
    %add3A_799 = arith.constant 13 : i32
    %add3A_800 = arith.addi %mul3A_798, %add3A_799 : i32
    %get3A_801 = arith.constant 0 : index
    %get3A_802 = memref.load %arg2[%get3A_801] : memref<1xi32, #tpu.memory_space<smem>>
    %lt3A_803 = arith.cmpi slt, %add3A_800, %get3A_802 : i32
    %get3A_804 = arith.constant 0 : index
    %get3A_805 = arith.constant 0 : index
    %get3A_806 = arith.constant 0 : index
    %get3A_807 = vector.load %arg16[%get3A_804, %get3A_805, %get3A_806] : memref<1x14x256xf32, #tpu.memory_space<vmem>>, vector<1x14x256xf32>
    %get3A_808 = vector.shape_cast %get3A_807 : vector<1x14x256xf32> to vector<14x256xf32>
    %slice3A_809 = vector.extract_strided_slice %get3A_808 {offsets = [0, 0], sizes = [3, 256], strides = [1, 1]} : vector<14x256xf32> to vector<3x256xf32>
    %jit3A_810 = arith.constant 0.000000e+00 : f32
    %broadcast_in_dim3A_811 = vector.broadcast %jit3A_810 : f32 to vector<3x256xf32>
    %select_n3A_812 = arith.select %lt3A_803, %slice3A_809, %broadcast_in_dim3A_811 : vector<3x256xf32>
    %swap3A_813 = arith.constant 13 : index
    %swap3A_814 = arith.constant 0 : index
    %swap3A_815 = arith.constant 0 : index
    %swap3A_816 = vector.load %arg19[%swap3A_813, %swap3A_814, %swap3A_815] : memref<16x3x256xf32, #tpu.memory_space<vmem>>, vector<1x3x256xf32>
    %swap3A_817 = vector.shape_cast %swap3A_816 : vector<1x3x256xf32> to vector<3x256xf32>
    %swap3A_818 = vector.shape_cast %select_n3A_812 : vector<3x256xf32> to vector<1x3x256xf32>
    tpu.vector_store %arg19[%swap3A_813, %swap3A_814, %swap3A_815], %swap3A_818 {strides = array<i32>} : memref<16x3x256xf32, #tpu.memory_space<vmem>>, vector<1x3x256xf32>,
    %slice3A_819 = vector.extract_strided_slice %get3A_808 {offsets = [3, 0], sizes = [3, 256], strides = [1, 1]} : vector<14x256xf32> to vector<3x256xf32>
    %jit3A_820 = arith.constant 1.000000e+00 : f32
    %broadcast_in_dim3A_821 = vector.broadcast %jit3A_820 : f32 to vector<3x256xf32>
    %select_n3A_822 = arith.select %lt3A_803, %slice3A_819, %broadcast_in_dim3A_821 : vector<3x256xf32>
    %swap3A_823 = arith.constant 13 : index
    %swap3A_824 = arith.constant 0 : index
    %swap3A_825 = arith.constant 0 : index
    %swap3A_826 = vector.load %arg20[%swap3A_823, %swap3A_824, %swap3A_825] : memref<16x3x256xf32, #tpu.memory_space<vmem>>, vector<1x3x256xf32>
    %swap3A_827 = vector.shape_cast %swap3A_826 : vector<1x3x256xf32> to vector<3x256xf32>
    %swap3A_828 = vector.shape_cast %select_n3A_822 : vector<3x256xf32> to vector<1x3x256xf32>
    tpu.vector_store %arg20[%swap3A_823, %swap3A_824, %swap3A_825], %swap3A_828 {strides = array<i32>} : memref<16x3x256xf32, #tpu.memory_space<vmem>>, vector<1x3x256xf32>,
    %slice3A_829 = vector.extract_strided_slice %get3A_808 {offsets = [6, 0], sizes = [4, 256], strides = [1, 1]} : vector<14x256xf32> to vector<4x256xf32>
    %jit3A_830 = arith.constant 0.000000e+00 : f32
    %broadcast_in_dim3A_831 = vector.broadcast %jit3A_830 : f32 to vector<4x256xf32>
    %select_n3A_832 = arith.select %lt3A_803, %slice3A_829, %broadcast_in_dim3A_831 : vector<4x256xf32>
    %swap3A_833 = arith.constant 13 : index
    %swap3A_834 = arith.constant 0 : index
    %swap3A_835 = arith.constant 0 : index
    %swap3A_836 = vector.load %arg21[%swap3A_833, %swap3A_834, %swap3A_835] : memref<16x4x256xf32, #tpu.memory_space<vmem>>, vector<1x4x256xf32>
    %swap3A_837 = vector.shape_cast %swap3A_836 : vector<1x4x256xf32> to vector<4x256xf32>
    %swap3A_838 = vector.shape_cast %select_n3A_832 : vector<4x256xf32> to vector<1x4x256xf32>
    tpu.vector_store %arg21[%swap3A_833, %swap3A_834, %swap3A_835], %swap3A_838 {strides = array<i32>} : memref<16x4x256xf32, #tpu.memory_space<vmem>>, vector<1x4x256xf32>,
    %slice3A_839 = vector.extract_strided_slice %get3A_808 {offsets = [10, 0], sizes = [3, 256], strides = [1, 1]} : vector<14x256xf32> to vector<3x256xf32>
    %jit3A_840 = arith.constant 5.000000e-01 : f32
    %broadcast_in_dim3A_841 = vector.broadcast %jit3A_840 : f32 to vector<3x256xf32>
    %select_n3A_842 = arith.select %lt3A_803, %slice3A_839, %broadcast_in_dim3A_841 : vector<3x256xf32>
    %swap3A_843 = arith.constant 13 : index
    %swap3A_844 = arith.constant 0 : index
    %swap3A_845 = arith.constant 0 : index
    %swap3A_846 = vector.load %arg22[%swap3A_843, %swap3A_844, %swap3A_845] : memref<16x3x256xf32, #tpu.memory_space<vmem>>, vector<1x3x256xf32>
    %swap3A_847 = vector.shape_cast %swap3A_846 : vector<1x3x256xf32> to vector<3x256xf32>
    %swap3A_848 = vector.shape_cast %select_n3A_842 : vector<3x256xf32> to vector<1x3x256xf32>
    tpu.vector_store %arg22[%swap3A_843, %swap3A_844, %swap3A_845], %swap3A_848 {strides = array<i32>} : memref<16x3x256xf32, #tpu.memory_space<vmem>>, vector<1x3x256xf32>,
    %slice3A_849 = vector.extract_strided_slice %get3A_808 {offsets = [13, 0], sizes = [1, 256], strides = [1, 1]} : vector<14x256xf32> to vector<1x256xf32>
    %jit3A_850 = arith.constant 5.000000e-01 : f32
    %broadcast_in_dim3A_851 = vector.broadcast %jit3A_850 : f32 to vector<1x256xf32>
    %select_n3A_852 = arith.select %lt3A_803, %slice3A_849, %broadcast_in_dim3A_851 : vector<1x256xf32>
    %swap3A_853 = arith.constant 13 : index
    %swap3A_854 = arith.constant 0 : index
    %swap3A_855 = arith.constant 0 : index
    %swap3A_856 = vector.load %arg23[%swap3A_853, %swap3A_854, %swap3A_855] : memref<16x1x256xf32, #tpu.memory_space<vmem>>, vector<1x1x256xf32>
    %swap3A_857 = vector.shape_cast %swap3A_856 : vector<1x1x256xf32> to vector<1x256xf32>
    %swap3A_858 = vector.shape_cast %select_n3A_852 : vector<1x256xf32> to vector<1x1x256xf32>
    tpu.vector_store %arg23[%swap3A_853, %swap3A_854, %swap3A_855], %swap3A_858 {strides = array<i32>} : memref<16x1x256xf32, #tpu.memory_space<vmem>>, vector<1x1x256xf32>,
    %mul3A_859 = arith.constant 16 : i32
    %mul3A_860 = arith.muli %mul3A_859, %arg0 : i32
    %add3A_861 = arith.constant 14 : i32
    %add3A_862 = arith.addi %mul3A_860, %add3A_861 : i32
    %get3A_863 = arith.constant 0 : index
    %get3A_864 = memref.load %arg2[%get3A_863] : memref<1xi32, #tpu.memory_space<smem>>
    %lt3A_865 = arith.cmpi slt, %add3A_862, %get3A_864 : i32
    %get3A_866 = arith.constant 0 : index
    %get3A_867 = arith.constant 0 : index
    %get3A_868 = arith.constant 0 : index
    %get3A_869 = vector.load %arg17[%get3A_866, %get3A_867, %get3A_868] : memref<1x14x256xf32, #tpu.memory_space<vmem>>, vector<1x14x256xf32>
    %get3A_870 = vector.shape_cast %get3A_869 : vector<1x14x256xf32> to vector<14x256xf32>
    %slice3A_871 = vector.extract_strided_slice %get3A_870 {offsets = [0, 0], sizes = [3, 256], strides = [1, 1]} : vector<14x256xf32> to vector<3x256xf32>
    %jit3A_872 = arith.constant 0.000000e+00 : f32
    %broadcast_in_dim3A_873 = vector.broadcast %jit3A_872 : f32 to vector<3x256xf32>
    %select_n3A_874 = arith.select %lt3A_865, %slice3A_871, %broadcast_in_dim3A_873 : vector<3x256xf32>
    %swap3A_875 = arith.constant 14 : index
    %swap3A_876 = arith.constant 0 : index
    %swap3A_877 = arith.constant 0 : index
    %swap3A_878 = vector.load %arg19[%swap3A_875, %swap3A_876, %swap3A_877] : memref<16x3x256xf32, #tpu.memory_space<vmem>>, vector<1x3x256xf32>
    %swap3A_879 = vector.shape_cast %swap3A_878 : vector<1x3x256xf32> to vector<3x256xf32>
    %swap3A_880 = vector.shape_cast %select_n3A_874 : vector<3x256xf32> to vector<1x3x256xf32>
    tpu.vector_store %arg19[%swap3A_875, %swap3A_876, %swap3A_877], %swap3A_880 {strides = array<i32>} : memref<16x3x256xf32, #tpu.memory_space<vmem>>, vector<1x3x256xf32>,
    %slice3A_881 = vector.extract_strided_slice %get3A_870 {offsets = [3, 0], sizes = [3, 256], strides = [1, 1]} : vector<14x256xf32> to vector<3x256xf32>
    %jit3A_882 = arith.constant 1.000000e+00 : f32
    %broadcast_in_dim3A_883 = vector.broadcast %jit3A_882 : f32 to vector<3x256xf32>
    %select_n3A_884 = arith.select %lt3A_865, %slice3A_881, %broadcast_in_dim3A_883 : vector<3x256xf32>
    %swap3A_885 = arith.constant 14 : index
    %swap3A_886 = arith.constant 0 : index
    %swap3A_887 = arith.constant 0 : index
    %swap3A_888 = vector.load %arg20[%swap3A_885, %swap3A_886, %swap3A_887] : memref<16x3x256xf32, #tpu.memory_space<vmem>>, vector<1x3x256xf32>
    %swap3A_889 = vector.shape_cast %swap3A_888 : vector<1x3x256xf32> to vector<3x256xf32>
    %swap3A_890 = vector.shape_cast %select_n3A_884 : vector<3x256xf32> to vector<1x3x256xf32>
    tpu.vector_store %arg20[%swap3A_885, %swap3A_886, %swap3A_887], %swap3A_890 {strides = array<i32>} : memref<16x3x256xf32, #tpu.memory_space<vmem>>, vector<1x3x256xf32>,
    %slice3A_891 = vector.extract_strided_slice %get3A_870 {offsets = [6, 0], sizes = [4, 256], strides = [1, 1]} : vector<14x256xf32> to vector<4x256xf32>
    %jit3A_892 = arith.constant 0.000000e+00 : f32
    %broadcast_in_dim3A_893 = vector.broadcast %jit3A_892 : f32 to vector<4x256xf32>
    %select_n3A_894 = arith.select %lt3A_865, %slice3A_891, %broadcast_in_dim3A_893 : vector<4x256xf32>
    %swap3A_895 = arith.constant 14 : index
    %swap3A_896 = arith.constant 0 : index
    %swap3A_897 = arith.constant 0 : index
    %swap3A_898 = vector.load %arg21[%swap3A_895, %swap3A_896, %swap3A_897] : memref<16x4x256xf32, #tpu.memory_space<vmem>>, vector<1x4x256xf32>
    %swap3A_899 = vector.shape_cast %swap3A_898 : vector<1x4x256xf32> to vector<4x256xf32>
    %swap3A_900 = vector.shape_cast %select_n3A_894 : vector<4x256xf32> to vector<1x4x256xf32>
    tpu.vector_store %arg21[%swap3A_895, %swap3A_896, %swap3A_897], %swap3A_900 {strides = array<i32>} : memref<16x4x256xf32, #tpu.memory_space<vmem>>, vector<1x4x256xf32>,
    %slice3A_901 = vector.extract_strided_slice %get3A_870 {offsets = [10, 0], sizes = [3, 256], strides = [1, 1]} : vector<14x256xf32> to vector<3x256xf32>
    %jit3A_902 = arith.constant 5.000000e-01 : f32
    %broadcast_in_dim3A_903 = vector.broadcast %jit3A_902 : f32 to vector<3x256xf32>
    %select_n3A_904 = arith.select %lt3A_865, %slice3A_901, %broadcast_in_dim3A_903 : vector<3x256xf32>
    %swap3A_905 = arith.constant 14 : index
    %swap3A_906 = arith.constant 0 : index
    %swap3A_907 = arith.constant 0 : index
    %swap3A_908 = vector.load %arg22[%swap3A_905, %swap3A_906, %swap3A_907] : memref<16x3x256xf32, #tpu.memory_space<vmem>>, vector<1x3x256xf32>
    %swap3A_909 = vector.shape_cast %swap3A_908 : vector<1x3x256xf32> to vector<3x256xf32>
    %swap3A_910 = vector.shape_cast %select_n3A_904 : vector<3x256xf32> to vector<1x3x256xf32>
    tpu.vector_store %arg22[%swap3A_905, %swap3A_906, %swap3A_907], %swap3A_910 {strides = array<i32>} : memref<16x3x256xf32, #tpu.memory_space<vmem>>, vector<1x3x256xf32>,
    %slice3A_911 = vector.extract_strided_slice %get3A_870 {offsets = [13, 0], sizes = [1, 256], strides = [1, 1]} : vector<14x256xf32> to vector<1x256xf32>
    %jit3A_912 = arith.constant 5.000000e-01 : f32
    %broadcast_in_dim3A_913 = vector.broadcast %jit3A_912 : f32 to vector<1x256xf32>
    %select_n3A_914 = arith.select %lt3A_865, %slice3A_911, %broadcast_in_dim3A_913 : vector<1x256xf32>
    %swap3A_915 = arith.constant 14 : index
    %swap3A_916 = arith.constant 0 : index
    %swap3A_917 = arith.constant 0 : index
    %swap3A_918 = vector.load %arg23[%swap3A_915, %swap3A_916, %swap3A_917] : memref<16x1x256xf32, #tpu.memory_space<vmem>>, vector<1x1x256xf32>
    %swap3A_919 = vector.shape_cast %swap3A_918 : vector<1x1x256xf32> to vector<1x256xf32>
    %swap3A_920 = vector.shape_cast %select_n3A_914 : vector<1x256xf32> to vector<1x1x256xf32>
    tpu.vector_store %arg23[%swap3A_915, %swap3A_916, %swap3A_917], %swap3A_920 {strides = array<i32>} : memref<16x1x256xf32, #tpu.memory_space<vmem>>, vector<1x1x256xf32>,
    %mul3A_921 = arith.constant 16 : i32
    %mul3A_922 = arith.muli %mul3A_921, %arg0 : i32
    %add3A_923 = arith.constant 15 : i32
    %add3A_924 = arith.addi %mul3A_922, %add3A_923 : i32
    %get3A_925 = arith.constant 0 : index
    %get3A_926 = memref.load %arg2[%get3A_925] : memref<1xi32, #tpu.memory_space<smem>>
    %lt3A_927 = arith.cmpi slt, %add3A_924, %get3A_926 : i32
    %get3A_928 = arith.constant 0 : index
    %get3A_929 = arith.constant 0 : index
    %get3A_930 = arith.constant 0 : index
    %get3A_931 = vector.load %arg18[%get3A_928, %get3A_929, %get3A_930] : memref<1x14x256xf32, #tpu.memory_space<vmem>>, vector<1x14x256xf32>
    %get3A_932 = vector.shape_cast %get3A_931 : vector<1x14x256xf32> to vector<14x256xf32>
    %slice3A_933 = vector.extract_strided_slice %get3A_932 {offsets = [0, 0], sizes = [3, 256], strides = [1, 1]} : vector<14x256xf32> to vector<3x256xf32>
    %jit3A_934 = arith.constant 0.000000e+00 : f32
    %broadcast_in_dim3A_935 = vector.broadcast %jit3A_934 : f32 to vector<3x256xf32>
    %select_n3A_936 = arith.select %lt3A_927, %slice3A_933, %broadcast_in_dim3A_935 : vector<3x256xf32>
    %swap3A_937 = arith.constant 15 : index
    %swap3A_938 = arith.constant 0 : index
    %swap3A_939 = arith.constant 0 : index
    %swap3A_940 = vector.load %arg19[%swap3A_937, %swap3A_938, %swap3A_939] : memref<16x3x256xf32, #tpu.memory_space<vmem>>, vector<1x3x256xf32>
    %swap3A_941 = vector.shape_cast %swap3A_940 : vector<1x3x256xf32> to vector<3x256xf32>
    %swap3A_942 = vector.shape_cast %select_n3A_936 : vector<3x256xf32> to vector<1x3x256xf32>
    tpu.vector_store %arg19[%swap3A_937, %swap3A_938, %swap3A_939], %swap3A_942 {strides = array<i32>} : memref<16x3x256xf32, #tpu.memory_space<vmem>>, vector<1x3x256xf32>,
    %slice3A_943 = vector.extract_strided_slice %get3A_932 {offsets = [3, 0], sizes = [3, 256], strides = [1, 1]} : vector<14x256xf32> to vector<3x256xf32>
    %jit3A_944 = arith.constant 1.000000e+00 : f32
    %broadcast_in_dim3A_945 = vector.broadcast %jit3A_944 : f32 to vector<3x256xf32>
    %select_n3A_946 = arith.select %lt3A_927, %slice3A_943, %broadcast_in_dim3A_945 : vector<3x256xf32>
    %swap3A_947 = arith.constant 15 : index
    %swap3A_948 = arith.constant 0 : index
    %swap3A_949 = arith.constant 0 : index
    %swap3A_950 = vector.load %arg20[%swap3A_947, %swap3A_948, %swap3A_949] : memref<16x3x256xf32, #tpu.memory_space<vmem>>, vector<1x3x256xf32>
    %swap3A_951 = vector.shape_cast %swap3A_950 : vector<1x3x256xf32> to vector<3x256xf32>
    %swap3A_952 = vector.shape_cast %select_n3A_946 : vector<3x256xf32> to vector<1x3x256xf32>
    tpu.vector_store %arg20[%swap3A_947, %swap3A_948, %swap3A_949], %swap3A_952 {strides = array<i32>} : memref<16x3x256xf32, #tpu.memory_space<vmem>>, vector<1x3x256xf32>,
    %slice3A_953 = vector.extract_strided_slice %get3A_932 {offsets = [6, 0], sizes = [4, 256], strides = [1, 1]} : vector<14x256xf32> to vector<4x256xf32>
    %jit3A_954 = arith.constant 0.000000e+00 : f32
    %broadcast_in_dim3A_955 = vector.broadcast %jit3A_954 : f32 to vector<4x256xf32>
    %select_n3A_956 = arith.select %lt3A_927, %slice3A_953, %broadcast_in_dim3A_955 : vector<4x256xf32>
    %swap3A_957 = arith.constant 15 : index
    %swap3A_958 = arith.constant 0 : index
    %swap3A_959 = arith.constant 0 : index
    %swap3A_960 = vector.load %arg21[%swap3A_957, %swap3A_958, %swap3A_959] : memref<16x4x256xf32, #tpu.memory_space<vmem>>, vector<1x4x256xf32>
    %swap3A_961 = vector.shape_cast %swap3A_960 : vector<1x4x256xf32> to vector<4x256xf32>
    %swap3A_962 = vector.shape_cast %select_n3A_956 : vector<4x256xf32> to vector<1x4x256xf32>
    tpu.vector_store %arg21[%swap3A_957, %swap3A_958, %swap3A_959], %swap3A_962 {strides = array<i32>} : memref<16x4x256xf32, #tpu.memory_space<vmem>>, vector<1x4x256xf32>,
    %slice3A_963 = vector.extract_strided_slice %get3A_932 {offsets = [10, 0], sizes = [3, 256], strides = [1, 1]} : vector<14x256xf32> to vector<3x256xf32>
    %jit3A_964 = arith.constant 5.000000e-01 : f32
    %broadcast_in_dim3A_965 = vector.broadcast %jit3A_964 : f32 to vector<3x256xf32>
    %select_n3A_966 = arith.select %lt3A_927, %slice3A_963, %broadcast_in_dim3A_965 : vector<3x256xf32>
    %swap3A_967 = arith.constant 15 : index
    %swap3A_968 = arith.constant 0 : index
    %swap3A_969 = arith.constant 0 : index
    %swap3A_970 = vector.load %arg22[%swap3A_967, %swap3A_968, %swap3A_969] : memref<16x3x256xf32, #tpu.memory_space<vmem>>, vector<1x3x256xf32>
    %swap3A_971 = vector.shape_cast %swap3A_970 : vector<1x3x256xf32> to vector<3x256xf32>
    %swap3A_972 = vector.shape_cast %select_n3A_966 : vector<3x256xf32> to vector<1x3x256xf32>
    tpu.vector_store %arg22[%swap3A_967, %swap3A_968, %swap3A_969], %swap3A_972 {strides = array<i32>} : memref<16x3x256xf32, #tpu.memory_space<vmem>>, vector<1x3x256xf32>,
    %slice3A_973 = vector.extract_strided_slice %get3A_932 {offsets = [13, 0], sizes = [1, 256], strides = [1, 1]} : vector<14x256xf32> to vector<1x256xf32>
    %jit3A_974 = arith.constant 5.000000e-01 : f32
    %broadcast_in_dim3A_975 = vector.broadcast %jit3A_974 : f32 to vector<1x256xf32>
    %select_n3A_976 = arith.select %lt3A_927, %slice3A_973, %broadcast_in_dim3A_975 : vector<1x256xf32>
    %swap3A_977 = arith.constant 15 : index
    %swap3A_978 = arith.constant 0 : index
    %swap3A_979 = arith.constant 0 : index
    %swap3A_980 = vector.load %arg23[%swap3A_977, %swap3A_978, %swap3A_979] : memref<16x1x256xf32, #tpu.memory_space<vmem>>, vector<1x1x256xf32>
    %swap3A_981 = vector.shape_cast %swap3A_980 : vector<1x1x256xf32> to vector<1x256xf32>
    %swap3A_982 = vector.shape_cast %select_n3A_976 : vector<1x256xf32> to vector<1x1x256xf32>
    tpu.vector_store %arg23[%swap3A_977, %swap3A_978, %swap3A_979], %swap3A_982 {strides = array<i32>} : memref<16x1x256xf32, #tpu.memory_space<vmem>>, vector<1x1x256xf32>,
    return
  }
  func.func @transform_0(%arg0: i32, %arg1: memref<2048xi32, #tpu.memory_space<smem>>, %arg2: memref<1xi32, #tpu.memory_space<smem>>) -> (i32, i32, i32) {
    %mul3A = arith.constant 16 : i32
    %mul3A_0 = arith.muli %mul3A, %arg0 : i32
    %add3A = arith.constant 0 : i32
    %add3A_1 = arith.addi %mul3A_0, %add3A : i32
    %get3A = arith.index_cast %add3A_1 : i32 to index
    %get3A_2 = memref.load %arg1[%get3A] : memref<2048xi32, #tpu.memory_space<smem>>
    %c0_i32 = arith.constant 0 : i32
    %c0_i32_3 = arith.constant 0 : i32
    %c0_i32_4 = arith.constant 0 : i32
    return %get3A_2, %c0_i32, %c0_i32_3 : i32, i32, i32
  }
  func.func @transform_1(%arg0: i32, %arg1: memref<2048xi32, #tpu.memory_space<smem>>, %arg2: memref<1xi32, #tpu.memory_space<smem>>) -> (i32, i32, i32) {
    %mul3A = arith.constant 16 : i32
    %mul3A_0 = arith.muli %mul3A, %arg0 : i32
    %add3A = arith.constant 1 : i32
    %add3A_1 = arith.addi %mul3A_0, %add3A : i32
    %get3A = arith.index_cast %add3A_1 : i32 to index
    %get3A_2 = memref.load %arg1[%get3A] : memref<2048xi32, #tpu.memory_space<smem>>
    %c0_i32 = arith.constant 0 : i32
    %c0_i32_3 = arith.constant 0 : i32
    %c0_i32_4 = arith.constant 0 : i32
    return %get3A_2, %c0_i32, %c0_i32_3 : i32, i32, i32
  }
  func.func @transform_2(%arg0: i32, %arg1: memref<2048xi32, #tpu.memory_space<smem>>, %arg2: memref<1xi32, #tpu.memory_space<smem>>) -> (i32, i32, i32) {
    %mul3A = arith.constant 16 : i32
    %mul3A_0 = arith.muli %mul3A, %arg0 : i32
    %add3A = arith.constant 2 : i32
    %add3A_1 = arith.addi %mul3A_0, %add3A : i32
    %get3A = arith.index_cast %add3A_1 : i32 to index
    %get3A_2 = memref.load %arg1[%get3A] : memref<2048xi32, #tpu.memory_space<smem>>
    %c0_i32 = arith.constant 0 : i32
    %c0_i32_3 = arith.constant 0 : i32
    %c0_i32_4 = arith.constant 0 : i32
    return %get3A_2, %c0_i32, %c0_i32_3 : i32, i32, i32
  }
  func.func @transform_3(%arg0: i32, %arg1: memref<2048xi32, #tpu.memory_space<smem>>, %arg2: memref<1xi32, #tpu.memory_space<smem>>) -> (i32, i32, i32) {
    %mul3A = arith.constant 16 : i32
    %mul3A_0 = arith.muli %mul3A, %arg0 : i32
    %add3A = arith.constant 3 : i32
    %add3A_1 = arith.addi %mul3A_0, %add3A : i32
    %get3A = arith.index_cast %add3A_1 : i32 to index
    %get3A_2 = memref.load %arg1[%get3A] : memref<2048xi32, #tpu.memory_space<smem>>
    %c0_i32 = arith.constant 0 : i32
    %c0_i32_3 = arith.constant 0 : i32
    %c0_i32_4 = arith.constant 0 : i32
    return %get3A_2, %c0_i32, %c0_i32_3 : i32, i32, i32
  }
  func.func @transform_4(%arg0: i32, %arg1: memref<2048xi32, #tpu.memory_space<smem>>, %arg2: memref<1xi32, #tpu.memory_space<smem>>) -> (i32, i32, i32) {
    %mul3A = arith.constant 16 : i32
    %mul3A_0 = arith.muli %mul3A, %arg0 : i32
    %add3A = arith.constant 4 : i32
    %add3A_1 = arith.addi %mul3A_0, %add3A : i32
    %get3A = arith.index_cast %add3A_1 : i32 to index
    %get3A_2 = memref.load %arg1[%get3A] : memref<2048xi32, #tpu.memory_space<smem>>
    %c0_i32 = arith.constant 0 : i32
    %c0_i32_3 = arith.constant 0 : i32
    %c0_i32_4 = arith.constant 0 : i32
    return %get3A_2, %c0_i32, %c0_i32_3 : i32, i32, i32
  }
  func.func @transform_5(%arg0: i32, %arg1: memref<2048xi32, #tpu.memory_space<smem>>, %arg2: memref<1xi32, #tpu.memory_space<smem>>) -> (i32, i32, i32) {
    %mul3A = arith.constant 16 : i32
    %mul3A_0 = arith.muli %mul3A, %arg0 : i32
    %add3A = arith.constant 5 : i32
    %add3A_1 = arith.addi %mul3A_0, %add3A : i32
    %get3A = arith.index_cast %add3A_1 : i32 to index
    %get3A_2 = memref.load %arg1[%get3A] : memref<2048xi32, #tpu.memory_space<smem>>
    %c0_i32 = arith.constant 0 : i32
    %c0_i32_3 = arith.constant 0 : i32
    %c0_i32_4 = arith.constant 0 : i32
    return %get3A_2, %c0_i32, %c0_i32_3 : i32, i32, i32
  }
  func.func @transform_6(%arg0: i32, %arg1: memref<2048xi32, #tpu.memory_space<smem>>, %arg2: memref<1xi32, #tpu.memory_space<smem>>) -> (i32, i32, i32) {
    %mul3A = arith.constant 16 : i32
    %mul3A_0 = arith.muli %mul3A, %arg0 : i32
    %add3A = arith.constant 6 : i32
    %add3A_1 = arith.addi %mul3A_0, %add3A : i32
    %get3A = arith.index_cast %add3A_1 : i32 to index
    %get3A_2 = memref.load %arg1[%get3A] : memref<2048xi32, #tpu.memory_space<smem>>
    %c0_i32 = arith.constant 0 : i32
    %c0_i32_3 = arith.constant 0 : i32
    %c0_i32_4 = arith.constant 0 : i32
    return %get3A_2, %c0_i32, %c0_i32_3 : i32, i32, i32
  }
  func.func @transform_7(%arg0: i32, %arg1: memref<2048xi32, #tpu.memory_space<smem>>, %arg2: memref<1xi32, #tpu.memory_space<smem>>) -> (i32, i32, i32) {
    %mul3A = arith.constant 16 : i32
    %mul3A_0 = arith.muli %mul3A, %arg0 : i32
    %add3A = arith.constant 7 : i32
    %add3A_1 = arith.addi %mul3A_0, %add3A : i32
    %get3A = arith.index_cast %add3A_1 : i32 to index
    %get3A_2 = memref.load %arg1[%get3A] : memref<2048xi32, #tpu.memory_space<smem>>
    %c0_i32 = arith.constant 0 : i32
    %c0_i32_3 = arith.constant 0 : i32
    %c0_i32_4 = arith.constant 0 : i32
    return %get3A_2, %c0_i32, %c0_i32_3 : i32, i32, i32
  }
  func.func @transform_8(%arg0: i32, %arg1: memref<2048xi32, #tpu.memory_space<smem>>, %arg2: memref<1xi32, #tpu.memory_space<smem>>) -> (i32, i32, i32) {
    %mul3A = arith.constant 16 : i32
    %mul3A_0 = arith.muli %mul3A, %arg0 : i32
    %add3A = arith.constant 8 : i32
    %add3A_1 = arith.addi %mul3A_0, %add3A : i32
    %get3A = arith.index_cast %add3A_1 : i32 to index
    %get3A_2 = memref.load %arg1[%get3A] : memref<2048xi32, #tpu.memory_space<smem>>
    %c0_i32 = arith.constant 0 : i32
    %c0_i32_3 = arith.constant 0 : i32
    %c0_i32_4 = arith.constant 0 : i32
    return %get3A_2, %c0_i32, %c0_i32_3 : i32, i32, i32
  }
  func.func @transform_9(%arg0: i32, %arg1: memref<2048xi32, #tpu.memory_space<smem>>, %arg2: memref<1xi32, #tpu.memory_space<smem>>) -> (i32, i32, i32) {
    %mul3A = arith.constant 16 : i32
    %mul3A_0 = arith.muli %mul3A, %arg0 : i32
    %add3A = arith.constant 9 : i32
    %add3A_1 = arith.addi %mul3A_0, %add3A : i32
    %get3A = arith.index_cast %add3A_1 : i32 to index
    %get3A_2 = memref.load %arg1[%get3A] : memref<2048xi32, #tpu.memory_space<smem>>
    %c0_i32 = arith.constant 0 : i32
    %c0_i32_3 = arith.constant 0 : i32
    %c0_i32_4 = arith.constant 0 : i32
    return %get3A_2, %c0_i32, %c0_i32_3 : i32, i32, i32
  }
  func.func @transform_10(%arg0: i32, %arg1: memref<2048xi32, #tpu.memory_space<smem>>, %arg2: memref<1xi32, #tpu.memory_space<smem>>) -> (i32, i32, i32) {
    %mul3A = arith.constant 16 : i32
    %mul3A_0 = arith.muli %mul3A, %arg0 : i32
    %add3A = arith.constant 10 : i32
    %add3A_1 = arith.addi %mul3A_0, %add3A : i32
    %get3A = arith.index_cast %add3A_1 : i32 to index
    %get3A_2 = memref.load %arg1[%get3A] : memref<2048xi32, #tpu.memory_space<smem>>
    %c0_i32 = arith.constant 0 : i32
    %c0_i32_3 = arith.constant 0 : i32
    %c0_i32_4 = arith.constant 0 : i32
    return %get3A_2, %c0_i32, %c0_i32_3 : i32, i32, i32
  }
  func.func @transform_11(%arg0: i32, %arg1: memref<2048xi32, #tpu.memory_space<smem>>, %arg2: memref<1xi32, #tpu.memory_space<smem>>) -> (i32, i32, i32) {
    %mul3A = arith.constant 16 : i32
    %mul3A_0 = arith.muli %mul3A, %arg0 : i32
    %add3A = arith.constant 11 : i32
    %add3A_1 = arith.addi %mul3A_0, %add3A : i32
    %get3A = arith.index_cast %add3A_1 : i32 to index
    %get3A_2 = memref.load %arg1[%get3A] : memref<2048xi32, #tpu.memory_space<smem>>
    %c0_i32 = arith.constant 0 : i32
    %c0_i32_3 = arith.constant 0 : i32
    %c0_i32_4 = arith.constant 0 : i32
    return %get3A_2, %c0_i32, %c0_i32_3 : i32, i32, i32
  }
  func.func @transform_12(%arg0: i32, %arg1: memref<2048xi32, #tpu.memory_space<smem>>, %arg2: memref<1xi32, #tpu.memory_space<smem>>) -> (i32, i32, i32) {
    %mul3A = arith.constant 16 : i32
    %mul3A_0 = arith.muli %mul3A, %arg0 : i32
    %add3A = arith.constant 12 : i32
    %add3A_1 = arith.addi %mul3A_0, %add3A : i32
    %get3A = arith.index_cast %add3A_1 : i32 to index
    %get3A_2 = memref.load %arg1[%get3A] : memref<2048xi32, #tpu.memory_space<smem>>
    %c0_i32 = arith.constant 0 : i32
    %c0_i32_3 = arith.constant 0 : i32
    %c0_i32_4 = arith.constant 0 : i32
    return %get3A_2, %c0_i32, %c0_i32_3 : i32, i32, i32
  }
  func.func @transform_13(%arg0: i32, %arg1: memref<2048xi32, #tpu.memory_space<smem>>, %arg2: memref<1xi32, #tpu.memory_space<smem>>) -> (i32, i32, i32) {
    %mul3A = arith.constant 16 : i32
    %mul3A_0 = arith.muli %mul3A, %arg0 : i32
    %add3A = arith.constant 13 : i32
    %add3A_1 = arith.addi %mul3A_0, %add3A : i32
    %get3A = arith.index_cast %add3A_1 : i32 to index
    %get3A_2 = memref.load %arg1[%get3A] : memref<2048xi32, #tpu.memory_space<smem>>
    %c0_i32 = arith.constant 0 : i32
    %c0_i32_3 = arith.constant 0 : i32
    %c0_i32_4 = arith.constant 0 : i32
    return %get3A_2, %c0_i32, %c0_i32_3 : i32, i32, i32
  }
  func.func @transform_14(%arg0: i32, %arg1: memref<2048xi32, #tpu.memory_space<smem>>, %arg2: memref<1xi32, #tpu.memory_space<smem>>) -> (i32, i32, i32) {
    %mul3A = arith.constant 16 : i32
    %mul3A_0 = arith.muli %mul3A, %arg0 : i32
    %add3A = arith.constant 14 : i32
    %add3A_1 = arith.addi %mul3A_0, %add3A : i32
    %get3A = arith.index_cast %add3A_1 : i32 to index
    %get3A_2 = memref.load %arg1[%get3A] : memref<2048xi32, #tpu.memory_space<smem>>
    %c0_i32 = arith.constant 0 : i32
    %c0_i32_3 = arith.constant 0 : i32
    %c0_i32_4 = arith.constant 0 : i32
    return %get3A_2, %c0_i32, %c0_i32_3 : i32, i32, i32
  }
  func.func @transform_15(%arg0: i32, %arg1: memref<2048xi32, #tpu.memory_space<smem>>, %arg2: memref<1xi32, #tpu.memory_space<smem>>) -> (i32, i32, i32) {
    %mul3A = arith.constant 16 : i32
    %mul3A_0 = arith.muli %mul3A, %arg0 : i32
    %add3A = arith.constant 15 : i32
    %add3A_1 = arith.addi %mul3A_0, %add3A : i32
    %get3A = arith.index_cast %add3A_1 : i32 to index
    %get3A_2 = memref.load %arg1[%get3A] : memref<2048xi32, #tpu.memory_space<smem>>
    %c0_i32 = arith.constant 0 : i32
    %c0_i32_3 = arith.constant 0 : i32
    %c0_i32_4 = arith.constant 0 : i32
    return %get3A_2, %c0_i32, %c0_i32_3 : i32, i32, i32
  }
  func.func @transform_16(%arg0: i32, %arg1: memref<2048xi32, #tpu.memory_space<smem>>, %arg2: memref<1xi32, #tpu.memory_space<smem>>) -> (i32, i32, i32) {
    %c0_i32 = arith.constant 0 : i32
    %c0_i32_0 = arith.constant 0 : i32
    %c0_i32_1 = arith.constant 0 : i32
    return %arg0, %c0_i32, %c0_i32_0 : i32, i32, i32
  }
  func.func @transform_17(%arg0: i32, %arg1: memref<2048xi32, #tpu.memory_space<smem>>, %arg2: memref<1xi32, #tpu.memory_space<smem>>) -> (i32, i32, i32) {
    %c0_i32 = arith.constant 0 : i32
    %c0_i32_0 = arith.constant 0 : i32
    %c0_i32_1 = arith.constant 0 : i32
    return %arg0, %c0_i32, %c0_i32_0 : i32, i32, i32
  }
  func.func @transform_18(%arg0: i32, %arg1: memref<2048xi32, #tpu.memory_space<smem>>, %arg2: memref<1xi32, #tpu.memory_space<smem>>) -> (i32, i32, i32) {
    %c0_i32 = arith.constant 0 : i32
    %c0_i32_0 = arith.constant 0 : i32
    %c0_i32_1 = arith.constant 0 : i32
    return %arg0, %c0_i32, %c0_i32_0 : i32, i32, i32
  }
  func.func @transform_19(%arg0: i32, %arg1: memref<2048xi32, #tpu.memory_space<smem>>, %arg2: memref<1xi32, #tpu.memory_space<smem>>) -> (i32, i32, i32) {
    %c0_i32 = arith.constant 0 : i32
    %c0_i32_0 = arith.constant 0 : i32
    %c0_i32_1 = arith.constant 0 : i32
    return %arg0, %c0_i32, %c0_i32_0 : i32, i32, i32
  }
  func.func @transform_20(%arg0: i32, %arg1: memref<2048xi32, #tpu.memory_space<smem>>, %arg2: memref<1xi32, #tpu.memory_space<smem>>) -> (i32, i32, i32) {
    %c0_i32 = arith.constant 0 : i32
    %c0_i32_0 = arith.constant 0 : i32
    %c0_i32_1 = arith.constant 0 : i32
    return %arg0, %c0_i32, %c0_i32_0 : i32, i32, i32
  }
}

module attributes {stable_mosaic.version = 14 : i64} {
  func.func @_math_body(%arg0: i32, %arg1: memref<3x256xf32, #tpu.memory_space<vmem>>, %arg2: memref<16x3x256xf32, #tpu.memory_space<vmem>>, %arg3: memref<16x3x256xf32, #tpu.memory_space<vmem>>, %arg4: memref<16x4x256xf32, #tpu.memory_space<vmem>>, %arg5: memref<3x1x4096xf32, #tpu.memory_space<vmem>>, %arg6: memref<3x15x4096xf32, #tpu.memory_space<vmem>>, %arg7: memref<16x1x256xf32, #tpu.memory_space<vmem>>, %arg8: memref<16x14x256xf32, #tpu.memory_space<vmem>>) attributes {dimension_semantics = [#tpu.dimension_semantics<arbitrary>], iteration_bounds = array<i64: 128>, scalar_prefetch = 0 : i64, scratch_operands = 0 : i64, tpu.core_type = #tpu.core_type<tc>, window_params = [{pipeline_mode = #tpu.pipeline_mode<synchronous>, transform_indices = @transform_0, window_bounds = array<i64: 3, 256>}, {transform_indices = @transform_1, window_bounds = array<i64: 16, 3, 256>}, {transform_indices = @transform_2, window_bounds = array<i64: 16, 3, 256>}, {transform_indices = @transform_3, window_bounds = array<i64: 16, 4, 256>}, {transform_indices = @transform_4, window_bounds = array<i64: 3, 1, 4096>}, {transform_indices = @transform_5, window_bounds = array<i64: 3, 15, 4096>}, {transform_indices = @transform_6, window_bounds = array<i64: 16, 1, 256>}, {transform_indices = @transform_7, window_bounds = array<i64: 16, 14, 256>}]} {
    %get3A = arith.constant 0 : index
    %get3A_0 = arith.constant 0 : index
    %get3A_1 = arith.constant 0 : index
    %get3A_2 = vector.load %arg2[%get3A, %get3A_0, %get3A_1] : memref<16x3x256xf32, #tpu.memory_space<vmem>>, vector<16x3x256xf32>
    %get3A_3 = arith.constant 0 : index
    %get3A_4 = arith.constant 0 : index
    %get3A_5 = arith.constant 0 : index
    %get3A_6 = vector.load %arg4[%get3A_3, %get3A_4, %get3A_5] : memref<16x4x256xf32, #tpu.memory_space<vmem>>, vector<16x4x256xf32>
    %swap3A = arith.constant 0 : index
    %swap3A_7 = arith.constant 0 : index
    %swap3A_8 = arith.constant 0 : index
    %swap3A_9 = vector.load %arg8[%swap3A, %swap3A_7, %swap3A_8] : memref<16x14x256xf32, #tpu.memory_space<vmem>>, vector<16x3x256xf32>
    tpu.vector_store %arg8[%swap3A, %swap3A_7, %swap3A_8], %get3A_2 {strides = array<i32>} : memref<16x14x256xf32, #tpu.memory_space<vmem>>, vector<16x3x256xf32>,
    %get3A_10 = arith.constant 0 : index
    %get3A_11 = arith.constant 0 : index
    %get3A_12 = arith.constant 0 : index
    %get3A_13 = vector.load %arg3[%get3A_10, %get3A_11, %get3A_12] : memref<16x3x256xf32, #tpu.memory_space<vmem>>, vector<16x3x256xf32>
    %exp3A = math.exp %get3A_13 : vector<16x3x256xf32>
    %swap3A_14 = arith.constant 0 : index
    %swap3A_15 = arith.constant 3 : index
    %swap3A_16 = arith.constant 0 : index
    %swap3A_17 = vector.load %arg8[%swap3A_14, %swap3A_15, %swap3A_16] : memref<16x14x256xf32, #tpu.memory_space<vmem>>, vector<16x3x256xf32>
    tpu.vector_store %arg8[%swap3A_14, %swap3A_15, %swap3A_16], %exp3A {strides = array<i32>} : memref<16x14x256xf32, #tpu.memory_space<vmem>>, vector<16x3x256xf32>,
    %mul3A = arith.mulf %get3A_6, %get3A_6 : vector<16x4x256xf32>
    %reduce_sum3A = arith.constant dense<0.000000e+00> : vector<16x256xf32>
    %reduce_sum3A_18 = vector.multi_reduction <add>, %mul3A, %reduce_sum3A [1] : vector<16x4x256xf32> to vector<16x256xf32>
    %broadcast_in_dim3A = vector.shape_cast %reduce_sum3A_18 : vector<16x256xf32> to vector<16x1x256xf32>
    %sqrt3A = math.sqrt %broadcast_in_dim3A : vector<16x1x256xf32>
    %add3A = arith.constant 9.99999993E-9 : f32
    %add3A_19 = vector.broadcast %add3A : f32 to vector<16x1x256xf32>
    %add3A_20 = arith.addf %sqrt3A, %add3A_19 : vector<16x1x256xf32>
    %div3A = arith.constant 1.000000e+00 : f32
    %div3A_21 = vector.broadcast %div3A : f32 to vector<16x1x256xf32>
    %div3A_22 = arith.divf %div3A_21, %add3A_20 : vector<16x1x256xf32>
    %mul3A_23 = vector.broadcast %div3A_22 : vector<16x1x256xf32> to vector<16x4x256xf32>
    %mul3A_24 = arith.mulf %get3A_6, %mul3A_23 : vector<16x4x256xf32>
    %swap3A_25 = arith.constant 0 : index
    %swap3A_26 = arith.constant 6 : index
    %swap3A_27 = arith.constant 0 : index
    %swap3A_28 = vector.load %arg8[%swap3A_25, %swap3A_26, %swap3A_27] : memref<16x14x256xf32, #tpu.memory_space<vmem>>, vector<16x4x256xf32>
    tpu.vector_store %arg8[%swap3A_25, %swap3A_26, %swap3A_27], %mul3A_24 {strides = array<i32>} : memref<16x14x256xf32, #tpu.memory_space<vmem>>, vector<16x4x256xf32>,
    %get3A_29 = arith.constant 0 : index
    %get3A_30 = arith.constant 0 : index
    %get3A_31 = arith.constant 0 : index
    %get3A_32 = vector.load %arg7[%get3A_29, %get3A_30, %get3A_31] : memref<16x1x256xf32, #tpu.memory_space<vmem>>, vector<16x1x256xf32>
    %neg3A = arith.constant 0.000000e+00 : f32
    %neg3A_33 = vector.broadcast %neg3A : f32 to vector<16x1x256xf32>
    %neg3A_34 = arith.subf %neg3A_33, %get3A_32 : vector<16x1x256xf32>
    %exp3A_35 = math.exp %neg3A_34 : vector<16x1x256xf32>
    %add3A_36 = arith.constant 1.000000e+00 : f32
    %add3A_37 = vector.broadcast %add3A_36 : f32 to vector<16x1x256xf32>
    %add3A_38 = arith.addf %add3A_37, %exp3A_35 : vector<16x1x256xf32>
    %div3A_39 = arith.constant 1.000000e+00 : f32
    %div3A_40 = vector.broadcast %div3A_39 : f32 to vector<16x1x256xf32>
    %div3A_41 = arith.divf %div3A_40, %add3A_38 : vector<16x1x256xf32>
    %swap3A_42 = arith.constant 0 : index
    %swap3A_43 = arith.constant 13 : index
    %swap3A_44 = arith.constant 0 : index
    %swap3A_45 = vector.load %arg8[%swap3A_42, %swap3A_43, %swap3A_44] : memref<16x14x256xf32, #tpu.memory_space<vmem>>, vector<16x1x256xf32>
    tpu.vector_store %arg8[%swap3A_42, %swap3A_43, %swap3A_44], %div3A_41 {strides = array<i32>} : memref<16x14x256xf32, #tpu.memory_space<vmem>>, vector<16x1x256xf32>,
    %get3A_46 = arith.constant 0 : index
    %get3A_47 = arith.constant 0 : index
    %get3A_48 = vector.load %arg1[%get3A_46, %get3A_47] : memref<3x256xf32, #tpu.memory_space<vmem>>, vector<3x256xf32>
    %broadcast_in_dim3A_49 = vector.shape_cast %get3A_48 : vector<3x256xf32> to vector<1x3x256xf32>
    %sub3A = vector.broadcast %broadcast_in_dim3A_49 : vector<1x3x256xf32> to vector<16x3x256xf32>
    %sub3A_50 = arith.subf %get3A_2, %sub3A : vector<16x3x256xf32>
    %mul3A_51 = arith.mulf %sub3A_50, %sub3A_50 : vector<16x3x256xf32>
    %reduce_sum3A_52 = arith.constant dense<0.000000e+00> : vector<16x256xf32>
    %reduce_sum3A_53 = vector.multi_reduction <add>, %mul3A_51, %reduce_sum3A_52 [1] : vector<16x3x256xf32> to vector<16x256xf32>
    %broadcast_in_dim3A_54 = vector.shape_cast %reduce_sum3A_53 : vector<16x256xf32> to vector<16x1x256xf32>
    %sqrt3A_55 = math.sqrt %broadcast_in_dim3A_54 : vector<16x1x256xf32>
    %add3A_56 = arith.constant 9.99999993E-9 : f32
    %add3A_57 = vector.broadcast %add3A_56 : f32 to vector<16x1x256xf32>
    %add3A_58 = arith.addf %sqrt3A_55, %add3A_57 : vector<16x1x256xf32>
    %div3A_59 = arith.constant 1.000000e+00 : f32
    %div3A_60 = vector.broadcast %div3A_59 : f32 to vector<16x1x256xf32>
    %div3A_61 = arith.divf %div3A_60, %add3A_58 : vector<16x1x256xf32>
    %mul3A_62 = vector.broadcast %div3A_61 : vector<16x1x256xf32> to vector<16x3x256xf32>
    %mul3A_63 = arith.mulf %sub3A_50, %mul3A_62 : vector<16x3x256xf32>
    %get3A_64 = arith.constant 0 : index
    %get3A_65 = arith.constant 0 : index
    %get3A_66 = arith.constant 0 : index
    %get3A_67 = vector.load %arg6[%get3A_64, %get3A_65, %get3A_66] : memref<3x15x4096xf32, #tpu.memory_space<vmem>>, vector<3x15x4096xf32>
    %get3A_68 = arith.constant 0 : index
    %get3A_69 = arith.constant 0 : index
    %get3A_70 = arith.constant 0 : index
    %get3A_71 = vector.load %arg5[%get3A_68, %get3A_69, %get3A_70] : memref<3x1x4096xf32, #tpu.memory_space<vmem>>, vector<3x1x4096xf32>
    %slice3A = vector.extract_strided_slice %mul3A_63 {offsets = [0, 0, 0], sizes = [1, 3, 256], strides = [1, 1, 1]} : vector<16x3x256xf32> to vector<1x3x256xf32>
    %squeeze3A = vector.shape_cast %slice3A : vector<1x3x256xf32> to vector<3x256xf32>
    %slice3A_72 = vector.extract_strided_slice %squeeze3A {offsets = [0, 0], sizes = [1, 256], strides = [1, 1]} : vector<3x256xf32> to vector<1x256xf32>
    %slice3A_73 = vector.extract_strided_slice %squeeze3A {offsets = [1, 0], sizes = [1, 256], strides = [1, 1]} : vector<3x256xf32> to vector<1x256xf32>
    %slice3A_74 = vector.extract_strided_slice %squeeze3A {offsets = [2, 0], sizes = [1, 256], strides = [1, 1]} : vector<3x256xf32> to vector<1x256xf32>
    %mul3A_75 = arith.mulf %slice3A_72, %slice3A_72 : vector<1x256xf32>
    %mul3A_76 = arith.mulf %slice3A_73, %slice3A_73 : vector<1x256xf32>
    %mul3A_77 = arith.mulf %slice3A_74, %slice3A_74 : vector<1x256xf32>
    %mul3A_78 = arith.mulf %slice3A_72, %slice3A_73 : vector<1x256xf32>
    %mul3A_79 = arith.mulf %slice3A_73, %slice3A_74 : vector<1x256xf32>
    %mul3A_80 = arith.mulf %slice3A_72, %slice3A_74 : vector<1x256xf32>
    %mul3A_81 = arith.constant -0.488602519 : f32
    %mul3A_82 = vector.broadcast %mul3A_81 : f32 to vector<1x256xf32>
    %mul3A_83 = arith.mulf %mul3A_82, %slice3A_73 : vector<1x256xf32>
    %mul3A_84 = arith.constant 0.488602519 : f32
    %mul3A_85 = vector.broadcast %mul3A_84 : f32 to vector<1x256xf32>
    %mul3A_86 = arith.mulf %mul3A_85, %slice3A_74 : vector<1x256xf32>
    %mul3A_87 = arith.constant -0.488602519 : f32
    %mul3A_88 = vector.broadcast %mul3A_87 : f32 to vector<1x256xf32>
    %mul3A_89 = arith.mulf %mul3A_88, %slice3A_72 : vector<1x256xf32>
    %mul3A_90 = arith.constant 1.09254849 : f32
    %mul3A_91 = vector.broadcast %mul3A_90 : f32 to vector<1x256xf32>
    %mul3A_92 = arith.mulf %mul3A_91, %mul3A_78 : vector<1x256xf32>
    %mul3A_93 = arith.constant -1.09254849 : f32
    %mul3A_94 = vector.broadcast %mul3A_93 : f32 to vector<1x256xf32>
    %mul3A_95 = arith.mulf %mul3A_94, %mul3A_79 : vector<1x256xf32>
    %mul3A_96 = arith.constant 2.000000e+00 : f32
    %mul3A_97 = vector.broadcast %mul3A_96 : f32 to vector<1x256xf32>
    %mul3A_98 = arith.mulf %mul3A_97, %mul3A_77 : vector<1x256xf32>
    %sub3A_99 = arith.subf %mul3A_98, %mul3A_75 : vector<1x256xf32>
    %sub3A_100 = arith.subf %sub3A_99, %mul3A_76 : vector<1x256xf32>
    %mul3A_101 = arith.constant 0.31539157 : f32
    %mul3A_102 = vector.broadcast %mul3A_101 : f32 to vector<1x256xf32>
    %mul3A_103 = arith.mulf %mul3A_102, %sub3A_100 : vector<1x256xf32>
    %mul3A_104 = arith.constant -1.09254849 : f32
    %mul3A_105 = vector.broadcast %mul3A_104 : f32 to vector<1x256xf32>
    %mul3A_106 = arith.mulf %mul3A_105, %mul3A_80 : vector<1x256xf32>
    %sub3A_107 = arith.subf %mul3A_75, %mul3A_76 : vector<1x256xf32>
    %mul3A_108 = arith.constant 0.546274245 : f32
    %mul3A_109 = vector.broadcast %mul3A_108 : f32 to vector<1x256xf32>
    %mul3A_110 = arith.mulf %mul3A_109, %sub3A_107 : vector<1x256xf32>
    %mul3A_111 = arith.constant -0.590043604 : f32
    %mul3A_112 = vector.broadcast %mul3A_111 : f32 to vector<1x256xf32>
    %mul3A_113 = arith.mulf %mul3A_112, %slice3A_73 : vector<1x256xf32>
    %mul3A_114 = arith.constant 3.000000e+00 : f32
    %mul3A_115 = vector.broadcast %mul3A_114 : f32 to vector<1x256xf32>
    %mul3A_116 = arith.mulf %mul3A_115, %mul3A_75 : vector<1x256xf32>
    %sub3A_117 = arith.subf %mul3A_116, %mul3A_76 : vector<1x256xf32>
    %mul3A_118 = arith.mulf %mul3A_113, %sub3A_117 : vector<1x256xf32>
    %mul3A_119 = arith.constant 2.89061141 : f32
    %mul3A_120 = vector.broadcast %mul3A_119 : f32 to vector<1x256xf32>
    %mul3A_121 = arith.mulf %mul3A_120, %mul3A_78 : vector<1x256xf32>
    %mul3A_122 = arith.mulf %mul3A_121, %slice3A_74 : vector<1x256xf32>
    %mul3A_123 = arith.constant -0.457045794 : f32
    %mul3A_124 = vector.broadcast %mul3A_123 : f32 to vector<1x256xf32>
    %mul3A_125 = arith.mulf %mul3A_124, %slice3A_73 : vector<1x256xf32>
    %mul3A_126 = arith.constant 4.000000e+00 : f32
    %mul3A_127 = vector.broadcast %mul3A_126 : f32 to vector<1x256xf32>
    %mul3A_128 = arith.mulf %mul3A_127, %mul3A_77 : vector<1x256xf32>
    %sub3A_129 = arith.subf %mul3A_128, %mul3A_75 : vector<1x256xf32>
    %sub3A_130 = arith.subf %sub3A_129, %mul3A_76 : vector<1x256xf32>
    %mul3A_131 = arith.mulf %mul3A_125, %sub3A_130 : vector<1x256xf32>
    %mul3A_132 = arith.constant 0.373176336 : f32
    %mul3A_133 = vector.broadcast %mul3A_132 : f32 to vector<1x256xf32>
    %mul3A_134 = arith.mulf %mul3A_133, %slice3A_74 : vector<1x256xf32>
    %mul3A_135 = arith.constant 2.000000e+00 : f32
    %mul3A_136 = vector.broadcast %mul3A_135 : f32 to vector<1x256xf32>
    %mul3A_137 = arith.mulf %mul3A_136, %mul3A_77 : vector<1x256xf32>
    %mul3A_138 = arith.constant 3.000000e+00 : f32
    %mul3A_139 = vector.broadcast %mul3A_138 : f32 to vector<1x256xf32>
    %mul3A_140 = arith.mulf %mul3A_139, %mul3A_75 : vector<1x256xf32>
    %sub3A_141 = arith.subf %mul3A_137, %mul3A_140 : vector<1x256xf32>
    %mul3A_142 = arith.constant 3.000000e+00 : f32
    %mul3A_143 = vector.broadcast %mul3A_142 : f32 to vector<1x256xf32>
    %mul3A_144 = arith.mulf %mul3A_143, %mul3A_76 : vector<1x256xf32>
    %sub3A_145 = arith.subf %sub3A_141, %mul3A_144 : vector<1x256xf32>
    %mul3A_146 = arith.mulf %mul3A_134, %sub3A_145 : vector<1x256xf32>
    %mul3A_147 = arith.constant -0.457045794 : f32
    %mul3A_148 = vector.broadcast %mul3A_147 : f32 to vector<1x256xf32>
    %mul3A_149 = arith.mulf %mul3A_148, %slice3A_72 : vector<1x256xf32>
    %mul3A_150 = arith.constant 4.000000e+00 : f32
    %mul3A_151 = vector.broadcast %mul3A_150 : f32 to vector<1x256xf32>
    %mul3A_152 = arith.mulf %mul3A_151, %mul3A_77 : vector<1x256xf32>
    %sub3A_153 = arith.subf %mul3A_152, %mul3A_75 : vector<1x256xf32>
    %sub3A_154 = arith.subf %sub3A_153, %mul3A_76 : vector<1x256xf32>
    %mul3A_155 = arith.mulf %mul3A_149, %sub3A_154 : vector<1x256xf32>
    %mul3A_156 = arith.constant 1.44530571 : f32
    %mul3A_157 = vector.broadcast %mul3A_156 : f32 to vector<1x256xf32>
    %mul3A_158 = arith.mulf %mul3A_157, %slice3A_74 : vector<1x256xf32>
    %sub3A_159 = arith.subf %mul3A_75, %mul3A_76 : vector<1x256xf32>
    %mul3A_160 = arith.mulf %mul3A_158, %sub3A_159 : vector<1x256xf32>
    %mul3A_161 = arith.constant -0.590043604 : f32
    %mul3A_162 = vector.broadcast %mul3A_161 : f32 to vector<1x256xf32>
    %mul3A_163 = arith.mulf %mul3A_162, %slice3A_72 : vector<1x256xf32>
    %sub3A_164 = arith.subf %mul3A_75, %mul3A_76 : vector<1x256xf32>
    %sub3A_165 = arith.subf %sub3A_164, %mul3A_77 : vector<1x256xf32>
    %mul3A_166 = arith.mulf %mul3A_163, %sub3A_165 : vector<1x256xf32>
    %concatenate3A = tpu.concatenate %mul3A_83, %mul3A_86, %mul3A_89, %mul3A_92, %mul3A_95, %mul3A_103, %mul3A_106, %mul3A_110, %mul3A_118, %mul3A_122, %mul3A_131, %mul3A_146, %mul3A_155, %mul3A_160, %mul3A_166 in 0 : vector<1x256xf32>, vector<1x256xf32>, vector<1x256xf32>, vector<1x256xf32>, vector<1x256xf32>, vector<1x256xf32>, vector<1x256xf32>, vector<1x256xf32>, vector<1x256xf32>, vector<1x256xf32>, vector<1x256xf32>, vector<1x256xf32>, vector<1x256xf32>, vector<1x256xf32>, vector<1x256xf32> -> vector<15x256xf32>
    %slice3A_167 = vector.extract_strided_slice %get3A_67 {offsets = [0, 0, 0], sizes = [1, 15, 256], strides = [1, 1, 1]} : vector<3x15x4096xf32> to vector<1x15x256xf32>
    %squeeze3A_168 = vector.shape_cast %slice3A_167 : vector<1x15x256xf32> to vector<15x256xf32>
    %mul3A_169 = arith.mulf %concatenate3A, %squeeze3A_168 : vector<15x256xf32>
    %reduce_sum3A_170 = arith.constant dense<0.000000e+00> : vector<256xf32>
    %reduce_sum3A_171 = vector.multi_reduction <add>, %mul3A_169, %reduce_sum3A_170 [0] : vector<15x256xf32> to vector<256xf32>
    %broadcast_in_dim3A_172 = vector.shape_cast %reduce_sum3A_171 : vector<256xf32> to vector<1x256xf32>
    %slice3A_173 = vector.extract_strided_slice %get3A_71 {offsets = [0, 0, 0], sizes = [1, 1, 256], strides = [1, 1, 1]} : vector<3x1x4096xf32> to vector<1x1x256xf32>
    %squeeze3A_174 = vector.shape_cast %slice3A_173 : vector<1x1x256xf32> to vector<1x256xf32>
    %mul3A_175 = arith.constant 0.282094806 : f32
    %mul3A_176 = vector.broadcast %mul3A_175 : f32 to vector<1x256xf32>
    %mul3A_177 = arith.mulf %mul3A_176, %squeeze3A_174 : vector<1x256xf32>
    %add3A_178 = arith.addf %broadcast_in_dim3A_172, %mul3A_177 : vector<1x256xf32>
    %slice3A_179 = vector.extract_strided_slice %get3A_67 {offsets = [1, 0, 0], sizes = [1, 15, 256], strides = [1, 1, 1]} : vector<3x15x4096xf32> to vector<1x15x256xf32>
    %squeeze3A_180 = vector.shape_cast %slice3A_179 : vector<1x15x256xf32> to vector<15x256xf32>
    %mul3A_181 = arith.mulf %concatenate3A, %squeeze3A_180 : vector<15x256xf32>
    %reduce_sum3A_182 = arith.constant dense<0.000000e+00> : vector<256xf32>
    %reduce_sum3A_183 = vector.multi_reduction <add>, %mul3A_181, %reduce_sum3A_182 [0] : vector<15x256xf32> to vector<256xf32>
    %broadcast_in_dim3A_184 = vector.shape_cast %reduce_sum3A_183 : vector<256xf32> to vector<1x256xf32>
    %slice3A_185 = vector.extract_strided_slice %get3A_71 {offsets = [1, 0, 0], sizes = [1, 1, 256], strides = [1, 1, 1]} : vector<3x1x4096xf32> to vector<1x1x256xf32>
    %squeeze3A_186 = vector.shape_cast %slice3A_185 : vector<1x1x256xf32> to vector<1x256xf32>
    %mul3A_187 = arith.constant 0.282094806 : f32
    %mul3A_188 = vector.broadcast %mul3A_187 : f32 to vector<1x256xf32>
    %mul3A_189 = arith.mulf %mul3A_188, %squeeze3A_186 : vector<1x256xf32>
    %add3A_190 = arith.addf %broadcast_in_dim3A_184, %mul3A_189 : vector<1x256xf32>
    %slice3A_191 = vector.extract_strided_slice %get3A_67 {offsets = [2, 0, 0], sizes = [1, 15, 256], strides = [1, 1, 1]} : vector<3x15x4096xf32> to vector<1x15x256xf32>
    %squeeze3A_192 = vector.shape_cast %slice3A_191 : vector<1x15x256xf32> to vector<15x256xf32>
    %mul3A_193 = arith.mulf %concatenate3A, %squeeze3A_192 : vector<15x256xf32>
    %reduce_sum3A_194 = arith.constant dense<0.000000e+00> : vector<256xf32>
    %reduce_sum3A_195 = vector.multi_reduction <add>, %mul3A_193, %reduce_sum3A_194 [0] : vector<15x256xf32> to vector<256xf32>
    %broadcast_in_dim3A_196 = vector.shape_cast %reduce_sum3A_195 : vector<256xf32> to vector<1x256xf32>
    %slice3A_197 = vector.extract_strided_slice %get3A_71 {offsets = [2, 0, 0], sizes = [1, 1, 256], strides = [1, 1, 1]} : vector<3x1x4096xf32> to vector<1x1x256xf32>
    %squeeze3A_198 = vector.shape_cast %slice3A_197 : vector<1x1x256xf32> to vector<1x256xf32>
    %mul3A_199 = arith.constant 0.282094806 : f32
    %mul3A_200 = vector.broadcast %mul3A_199 : f32 to vector<1x256xf32>
    %mul3A_201 = arith.mulf %mul3A_200, %squeeze3A_198 : vector<1x256xf32>
    %add3A_202 = arith.addf %broadcast_in_dim3A_196, %mul3A_201 : vector<1x256xf32>
    %concatenate3A_203 = tpu.concatenate %add3A_178, %add3A_190, %add3A_202 in 0 : vector<1x256xf32>, vector<1x256xf32>, vector<1x256xf32> -> vector<3x256xf32>
    %add3A_204 = arith.constant 5.000000e-01 : f32
    %add3A_205 = vector.broadcast %add3A_204 : f32 to vector<3x256xf32>
    %add3A_206 = arith.addf %concatenate3A_203, %add3A_205 : vector<3x256xf32>
    %max3A = arith.constant 0.000000e+00 : f32
    %max3A_207 = vector.broadcast %max3A : f32 to vector<3x256xf32>
    %max3A_208 = arith.maximumf %add3A_206, %max3A_207 : vector<3x256xf32>
    %swap3A_209 = arith.constant 0 : index
    %swap3A_210 = arith.constant 10 : index
    %swap3A_211 = arith.constant 0 : index
    %swap3A_212 = vector.load %arg8[%swap3A_209, %swap3A_210, %swap3A_211] : memref<16x14x256xf32, #tpu.memory_space<vmem>>, vector<1x3x256xf32>
    %swap3A_213 = vector.shape_cast %swap3A_212 : vector<1x3x256xf32> to vector<3x256xf32>
    %swap3A_214 = vector.shape_cast %max3A_208 : vector<3x256xf32> to vector<1x3x256xf32>
    tpu.vector_store %arg8[%swap3A_209, %swap3A_210, %swap3A_211], %swap3A_214 {strides = array<i32>} : memref<16x14x256xf32, #tpu.memory_space<vmem>>, vector<1x3x256xf32>,
    %slice3A_215 = vector.extract_strided_slice %mul3A_63 {offsets = [1, 0, 0], sizes = [1, 3, 256], strides = [1, 1, 1]} : vector<16x3x256xf32> to vector<1x3x256xf32>
    %squeeze3A_216 = vector.shape_cast %slice3A_215 : vector<1x3x256xf32> to vector<3x256xf32>
    %slice3A_217 = vector.extract_strided_slice %squeeze3A_216 {offsets = [0, 0], sizes = [1, 256], strides = [1, 1]} : vector<3x256xf32> to vector<1x256xf32>
    %slice3A_218 = vector.extract_strided_slice %squeeze3A_216 {offsets = [1, 0], sizes = [1, 256], strides = [1, 1]} : vector<3x256xf32> to vector<1x256xf32>
    %slice3A_219 = vector.extract_strided_slice %squeeze3A_216 {offsets = [2, 0], sizes = [1, 256], strides = [1, 1]} : vector<3x256xf32> to vector<1x256xf32>
    %mul3A_220 = arith.mulf %slice3A_217, %slice3A_217 : vector<1x256xf32>
    %mul3A_221 = arith.mulf %slice3A_218, %slice3A_218 : vector<1x256xf32>
    %mul3A_222 = arith.mulf %slice3A_219, %slice3A_219 : vector<1x256xf32>
    %mul3A_223 = arith.mulf %slice3A_217, %slice3A_218 : vector<1x256xf32>
    %mul3A_224 = arith.mulf %slice3A_218, %slice3A_219 : vector<1x256xf32>
    %mul3A_225 = arith.mulf %slice3A_217, %slice3A_219 : vector<1x256xf32>
    %mul3A_226 = arith.constant -0.488602519 : f32
    %mul3A_227 = vector.broadcast %mul3A_226 : f32 to vector<1x256xf32>
    %mul3A_228 = arith.mulf %mul3A_227, %slice3A_218 : vector<1x256xf32>
    %mul3A_229 = arith.constant 0.488602519 : f32
    %mul3A_230 = vector.broadcast %mul3A_229 : f32 to vector<1x256xf32>
    %mul3A_231 = arith.mulf %mul3A_230, %slice3A_219 : vector<1x256xf32>
    %mul3A_232 = arith.constant -0.488602519 : f32
    %mul3A_233 = vector.broadcast %mul3A_232 : f32 to vector<1x256xf32>
    %mul3A_234 = arith.mulf %mul3A_233, %slice3A_217 : vector<1x256xf32>
    %mul3A_235 = arith.constant 1.09254849 : f32
    %mul3A_236 = vector.broadcast %mul3A_235 : f32 to vector<1x256xf32>
    %mul3A_237 = arith.mulf %mul3A_236, %mul3A_223 : vector<1x256xf32>
    %mul3A_238 = arith.constant -1.09254849 : f32
    %mul3A_239 = vector.broadcast %mul3A_238 : f32 to vector<1x256xf32>
    %mul3A_240 = arith.mulf %mul3A_239, %mul3A_224 : vector<1x256xf32>
    %mul3A_241 = arith.constant 2.000000e+00 : f32
    %mul3A_242 = vector.broadcast %mul3A_241 : f32 to vector<1x256xf32>
    %mul3A_243 = arith.mulf %mul3A_242, %mul3A_222 : vector<1x256xf32>
    %sub3A_244 = arith.subf %mul3A_243, %mul3A_220 : vector<1x256xf32>
    %sub3A_245 = arith.subf %sub3A_244, %mul3A_221 : vector<1x256xf32>
    %mul3A_246 = arith.constant 0.31539157 : f32
    %mul3A_247 = vector.broadcast %mul3A_246 : f32 to vector<1x256xf32>
    %mul3A_248 = arith.mulf %mul3A_247, %sub3A_245 : vector<1x256xf32>
    %mul3A_249 = arith.constant -1.09254849 : f32
    %mul3A_250 = vector.broadcast %mul3A_249 : f32 to vector<1x256xf32>
    %mul3A_251 = arith.mulf %mul3A_250, %mul3A_225 : vector<1x256xf32>
    %sub3A_252 = arith.subf %mul3A_220, %mul3A_221 : vector<1x256xf32>
    %mul3A_253 = arith.constant 0.546274245 : f32
    %mul3A_254 = vector.broadcast %mul3A_253 : f32 to vector<1x256xf32>
    %mul3A_255 = arith.mulf %mul3A_254, %sub3A_252 : vector<1x256xf32>
    %mul3A_256 = arith.constant -0.590043604 : f32
    %mul3A_257 = vector.broadcast %mul3A_256 : f32 to vector<1x256xf32>
    %mul3A_258 = arith.mulf %mul3A_257, %slice3A_218 : vector<1x256xf32>
    %mul3A_259 = arith.constant 3.000000e+00 : f32
    %mul3A_260 = vector.broadcast %mul3A_259 : f32 to vector<1x256xf32>
    %mul3A_261 = arith.mulf %mul3A_260, %mul3A_220 : vector<1x256xf32>
    %sub3A_262 = arith.subf %mul3A_261, %mul3A_221 : vector<1x256xf32>
    %mul3A_263 = arith.mulf %mul3A_258, %sub3A_262 : vector<1x256xf32>
    %mul3A_264 = arith.constant 2.89061141 : f32
    %mul3A_265 = vector.broadcast %mul3A_264 : f32 to vector<1x256xf32>
    %mul3A_266 = arith.mulf %mul3A_265, %mul3A_223 : vector<1x256xf32>
    %mul3A_267 = arith.mulf %mul3A_266, %slice3A_219 : vector<1x256xf32>
    %mul3A_268 = arith.constant -0.457045794 : f32
    %mul3A_269 = vector.broadcast %mul3A_268 : f32 to vector<1x256xf32>
    %mul3A_270 = arith.mulf %mul3A_269, %slice3A_218 : vector<1x256xf32>
    %mul3A_271 = arith.constant 4.000000e+00 : f32
    %mul3A_272 = vector.broadcast %mul3A_271 : f32 to vector<1x256xf32>
    %mul3A_273 = arith.mulf %mul3A_272, %mul3A_222 : vector<1x256xf32>
    %sub3A_274 = arith.subf %mul3A_273, %mul3A_220 : vector<1x256xf32>
    %sub3A_275 = arith.subf %sub3A_274, %mul3A_221 : vector<1x256xf32>
    %mul3A_276 = arith.mulf %mul3A_270, %sub3A_275 : vector<1x256xf32>
    %mul3A_277 = arith.constant 0.373176336 : f32
    %mul3A_278 = vector.broadcast %mul3A_277 : f32 to vector<1x256xf32>
    %mul3A_279 = arith.mulf %mul3A_278, %slice3A_219 : vector<1x256xf32>
    %mul3A_280 = arith.constant 2.000000e+00 : f32
    %mul3A_281 = vector.broadcast %mul3A_280 : f32 to vector<1x256xf32>
    %mul3A_282 = arith.mulf %mul3A_281, %mul3A_222 : vector<1x256xf32>
    %mul3A_283 = arith.constant 3.000000e+00 : f32
    %mul3A_284 = vector.broadcast %mul3A_283 : f32 to vector<1x256xf32>
    %mul3A_285 = arith.mulf %mul3A_284, %mul3A_220 : vector<1x256xf32>
    %sub3A_286 = arith.subf %mul3A_282, %mul3A_285 : vector<1x256xf32>
    %mul3A_287 = arith.constant 3.000000e+00 : f32
    %mul3A_288 = vector.broadcast %mul3A_287 : f32 to vector<1x256xf32>
    %mul3A_289 = arith.mulf %mul3A_288, %mul3A_221 : vector<1x256xf32>
    %sub3A_290 = arith.subf %sub3A_286, %mul3A_289 : vector<1x256xf32>
    %mul3A_291 = arith.mulf %mul3A_279, %sub3A_290 : vector<1x256xf32>
    %mul3A_292 = arith.constant -0.457045794 : f32
    %mul3A_293 = vector.broadcast %mul3A_292 : f32 to vector<1x256xf32>
    %mul3A_294 = arith.mulf %mul3A_293, %slice3A_217 : vector<1x256xf32>
    %mul3A_295 = arith.constant 4.000000e+00 : f32
    %mul3A_296 = vector.broadcast %mul3A_295 : f32 to vector<1x256xf32>
    %mul3A_297 = arith.mulf %mul3A_296, %mul3A_222 : vector<1x256xf32>
    %sub3A_298 = arith.subf %mul3A_297, %mul3A_220 : vector<1x256xf32>
    %sub3A_299 = arith.subf %sub3A_298, %mul3A_221 : vector<1x256xf32>
    %mul3A_300 = arith.mulf %mul3A_294, %sub3A_299 : vector<1x256xf32>
    %mul3A_301 = arith.constant 1.44530571 : f32
    %mul3A_302 = vector.broadcast %mul3A_301 : f32 to vector<1x256xf32>
    %mul3A_303 = arith.mulf %mul3A_302, %slice3A_219 : vector<1x256xf32>
    %sub3A_304 = arith.subf %mul3A_220, %mul3A_221 : vector<1x256xf32>
    %mul3A_305 = arith.mulf %mul3A_303, %sub3A_304 : vector<1x256xf32>
    %mul3A_306 = arith.constant -0.590043604 : f32
    %mul3A_307 = vector.broadcast %mul3A_306 : f32 to vector<1x256xf32>
    %mul3A_308 = arith.mulf %mul3A_307, %slice3A_217 : vector<1x256xf32>
    %sub3A_309 = arith.subf %mul3A_220, %mul3A_221 : vector<1x256xf32>
    %sub3A_310 = arith.subf %sub3A_309, %mul3A_222 : vector<1x256xf32>
    %mul3A_311 = arith.mulf %mul3A_308, %sub3A_310 : vector<1x256xf32>
    %concatenate3A_312 = tpu.concatenate %mul3A_228, %mul3A_231, %mul3A_234, %mul3A_237, %mul3A_240, %mul3A_248, %mul3A_251, %mul3A_255, %mul3A_263, %mul3A_267, %mul3A_276, %mul3A_291, %mul3A_300, %mul3A_305, %mul3A_311 in 0 : vector<1x256xf32>, vector<1x256xf32>, vector<1x256xf32>, vector<1x256xf32>, vector<1x256xf32>, vector<1x256xf32>, vector<1x256xf32>, vector<1x256xf32>, vector<1x256xf32>, vector<1x256xf32>, vector<1x256xf32>, vector<1x256xf32>, vector<1x256xf32>, vector<1x256xf32>, vector<1x256xf32> -> vector<15x256xf32>
    %slice3A_313 = vector.extract_strided_slice %get3A_67 {offsets = [0, 0, 256], sizes = [1, 15, 256], strides = [1, 1, 1]} : vector<3x15x4096xf32> to vector<1x15x256xf32>
    %squeeze3A_314 = vector.shape_cast %slice3A_313 : vector<1x15x256xf32> to vector<15x256xf32>
    %mul3A_315 = arith.mulf %concatenate3A_312, %squeeze3A_314 : vector<15x256xf32>
    %reduce_sum3A_316 = arith.constant dense<0.000000e+00> : vector<256xf32>
    %reduce_sum3A_317 = vector.multi_reduction <add>, %mul3A_315, %reduce_sum3A_316 [0] : vector<15x256xf32> to vector<256xf32>
    %broadcast_in_dim3A_318 = vector.shape_cast %reduce_sum3A_317 : vector<256xf32> to vector<1x256xf32>
    %slice3A_319 = vector.extract_strided_slice %get3A_71 {offsets = [0, 0, 256], sizes = [1, 1, 256], strides = [1, 1, 1]} : vector<3x1x4096xf32> to vector<1x1x256xf32>
    %squeeze3A_320 = vector.shape_cast %slice3A_319 : vector<1x1x256xf32> to vector<1x256xf32>
    %mul3A_321 = arith.constant 0.282094806 : f32
    %mul3A_322 = vector.broadcast %mul3A_321 : f32 to vector<1x256xf32>
    %mul3A_323 = arith.mulf %mul3A_322, %squeeze3A_320 : vector<1x256xf32>
    %add3A_324 = arith.addf %broadcast_in_dim3A_318, %mul3A_323 : vector<1x256xf32>
    %slice3A_325 = vector.extract_strided_slice %get3A_67 {offsets = [1, 0, 256], sizes = [1, 15, 256], strides = [1, 1, 1]} : vector<3x15x4096xf32> to vector<1x15x256xf32>
    %squeeze3A_326 = vector.shape_cast %slice3A_325 : vector<1x15x256xf32> to vector<15x256xf32>
    %mul3A_327 = arith.mulf %concatenate3A_312, %squeeze3A_326 : vector<15x256xf32>
    %reduce_sum3A_328 = arith.constant dense<0.000000e+00> : vector<256xf32>
    %reduce_sum3A_329 = vector.multi_reduction <add>, %mul3A_327, %reduce_sum3A_328 [0] : vector<15x256xf32> to vector<256xf32>
    %broadcast_in_dim3A_330 = vector.shape_cast %reduce_sum3A_329 : vector<256xf32> to vector<1x256xf32>
    %slice3A_331 = vector.extract_strided_slice %get3A_71 {offsets = [1, 0, 256], sizes = [1, 1, 256], strides = [1, 1, 1]} : vector<3x1x4096xf32> to vector<1x1x256xf32>
    %squeeze3A_332 = vector.shape_cast %slice3A_331 : vector<1x1x256xf32> to vector<1x256xf32>
    %mul3A_333 = arith.constant 0.282094806 : f32
    %mul3A_334 = vector.broadcast %mul3A_333 : f32 to vector<1x256xf32>
    %mul3A_335 = arith.mulf %mul3A_334, %squeeze3A_332 : vector<1x256xf32>
    %add3A_336 = arith.addf %broadcast_in_dim3A_330, %mul3A_335 : vector<1x256xf32>
    %slice3A_337 = vector.extract_strided_slice %get3A_67 {offsets = [2, 0, 256], sizes = [1, 15, 256], strides = [1, 1, 1]} : vector<3x15x4096xf32> to vector<1x15x256xf32>
    %squeeze3A_338 = vector.shape_cast %slice3A_337 : vector<1x15x256xf32> to vector<15x256xf32>
    %mul3A_339 = arith.mulf %concatenate3A_312, %squeeze3A_338 : vector<15x256xf32>
    %reduce_sum3A_340 = arith.constant dense<0.000000e+00> : vector<256xf32>
    %reduce_sum3A_341 = vector.multi_reduction <add>, %mul3A_339, %reduce_sum3A_340 [0] : vector<15x256xf32> to vector<256xf32>
    %broadcast_in_dim3A_342 = vector.shape_cast %reduce_sum3A_341 : vector<256xf32> to vector<1x256xf32>
    %slice3A_343 = vector.extract_strided_slice %get3A_71 {offsets = [2, 0, 256], sizes = [1, 1, 256], strides = [1, 1, 1]} : vector<3x1x4096xf32> to vector<1x1x256xf32>
    %squeeze3A_344 = vector.shape_cast %slice3A_343 : vector<1x1x256xf32> to vector<1x256xf32>
    %mul3A_345 = arith.constant 0.282094806 : f32
    %mul3A_346 = vector.broadcast %mul3A_345 : f32 to vector<1x256xf32>
    %mul3A_347 = arith.mulf %mul3A_346, %squeeze3A_344 : vector<1x256xf32>
    %add3A_348 = arith.addf %broadcast_in_dim3A_342, %mul3A_347 : vector<1x256xf32>
    %concatenate3A_349 = tpu.concatenate %add3A_324, %add3A_336, %add3A_348 in 0 : vector<1x256xf32>, vector<1x256xf32>, vector<1x256xf32> -> vector<3x256xf32>
    %add3A_350 = arith.constant 5.000000e-01 : f32
    %add3A_351 = vector.broadcast %add3A_350 : f32 to vector<3x256xf32>
    %add3A_352 = arith.addf %concatenate3A_349, %add3A_351 : vector<3x256xf32>
    %max3A_353 = arith.constant 0.000000e+00 : f32
    %max3A_354 = vector.broadcast %max3A_353 : f32 to vector<3x256xf32>
    %max3A_355 = arith.maximumf %add3A_352, %max3A_354 : vector<3x256xf32>
    %swap3A_356 = arith.constant 1 : index
    %swap3A_357 = arith.constant 10 : index
    %swap3A_358 = arith.constant 0 : index
    %swap3A_359 = vector.load %arg8[%swap3A_356, %swap3A_357, %swap3A_358] : memref<16x14x256xf32, #tpu.memory_space<vmem>>, vector<1x3x256xf32>
    %swap3A_360 = vector.shape_cast %swap3A_359 : vector<1x3x256xf32> to vector<3x256xf32>
    %swap3A_361 = vector.shape_cast %max3A_355 : vector<3x256xf32> to vector<1x3x256xf32>
    tpu.vector_store %arg8[%swap3A_356, %swap3A_357, %swap3A_358], %swap3A_361 {strides = array<i32>} : memref<16x14x256xf32, #tpu.memory_space<vmem>>, vector<1x3x256xf32>,
    %slice3A_362 = vector.extract_strided_slice %mul3A_63 {offsets = [2, 0, 0], sizes = [1, 3, 256], strides = [1, 1, 1]} : vector<16x3x256xf32> to vector<1x3x256xf32>
    %squeeze3A_363 = vector.shape_cast %slice3A_362 : vector<1x3x256xf32> to vector<3x256xf32>
    %slice3A_364 = vector.extract_strided_slice %squeeze3A_363 {offsets = [0, 0], sizes = [1, 256], strides = [1, 1]} : vector<3x256xf32> to vector<1x256xf32>
    %slice3A_365 = vector.extract_strided_slice %squeeze3A_363 {offsets = [1, 0], sizes = [1, 256], strides = [1, 1]} : vector<3x256xf32> to vector<1x256xf32>
    %slice3A_366 = vector.extract_strided_slice %squeeze3A_363 {offsets = [2, 0], sizes = [1, 256], strides = [1, 1]} : vector<3x256xf32> to vector<1x256xf32>
    %mul3A_367 = arith.mulf %slice3A_364, %slice3A_364 : vector<1x256xf32>
    %mul3A_368 = arith.mulf %slice3A_365, %slice3A_365 : vector<1x256xf32>
    %mul3A_369 = arith.mulf %slice3A_366, %slice3A_366 : vector<1x256xf32>
    %mul3A_370 = arith.mulf %slice3A_364, %slice3A_365 : vector<1x256xf32>
    %mul3A_371 = arith.mulf %slice3A_365, %slice3A_366 : vector<1x256xf32>
    %mul3A_372 = arith.mulf %slice3A_364, %slice3A_366 : vector<1x256xf32>
    %mul3A_373 = arith.constant -0.488602519 : f32
    %mul3A_374 = vector.broadcast %mul3A_373 : f32 to vector<1x256xf32>
    %mul3A_375 = arith.mulf %mul3A_374, %slice3A_365 : vector<1x256xf32>
    %mul3A_376 = arith.constant 0.488602519 : f32
    %mul3A_377 = vector.broadcast %mul3A_376 : f32 to vector<1x256xf32>
    %mul3A_378 = arith.mulf %mul3A_377, %slice3A_366 : vector<1x256xf32>
    %mul3A_379 = arith.constant -0.488602519 : f32
    %mul3A_380 = vector.broadcast %mul3A_379 : f32 to vector<1x256xf32>
    %mul3A_381 = arith.mulf %mul3A_380, %slice3A_364 : vector<1x256xf32>
    %mul3A_382 = arith.constant 1.09254849 : f32
    %mul3A_383 = vector.broadcast %mul3A_382 : f32 to vector<1x256xf32>
    %mul3A_384 = arith.mulf %mul3A_383, %mul3A_370 : vector<1x256xf32>
    %mul3A_385 = arith.constant -1.09254849 : f32
    %mul3A_386 = vector.broadcast %mul3A_385 : f32 to vector<1x256xf32>
    %mul3A_387 = arith.mulf %mul3A_386, %mul3A_371 : vector<1x256xf32>
    %mul3A_388 = arith.constant 2.000000e+00 : f32
    %mul3A_389 = vector.broadcast %mul3A_388 : f32 to vector<1x256xf32>
    %mul3A_390 = arith.mulf %mul3A_389, %mul3A_369 : vector<1x256xf32>
    %sub3A_391 = arith.subf %mul3A_390, %mul3A_367 : vector<1x256xf32>
    %sub3A_392 = arith.subf %sub3A_391, %mul3A_368 : vector<1x256xf32>
    %mul3A_393 = arith.constant 0.31539157 : f32
    %mul3A_394 = vector.broadcast %mul3A_393 : f32 to vector<1x256xf32>
    %mul3A_395 = arith.mulf %mul3A_394, %sub3A_392 : vector<1x256xf32>
    %mul3A_396 = arith.constant -1.09254849 : f32
    %mul3A_397 = vector.broadcast %mul3A_396 : f32 to vector<1x256xf32>
    %mul3A_398 = arith.mulf %mul3A_397, %mul3A_372 : vector<1x256xf32>
    %sub3A_399 = arith.subf %mul3A_367, %mul3A_368 : vector<1x256xf32>
    %mul3A_400 = arith.constant 0.546274245 : f32
    %mul3A_401 = vector.broadcast %mul3A_400 : f32 to vector<1x256xf32>
    %mul3A_402 = arith.mulf %mul3A_401, %sub3A_399 : vector<1x256xf32>
    %mul3A_403 = arith.constant -0.590043604 : f32
    %mul3A_404 = vector.broadcast %mul3A_403 : f32 to vector<1x256xf32>
    %mul3A_405 = arith.mulf %mul3A_404, %slice3A_365 : vector<1x256xf32>
    %mul3A_406 = arith.constant 3.000000e+00 : f32
    %mul3A_407 = vector.broadcast %mul3A_406 : f32 to vector<1x256xf32>
    %mul3A_408 = arith.mulf %mul3A_407, %mul3A_367 : vector<1x256xf32>
    %sub3A_409 = arith.subf %mul3A_408, %mul3A_368 : vector<1x256xf32>
    %mul3A_410 = arith.mulf %mul3A_405, %sub3A_409 : vector<1x256xf32>
    %mul3A_411 = arith.constant 2.89061141 : f32
    %mul3A_412 = vector.broadcast %mul3A_411 : f32 to vector<1x256xf32>
    %mul3A_413 = arith.mulf %mul3A_412, %mul3A_370 : vector<1x256xf32>
    %mul3A_414 = arith.mulf %mul3A_413, %slice3A_366 : vector<1x256xf32>
    %mul3A_415 = arith.constant -0.457045794 : f32
    %mul3A_416 = vector.broadcast %mul3A_415 : f32 to vector<1x256xf32>
    %mul3A_417 = arith.mulf %mul3A_416, %slice3A_365 : vector<1x256xf32>
    %mul3A_418 = arith.constant 4.000000e+00 : f32
    %mul3A_419 = vector.broadcast %mul3A_418 : f32 to vector<1x256xf32>
    %mul3A_420 = arith.mulf %mul3A_419, %mul3A_369 : vector<1x256xf32>
    %sub3A_421 = arith.subf %mul3A_420, %mul3A_367 : vector<1x256xf32>
    %sub3A_422 = arith.subf %sub3A_421, %mul3A_368 : vector<1x256xf32>
    %mul3A_423 = arith.mulf %mul3A_417, %sub3A_422 : vector<1x256xf32>
    %mul3A_424 = arith.constant 0.373176336 : f32
    %mul3A_425 = vector.broadcast %mul3A_424 : f32 to vector<1x256xf32>
    %mul3A_426 = arith.mulf %mul3A_425, %slice3A_366 : vector<1x256xf32>
    %mul3A_427 = arith.constant 2.000000e+00 : f32
    %mul3A_428 = vector.broadcast %mul3A_427 : f32 to vector<1x256xf32>
    %mul3A_429 = arith.mulf %mul3A_428, %mul3A_369 : vector<1x256xf32>
    %mul3A_430 = arith.constant 3.000000e+00 : f32
    %mul3A_431 = vector.broadcast %mul3A_430 : f32 to vector<1x256xf32>
    %mul3A_432 = arith.mulf %mul3A_431, %mul3A_367 : vector<1x256xf32>
    %sub3A_433 = arith.subf %mul3A_429, %mul3A_432 : vector<1x256xf32>
    %mul3A_434 = arith.constant 3.000000e+00 : f32
    %mul3A_435 = vector.broadcast %mul3A_434 : f32 to vector<1x256xf32>
    %mul3A_436 = arith.mulf %mul3A_435, %mul3A_368 : vector<1x256xf32>
    %sub3A_437 = arith.subf %sub3A_433, %mul3A_436 : vector<1x256xf32>
    %mul3A_438 = arith.mulf %mul3A_426, %sub3A_437 : vector<1x256xf32>
    %mul3A_439 = arith.constant -0.457045794 : f32
    %mul3A_440 = vector.broadcast %mul3A_439 : f32 to vector<1x256xf32>
    %mul3A_441 = arith.mulf %mul3A_440, %slice3A_364 : vector<1x256xf32>
    %mul3A_442 = arith.constant 4.000000e+00 : f32
    %mul3A_443 = vector.broadcast %mul3A_442 : f32 to vector<1x256xf32>
    %mul3A_444 = arith.mulf %mul3A_443, %mul3A_369 : vector<1x256xf32>
    %sub3A_445 = arith.subf %mul3A_444, %mul3A_367 : vector<1x256xf32>
    %sub3A_446 = arith.subf %sub3A_445, %mul3A_368 : vector<1x256xf32>
    %mul3A_447 = arith.mulf %mul3A_441, %sub3A_446 : vector<1x256xf32>
    %mul3A_448 = arith.constant 1.44530571 : f32
    %mul3A_449 = vector.broadcast %mul3A_448 : f32 to vector<1x256xf32>
    %mul3A_450 = arith.mulf %mul3A_449, %slice3A_366 : vector<1x256xf32>
    %sub3A_451 = arith.subf %mul3A_367, %mul3A_368 : vector<1x256xf32>
    %mul3A_452 = arith.mulf %mul3A_450, %sub3A_451 : vector<1x256xf32>
    %mul3A_453 = arith.constant -0.590043604 : f32
    %mul3A_454 = vector.broadcast %mul3A_453 : f32 to vector<1x256xf32>
    %mul3A_455 = arith.mulf %mul3A_454, %slice3A_364 : vector<1x256xf32>
    %sub3A_456 = arith.subf %mul3A_367, %mul3A_368 : vector<1x256xf32>
    %sub3A_457 = arith.subf %sub3A_456, %mul3A_369 : vector<1x256xf32>
    %mul3A_458 = arith.mulf %mul3A_455, %sub3A_457 : vector<1x256xf32>
    %concatenate3A_459 = tpu.concatenate %mul3A_375, %mul3A_378, %mul3A_381, %mul3A_384, %mul3A_387, %mul3A_395, %mul3A_398, %mul3A_402, %mul3A_410, %mul3A_414, %mul3A_423, %mul3A_438, %mul3A_447, %mul3A_452, %mul3A_458 in 0 : vector<1x256xf32>, vector<1x256xf32>, vector<1x256xf32>, vector<1x256xf32>, vector<1x256xf32>, vector<1x256xf32>, vector<1x256xf32>, vector<1x256xf32>, vector<1x256xf32>, vector<1x256xf32>, vector<1x256xf32>, vector<1x256xf32>, vector<1x256xf32>, vector<1x256xf32>, vector<1x256xf32> -> vector<15x256xf32>
    %slice3A_460 = vector.extract_strided_slice %get3A_67 {offsets = [0, 0, 512], sizes = [1, 15, 256], strides = [1, 1, 1]} : vector<3x15x4096xf32> to vector<1x15x256xf32>
    %squeeze3A_461 = vector.shape_cast %slice3A_460 : vector<1x15x256xf32> to vector<15x256xf32>
    %mul3A_462 = arith.mulf %concatenate3A_459, %squeeze3A_461 : vector<15x256xf32>
    %reduce_sum3A_463 = arith.constant dense<0.000000e+00> : vector<256xf32>
    %reduce_sum3A_464 = vector.multi_reduction <add>, %mul3A_462, %reduce_sum3A_463 [0] : vector<15x256xf32> to vector<256xf32>
    %broadcast_in_dim3A_465 = vector.shape_cast %reduce_sum3A_464 : vector<256xf32> to vector<1x256xf32>
    %slice3A_466 = vector.extract_strided_slice %get3A_71 {offsets = [0, 0, 512], sizes = [1, 1, 256], strides = [1, 1, 1]} : vector<3x1x4096xf32> to vector<1x1x256xf32>
    %squeeze3A_467 = vector.shape_cast %slice3A_466 : vector<1x1x256xf32> to vector<1x256xf32>
    %mul3A_468 = arith.constant 0.282094806 : f32
    %mul3A_469 = vector.broadcast %mul3A_468 : f32 to vector<1x256xf32>
    %mul3A_470 = arith.mulf %mul3A_469, %squeeze3A_467 : vector<1x256xf32>
    %add3A_471 = arith.addf %broadcast_in_dim3A_465, %mul3A_470 : vector<1x256xf32>
    %slice3A_472 = vector.extract_strided_slice %get3A_67 {offsets = [1, 0, 512], sizes = [1, 15, 256], strides = [1, 1, 1]} : vector<3x15x4096xf32> to vector<1x15x256xf32>
    %squeeze3A_473 = vector.shape_cast %slice3A_472 : vector<1x15x256xf32> to vector<15x256xf32>
    %mul3A_474 = arith.mulf %concatenate3A_459, %squeeze3A_473 : vector<15x256xf32>
    %reduce_sum3A_475 = arith.constant dense<0.000000e+00> : vector<256xf32>
    %reduce_sum3A_476 = vector.multi_reduction <add>, %mul3A_474, %reduce_sum3A_475 [0] : vector<15x256xf32> to vector<256xf32>
    %broadcast_in_dim3A_477 = vector.shape_cast %reduce_sum3A_476 : vector<256xf32> to vector<1x256xf32>
    %slice3A_478 = vector.extract_strided_slice %get3A_71 {offsets = [1, 0, 512], sizes = [1, 1, 256], strides = [1, 1, 1]} : vector<3x1x4096xf32> to vector<1x1x256xf32>
    %squeeze3A_479 = vector.shape_cast %slice3A_478 : vector<1x1x256xf32> to vector<1x256xf32>
    %mul3A_480 = arith.constant 0.282094806 : f32
    %mul3A_481 = vector.broadcast %mul3A_480 : f32 to vector<1x256xf32>
    %mul3A_482 = arith.mulf %mul3A_481, %squeeze3A_479 : vector<1x256xf32>
    %add3A_483 = arith.addf %broadcast_in_dim3A_477, %mul3A_482 : vector<1x256xf32>
    %slice3A_484 = vector.extract_strided_slice %get3A_67 {offsets = [2, 0, 512], sizes = [1, 15, 256], strides = [1, 1, 1]} : vector<3x15x4096xf32> to vector<1x15x256xf32>
    %squeeze3A_485 = vector.shape_cast %slice3A_484 : vector<1x15x256xf32> to vector<15x256xf32>
    %mul3A_486 = arith.mulf %concatenate3A_459, %squeeze3A_485 : vector<15x256xf32>
    %reduce_sum3A_487 = arith.constant dense<0.000000e+00> : vector<256xf32>
    %reduce_sum3A_488 = vector.multi_reduction <add>, %mul3A_486, %reduce_sum3A_487 [0] : vector<15x256xf32> to vector<256xf32>
    %broadcast_in_dim3A_489 = vector.shape_cast %reduce_sum3A_488 : vector<256xf32> to vector<1x256xf32>
    %slice3A_490 = vector.extract_strided_slice %get3A_71 {offsets = [2, 0, 512], sizes = [1, 1, 256], strides = [1, 1, 1]} : vector<3x1x4096xf32> to vector<1x1x256xf32>
    %squeeze3A_491 = vector.shape_cast %slice3A_490 : vector<1x1x256xf32> to vector<1x256xf32>
    %mul3A_492 = arith.constant 0.282094806 : f32
    %mul3A_493 = vector.broadcast %mul3A_492 : f32 to vector<1x256xf32>
    %mul3A_494 = arith.mulf %mul3A_493, %squeeze3A_491 : vector<1x256xf32>
    %add3A_495 = arith.addf %broadcast_in_dim3A_489, %mul3A_494 : vector<1x256xf32>
    %concatenate3A_496 = tpu.concatenate %add3A_471, %add3A_483, %add3A_495 in 0 : vector<1x256xf32>, vector<1x256xf32>, vector<1x256xf32> -> vector<3x256xf32>
    %add3A_497 = arith.constant 5.000000e-01 : f32
    %add3A_498 = vector.broadcast %add3A_497 : f32 to vector<3x256xf32>
    %add3A_499 = arith.addf %concatenate3A_496, %add3A_498 : vector<3x256xf32>
    %max3A_500 = arith.constant 0.000000e+00 : f32
    %max3A_501 = vector.broadcast %max3A_500 : f32 to vector<3x256xf32>
    %max3A_502 = arith.maximumf %add3A_499, %max3A_501 : vector<3x256xf32>
    %swap3A_503 = arith.constant 2 : index
    %swap3A_504 = arith.constant 10 : index
    %swap3A_505 = arith.constant 0 : index
    %swap3A_506 = vector.load %arg8[%swap3A_503, %swap3A_504, %swap3A_505] : memref<16x14x256xf32, #tpu.memory_space<vmem>>, vector<1x3x256xf32>
    %swap3A_507 = vector.shape_cast %swap3A_506 : vector<1x3x256xf32> to vector<3x256xf32>
    %swap3A_508 = vector.shape_cast %max3A_502 : vector<3x256xf32> to vector<1x3x256xf32>
    tpu.vector_store %arg8[%swap3A_503, %swap3A_504, %swap3A_505], %swap3A_508 {strides = array<i32>} : memref<16x14x256xf32, #tpu.memory_space<vmem>>, vector<1x3x256xf32>,
    %slice3A_509 = vector.extract_strided_slice %mul3A_63 {offsets = [3, 0, 0], sizes = [1, 3, 256], strides = [1, 1, 1]} : vector<16x3x256xf32> to vector<1x3x256xf32>
    %squeeze3A_510 = vector.shape_cast %slice3A_509 : vector<1x3x256xf32> to vector<3x256xf32>
    %slice3A_511 = vector.extract_strided_slice %squeeze3A_510 {offsets = [0, 0], sizes = [1, 256], strides = [1, 1]} : vector<3x256xf32> to vector<1x256xf32>
    %slice3A_512 = vector.extract_strided_slice %squeeze3A_510 {offsets = [1, 0], sizes = [1, 256], strides = [1, 1]} : vector<3x256xf32> to vector<1x256xf32>
    %slice3A_513 = vector.extract_strided_slice %squeeze3A_510 {offsets = [2, 0], sizes = [1, 256], strides = [1, 1]} : vector<3x256xf32> to vector<1x256xf32>
    %mul3A_514 = arith.mulf %slice3A_511, %slice3A_511 : vector<1x256xf32>
    %mul3A_515 = arith.mulf %slice3A_512, %slice3A_512 : vector<1x256xf32>
    %mul3A_516 = arith.mulf %slice3A_513, %slice3A_513 : vector<1x256xf32>
    %mul3A_517 = arith.mulf %slice3A_511, %slice3A_512 : vector<1x256xf32>
    %mul3A_518 = arith.mulf %slice3A_512, %slice3A_513 : vector<1x256xf32>
    %mul3A_519 = arith.mulf %slice3A_511, %slice3A_513 : vector<1x256xf32>
    %mul3A_520 = arith.constant -0.488602519 : f32
    %mul3A_521 = vector.broadcast %mul3A_520 : f32 to vector<1x256xf32>
    %mul3A_522 = arith.mulf %mul3A_521, %slice3A_512 : vector<1x256xf32>
    %mul3A_523 = arith.constant 0.488602519 : f32
    %mul3A_524 = vector.broadcast %mul3A_523 : f32 to vector<1x256xf32>
    %mul3A_525 = arith.mulf %mul3A_524, %slice3A_513 : vector<1x256xf32>
    %mul3A_526 = arith.constant -0.488602519 : f32
    %mul3A_527 = vector.broadcast %mul3A_526 : f32 to vector<1x256xf32>
    %mul3A_528 = arith.mulf %mul3A_527, %slice3A_511 : vector<1x256xf32>
    %mul3A_529 = arith.constant 1.09254849 : f32
    %mul3A_530 = vector.broadcast %mul3A_529 : f32 to vector<1x256xf32>
    %mul3A_531 = arith.mulf %mul3A_530, %mul3A_517 : vector<1x256xf32>
    %mul3A_532 = arith.constant -1.09254849 : f32
    %mul3A_533 = vector.broadcast %mul3A_532 : f32 to vector<1x256xf32>
    %mul3A_534 = arith.mulf %mul3A_533, %mul3A_518 : vector<1x256xf32>
    %mul3A_535 = arith.constant 2.000000e+00 : f32
    %mul3A_536 = vector.broadcast %mul3A_535 : f32 to vector<1x256xf32>
    %mul3A_537 = arith.mulf %mul3A_536, %mul3A_516 : vector<1x256xf32>
    %sub3A_538 = arith.subf %mul3A_537, %mul3A_514 : vector<1x256xf32>
    %sub3A_539 = arith.subf %sub3A_538, %mul3A_515 : vector<1x256xf32>
    %mul3A_540 = arith.constant 0.31539157 : f32
    %mul3A_541 = vector.broadcast %mul3A_540 : f32 to vector<1x256xf32>
    %mul3A_542 = arith.mulf %mul3A_541, %sub3A_539 : vector<1x256xf32>
    %mul3A_543 = arith.constant -1.09254849 : f32
    %mul3A_544 = vector.broadcast %mul3A_543 : f32 to vector<1x256xf32>
    %mul3A_545 = arith.mulf %mul3A_544, %mul3A_519 : vector<1x256xf32>
    %sub3A_546 = arith.subf %mul3A_514, %mul3A_515 : vector<1x256xf32>
    %mul3A_547 = arith.constant 0.546274245 : f32
    %mul3A_548 = vector.broadcast %mul3A_547 : f32 to vector<1x256xf32>
    %mul3A_549 = arith.mulf %mul3A_548, %sub3A_546 : vector<1x256xf32>
    %mul3A_550 = arith.constant -0.590043604 : f32
    %mul3A_551 = vector.broadcast %mul3A_550 : f32 to vector<1x256xf32>
    %mul3A_552 = arith.mulf %mul3A_551, %slice3A_512 : vector<1x256xf32>
    %mul3A_553 = arith.constant 3.000000e+00 : f32
    %mul3A_554 = vector.broadcast %mul3A_553 : f32 to vector<1x256xf32>
    %mul3A_555 = arith.mulf %mul3A_554, %mul3A_514 : vector<1x256xf32>
    %sub3A_556 = arith.subf %mul3A_555, %mul3A_515 : vector<1x256xf32>
    %mul3A_557 = arith.mulf %mul3A_552, %sub3A_556 : vector<1x256xf32>
    %mul3A_558 = arith.constant 2.89061141 : f32
    %mul3A_559 = vector.broadcast %mul3A_558 : f32 to vector<1x256xf32>
    %mul3A_560 = arith.mulf %mul3A_559, %mul3A_517 : vector<1x256xf32>
    %mul3A_561 = arith.mulf %mul3A_560, %slice3A_513 : vector<1x256xf32>
    %mul3A_562 = arith.constant -0.457045794 : f32
    %mul3A_563 = vector.broadcast %mul3A_562 : f32 to vector<1x256xf32>
    %mul3A_564 = arith.mulf %mul3A_563, %slice3A_512 : vector<1x256xf32>
    %mul3A_565 = arith.constant 4.000000e+00 : f32
    %mul3A_566 = vector.broadcast %mul3A_565 : f32 to vector<1x256xf32>
    %mul3A_567 = arith.mulf %mul3A_566, %mul3A_516 : vector<1x256xf32>
    %sub3A_568 = arith.subf %mul3A_567, %mul3A_514 : vector<1x256xf32>
    %sub3A_569 = arith.subf %sub3A_568, %mul3A_515 : vector<1x256xf32>
    %mul3A_570 = arith.mulf %mul3A_564, %sub3A_569 : vector<1x256xf32>
    %mul3A_571 = arith.constant 0.373176336 : f32
    %mul3A_572 = vector.broadcast %mul3A_571 : f32 to vector<1x256xf32>
    %mul3A_573 = arith.mulf %mul3A_572, %slice3A_513 : vector<1x256xf32>
    %mul3A_574 = arith.constant 2.000000e+00 : f32
    %mul3A_575 = vector.broadcast %mul3A_574 : f32 to vector<1x256xf32>
    %mul3A_576 = arith.mulf %mul3A_575, %mul3A_516 : vector<1x256xf32>
    %mul3A_577 = arith.constant 3.000000e+00 : f32
    %mul3A_578 = vector.broadcast %mul3A_577 : f32 to vector<1x256xf32>
    %mul3A_579 = arith.mulf %mul3A_578, %mul3A_514 : vector<1x256xf32>
    %sub3A_580 = arith.subf %mul3A_576, %mul3A_579 : vector<1x256xf32>
    %mul3A_581 = arith.constant 3.000000e+00 : f32
    %mul3A_582 = vector.broadcast %mul3A_581 : f32 to vector<1x256xf32>
    %mul3A_583 = arith.mulf %mul3A_582, %mul3A_515 : vector<1x256xf32>
    %sub3A_584 = arith.subf %sub3A_580, %mul3A_583 : vector<1x256xf32>
    %mul3A_585 = arith.mulf %mul3A_573, %sub3A_584 : vector<1x256xf32>
    %mul3A_586 = arith.constant -0.457045794 : f32
    %mul3A_587 = vector.broadcast %mul3A_586 : f32 to vector<1x256xf32>
    %mul3A_588 = arith.mulf %mul3A_587, %slice3A_511 : vector<1x256xf32>
    %mul3A_589 = arith.constant 4.000000e+00 : f32
    %mul3A_590 = vector.broadcast %mul3A_589 : f32 to vector<1x256xf32>
    %mul3A_591 = arith.mulf %mul3A_590, %mul3A_516 : vector<1x256xf32>
    %sub3A_592 = arith.subf %mul3A_591, %mul3A_514 : vector<1x256xf32>
    %sub3A_593 = arith.subf %sub3A_592, %mul3A_515 : vector<1x256xf32>
    %mul3A_594 = arith.mulf %mul3A_588, %sub3A_593 : vector<1x256xf32>
    %mul3A_595 = arith.constant 1.44530571 : f32
    %mul3A_596 = vector.broadcast %mul3A_595 : f32 to vector<1x256xf32>
    %mul3A_597 = arith.mulf %mul3A_596, %slice3A_513 : vector<1x256xf32>
    %sub3A_598 = arith.subf %mul3A_514, %mul3A_515 : vector<1x256xf32>
    %mul3A_599 = arith.mulf %mul3A_597, %sub3A_598 : vector<1x256xf32>
    %mul3A_600 = arith.constant -0.590043604 : f32
    %mul3A_601 = vector.broadcast %mul3A_600 : f32 to vector<1x256xf32>
    %mul3A_602 = arith.mulf %mul3A_601, %slice3A_511 : vector<1x256xf32>
    %sub3A_603 = arith.subf %mul3A_514, %mul3A_515 : vector<1x256xf32>
    %sub3A_604 = arith.subf %sub3A_603, %mul3A_516 : vector<1x256xf32>
    %mul3A_605 = arith.mulf %mul3A_602, %sub3A_604 : vector<1x256xf32>
    %concatenate3A_606 = tpu.concatenate %mul3A_522, %mul3A_525, %mul3A_528, %mul3A_531, %mul3A_534, %mul3A_542, %mul3A_545, %mul3A_549, %mul3A_557, %mul3A_561, %mul3A_570, %mul3A_585, %mul3A_594, %mul3A_599, %mul3A_605 in 0 : vector<1x256xf32>, vector<1x256xf32>, vector<1x256xf32>, vector<1x256xf32>, vector<1x256xf32>, vector<1x256xf32>, vector<1x256xf32>, vector<1x256xf32>, vector<1x256xf32>, vector<1x256xf32>, vector<1x256xf32>, vector<1x256xf32>, vector<1x256xf32>, vector<1x256xf32>, vector<1x256xf32> -> vector<15x256xf32>
    %slice3A_607 = vector.extract_strided_slice %get3A_67 {offsets = [0, 0, 768], sizes = [1, 15, 256], strides = [1, 1, 1]} : vector<3x15x4096xf32> to vector<1x15x256xf32>
    %squeeze3A_608 = vector.shape_cast %slice3A_607 : vector<1x15x256xf32> to vector<15x256xf32>
    %mul3A_609 = arith.mulf %concatenate3A_606, %squeeze3A_608 : vector<15x256xf32>
    %reduce_sum3A_610 = arith.constant dense<0.000000e+00> : vector<256xf32>
    %reduce_sum3A_611 = vector.multi_reduction <add>, %mul3A_609, %reduce_sum3A_610 [0] : vector<15x256xf32> to vector<256xf32>
    %broadcast_in_dim3A_612 = vector.shape_cast %reduce_sum3A_611 : vector<256xf32> to vector<1x256xf32>
    %slice3A_613 = vector.extract_strided_slice %get3A_71 {offsets = [0, 0, 768], sizes = [1, 1, 256], strides = [1, 1, 1]} : vector<3x1x4096xf32> to vector<1x1x256xf32>
    %squeeze3A_614 = vector.shape_cast %slice3A_613 : vector<1x1x256xf32> to vector<1x256xf32>
    %mul3A_615 = arith.constant 0.282094806 : f32
    %mul3A_616 = vector.broadcast %mul3A_615 : f32 to vector<1x256xf32>
    %mul3A_617 = arith.mulf %mul3A_616, %squeeze3A_614 : vector<1x256xf32>
    %add3A_618 = arith.addf %broadcast_in_dim3A_612, %mul3A_617 : vector<1x256xf32>
    %slice3A_619 = vector.extract_strided_slice %get3A_67 {offsets = [1, 0, 768], sizes = [1, 15, 256], strides = [1, 1, 1]} : vector<3x15x4096xf32> to vector<1x15x256xf32>
    %squeeze3A_620 = vector.shape_cast %slice3A_619 : vector<1x15x256xf32> to vector<15x256xf32>
    %mul3A_621 = arith.mulf %concatenate3A_606, %squeeze3A_620 : vector<15x256xf32>
    %reduce_sum3A_622 = arith.constant dense<0.000000e+00> : vector<256xf32>
    %reduce_sum3A_623 = vector.multi_reduction <add>, %mul3A_621, %reduce_sum3A_622 [0] : vector<15x256xf32> to vector<256xf32>
    %broadcast_in_dim3A_624 = vector.shape_cast %reduce_sum3A_623 : vector<256xf32> to vector<1x256xf32>
    %slice3A_625 = vector.extract_strided_slice %get3A_71 {offsets = [1, 0, 768], sizes = [1, 1, 256], strides = [1, 1, 1]} : vector<3x1x4096xf32> to vector<1x1x256xf32>
    %squeeze3A_626 = vector.shape_cast %slice3A_625 : vector<1x1x256xf32> to vector<1x256xf32>
    %mul3A_627 = arith.constant 0.282094806 : f32
    %mul3A_628 = vector.broadcast %mul3A_627 : f32 to vector<1x256xf32>
    %mul3A_629 = arith.mulf %mul3A_628, %squeeze3A_626 : vector<1x256xf32>
    %add3A_630 = arith.addf %broadcast_in_dim3A_624, %mul3A_629 : vector<1x256xf32>
    %slice3A_631 = vector.extract_strided_slice %get3A_67 {offsets = [2, 0, 768], sizes = [1, 15, 256], strides = [1, 1, 1]} : vector<3x15x4096xf32> to vector<1x15x256xf32>
    %squeeze3A_632 = vector.shape_cast %slice3A_631 : vector<1x15x256xf32> to vector<15x256xf32>
    %mul3A_633 = arith.mulf %concatenate3A_606, %squeeze3A_632 : vector<15x256xf32>
    %reduce_sum3A_634 = arith.constant dense<0.000000e+00> : vector<256xf32>
    %reduce_sum3A_635 = vector.multi_reduction <add>, %mul3A_633, %reduce_sum3A_634 [0] : vector<15x256xf32> to vector<256xf32>
    %broadcast_in_dim3A_636 = vector.shape_cast %reduce_sum3A_635 : vector<256xf32> to vector<1x256xf32>
    %slice3A_637 = vector.extract_strided_slice %get3A_71 {offsets = [2, 0, 768], sizes = [1, 1, 256], strides = [1, 1, 1]} : vector<3x1x4096xf32> to vector<1x1x256xf32>
    %squeeze3A_638 = vector.shape_cast %slice3A_637 : vector<1x1x256xf32> to vector<1x256xf32>
    %mul3A_639 = arith.constant 0.282094806 : f32
    %mul3A_640 = vector.broadcast %mul3A_639 : f32 to vector<1x256xf32>
    %mul3A_641 = arith.mulf %mul3A_640, %squeeze3A_638 : vector<1x256xf32>
    %add3A_642 = arith.addf %broadcast_in_dim3A_636, %mul3A_641 : vector<1x256xf32>
    %concatenate3A_643 = tpu.concatenate %add3A_618, %add3A_630, %add3A_642 in 0 : vector<1x256xf32>, vector<1x256xf32>, vector<1x256xf32> -> vector<3x256xf32>
    %add3A_644 = arith.constant 5.000000e-01 : f32
    %add3A_645 = vector.broadcast %add3A_644 : f32 to vector<3x256xf32>
    %add3A_646 = arith.addf %concatenate3A_643, %add3A_645 : vector<3x256xf32>
    %max3A_647 = arith.constant 0.000000e+00 : f32
    %max3A_648 = vector.broadcast %max3A_647 : f32 to vector<3x256xf32>
    %max3A_649 = arith.maximumf %add3A_646, %max3A_648 : vector<3x256xf32>
    %swap3A_650 = arith.constant 3 : index
    %swap3A_651 = arith.constant 10 : index
    %swap3A_652 = arith.constant 0 : index
    %swap3A_653 = vector.load %arg8[%swap3A_650, %swap3A_651, %swap3A_652] : memref<16x14x256xf32, #tpu.memory_space<vmem>>, vector<1x3x256xf32>
    %swap3A_654 = vector.shape_cast %swap3A_653 : vector<1x3x256xf32> to vector<3x256xf32>
    %swap3A_655 = vector.shape_cast %max3A_649 : vector<3x256xf32> to vector<1x3x256xf32>
    tpu.vector_store %arg8[%swap3A_650, %swap3A_651, %swap3A_652], %swap3A_655 {strides = array<i32>} : memref<16x14x256xf32, #tpu.memory_space<vmem>>, vector<1x3x256xf32>,
    %slice3A_656 = vector.extract_strided_slice %mul3A_63 {offsets = [4, 0, 0], sizes = [1, 3, 256], strides = [1, 1, 1]} : vector<16x3x256xf32> to vector<1x3x256xf32>
    %squeeze3A_657 = vector.shape_cast %slice3A_656 : vector<1x3x256xf32> to vector<3x256xf32>
    %slice3A_658 = vector.extract_strided_slice %squeeze3A_657 {offsets = [0, 0], sizes = [1, 256], strides = [1, 1]} : vector<3x256xf32> to vector<1x256xf32>
    %slice3A_659 = vector.extract_strided_slice %squeeze3A_657 {offsets = [1, 0], sizes = [1, 256], strides = [1, 1]} : vector<3x256xf32> to vector<1x256xf32>
    %slice3A_660 = vector.extract_strided_slice %squeeze3A_657 {offsets = [2, 0], sizes = [1, 256], strides = [1, 1]} : vector<3x256xf32> to vector<1x256xf32>
    %mul3A_661 = arith.mulf %slice3A_658, %slice3A_658 : vector<1x256xf32>
    %mul3A_662 = arith.mulf %slice3A_659, %slice3A_659 : vector<1x256xf32>
    %mul3A_663 = arith.mulf %slice3A_660, %slice3A_660 : vector<1x256xf32>
    %mul3A_664 = arith.mulf %slice3A_658, %slice3A_659 : vector<1x256xf32>
    %mul3A_665 = arith.mulf %slice3A_659, %slice3A_660 : vector<1x256xf32>
    %mul3A_666 = arith.mulf %slice3A_658, %slice3A_660 : vector<1x256xf32>
    %mul3A_667 = arith.constant -0.488602519 : f32
    %mul3A_668 = vector.broadcast %mul3A_667 : f32 to vector<1x256xf32>
    %mul3A_669 = arith.mulf %mul3A_668, %slice3A_659 : vector<1x256xf32>
    %mul3A_670 = arith.constant 0.488602519 : f32
    %mul3A_671 = vector.broadcast %mul3A_670 : f32 to vector<1x256xf32>
    %mul3A_672 = arith.mulf %mul3A_671, %slice3A_660 : vector<1x256xf32>
    %mul3A_673 = arith.constant -0.488602519 : f32
    %mul3A_674 = vector.broadcast %mul3A_673 : f32 to vector<1x256xf32>
    %mul3A_675 = arith.mulf %mul3A_674, %slice3A_658 : vector<1x256xf32>
    %mul3A_676 = arith.constant 1.09254849 : f32
    %mul3A_677 = vector.broadcast %mul3A_676 : f32 to vector<1x256xf32>
    %mul3A_678 = arith.mulf %mul3A_677, %mul3A_664 : vector<1x256xf32>
    %mul3A_679 = arith.constant -1.09254849 : f32
    %mul3A_680 = vector.broadcast %mul3A_679 : f32 to vector<1x256xf32>
    %mul3A_681 = arith.mulf %mul3A_680, %mul3A_665 : vector<1x256xf32>
    %mul3A_682 = arith.constant 2.000000e+00 : f32
    %mul3A_683 = vector.broadcast %mul3A_682 : f32 to vector<1x256xf32>
    %mul3A_684 = arith.mulf %mul3A_683, %mul3A_663 : vector<1x256xf32>
    %sub3A_685 = arith.subf %mul3A_684, %mul3A_661 : vector<1x256xf32>
    %sub3A_686 = arith.subf %sub3A_685, %mul3A_662 : vector<1x256xf32>
    %mul3A_687 = arith.constant 0.31539157 : f32
    %mul3A_688 = vector.broadcast %mul3A_687 : f32 to vector<1x256xf32>
    %mul3A_689 = arith.mulf %mul3A_688, %sub3A_686 : vector<1x256xf32>
    %mul3A_690 = arith.constant -1.09254849 : f32
    %mul3A_691 = vector.broadcast %mul3A_690 : f32 to vector<1x256xf32>
    %mul3A_692 = arith.mulf %mul3A_691, %mul3A_666 : vector<1x256xf32>
    %sub3A_693 = arith.subf %mul3A_661, %mul3A_662 : vector<1x256xf32>
    %mul3A_694 = arith.constant 0.546274245 : f32
    %mul3A_695 = vector.broadcast %mul3A_694 : f32 to vector<1x256xf32>
    %mul3A_696 = arith.mulf %mul3A_695, %sub3A_693 : vector<1x256xf32>
    %mul3A_697 = arith.constant -0.590043604 : f32
    %mul3A_698 = vector.broadcast %mul3A_697 : f32 to vector<1x256xf32>
    %mul3A_699 = arith.mulf %mul3A_698, %slice3A_659 : vector<1x256xf32>
    %mul3A_700 = arith.constant 3.000000e+00 : f32
    %mul3A_701 = vector.broadcast %mul3A_700 : f32 to vector<1x256xf32>
    %mul3A_702 = arith.mulf %mul3A_701, %mul3A_661 : vector<1x256xf32>
    %sub3A_703 = arith.subf %mul3A_702, %mul3A_662 : vector<1x256xf32>
    %mul3A_704 = arith.mulf %mul3A_699, %sub3A_703 : vector<1x256xf32>
    %mul3A_705 = arith.constant 2.89061141 : f32
    %mul3A_706 = vector.broadcast %mul3A_705 : f32 to vector<1x256xf32>
    %mul3A_707 = arith.mulf %mul3A_706, %mul3A_664 : vector<1x256xf32>
    %mul3A_708 = arith.mulf %mul3A_707, %slice3A_660 : vector<1x256xf32>
    %mul3A_709 = arith.constant -0.457045794 : f32
    %mul3A_710 = vector.broadcast %mul3A_709 : f32 to vector<1x256xf32>
    %mul3A_711 = arith.mulf %mul3A_710, %slice3A_659 : vector<1x256xf32>
    %mul3A_712 = arith.constant 4.000000e+00 : f32
    %mul3A_713 = vector.broadcast %mul3A_712 : f32 to vector<1x256xf32>
    %mul3A_714 = arith.mulf %mul3A_713, %mul3A_663 : vector<1x256xf32>
    %sub3A_715 = arith.subf %mul3A_714, %mul3A_661 : vector<1x256xf32>
    %sub3A_716 = arith.subf %sub3A_715, %mul3A_662 : vector<1x256xf32>
    %mul3A_717 = arith.mulf %mul3A_711, %sub3A_716 : vector<1x256xf32>
    %mul3A_718 = arith.constant 0.373176336 : f32
    %mul3A_719 = vector.broadcast %mul3A_718 : f32 to vector<1x256xf32>
    %mul3A_720 = arith.mulf %mul3A_719, %slice3A_660 : vector<1x256xf32>
    %mul3A_721 = arith.constant 2.000000e+00 : f32
    %mul3A_722 = vector.broadcast %mul3A_721 : f32 to vector<1x256xf32>
    %mul3A_723 = arith.mulf %mul3A_722, %mul3A_663 : vector<1x256xf32>
    %mul3A_724 = arith.constant 3.000000e+00 : f32
    %mul3A_725 = vector.broadcast %mul3A_724 : f32 to vector<1x256xf32>
    %mul3A_726 = arith.mulf %mul3A_725, %mul3A_661 : vector<1x256xf32>
    %sub3A_727 = arith.subf %mul3A_723, %mul3A_726 : vector<1x256xf32>
    %mul3A_728 = arith.constant 3.000000e+00 : f32
    %mul3A_729 = vector.broadcast %mul3A_728 : f32 to vector<1x256xf32>
    %mul3A_730 = arith.mulf %mul3A_729, %mul3A_662 : vector<1x256xf32>
    %sub3A_731 = arith.subf %sub3A_727, %mul3A_730 : vector<1x256xf32>
    %mul3A_732 = arith.mulf %mul3A_720, %sub3A_731 : vector<1x256xf32>
    %mul3A_733 = arith.constant -0.457045794 : f32
    %mul3A_734 = vector.broadcast %mul3A_733 : f32 to vector<1x256xf32>
    %mul3A_735 = arith.mulf %mul3A_734, %slice3A_658 : vector<1x256xf32>
    %mul3A_736 = arith.constant 4.000000e+00 : f32
    %mul3A_737 = vector.broadcast %mul3A_736 : f32 to vector<1x256xf32>
    %mul3A_738 = arith.mulf %mul3A_737, %mul3A_663 : vector<1x256xf32>
    %sub3A_739 = arith.subf %mul3A_738, %mul3A_661 : vector<1x256xf32>
    %sub3A_740 = arith.subf %sub3A_739, %mul3A_662 : vector<1x256xf32>
    %mul3A_741 = arith.mulf %mul3A_735, %sub3A_740 : vector<1x256xf32>
    %mul3A_742 = arith.constant 1.44530571 : f32
    %mul3A_743 = vector.broadcast %mul3A_742 : f32 to vector<1x256xf32>
    %mul3A_744 = arith.mulf %mul3A_743, %slice3A_660 : vector<1x256xf32>
    %sub3A_745 = arith.subf %mul3A_661, %mul3A_662 : vector<1x256xf32>
    %mul3A_746 = arith.mulf %mul3A_744, %sub3A_745 : vector<1x256xf32>
    %mul3A_747 = arith.constant -0.590043604 : f32
    %mul3A_748 = vector.broadcast %mul3A_747 : f32 to vector<1x256xf32>
    %mul3A_749 = arith.mulf %mul3A_748, %slice3A_658 : vector<1x256xf32>
    %sub3A_750 = arith.subf %mul3A_661, %mul3A_662 : vector<1x256xf32>
    %sub3A_751 = arith.subf %sub3A_750, %mul3A_663 : vector<1x256xf32>
    %mul3A_752 = arith.mulf %mul3A_749, %sub3A_751 : vector<1x256xf32>
    %concatenate3A_753 = tpu.concatenate %mul3A_669, %mul3A_672, %mul3A_675, %mul3A_678, %mul3A_681, %mul3A_689, %mul3A_692, %mul3A_696, %mul3A_704, %mul3A_708, %mul3A_717, %mul3A_732, %mul3A_741, %mul3A_746, %mul3A_752 in 0 : vector<1x256xf32>, vector<1x256xf32>, vector<1x256xf32>, vector<1x256xf32>, vector<1x256xf32>, vector<1x256xf32>, vector<1x256xf32>, vector<1x256xf32>, vector<1x256xf32>, vector<1x256xf32>, vector<1x256xf32>, vector<1x256xf32>, vector<1x256xf32>, vector<1x256xf32>, vector<1x256xf32> -> vector<15x256xf32>
    %slice3A_754 = vector.extract_strided_slice %get3A_67 {offsets = [0, 0, 1024], sizes = [1, 15, 256], strides = [1, 1, 1]} : vector<3x15x4096xf32> to vector<1x15x256xf32>
    %squeeze3A_755 = vector.shape_cast %slice3A_754 : vector<1x15x256xf32> to vector<15x256xf32>
    %mul3A_756 = arith.mulf %concatenate3A_753, %squeeze3A_755 : vector<15x256xf32>
    %reduce_sum3A_757 = arith.constant dense<0.000000e+00> : vector<256xf32>
    %reduce_sum3A_758 = vector.multi_reduction <add>, %mul3A_756, %reduce_sum3A_757 [0] : vector<15x256xf32> to vector<256xf32>
    %broadcast_in_dim3A_759 = vector.shape_cast %reduce_sum3A_758 : vector<256xf32> to vector<1x256xf32>
    %slice3A_760 = vector.extract_strided_slice %get3A_71 {offsets = [0, 0, 1024], sizes = [1, 1, 256], strides = [1, 1, 1]} : vector<3x1x4096xf32> to vector<1x1x256xf32>
    %squeeze3A_761 = vector.shape_cast %slice3A_760 : vector<1x1x256xf32> to vector<1x256xf32>
    %mul3A_762 = arith.constant 0.282094806 : f32
    %mul3A_763 = vector.broadcast %mul3A_762 : f32 to vector<1x256xf32>
    %mul3A_764 = arith.mulf %mul3A_763, %squeeze3A_761 : vector<1x256xf32>
    %add3A_765 = arith.addf %broadcast_in_dim3A_759, %mul3A_764 : vector<1x256xf32>
    %slice3A_766 = vector.extract_strided_slice %get3A_67 {offsets = [1, 0, 1024], sizes = [1, 15, 256], strides = [1, 1, 1]} : vector<3x15x4096xf32> to vector<1x15x256xf32>
    %squeeze3A_767 = vector.shape_cast %slice3A_766 : vector<1x15x256xf32> to vector<15x256xf32>
    %mul3A_768 = arith.mulf %concatenate3A_753, %squeeze3A_767 : vector<15x256xf32>
    %reduce_sum3A_769 = arith.constant dense<0.000000e+00> : vector<256xf32>
    %reduce_sum3A_770 = vector.multi_reduction <add>, %mul3A_768, %reduce_sum3A_769 [0] : vector<15x256xf32> to vector<256xf32>
    %broadcast_in_dim3A_771 = vector.shape_cast %reduce_sum3A_770 : vector<256xf32> to vector<1x256xf32>
    %slice3A_772 = vector.extract_strided_slice %get3A_71 {offsets = [1, 0, 1024], sizes = [1, 1, 256], strides = [1, 1, 1]} : vector<3x1x4096xf32> to vector<1x1x256xf32>
    %squeeze3A_773 = vector.shape_cast %slice3A_772 : vector<1x1x256xf32> to vector<1x256xf32>
    %mul3A_774 = arith.constant 0.282094806 : f32
    %mul3A_775 = vector.broadcast %mul3A_774 : f32 to vector<1x256xf32>
    %mul3A_776 = arith.mulf %mul3A_775, %squeeze3A_773 : vector<1x256xf32>
    %add3A_777 = arith.addf %broadcast_in_dim3A_771, %mul3A_776 : vector<1x256xf32>
    %slice3A_778 = vector.extract_strided_slice %get3A_67 {offsets = [2, 0, 1024], sizes = [1, 15, 256], strides = [1, 1, 1]} : vector<3x15x4096xf32> to vector<1x15x256xf32>
    %squeeze3A_779 = vector.shape_cast %slice3A_778 : vector<1x15x256xf32> to vector<15x256xf32>
    %mul3A_780 = arith.mulf %concatenate3A_753, %squeeze3A_779 : vector<15x256xf32>
    %reduce_sum3A_781 = arith.constant dense<0.000000e+00> : vector<256xf32>
    %reduce_sum3A_782 = vector.multi_reduction <add>, %mul3A_780, %reduce_sum3A_781 [0] : vector<15x256xf32> to vector<256xf32>
    %broadcast_in_dim3A_783 = vector.shape_cast %reduce_sum3A_782 : vector<256xf32> to vector<1x256xf32>
    %slice3A_784 = vector.extract_strided_slice %get3A_71 {offsets = [2, 0, 1024], sizes = [1, 1, 256], strides = [1, 1, 1]} : vector<3x1x4096xf32> to vector<1x1x256xf32>
    %squeeze3A_785 = vector.shape_cast %slice3A_784 : vector<1x1x256xf32> to vector<1x256xf32>
    %mul3A_786 = arith.constant 0.282094806 : f32
    %mul3A_787 = vector.broadcast %mul3A_786 : f32 to vector<1x256xf32>
    %mul3A_788 = arith.mulf %mul3A_787, %squeeze3A_785 : vector<1x256xf32>
    %add3A_789 = arith.addf %broadcast_in_dim3A_783, %mul3A_788 : vector<1x256xf32>
    %concatenate3A_790 = tpu.concatenate %add3A_765, %add3A_777, %add3A_789 in 0 : vector<1x256xf32>, vector<1x256xf32>, vector<1x256xf32> -> vector<3x256xf32>
    %add3A_791 = arith.constant 5.000000e-01 : f32
    %add3A_792 = vector.broadcast %add3A_791 : f32 to vector<3x256xf32>
    %add3A_793 = arith.addf %concatenate3A_790, %add3A_792 : vector<3x256xf32>
    %max3A_794 = arith.constant 0.000000e+00 : f32
    %max3A_795 = vector.broadcast %max3A_794 : f32 to vector<3x256xf32>
    %max3A_796 = arith.maximumf %add3A_793, %max3A_795 : vector<3x256xf32>
    %swap3A_797 = arith.constant 4 : index
    %swap3A_798 = arith.constant 10 : index
    %swap3A_799 = arith.constant 0 : index
    %swap3A_800 = vector.load %arg8[%swap3A_797, %swap3A_798, %swap3A_799] : memref<16x14x256xf32, #tpu.memory_space<vmem>>, vector<1x3x256xf32>
    %swap3A_801 = vector.shape_cast %swap3A_800 : vector<1x3x256xf32> to vector<3x256xf32>
    %swap3A_802 = vector.shape_cast %max3A_796 : vector<3x256xf32> to vector<1x3x256xf32>
    tpu.vector_store %arg8[%swap3A_797, %swap3A_798, %swap3A_799], %swap3A_802 {strides = array<i32>} : memref<16x14x256xf32, #tpu.memory_space<vmem>>, vector<1x3x256xf32>,
    %slice3A_803 = vector.extract_strided_slice %mul3A_63 {offsets = [5, 0, 0], sizes = [1, 3, 256], strides = [1, 1, 1]} : vector<16x3x256xf32> to vector<1x3x256xf32>
    %squeeze3A_804 = vector.shape_cast %slice3A_803 : vector<1x3x256xf32> to vector<3x256xf32>
    %slice3A_805 = vector.extract_strided_slice %squeeze3A_804 {offsets = [0, 0], sizes = [1, 256], strides = [1, 1]} : vector<3x256xf32> to vector<1x256xf32>
    %slice3A_806 = vector.extract_strided_slice %squeeze3A_804 {offsets = [1, 0], sizes = [1, 256], strides = [1, 1]} : vector<3x256xf32> to vector<1x256xf32>
    %slice3A_807 = vector.extract_strided_slice %squeeze3A_804 {offsets = [2, 0], sizes = [1, 256], strides = [1, 1]} : vector<3x256xf32> to vector<1x256xf32>
    %mul3A_808 = arith.mulf %slice3A_805, %slice3A_805 : vector<1x256xf32>
    %mul3A_809 = arith.mulf %slice3A_806, %slice3A_806 : vector<1x256xf32>
    %mul3A_810 = arith.mulf %slice3A_807, %slice3A_807 : vector<1x256xf32>
    %mul3A_811 = arith.mulf %slice3A_805, %slice3A_806 : vector<1x256xf32>
    %mul3A_812 = arith.mulf %slice3A_806, %slice3A_807 : vector<1x256xf32>
    %mul3A_813 = arith.mulf %slice3A_805, %slice3A_807 : vector<1x256xf32>
    %mul3A_814 = arith.constant -0.488602519 : f32
    %mul3A_815 = vector.broadcast %mul3A_814 : f32 to vector<1x256xf32>
    %mul3A_816 = arith.mulf %mul3A_815, %slice3A_806 : vector<1x256xf32>
    %mul3A_817 = arith.constant 0.488602519 : f32
    %mul3A_818 = vector.broadcast %mul3A_817 : f32 to vector<1x256xf32>
    %mul3A_819 = arith.mulf %mul3A_818, %slice3A_807 : vector<1x256xf32>
    %mul3A_820 = arith.constant -0.488602519 : f32
    %mul3A_821 = vector.broadcast %mul3A_820 : f32 to vector<1x256xf32>
    %mul3A_822 = arith.mulf %mul3A_821, %slice3A_805 : vector<1x256xf32>
    %mul3A_823 = arith.constant 1.09254849 : f32
    %mul3A_824 = vector.broadcast %mul3A_823 : f32 to vector<1x256xf32>
    %mul3A_825 = arith.mulf %mul3A_824, %mul3A_811 : vector<1x256xf32>
    %mul3A_826 = arith.constant -1.09254849 : f32
    %mul3A_827 = vector.broadcast %mul3A_826 : f32 to vector<1x256xf32>
    %mul3A_828 = arith.mulf %mul3A_827, %mul3A_812 : vector<1x256xf32>
    %mul3A_829 = arith.constant 2.000000e+00 : f32
    %mul3A_830 = vector.broadcast %mul3A_829 : f32 to vector<1x256xf32>
    %mul3A_831 = arith.mulf %mul3A_830, %mul3A_810 : vector<1x256xf32>
    %sub3A_832 = arith.subf %mul3A_831, %mul3A_808 : vector<1x256xf32>
    %sub3A_833 = arith.subf %sub3A_832, %mul3A_809 : vector<1x256xf32>
    %mul3A_834 = arith.constant 0.31539157 : f32
    %mul3A_835 = vector.broadcast %mul3A_834 : f32 to vector<1x256xf32>
    %mul3A_836 = arith.mulf %mul3A_835, %sub3A_833 : vector<1x256xf32>
    %mul3A_837 = arith.constant -1.09254849 : f32
    %mul3A_838 = vector.broadcast %mul3A_837 : f32 to vector<1x256xf32>
    %mul3A_839 = arith.mulf %mul3A_838, %mul3A_813 : vector<1x256xf32>
    %sub3A_840 = arith.subf %mul3A_808, %mul3A_809 : vector<1x256xf32>
    %mul3A_841 = arith.constant 0.546274245 : f32
    %mul3A_842 = vector.broadcast %mul3A_841 : f32 to vector<1x256xf32>
    %mul3A_843 = arith.mulf %mul3A_842, %sub3A_840 : vector<1x256xf32>
    %mul3A_844 = arith.constant -0.590043604 : f32
    %mul3A_845 = vector.broadcast %mul3A_844 : f32 to vector<1x256xf32>
    %mul3A_846 = arith.mulf %mul3A_845, %slice3A_806 : vector<1x256xf32>
    %mul3A_847 = arith.constant 3.000000e+00 : f32
    %mul3A_848 = vector.broadcast %mul3A_847 : f32 to vector<1x256xf32>
    %mul3A_849 = arith.mulf %mul3A_848, %mul3A_808 : vector<1x256xf32>
    %sub3A_850 = arith.subf %mul3A_849, %mul3A_809 : vector<1x256xf32>
    %mul3A_851 = arith.mulf %mul3A_846, %sub3A_850 : vector<1x256xf32>
    %mul3A_852 = arith.constant 2.89061141 : f32
    %mul3A_853 = vector.broadcast %mul3A_852 : f32 to vector<1x256xf32>
    %mul3A_854 = arith.mulf %mul3A_853, %mul3A_811 : vector<1x256xf32>
    %mul3A_855 = arith.mulf %mul3A_854, %slice3A_807 : vector<1x256xf32>
    %mul3A_856 = arith.constant -0.457045794 : f32
    %mul3A_857 = vector.broadcast %mul3A_856 : f32 to vector<1x256xf32>
    %mul3A_858 = arith.mulf %mul3A_857, %slice3A_806 : vector<1x256xf32>
    %mul3A_859 = arith.constant 4.000000e+00 : f32
    %mul3A_860 = vector.broadcast %mul3A_859 : f32 to vector<1x256xf32>
    %mul3A_861 = arith.mulf %mul3A_860, %mul3A_810 : vector<1x256xf32>
    %sub3A_862 = arith.subf %mul3A_861, %mul3A_808 : vector<1x256xf32>
    %sub3A_863 = arith.subf %sub3A_862, %mul3A_809 : vector<1x256xf32>
    %mul3A_864 = arith.mulf %mul3A_858, %sub3A_863 : vector<1x256xf32>
    %mul3A_865 = arith.constant 0.373176336 : f32
    %mul3A_866 = vector.broadcast %mul3A_865 : f32 to vector<1x256xf32>
    %mul3A_867 = arith.mulf %mul3A_866, %slice3A_807 : vector<1x256xf32>
    %mul3A_868 = arith.constant 2.000000e+00 : f32
    %mul3A_869 = vector.broadcast %mul3A_868 : f32 to vector<1x256xf32>
    %mul3A_870 = arith.mulf %mul3A_869, %mul3A_810 : vector<1x256xf32>
    %mul3A_871 = arith.constant 3.000000e+00 : f32
    %mul3A_872 = vector.broadcast %mul3A_871 : f32 to vector<1x256xf32>
    %mul3A_873 = arith.mulf %mul3A_872, %mul3A_808 : vector<1x256xf32>
    %sub3A_874 = arith.subf %mul3A_870, %mul3A_873 : vector<1x256xf32>
    %mul3A_875 = arith.constant 3.000000e+00 : f32
    %mul3A_876 = vector.broadcast %mul3A_875 : f32 to vector<1x256xf32>
    %mul3A_877 = arith.mulf %mul3A_876, %mul3A_809 : vector<1x256xf32>
    %sub3A_878 = arith.subf %sub3A_874, %mul3A_877 : vector<1x256xf32>
    %mul3A_879 = arith.mulf %mul3A_867, %sub3A_878 : vector<1x256xf32>
    %mul3A_880 = arith.constant -0.457045794 : f32
    %mul3A_881 = vector.broadcast %mul3A_880 : f32 to vector<1x256xf32>
    %mul3A_882 = arith.mulf %mul3A_881, %slice3A_805 : vector<1x256xf32>
    %mul3A_883 = arith.constant 4.000000e+00 : f32
    %mul3A_884 = vector.broadcast %mul3A_883 : f32 to vector<1x256xf32>
    %mul3A_885 = arith.mulf %mul3A_884, %mul3A_810 : vector<1x256xf32>
    %sub3A_886 = arith.subf %mul3A_885, %mul3A_808 : vector<1x256xf32>
    %sub3A_887 = arith.subf %sub3A_886, %mul3A_809 : vector<1x256xf32>
    %mul3A_888 = arith.mulf %mul3A_882, %sub3A_887 : vector<1x256xf32>
    %mul3A_889 = arith.constant 1.44530571 : f32
    %mul3A_890 = vector.broadcast %mul3A_889 : f32 to vector<1x256xf32>
    %mul3A_891 = arith.mulf %mul3A_890, %slice3A_807 : vector<1x256xf32>
    %sub3A_892 = arith.subf %mul3A_808, %mul3A_809 : vector<1x256xf32>
    %mul3A_893 = arith.mulf %mul3A_891, %sub3A_892 : vector<1x256xf32>
    %mul3A_894 = arith.constant -0.590043604 : f32
    %mul3A_895 = vector.broadcast %mul3A_894 : f32 to vector<1x256xf32>
    %mul3A_896 = arith.mulf %mul3A_895, %slice3A_805 : vector<1x256xf32>
    %sub3A_897 = arith.subf %mul3A_808, %mul3A_809 : vector<1x256xf32>
    %sub3A_898 = arith.subf %sub3A_897, %mul3A_810 : vector<1x256xf32>
    %mul3A_899 = arith.mulf %mul3A_896, %sub3A_898 : vector<1x256xf32>
    %concatenate3A_900 = tpu.concatenate %mul3A_816, %mul3A_819, %mul3A_822, %mul3A_825, %mul3A_828, %mul3A_836, %mul3A_839, %mul3A_843, %mul3A_851, %mul3A_855, %mul3A_864, %mul3A_879, %mul3A_888, %mul3A_893, %mul3A_899 in 0 : vector<1x256xf32>, vector<1x256xf32>, vector<1x256xf32>, vector<1x256xf32>, vector<1x256xf32>, vector<1x256xf32>, vector<1x256xf32>, vector<1x256xf32>, vector<1x256xf32>, vector<1x256xf32>, vector<1x256xf32>, vector<1x256xf32>, vector<1x256xf32>, vector<1x256xf32>, vector<1x256xf32> -> vector<15x256xf32>
    %slice3A_901 = vector.extract_strided_slice %get3A_67 {offsets = [0, 0, 1280], sizes = [1, 15, 256], strides = [1, 1, 1]} : vector<3x15x4096xf32> to vector<1x15x256xf32>
    %squeeze3A_902 = vector.shape_cast %slice3A_901 : vector<1x15x256xf32> to vector<15x256xf32>
    %mul3A_903 = arith.mulf %concatenate3A_900, %squeeze3A_902 : vector<15x256xf32>
    %reduce_sum3A_904 = arith.constant dense<0.000000e+00> : vector<256xf32>
    %reduce_sum3A_905 = vector.multi_reduction <add>, %mul3A_903, %reduce_sum3A_904 [0] : vector<15x256xf32> to vector<256xf32>
    %broadcast_in_dim3A_906 = vector.shape_cast %reduce_sum3A_905 : vector<256xf32> to vector<1x256xf32>
    %slice3A_907 = vector.extract_strided_slice %get3A_71 {offsets = [0, 0, 1280], sizes = [1, 1, 256], strides = [1, 1, 1]} : vector<3x1x4096xf32> to vector<1x1x256xf32>
    %squeeze3A_908 = vector.shape_cast %slice3A_907 : vector<1x1x256xf32> to vector<1x256xf32>
    %mul3A_909 = arith.constant 0.282094806 : f32
    %mul3A_910 = vector.broadcast %mul3A_909 : f32 to vector<1x256xf32>
    %mul3A_911 = arith.mulf %mul3A_910, %squeeze3A_908 : vector<1x256xf32>
    %add3A_912 = arith.addf %broadcast_in_dim3A_906, %mul3A_911 : vector<1x256xf32>
    %slice3A_913 = vector.extract_strided_slice %get3A_67 {offsets = [1, 0, 1280], sizes = [1, 15, 256], strides = [1, 1, 1]} : vector<3x15x4096xf32> to vector<1x15x256xf32>
    %squeeze3A_914 = vector.shape_cast %slice3A_913 : vector<1x15x256xf32> to vector<15x256xf32>
    %mul3A_915 = arith.mulf %concatenate3A_900, %squeeze3A_914 : vector<15x256xf32>
    %reduce_sum3A_916 = arith.constant dense<0.000000e+00> : vector<256xf32>
    %reduce_sum3A_917 = vector.multi_reduction <add>, %mul3A_915, %reduce_sum3A_916 [0] : vector<15x256xf32> to vector<256xf32>
    %broadcast_in_dim3A_918 = vector.shape_cast %reduce_sum3A_917 : vector<256xf32> to vector<1x256xf32>
    %slice3A_919 = vector.extract_strided_slice %get3A_71 {offsets = [1, 0, 1280], sizes = [1, 1, 256], strides = [1, 1, 1]} : vector<3x1x4096xf32> to vector<1x1x256xf32>
    %squeeze3A_920 = vector.shape_cast %slice3A_919 : vector<1x1x256xf32> to vector<1x256xf32>
    %mul3A_921 = arith.constant 0.282094806 : f32
    %mul3A_922 = vector.broadcast %mul3A_921 : f32 to vector<1x256xf32>
    %mul3A_923 = arith.mulf %mul3A_922, %squeeze3A_920 : vector<1x256xf32>
    %add3A_924 = arith.addf %broadcast_in_dim3A_918, %mul3A_923 : vector<1x256xf32>
    %slice3A_925 = vector.extract_strided_slice %get3A_67 {offsets = [2, 0, 1280], sizes = [1, 15, 256], strides = [1, 1, 1]} : vector<3x15x4096xf32> to vector<1x15x256xf32>
    %squeeze3A_926 = vector.shape_cast %slice3A_925 : vector<1x15x256xf32> to vector<15x256xf32>
    %mul3A_927 = arith.mulf %concatenate3A_900, %squeeze3A_926 : vector<15x256xf32>
    %reduce_sum3A_928 = arith.constant dense<0.000000e+00> : vector<256xf32>
    %reduce_sum3A_929 = vector.multi_reduction <add>, %mul3A_927, %reduce_sum3A_928 [0] : vector<15x256xf32> to vector<256xf32>
    %broadcast_in_dim3A_930 = vector.shape_cast %reduce_sum3A_929 : vector<256xf32> to vector<1x256xf32>
    %slice3A_931 = vector.extract_strided_slice %get3A_71 {offsets = [2, 0, 1280], sizes = [1, 1, 256], strides = [1, 1, 1]} : vector<3x1x4096xf32> to vector<1x1x256xf32>
    %squeeze3A_932 = vector.shape_cast %slice3A_931 : vector<1x1x256xf32> to vector<1x256xf32>
    %mul3A_933 = arith.constant 0.282094806 : f32
    %mul3A_934 = vector.broadcast %mul3A_933 : f32 to vector<1x256xf32>
    %mul3A_935 = arith.mulf %mul3A_934, %squeeze3A_932 : vector<1x256xf32>
    %add3A_936 = arith.addf %broadcast_in_dim3A_930, %mul3A_935 : vector<1x256xf32>
    %concatenate3A_937 = tpu.concatenate %add3A_912, %add3A_924, %add3A_936 in 0 : vector<1x256xf32>, vector<1x256xf32>, vector<1x256xf32> -> vector<3x256xf32>
    %add3A_938 = arith.constant 5.000000e-01 : f32
    %add3A_939 = vector.broadcast %add3A_938 : f32 to vector<3x256xf32>
    %add3A_940 = arith.addf %concatenate3A_937, %add3A_939 : vector<3x256xf32>
    %max3A_941 = arith.constant 0.000000e+00 : f32
    %max3A_942 = vector.broadcast %max3A_941 : f32 to vector<3x256xf32>
    %max3A_943 = arith.maximumf %add3A_940, %max3A_942 : vector<3x256xf32>
    %swap3A_944 = arith.constant 5 : index
    %swap3A_945 = arith.constant 10 : index
    %swap3A_946 = arith.constant 0 : index
    %swap3A_947 = vector.load %arg8[%swap3A_944, %swap3A_945, %swap3A_946] : memref<16x14x256xf32, #tpu.memory_space<vmem>>, vector<1x3x256xf32>
    %swap3A_948 = vector.shape_cast %swap3A_947 : vector<1x3x256xf32> to vector<3x256xf32>
    %swap3A_949 = vector.shape_cast %max3A_943 : vector<3x256xf32> to vector<1x3x256xf32>
    tpu.vector_store %arg8[%swap3A_944, %swap3A_945, %swap3A_946], %swap3A_949 {strides = array<i32>} : memref<16x14x256xf32, #tpu.memory_space<vmem>>, vector<1x3x256xf32>,
    %slice3A_950 = vector.extract_strided_slice %mul3A_63 {offsets = [6, 0, 0], sizes = [1, 3, 256], strides = [1, 1, 1]} : vector<16x3x256xf32> to vector<1x3x256xf32>
    %squeeze3A_951 = vector.shape_cast %slice3A_950 : vector<1x3x256xf32> to vector<3x256xf32>
    %slice3A_952 = vector.extract_strided_slice %squeeze3A_951 {offsets = [0, 0], sizes = [1, 256], strides = [1, 1]} : vector<3x256xf32> to vector<1x256xf32>
    %slice3A_953 = vector.extract_strided_slice %squeeze3A_951 {offsets = [1, 0], sizes = [1, 256], strides = [1, 1]} : vector<3x256xf32> to vector<1x256xf32>
    %slice3A_954 = vector.extract_strided_slice %squeeze3A_951 {offsets = [2, 0], sizes = [1, 256], strides = [1, 1]} : vector<3x256xf32> to vector<1x256xf32>
    %mul3A_955 = arith.mulf %slice3A_952, %slice3A_952 : vector<1x256xf32>
    %mul3A_956 = arith.mulf %slice3A_953, %slice3A_953 : vector<1x256xf32>
    %mul3A_957 = arith.mulf %slice3A_954, %slice3A_954 : vector<1x256xf32>
    %mul3A_958 = arith.mulf %slice3A_952, %slice3A_953 : vector<1x256xf32>
    %mul3A_959 = arith.mulf %slice3A_953, %slice3A_954 : vector<1x256xf32>
    %mul3A_960 = arith.mulf %slice3A_952, %slice3A_954 : vector<1x256xf32>
    %mul3A_961 = arith.constant -0.488602519 : f32
    %mul3A_962 = vector.broadcast %mul3A_961 : f32 to vector<1x256xf32>
    %mul3A_963 = arith.mulf %mul3A_962, %slice3A_953 : vector<1x256xf32>
    %mul3A_964 = arith.constant 0.488602519 : f32
    %mul3A_965 = vector.broadcast %mul3A_964 : f32 to vector<1x256xf32>
    %mul3A_966 = arith.mulf %mul3A_965, %slice3A_954 : vector<1x256xf32>
    %mul3A_967 = arith.constant -0.488602519 : f32
    %mul3A_968 = vector.broadcast %mul3A_967 : f32 to vector<1x256xf32>
    %mul3A_969 = arith.mulf %mul3A_968, %slice3A_952 : vector<1x256xf32>
    %mul3A_970 = arith.constant 1.09254849 : f32
    %mul3A_971 = vector.broadcast %mul3A_970 : f32 to vector<1x256xf32>
    %mul3A_972 = arith.mulf %mul3A_971, %mul3A_958 : vector<1x256xf32>
    %mul3A_973 = arith.constant -1.09254849 : f32
    %mul3A_974 = vector.broadcast %mul3A_973 : f32 to vector<1x256xf32>
    %mul3A_975 = arith.mulf %mul3A_974, %mul3A_959 : vector<1x256xf32>
    %mul3A_976 = arith.constant 2.000000e+00 : f32
    %mul3A_977 = vector.broadcast %mul3A_976 : f32 to vector<1x256xf32>
    %mul3A_978 = arith.mulf %mul3A_977, %mul3A_957 : vector<1x256xf32>
    %sub3A_979 = arith.subf %mul3A_978, %mul3A_955 : vector<1x256xf32>
    %sub3A_980 = arith.subf %sub3A_979, %mul3A_956 : vector<1x256xf32>
    %mul3A_981 = arith.constant 0.31539157 : f32
    %mul3A_982 = vector.broadcast %mul3A_981 : f32 to vector<1x256xf32>
    %mul3A_983 = arith.mulf %mul3A_982, %sub3A_980 : vector<1x256xf32>
    %mul3A_984 = arith.constant -1.09254849 : f32
    %mul3A_985 = vector.broadcast %mul3A_984 : f32 to vector<1x256xf32>
    %mul3A_986 = arith.mulf %mul3A_985, %mul3A_960 : vector<1x256xf32>
    %sub3A_987 = arith.subf %mul3A_955, %mul3A_956 : vector<1x256xf32>
    %mul3A_988 = arith.constant 0.546274245 : f32
    %mul3A_989 = vector.broadcast %mul3A_988 : f32 to vector<1x256xf32>
    %mul3A_990 = arith.mulf %mul3A_989, %sub3A_987 : vector<1x256xf32>
    %mul3A_991 = arith.constant -0.590043604 : f32
    %mul3A_992 = vector.broadcast %mul3A_991 : f32 to vector<1x256xf32>
    %mul3A_993 = arith.mulf %mul3A_992, %slice3A_953 : vector<1x256xf32>
    %mul3A_994 = arith.constant 3.000000e+00 : f32
    %mul3A_995 = vector.broadcast %mul3A_994 : f32 to vector<1x256xf32>
    %mul3A_996 = arith.mulf %mul3A_995, %mul3A_955 : vector<1x256xf32>
    %sub3A_997 = arith.subf %mul3A_996, %mul3A_956 : vector<1x256xf32>
    %mul3A_998 = arith.mulf %mul3A_993, %sub3A_997 : vector<1x256xf32>
    %mul3A_999 = arith.constant 2.89061141 : f32
    %mul3A_1000 = vector.broadcast %mul3A_999 : f32 to vector<1x256xf32>
    %mul3A_1001 = arith.mulf %mul3A_1000, %mul3A_958 : vector<1x256xf32>
    %mul3A_1002 = arith.mulf %mul3A_1001, %slice3A_954 : vector<1x256xf32>
    %mul3A_1003 = arith.constant -0.457045794 : f32
    %mul3A_1004 = vector.broadcast %mul3A_1003 : f32 to vector<1x256xf32>
    %mul3A_1005 = arith.mulf %mul3A_1004, %slice3A_953 : vector<1x256xf32>
    %mul3A_1006 = arith.constant 4.000000e+00 : f32
    %mul3A_1007 = vector.broadcast %mul3A_1006 : f32 to vector<1x256xf32>
    %mul3A_1008 = arith.mulf %mul3A_1007, %mul3A_957 : vector<1x256xf32>
    %sub3A_1009 = arith.subf %mul3A_1008, %mul3A_955 : vector<1x256xf32>
    %sub3A_1010 = arith.subf %sub3A_1009, %mul3A_956 : vector<1x256xf32>
    %mul3A_1011 = arith.mulf %mul3A_1005, %sub3A_1010 : vector<1x256xf32>
    %mul3A_1012 = arith.constant 0.373176336 : f32
    %mul3A_1013 = vector.broadcast %mul3A_1012 : f32 to vector<1x256xf32>
    %mul3A_1014 = arith.mulf %mul3A_1013, %slice3A_954 : vector<1x256xf32>
    %mul3A_1015 = arith.constant 2.000000e+00 : f32
    %mul3A_1016 = vector.broadcast %mul3A_1015 : f32 to vector<1x256xf32>
    %mul3A_1017 = arith.mulf %mul3A_1016, %mul3A_957 : vector<1x256xf32>
    %mul3A_1018 = arith.constant 3.000000e+00 : f32
    %mul3A_1019 = vector.broadcast %mul3A_1018 : f32 to vector<1x256xf32>
    %mul3A_1020 = arith.mulf %mul3A_1019, %mul3A_955 : vector<1x256xf32>
    %sub3A_1021 = arith.subf %mul3A_1017, %mul3A_1020 : vector<1x256xf32>
    %mul3A_1022 = arith.constant 3.000000e+00 : f32
    %mul3A_1023 = vector.broadcast %mul3A_1022 : f32 to vector<1x256xf32>
    %mul3A_1024 = arith.mulf %mul3A_1023, %mul3A_956 : vector<1x256xf32>
    %sub3A_1025 = arith.subf %sub3A_1021, %mul3A_1024 : vector<1x256xf32>
    %mul3A_1026 = arith.mulf %mul3A_1014, %sub3A_1025 : vector<1x256xf32>
    %mul3A_1027 = arith.constant -0.457045794 : f32
    %mul3A_1028 = vector.broadcast %mul3A_1027 : f32 to vector<1x256xf32>
    %mul3A_1029 = arith.mulf %mul3A_1028, %slice3A_952 : vector<1x256xf32>
    %mul3A_1030 = arith.constant 4.000000e+00 : f32
    %mul3A_1031 = vector.broadcast %mul3A_1030 : f32 to vector<1x256xf32>
    %mul3A_1032 = arith.mulf %mul3A_1031, %mul3A_957 : vector<1x256xf32>
    %sub3A_1033 = arith.subf %mul3A_1032, %mul3A_955 : vector<1x256xf32>
    %sub3A_1034 = arith.subf %sub3A_1033, %mul3A_956 : vector<1x256xf32>
    %mul3A_1035 = arith.mulf %mul3A_1029, %sub3A_1034 : vector<1x256xf32>
    %mul3A_1036 = arith.constant 1.44530571 : f32
    %mul3A_1037 = vector.broadcast %mul3A_1036 : f32 to vector<1x256xf32>
    %mul3A_1038 = arith.mulf %mul3A_1037, %slice3A_954 : vector<1x256xf32>
    %sub3A_1039 = arith.subf %mul3A_955, %mul3A_956 : vector<1x256xf32>
    %mul3A_1040 = arith.mulf %mul3A_1038, %sub3A_1039 : vector<1x256xf32>
    %mul3A_1041 = arith.constant -0.590043604 : f32
    %mul3A_1042 = vector.broadcast %mul3A_1041 : f32 to vector<1x256xf32>
    %mul3A_1043 = arith.mulf %mul3A_1042, %slice3A_952 : vector<1x256xf32>
    %sub3A_1044 = arith.subf %mul3A_955, %mul3A_956 : vector<1x256xf32>
    %sub3A_1045 = arith.subf %sub3A_1044, %mul3A_957 : vector<1x256xf32>
    %mul3A_1046 = arith.mulf %mul3A_1043, %sub3A_1045 : vector<1x256xf32>
    %concatenate3A_1047 = tpu.concatenate %mul3A_963, %mul3A_966, %mul3A_969, %mul3A_972, %mul3A_975, %mul3A_983, %mul3A_986, %mul3A_990, %mul3A_998, %mul3A_1002, %mul3A_1011, %mul3A_1026, %mul3A_1035, %mul3A_1040, %mul3A_1046 in 0 : vector<1x256xf32>, vector<1x256xf32>, vector<1x256xf32>, vector<1x256xf32>, vector<1x256xf32>, vector<1x256xf32>, vector<1x256xf32>, vector<1x256xf32>, vector<1x256xf32>, vector<1x256xf32>, vector<1x256xf32>, vector<1x256xf32>, vector<1x256xf32>, vector<1x256xf32>, vector<1x256xf32> -> vector<15x256xf32>
    %slice3A_1048 = vector.extract_strided_slice %get3A_67 {offsets = [0, 0, 1536], sizes = [1, 15, 256], strides = [1, 1, 1]} : vector<3x15x4096xf32> to vector<1x15x256xf32>
    %squeeze3A_1049 = vector.shape_cast %slice3A_1048 : vector<1x15x256xf32> to vector<15x256xf32>
    %mul3A_1050 = arith.mulf %concatenate3A_1047, %squeeze3A_1049 : vector<15x256xf32>
    %reduce_sum3A_1051 = arith.constant dense<0.000000e+00> : vector<256xf32>
    %reduce_sum3A_1052 = vector.multi_reduction <add>, %mul3A_1050, %reduce_sum3A_1051 [0] : vector<15x256xf32> to vector<256xf32>
    %broadcast_in_dim3A_1053 = vector.shape_cast %reduce_sum3A_1052 : vector<256xf32> to vector<1x256xf32>
    %slice3A_1054 = vector.extract_strided_slice %get3A_71 {offsets = [0, 0, 1536], sizes = [1, 1, 256], strides = [1, 1, 1]} : vector<3x1x4096xf32> to vector<1x1x256xf32>
    %squeeze3A_1055 = vector.shape_cast %slice3A_1054 : vector<1x1x256xf32> to vector<1x256xf32>
    %mul3A_1056 = arith.constant 0.282094806 : f32
    %mul3A_1057 = vector.broadcast %mul3A_1056 : f32 to vector<1x256xf32>
    %mul3A_1058 = arith.mulf %mul3A_1057, %squeeze3A_1055 : vector<1x256xf32>
    %add3A_1059 = arith.addf %broadcast_in_dim3A_1053, %mul3A_1058 : vector<1x256xf32>
    %slice3A_1060 = vector.extract_strided_slice %get3A_67 {offsets = [1, 0, 1536], sizes = [1, 15, 256], strides = [1, 1, 1]} : vector<3x15x4096xf32> to vector<1x15x256xf32>
    %squeeze3A_1061 = vector.shape_cast %slice3A_1060 : vector<1x15x256xf32> to vector<15x256xf32>
    %mul3A_1062 = arith.mulf %concatenate3A_1047, %squeeze3A_1061 : vector<15x256xf32>
    %reduce_sum3A_1063 = arith.constant dense<0.000000e+00> : vector<256xf32>
    %reduce_sum3A_1064 = vector.multi_reduction <add>, %mul3A_1062, %reduce_sum3A_1063 [0] : vector<15x256xf32> to vector<256xf32>
    %broadcast_in_dim3A_1065 = vector.shape_cast %reduce_sum3A_1064 : vector<256xf32> to vector<1x256xf32>
    %slice3A_1066 = vector.extract_strided_slice %get3A_71 {offsets = [1, 0, 1536], sizes = [1, 1, 256], strides = [1, 1, 1]} : vector<3x1x4096xf32> to vector<1x1x256xf32>
    %squeeze3A_1067 = vector.shape_cast %slice3A_1066 : vector<1x1x256xf32> to vector<1x256xf32>
    %mul3A_1068 = arith.constant 0.282094806 : f32
    %mul3A_1069 = vector.broadcast %mul3A_1068 : f32 to vector<1x256xf32>
    %mul3A_1070 = arith.mulf %mul3A_1069, %squeeze3A_1067 : vector<1x256xf32>
    %add3A_1071 = arith.addf %broadcast_in_dim3A_1065, %mul3A_1070 : vector<1x256xf32>
    %slice3A_1072 = vector.extract_strided_slice %get3A_67 {offsets = [2, 0, 1536], sizes = [1, 15, 256], strides = [1, 1, 1]} : vector<3x15x4096xf32> to vector<1x15x256xf32>
    %squeeze3A_1073 = vector.shape_cast %slice3A_1072 : vector<1x15x256xf32> to vector<15x256xf32>
    %mul3A_1074 = arith.mulf %concatenate3A_1047, %squeeze3A_1073 : vector<15x256xf32>
    %reduce_sum3A_1075 = arith.constant dense<0.000000e+00> : vector<256xf32>
    %reduce_sum3A_1076 = vector.multi_reduction <add>, %mul3A_1074, %reduce_sum3A_1075 [0] : vector<15x256xf32> to vector<256xf32>
    %broadcast_in_dim3A_1077 = vector.shape_cast %reduce_sum3A_1076 : vector<256xf32> to vector<1x256xf32>
    %slice3A_1078 = vector.extract_strided_slice %get3A_71 {offsets = [2, 0, 1536], sizes = [1, 1, 256], strides = [1, 1, 1]} : vector<3x1x4096xf32> to vector<1x1x256xf32>
    %squeeze3A_1079 = vector.shape_cast %slice3A_1078 : vector<1x1x256xf32> to vector<1x256xf32>
    %mul3A_1080 = arith.constant 0.282094806 : f32
    %mul3A_1081 = vector.broadcast %mul3A_1080 : f32 to vector<1x256xf32>
    %mul3A_1082 = arith.mulf %mul3A_1081, %squeeze3A_1079 : vector<1x256xf32>
    %add3A_1083 = arith.addf %broadcast_in_dim3A_1077, %mul3A_1082 : vector<1x256xf32>
    %concatenate3A_1084 = tpu.concatenate %add3A_1059, %add3A_1071, %add3A_1083 in 0 : vector<1x256xf32>, vector<1x256xf32>, vector<1x256xf32> -> vector<3x256xf32>
    %add3A_1085 = arith.constant 5.000000e-01 : f32
    %add3A_1086 = vector.broadcast %add3A_1085 : f32 to vector<3x256xf32>
    %add3A_1087 = arith.addf %concatenate3A_1084, %add3A_1086 : vector<3x256xf32>
    %max3A_1088 = arith.constant 0.000000e+00 : f32
    %max3A_1089 = vector.broadcast %max3A_1088 : f32 to vector<3x256xf32>
    %max3A_1090 = arith.maximumf %add3A_1087, %max3A_1089 : vector<3x256xf32>
    %swap3A_1091 = arith.constant 6 : index
    %swap3A_1092 = arith.constant 10 : index
    %swap3A_1093 = arith.constant 0 : index
    %swap3A_1094 = vector.load %arg8[%swap3A_1091, %swap3A_1092, %swap3A_1093] : memref<16x14x256xf32, #tpu.memory_space<vmem>>, vector<1x3x256xf32>
    %swap3A_1095 = vector.shape_cast %swap3A_1094 : vector<1x3x256xf32> to vector<3x256xf32>
    %swap3A_1096 = vector.shape_cast %max3A_1090 : vector<3x256xf32> to vector<1x3x256xf32>
    tpu.vector_store %arg8[%swap3A_1091, %swap3A_1092, %swap3A_1093], %swap3A_1096 {strides = array<i32>} : memref<16x14x256xf32, #tpu.memory_space<vmem>>, vector<1x3x256xf32>,
    %slice3A_1097 = vector.extract_strided_slice %mul3A_63 {offsets = [7, 0, 0], sizes = [1, 3, 256], strides = [1, 1, 1]} : vector<16x3x256xf32> to vector<1x3x256xf32>
    %squeeze3A_1098 = vector.shape_cast %slice3A_1097 : vector<1x3x256xf32> to vector<3x256xf32>
    %slice3A_1099 = vector.extract_strided_slice %squeeze3A_1098 {offsets = [0, 0], sizes = [1, 256], strides = [1, 1]} : vector<3x256xf32> to vector<1x256xf32>
    %slice3A_1100 = vector.extract_strided_slice %squeeze3A_1098 {offsets = [1, 0], sizes = [1, 256], strides = [1, 1]} : vector<3x256xf32> to vector<1x256xf32>
    %slice3A_1101 = vector.extract_strided_slice %squeeze3A_1098 {offsets = [2, 0], sizes = [1, 256], strides = [1, 1]} : vector<3x256xf32> to vector<1x256xf32>
    %mul3A_1102 = arith.mulf %slice3A_1099, %slice3A_1099 : vector<1x256xf32>
    %mul3A_1103 = arith.mulf %slice3A_1100, %slice3A_1100 : vector<1x256xf32>
    %mul3A_1104 = arith.mulf %slice3A_1101, %slice3A_1101 : vector<1x256xf32>
    %mul3A_1105 = arith.mulf %slice3A_1099, %slice3A_1100 : vector<1x256xf32>
    %mul3A_1106 = arith.mulf %slice3A_1100, %slice3A_1101 : vector<1x256xf32>
    %mul3A_1107 = arith.mulf %slice3A_1099, %slice3A_1101 : vector<1x256xf32>
    %mul3A_1108 = arith.constant -0.488602519 : f32
    %mul3A_1109 = vector.broadcast %mul3A_1108 : f32 to vector<1x256xf32>
    %mul3A_1110 = arith.mulf %mul3A_1109, %slice3A_1100 : vector<1x256xf32>
    %mul3A_1111 = arith.constant 0.488602519 : f32
    %mul3A_1112 = vector.broadcast %mul3A_1111 : f32 to vector<1x256xf32>
    %mul3A_1113 = arith.mulf %mul3A_1112, %slice3A_1101 : vector<1x256xf32>
    %mul3A_1114 = arith.constant -0.488602519 : f32
    %mul3A_1115 = vector.broadcast %mul3A_1114 : f32 to vector<1x256xf32>
    %mul3A_1116 = arith.mulf %mul3A_1115, %slice3A_1099 : vector<1x256xf32>
    %mul3A_1117 = arith.constant 1.09254849 : f32
    %mul3A_1118 = vector.broadcast %mul3A_1117 : f32 to vector<1x256xf32>
    %mul3A_1119 = arith.mulf %mul3A_1118, %mul3A_1105 : vector<1x256xf32>
    %mul3A_1120 = arith.constant -1.09254849 : f32
    %mul3A_1121 = vector.broadcast %mul3A_1120 : f32 to vector<1x256xf32>
    %mul3A_1122 = arith.mulf %mul3A_1121, %mul3A_1106 : vector<1x256xf32>
    %mul3A_1123 = arith.constant 2.000000e+00 : f32
    %mul3A_1124 = vector.broadcast %mul3A_1123 : f32 to vector<1x256xf32>
    %mul3A_1125 = arith.mulf %mul3A_1124, %mul3A_1104 : vector<1x256xf32>
    %sub3A_1126 = arith.subf %mul3A_1125, %mul3A_1102 : vector<1x256xf32>
    %sub3A_1127 = arith.subf %sub3A_1126, %mul3A_1103 : vector<1x256xf32>
    %mul3A_1128 = arith.constant 0.31539157 : f32
    %mul3A_1129 = vector.broadcast %mul3A_1128 : f32 to vector<1x256xf32>
    %mul3A_1130 = arith.mulf %mul3A_1129, %sub3A_1127 : vector<1x256xf32>
    %mul3A_1131 = arith.constant -1.09254849 : f32
    %mul3A_1132 = vector.broadcast %mul3A_1131 : f32 to vector<1x256xf32>
    %mul3A_1133 = arith.mulf %mul3A_1132, %mul3A_1107 : vector<1x256xf32>
    %sub3A_1134 = arith.subf %mul3A_1102, %mul3A_1103 : vector<1x256xf32>
    %mul3A_1135 = arith.constant 0.546274245 : f32
    %mul3A_1136 = vector.broadcast %mul3A_1135 : f32 to vector<1x256xf32>
    %mul3A_1137 = arith.mulf %mul3A_1136, %sub3A_1134 : vector<1x256xf32>
    %mul3A_1138 = arith.constant -0.590043604 : f32
    %mul3A_1139 = vector.broadcast %mul3A_1138 : f32 to vector<1x256xf32>
    %mul3A_1140 = arith.mulf %mul3A_1139, %slice3A_1100 : vector<1x256xf32>
    %mul3A_1141 = arith.constant 3.000000e+00 : f32
    %mul3A_1142 = vector.broadcast %mul3A_1141 : f32 to vector<1x256xf32>
    %mul3A_1143 = arith.mulf %mul3A_1142, %mul3A_1102 : vector<1x256xf32>
    %sub3A_1144 = arith.subf %mul3A_1143, %mul3A_1103 : vector<1x256xf32>
    %mul3A_1145 = arith.mulf %mul3A_1140, %sub3A_1144 : vector<1x256xf32>
    %mul3A_1146 = arith.constant 2.89061141 : f32
    %mul3A_1147 = vector.broadcast %mul3A_1146 : f32 to vector<1x256xf32>
    %mul3A_1148 = arith.mulf %mul3A_1147, %mul3A_1105 : vector<1x256xf32>
    %mul3A_1149 = arith.mulf %mul3A_1148, %slice3A_1101 : vector<1x256xf32>
    %mul3A_1150 = arith.constant -0.457045794 : f32
    %mul3A_1151 = vector.broadcast %mul3A_1150 : f32 to vector<1x256xf32>
    %mul3A_1152 = arith.mulf %mul3A_1151, %slice3A_1100 : vector<1x256xf32>
    %mul3A_1153 = arith.constant 4.000000e+00 : f32
    %mul3A_1154 = vector.broadcast %mul3A_1153 : f32 to vector<1x256xf32>
    %mul3A_1155 = arith.mulf %mul3A_1154, %mul3A_1104 : vector<1x256xf32>
    %sub3A_1156 = arith.subf %mul3A_1155, %mul3A_1102 : vector<1x256xf32>
    %sub3A_1157 = arith.subf %sub3A_1156, %mul3A_1103 : vector<1x256xf32>
    %mul3A_1158 = arith.mulf %mul3A_1152, %sub3A_1157 : vector<1x256xf32>
    %mul3A_1159 = arith.constant 0.373176336 : f32
    %mul3A_1160 = vector.broadcast %mul3A_1159 : f32 to vector<1x256xf32>
    %mul3A_1161 = arith.mulf %mul3A_1160, %slice3A_1101 : vector<1x256xf32>
    %mul3A_1162 = arith.constant 2.000000e+00 : f32
    %mul3A_1163 = vector.broadcast %mul3A_1162 : f32 to vector<1x256xf32>
    %mul3A_1164 = arith.mulf %mul3A_1163, %mul3A_1104 : vector<1x256xf32>
    %mul3A_1165 = arith.constant 3.000000e+00 : f32
    %mul3A_1166 = vector.broadcast %mul3A_1165 : f32 to vector<1x256xf32>
    %mul3A_1167 = arith.mulf %mul3A_1166, %mul3A_1102 : vector<1x256xf32>
    %sub3A_1168 = arith.subf %mul3A_1164, %mul3A_1167 : vector<1x256xf32>
    %mul3A_1169 = arith.constant 3.000000e+00 : f32
    %mul3A_1170 = vector.broadcast %mul3A_1169 : f32 to vector<1x256xf32>
    %mul3A_1171 = arith.mulf %mul3A_1170, %mul3A_1103 : vector<1x256xf32>
    %sub3A_1172 = arith.subf %sub3A_1168, %mul3A_1171 : vector<1x256xf32>
    %mul3A_1173 = arith.mulf %mul3A_1161, %sub3A_1172 : vector<1x256xf32>
    %mul3A_1174 = arith.constant -0.457045794 : f32
    %mul3A_1175 = vector.broadcast %mul3A_1174 : f32 to vector<1x256xf32>
    %mul3A_1176 = arith.mulf %mul3A_1175, %slice3A_1099 : vector<1x256xf32>
    %mul3A_1177 = arith.constant 4.000000e+00 : f32
    %mul3A_1178 = vector.broadcast %mul3A_1177 : f32 to vector<1x256xf32>
    %mul3A_1179 = arith.mulf %mul3A_1178, %mul3A_1104 : vector<1x256xf32>
    %sub3A_1180 = arith.subf %mul3A_1179, %mul3A_1102 : vector<1x256xf32>
    %sub3A_1181 = arith.subf %sub3A_1180, %mul3A_1103 : vector<1x256xf32>
    %mul3A_1182 = arith.mulf %mul3A_1176, %sub3A_1181 : vector<1x256xf32>
    %mul3A_1183 = arith.constant 1.44530571 : f32
    %mul3A_1184 = vector.broadcast %mul3A_1183 : f32 to vector<1x256xf32>
    %mul3A_1185 = arith.mulf %mul3A_1184, %slice3A_1101 : vector<1x256xf32>
    %sub3A_1186 = arith.subf %mul3A_1102, %mul3A_1103 : vector<1x256xf32>
    %mul3A_1187 = arith.mulf %mul3A_1185, %sub3A_1186 : vector<1x256xf32>
    %mul3A_1188 = arith.constant -0.590043604 : f32
    %mul3A_1189 = vector.broadcast %mul3A_1188 : f32 to vector<1x256xf32>
    %mul3A_1190 = arith.mulf %mul3A_1189, %slice3A_1099 : vector<1x256xf32>
    %sub3A_1191 = arith.subf %mul3A_1102, %mul3A_1103 : vector<1x256xf32>
    %sub3A_1192 = arith.subf %sub3A_1191, %mul3A_1104 : vector<1x256xf32>
    %mul3A_1193 = arith.mulf %mul3A_1190, %sub3A_1192 : vector<1x256xf32>
    %concatenate3A_1194 = tpu.concatenate %mul3A_1110, %mul3A_1113, %mul3A_1116, %mul3A_1119, %mul3A_1122, %mul3A_1130, %mul3A_1133, %mul3A_1137, %mul3A_1145, %mul3A_1149, %mul3A_1158, %mul3A_1173, %mul3A_1182, %mul3A_1187, %mul3A_1193 in 0 : vector<1x256xf32>, vector<1x256xf32>, vector<1x256xf32>, vector<1x256xf32>, vector<1x256xf32>, vector<1x256xf32>, vector<1x256xf32>, vector<1x256xf32>, vector<1x256xf32>, vector<1x256xf32>, vector<1x256xf32>, vector<1x256xf32>, vector<1x256xf32>, vector<1x256xf32>, vector<1x256xf32> -> vector<15x256xf32>
    %slice3A_1195 = vector.extract_strided_slice %get3A_67 {offsets = [0, 0, 1792], sizes = [1, 15, 256], strides = [1, 1, 1]} : vector<3x15x4096xf32> to vector<1x15x256xf32>
    %squeeze3A_1196 = vector.shape_cast %slice3A_1195 : vector<1x15x256xf32> to vector<15x256xf32>
    %mul3A_1197 = arith.mulf %concatenate3A_1194, %squeeze3A_1196 : vector<15x256xf32>
    %reduce_sum3A_1198 = arith.constant dense<0.000000e+00> : vector<256xf32>
    %reduce_sum3A_1199 = vector.multi_reduction <add>, %mul3A_1197, %reduce_sum3A_1198 [0] : vector<15x256xf32> to vector<256xf32>
    %broadcast_in_dim3A_1200 = vector.shape_cast %reduce_sum3A_1199 : vector<256xf32> to vector<1x256xf32>
    %slice3A_1201 = vector.extract_strided_slice %get3A_71 {offsets = [0, 0, 1792], sizes = [1, 1, 256], strides = [1, 1, 1]} : vector<3x1x4096xf32> to vector<1x1x256xf32>
    %squeeze3A_1202 = vector.shape_cast %slice3A_1201 : vector<1x1x256xf32> to vector<1x256xf32>
    %mul3A_1203 = arith.constant 0.282094806 : f32
    %mul3A_1204 = vector.broadcast %mul3A_1203 : f32 to vector<1x256xf32>
    %mul3A_1205 = arith.mulf %mul3A_1204, %squeeze3A_1202 : vector<1x256xf32>
    %add3A_1206 = arith.addf %broadcast_in_dim3A_1200, %mul3A_1205 : vector<1x256xf32>
    %slice3A_1207 = vector.extract_strided_slice %get3A_67 {offsets = [1, 0, 1792], sizes = [1, 15, 256], strides = [1, 1, 1]} : vector<3x15x4096xf32> to vector<1x15x256xf32>
    %squeeze3A_1208 = vector.shape_cast %slice3A_1207 : vector<1x15x256xf32> to vector<15x256xf32>
    %mul3A_1209 = arith.mulf %concatenate3A_1194, %squeeze3A_1208 : vector<15x256xf32>
    %reduce_sum3A_1210 = arith.constant dense<0.000000e+00> : vector<256xf32>
    %reduce_sum3A_1211 = vector.multi_reduction <add>, %mul3A_1209, %reduce_sum3A_1210 [0] : vector<15x256xf32> to vector<256xf32>
    %broadcast_in_dim3A_1212 = vector.shape_cast %reduce_sum3A_1211 : vector<256xf32> to vector<1x256xf32>
    %slice3A_1213 = vector.extract_strided_slice %get3A_71 {offsets = [1, 0, 1792], sizes = [1, 1, 256], strides = [1, 1, 1]} : vector<3x1x4096xf32> to vector<1x1x256xf32>
    %squeeze3A_1214 = vector.shape_cast %slice3A_1213 : vector<1x1x256xf32> to vector<1x256xf32>
    %mul3A_1215 = arith.constant 0.282094806 : f32
    %mul3A_1216 = vector.broadcast %mul3A_1215 : f32 to vector<1x256xf32>
    %mul3A_1217 = arith.mulf %mul3A_1216, %squeeze3A_1214 : vector<1x256xf32>
    %add3A_1218 = arith.addf %broadcast_in_dim3A_1212, %mul3A_1217 : vector<1x256xf32>
    %slice3A_1219 = vector.extract_strided_slice %get3A_67 {offsets = [2, 0, 1792], sizes = [1, 15, 256], strides = [1, 1, 1]} : vector<3x15x4096xf32> to vector<1x15x256xf32>
    %squeeze3A_1220 = vector.shape_cast %slice3A_1219 : vector<1x15x256xf32> to vector<15x256xf32>
    %mul3A_1221 = arith.mulf %concatenate3A_1194, %squeeze3A_1220 : vector<15x256xf32>
    %reduce_sum3A_1222 = arith.constant dense<0.000000e+00> : vector<256xf32>
    %reduce_sum3A_1223 = vector.multi_reduction <add>, %mul3A_1221, %reduce_sum3A_1222 [0] : vector<15x256xf32> to vector<256xf32>
    %broadcast_in_dim3A_1224 = vector.shape_cast %reduce_sum3A_1223 : vector<256xf32> to vector<1x256xf32>
    %slice3A_1225 = vector.extract_strided_slice %get3A_71 {offsets = [2, 0, 1792], sizes = [1, 1, 256], strides = [1, 1, 1]} : vector<3x1x4096xf32> to vector<1x1x256xf32>
    %squeeze3A_1226 = vector.shape_cast %slice3A_1225 : vector<1x1x256xf32> to vector<1x256xf32>
    %mul3A_1227 = arith.constant 0.282094806 : f32
    %mul3A_1228 = vector.broadcast %mul3A_1227 : f32 to vector<1x256xf32>
    %mul3A_1229 = arith.mulf %mul3A_1228, %squeeze3A_1226 : vector<1x256xf32>
    %add3A_1230 = arith.addf %broadcast_in_dim3A_1224, %mul3A_1229 : vector<1x256xf32>
    %concatenate3A_1231 = tpu.concatenate %add3A_1206, %add3A_1218, %add3A_1230 in 0 : vector<1x256xf32>, vector<1x256xf32>, vector<1x256xf32> -> vector<3x256xf32>
    %add3A_1232 = arith.constant 5.000000e-01 : f32
    %add3A_1233 = vector.broadcast %add3A_1232 : f32 to vector<3x256xf32>
    %add3A_1234 = arith.addf %concatenate3A_1231, %add3A_1233 : vector<3x256xf32>
    %max3A_1235 = arith.constant 0.000000e+00 : f32
    %max3A_1236 = vector.broadcast %max3A_1235 : f32 to vector<3x256xf32>
    %max3A_1237 = arith.maximumf %add3A_1234, %max3A_1236 : vector<3x256xf32>
    %swap3A_1238 = arith.constant 7 : index
    %swap3A_1239 = arith.constant 10 : index
    %swap3A_1240 = arith.constant 0 : index
    %swap3A_1241 = vector.load %arg8[%swap3A_1238, %swap3A_1239, %swap3A_1240] : memref<16x14x256xf32, #tpu.memory_space<vmem>>, vector<1x3x256xf32>
    %swap3A_1242 = vector.shape_cast %swap3A_1241 : vector<1x3x256xf32> to vector<3x256xf32>
    %swap3A_1243 = vector.shape_cast %max3A_1237 : vector<3x256xf32> to vector<1x3x256xf32>
    tpu.vector_store %arg8[%swap3A_1238, %swap3A_1239, %swap3A_1240], %swap3A_1243 {strides = array<i32>} : memref<16x14x256xf32, #tpu.memory_space<vmem>>, vector<1x3x256xf32>,
    %slice3A_1244 = vector.extract_strided_slice %mul3A_63 {offsets = [8, 0, 0], sizes = [1, 3, 256], strides = [1, 1, 1]} : vector<16x3x256xf32> to vector<1x3x256xf32>
    %squeeze3A_1245 = vector.shape_cast %slice3A_1244 : vector<1x3x256xf32> to vector<3x256xf32>
    %slice3A_1246 = vector.extract_strided_slice %squeeze3A_1245 {offsets = [0, 0], sizes = [1, 256], strides = [1, 1]} : vector<3x256xf32> to vector<1x256xf32>
    %slice3A_1247 = vector.extract_strided_slice %squeeze3A_1245 {offsets = [1, 0], sizes = [1, 256], strides = [1, 1]} : vector<3x256xf32> to vector<1x256xf32>
    %slice3A_1248 = vector.extract_strided_slice %squeeze3A_1245 {offsets = [2, 0], sizes = [1, 256], strides = [1, 1]} : vector<3x256xf32> to vector<1x256xf32>
    %mul3A_1249 = arith.mulf %slice3A_1246, %slice3A_1246 : vector<1x256xf32>
    %mul3A_1250 = arith.mulf %slice3A_1247, %slice3A_1247 : vector<1x256xf32>
    %mul3A_1251 = arith.mulf %slice3A_1248, %slice3A_1248 : vector<1x256xf32>
    %mul3A_1252 = arith.mulf %slice3A_1246, %slice3A_1247 : vector<1x256xf32>
    %mul3A_1253 = arith.mulf %slice3A_1247, %slice3A_1248 : vector<1x256xf32>
    %mul3A_1254 = arith.mulf %slice3A_1246, %slice3A_1248 : vector<1x256xf32>
    %mul3A_1255 = arith.constant -0.488602519 : f32
    %mul3A_1256 = vector.broadcast %mul3A_1255 : f32 to vector<1x256xf32>
    %mul3A_1257 = arith.mulf %mul3A_1256, %slice3A_1247 : vector<1x256xf32>
    %mul3A_1258 = arith.constant 0.488602519 : f32
    %mul3A_1259 = vector.broadcast %mul3A_1258 : f32 to vector<1x256xf32>
    %mul3A_1260 = arith.mulf %mul3A_1259, %slice3A_1248 : vector<1x256xf32>
    %mul3A_1261 = arith.constant -0.488602519 : f32
    %mul3A_1262 = vector.broadcast %mul3A_1261 : f32 to vector<1x256xf32>
    %mul3A_1263 = arith.mulf %mul3A_1262, %slice3A_1246 : vector<1x256xf32>
    %mul3A_1264 = arith.constant 1.09254849 : f32
    %mul3A_1265 = vector.broadcast %mul3A_1264 : f32 to vector<1x256xf32>
    %mul3A_1266 = arith.mulf %mul3A_1265, %mul3A_1252 : vector<1x256xf32>
    %mul3A_1267 = arith.constant -1.09254849 : f32
    %mul3A_1268 = vector.broadcast %mul3A_1267 : f32 to vector<1x256xf32>
    %mul3A_1269 = arith.mulf %mul3A_1268, %mul3A_1253 : vector<1x256xf32>
    %mul3A_1270 = arith.constant 2.000000e+00 : f32
    %mul3A_1271 = vector.broadcast %mul3A_1270 : f32 to vector<1x256xf32>
    %mul3A_1272 = arith.mulf %mul3A_1271, %mul3A_1251 : vector<1x256xf32>
    %sub3A_1273 = arith.subf %mul3A_1272, %mul3A_1249 : vector<1x256xf32>
    %sub3A_1274 = arith.subf %sub3A_1273, %mul3A_1250 : vector<1x256xf32>
    %mul3A_1275 = arith.constant 0.31539157 : f32
    %mul3A_1276 = vector.broadcast %mul3A_1275 : f32 to vector<1x256xf32>
    %mul3A_1277 = arith.mulf %mul3A_1276, %sub3A_1274 : vector<1x256xf32>
    %mul3A_1278 = arith.constant -1.09254849 : f32
    %mul3A_1279 = vector.broadcast %mul3A_1278 : f32 to vector<1x256xf32>
    %mul3A_1280 = arith.mulf %mul3A_1279, %mul3A_1254 : vector<1x256xf32>
    %sub3A_1281 = arith.subf %mul3A_1249, %mul3A_1250 : vector<1x256xf32>
    %mul3A_1282 = arith.constant 0.546274245 : f32
    %mul3A_1283 = vector.broadcast %mul3A_1282 : f32 to vector<1x256xf32>
    %mul3A_1284 = arith.mulf %mul3A_1283, %sub3A_1281 : vector<1x256xf32>
    %mul3A_1285 = arith.constant -0.590043604 : f32
    %mul3A_1286 = vector.broadcast %mul3A_1285 : f32 to vector<1x256xf32>
    %mul3A_1287 = arith.mulf %mul3A_1286, %slice3A_1247 : vector<1x256xf32>
    %mul3A_1288 = arith.constant 3.000000e+00 : f32
    %mul3A_1289 = vector.broadcast %mul3A_1288 : f32 to vector<1x256xf32>
    %mul3A_1290 = arith.mulf %mul3A_1289, %mul3A_1249 : vector<1x256xf32>
    %sub3A_1291 = arith.subf %mul3A_1290, %mul3A_1250 : vector<1x256xf32>
    %mul3A_1292 = arith.mulf %mul3A_1287, %sub3A_1291 : vector<1x256xf32>
    %mul3A_1293 = arith.constant 2.89061141 : f32
    %mul3A_1294 = vector.broadcast %mul3A_1293 : f32 to vector<1x256xf32>
    %mul3A_1295 = arith.mulf %mul3A_1294, %mul3A_1252 : vector<1x256xf32>
    %mul3A_1296 = arith.mulf %mul3A_1295, %slice3A_1248 : vector<1x256xf32>
    %mul3A_1297 = arith.constant -0.457045794 : f32
    %mul3A_1298 = vector.broadcast %mul3A_1297 : f32 to vector<1x256xf32>
    %mul3A_1299 = arith.mulf %mul3A_1298, %slice3A_1247 : vector<1x256xf32>
    %mul3A_1300 = arith.constant 4.000000e+00 : f32
    %mul3A_1301 = vector.broadcast %mul3A_1300 : f32 to vector<1x256xf32>
    %mul3A_1302 = arith.mulf %mul3A_1301, %mul3A_1251 : vector<1x256xf32>
    %sub3A_1303 = arith.subf %mul3A_1302, %mul3A_1249 : vector<1x256xf32>
    %sub3A_1304 = arith.subf %sub3A_1303, %mul3A_1250 : vector<1x256xf32>
    %mul3A_1305 = arith.mulf %mul3A_1299, %sub3A_1304 : vector<1x256xf32>
    %mul3A_1306 = arith.constant 0.373176336 : f32
    %mul3A_1307 = vector.broadcast %mul3A_1306 : f32 to vector<1x256xf32>
    %mul3A_1308 = arith.mulf %mul3A_1307, %slice3A_1248 : vector<1x256xf32>
    %mul3A_1309 = arith.constant 2.000000e+00 : f32
    %mul3A_1310 = vector.broadcast %mul3A_1309 : f32 to vector<1x256xf32>
    %mul3A_1311 = arith.mulf %mul3A_1310, %mul3A_1251 : vector<1x256xf32>
    %mul3A_1312 = arith.constant 3.000000e+00 : f32
    %mul3A_1313 = vector.broadcast %mul3A_1312 : f32 to vector<1x256xf32>
    %mul3A_1314 = arith.mulf %mul3A_1313, %mul3A_1249 : vector<1x256xf32>
    %sub3A_1315 = arith.subf %mul3A_1311, %mul3A_1314 : vector<1x256xf32>
    %mul3A_1316 = arith.constant 3.000000e+00 : f32
    %mul3A_1317 = vector.broadcast %mul3A_1316 : f32 to vector<1x256xf32>
    %mul3A_1318 = arith.mulf %mul3A_1317, %mul3A_1250 : vector<1x256xf32>
    %sub3A_1319 = arith.subf %sub3A_1315, %mul3A_1318 : vector<1x256xf32>
    %mul3A_1320 = arith.mulf %mul3A_1308, %sub3A_1319 : vector<1x256xf32>
    %mul3A_1321 = arith.constant -0.457045794 : f32
    %mul3A_1322 = vector.broadcast %mul3A_1321 : f32 to vector<1x256xf32>
    %mul3A_1323 = arith.mulf %mul3A_1322, %slice3A_1246 : vector<1x256xf32>
    %mul3A_1324 = arith.constant 4.000000e+00 : f32
    %mul3A_1325 = vector.broadcast %mul3A_1324 : f32 to vector<1x256xf32>
    %mul3A_1326 = arith.mulf %mul3A_1325, %mul3A_1251 : vector<1x256xf32>
    %sub3A_1327 = arith.subf %mul3A_1326, %mul3A_1249 : vector<1x256xf32>
    %sub3A_1328 = arith.subf %sub3A_1327, %mul3A_1250 : vector<1x256xf32>
    %mul3A_1329 = arith.mulf %mul3A_1323, %sub3A_1328 : vector<1x256xf32>
    %mul3A_1330 = arith.constant 1.44530571 : f32
    %mul3A_1331 = vector.broadcast %mul3A_1330 : f32 to vector<1x256xf32>
    %mul3A_1332 = arith.mulf %mul3A_1331, %slice3A_1248 : vector<1x256xf32>
    %sub3A_1333 = arith.subf %mul3A_1249, %mul3A_1250 : vector<1x256xf32>
    %mul3A_1334 = arith.mulf %mul3A_1332, %sub3A_1333 : vector<1x256xf32>
    %mul3A_1335 = arith.constant -0.590043604 : f32
    %mul3A_1336 = vector.broadcast %mul3A_1335 : f32 to vector<1x256xf32>
    %mul3A_1337 = arith.mulf %mul3A_1336, %slice3A_1246 : vector<1x256xf32>
    %sub3A_1338 = arith.subf %mul3A_1249, %mul3A_1250 : vector<1x256xf32>
    %sub3A_1339 = arith.subf %sub3A_1338, %mul3A_1251 : vector<1x256xf32>
    %mul3A_1340 = arith.mulf %mul3A_1337, %sub3A_1339 : vector<1x256xf32>
    %concatenate3A_1341 = tpu.concatenate %mul3A_1257, %mul3A_1260, %mul3A_1263, %mul3A_1266, %mul3A_1269, %mul3A_1277, %mul3A_1280, %mul3A_1284, %mul3A_1292, %mul3A_1296, %mul3A_1305, %mul3A_1320, %mul3A_1329, %mul3A_1334, %mul3A_1340 in 0 : vector<1x256xf32>, vector<1x256xf32>, vector<1x256xf32>, vector<1x256xf32>, vector<1x256xf32>, vector<1x256xf32>, vector<1x256xf32>, vector<1x256xf32>, vector<1x256xf32>, vector<1x256xf32>, vector<1x256xf32>, vector<1x256xf32>, vector<1x256xf32>, vector<1x256xf32>, vector<1x256xf32> -> vector<15x256xf32>
    %slice3A_1342 = vector.extract_strided_slice %get3A_67 {offsets = [0, 0, 2048], sizes = [1, 15, 256], strides = [1, 1, 1]} : vector<3x15x4096xf32> to vector<1x15x256xf32>
    %squeeze3A_1343 = vector.shape_cast %slice3A_1342 : vector<1x15x256xf32> to vector<15x256xf32>
    %mul3A_1344 = arith.mulf %concatenate3A_1341, %squeeze3A_1343 : vector<15x256xf32>
    %reduce_sum3A_1345 = arith.constant dense<0.000000e+00> : vector<256xf32>
    %reduce_sum3A_1346 = vector.multi_reduction <add>, %mul3A_1344, %reduce_sum3A_1345 [0] : vector<15x256xf32> to vector<256xf32>
    %broadcast_in_dim3A_1347 = vector.shape_cast %reduce_sum3A_1346 : vector<256xf32> to vector<1x256xf32>
    %slice3A_1348 = vector.extract_strided_slice %get3A_71 {offsets = [0, 0, 2048], sizes = [1, 1, 256], strides = [1, 1, 1]} : vector<3x1x4096xf32> to vector<1x1x256xf32>
    %squeeze3A_1349 = vector.shape_cast %slice3A_1348 : vector<1x1x256xf32> to vector<1x256xf32>
    %mul3A_1350 = arith.constant 0.282094806 : f32
    %mul3A_1351 = vector.broadcast %mul3A_1350 : f32 to vector<1x256xf32>
    %mul3A_1352 = arith.mulf %mul3A_1351, %squeeze3A_1349 : vector<1x256xf32>
    %add3A_1353 = arith.addf %broadcast_in_dim3A_1347, %mul3A_1352 : vector<1x256xf32>
    %slice3A_1354 = vector.extract_strided_slice %get3A_67 {offsets = [1, 0, 2048], sizes = [1, 15, 256], strides = [1, 1, 1]} : vector<3x15x4096xf32> to vector<1x15x256xf32>
    %squeeze3A_1355 = vector.shape_cast %slice3A_1354 : vector<1x15x256xf32> to vector<15x256xf32>
    %mul3A_1356 = arith.mulf %concatenate3A_1341, %squeeze3A_1355 : vector<15x256xf32>
    %reduce_sum3A_1357 = arith.constant dense<0.000000e+00> : vector<256xf32>
    %reduce_sum3A_1358 = vector.multi_reduction <add>, %mul3A_1356, %reduce_sum3A_1357 [0] : vector<15x256xf32> to vector<256xf32>
    %broadcast_in_dim3A_1359 = vector.shape_cast %reduce_sum3A_1358 : vector<256xf32> to vector<1x256xf32>
    %slice3A_1360 = vector.extract_strided_slice %get3A_71 {offsets = [1, 0, 2048], sizes = [1, 1, 256], strides = [1, 1, 1]} : vector<3x1x4096xf32> to vector<1x1x256xf32>
    %squeeze3A_1361 = vector.shape_cast %slice3A_1360 : vector<1x1x256xf32> to vector<1x256xf32>
    %mul3A_1362 = arith.constant 0.282094806 : f32
    %mul3A_1363 = vector.broadcast %mul3A_1362 : f32 to vector<1x256xf32>
    %mul3A_1364 = arith.mulf %mul3A_1363, %squeeze3A_1361 : vector<1x256xf32>
    %add3A_1365 = arith.addf %broadcast_in_dim3A_1359, %mul3A_1364 : vector<1x256xf32>
    %slice3A_1366 = vector.extract_strided_slice %get3A_67 {offsets = [2, 0, 2048], sizes = [1, 15, 256], strides = [1, 1, 1]} : vector<3x15x4096xf32> to vector<1x15x256xf32>
    %squeeze3A_1367 = vector.shape_cast %slice3A_1366 : vector<1x15x256xf32> to vector<15x256xf32>
    %mul3A_1368 = arith.mulf %concatenate3A_1341, %squeeze3A_1367 : vector<15x256xf32>
    %reduce_sum3A_1369 = arith.constant dense<0.000000e+00> : vector<256xf32>
    %reduce_sum3A_1370 = vector.multi_reduction <add>, %mul3A_1368, %reduce_sum3A_1369 [0] : vector<15x256xf32> to vector<256xf32>
    %broadcast_in_dim3A_1371 = vector.shape_cast %reduce_sum3A_1370 : vector<256xf32> to vector<1x256xf32>
    %slice3A_1372 = vector.extract_strided_slice %get3A_71 {offsets = [2, 0, 2048], sizes = [1, 1, 256], strides = [1, 1, 1]} : vector<3x1x4096xf32> to vector<1x1x256xf32>
    %squeeze3A_1373 = vector.shape_cast %slice3A_1372 : vector<1x1x256xf32> to vector<1x256xf32>
    %mul3A_1374 = arith.constant 0.282094806 : f32
    %mul3A_1375 = vector.broadcast %mul3A_1374 : f32 to vector<1x256xf32>
    %mul3A_1376 = arith.mulf %mul3A_1375, %squeeze3A_1373 : vector<1x256xf32>
    %add3A_1377 = arith.addf %broadcast_in_dim3A_1371, %mul3A_1376 : vector<1x256xf32>
    %concatenate3A_1378 = tpu.concatenate %add3A_1353, %add3A_1365, %add3A_1377 in 0 : vector<1x256xf32>, vector<1x256xf32>, vector<1x256xf32> -> vector<3x256xf32>
    %add3A_1379 = arith.constant 5.000000e-01 : f32
    %add3A_1380 = vector.broadcast %add3A_1379 : f32 to vector<3x256xf32>
    %add3A_1381 = arith.addf %concatenate3A_1378, %add3A_1380 : vector<3x256xf32>
    %max3A_1382 = arith.constant 0.000000e+00 : f32
    %max3A_1383 = vector.broadcast %max3A_1382 : f32 to vector<3x256xf32>
    %max3A_1384 = arith.maximumf %add3A_1381, %max3A_1383 : vector<3x256xf32>
    %swap3A_1385 = arith.constant 8 : index
    %swap3A_1386 = arith.constant 10 : index
    %swap3A_1387 = arith.constant 0 : index
    %swap3A_1388 = vector.load %arg8[%swap3A_1385, %swap3A_1386, %swap3A_1387] : memref<16x14x256xf32, #tpu.memory_space<vmem>>, vector<1x3x256xf32>
    %swap3A_1389 = vector.shape_cast %swap3A_1388 : vector<1x3x256xf32> to vector<3x256xf32>
    %swap3A_1390 = vector.shape_cast %max3A_1384 : vector<3x256xf32> to vector<1x3x256xf32>
    tpu.vector_store %arg8[%swap3A_1385, %swap3A_1386, %swap3A_1387], %swap3A_1390 {strides = array<i32>} : memref<16x14x256xf32, #tpu.memory_space<vmem>>, vector<1x3x256xf32>,
    %slice3A_1391 = vector.extract_strided_slice %mul3A_63 {offsets = [9, 0, 0], sizes = [1, 3, 256], strides = [1, 1, 1]} : vector<16x3x256xf32> to vector<1x3x256xf32>
    %squeeze3A_1392 = vector.shape_cast %slice3A_1391 : vector<1x3x256xf32> to vector<3x256xf32>
    %slice3A_1393 = vector.extract_strided_slice %squeeze3A_1392 {offsets = [0, 0], sizes = [1, 256], strides = [1, 1]} : vector<3x256xf32> to vector<1x256xf32>
    %slice3A_1394 = vector.extract_strided_slice %squeeze3A_1392 {offsets = [1, 0], sizes = [1, 256], strides = [1, 1]} : vector<3x256xf32> to vector<1x256xf32>
    %slice3A_1395 = vector.extract_strided_slice %squeeze3A_1392 {offsets = [2, 0], sizes = [1, 256], strides = [1, 1]} : vector<3x256xf32> to vector<1x256xf32>
    %mul3A_1396 = arith.mulf %slice3A_1393, %slice3A_1393 : vector<1x256xf32>
    %mul3A_1397 = arith.mulf %slice3A_1394, %slice3A_1394 : vector<1x256xf32>
    %mul3A_1398 = arith.mulf %slice3A_1395, %slice3A_1395 : vector<1x256xf32>
    %mul3A_1399 = arith.mulf %slice3A_1393, %slice3A_1394 : vector<1x256xf32>
    %mul3A_1400 = arith.mulf %slice3A_1394, %slice3A_1395 : vector<1x256xf32>
    %mul3A_1401 = arith.mulf %slice3A_1393, %slice3A_1395 : vector<1x256xf32>
    %mul3A_1402 = arith.constant -0.488602519 : f32
    %mul3A_1403 = vector.broadcast %mul3A_1402 : f32 to vector<1x256xf32>
    %mul3A_1404 = arith.mulf %mul3A_1403, %slice3A_1394 : vector<1x256xf32>
    %mul3A_1405 = arith.constant 0.488602519 : f32
    %mul3A_1406 = vector.broadcast %mul3A_1405 : f32 to vector<1x256xf32>
    %mul3A_1407 = arith.mulf %mul3A_1406, %slice3A_1395 : vector<1x256xf32>
    %mul3A_1408 = arith.constant -0.488602519 : f32
    %mul3A_1409 = vector.broadcast %mul3A_1408 : f32 to vector<1x256xf32>
    %mul3A_1410 = arith.mulf %mul3A_1409, %slice3A_1393 : vector<1x256xf32>
    %mul3A_1411 = arith.constant 1.09254849 : f32
    %mul3A_1412 = vector.broadcast %mul3A_1411 : f32 to vector<1x256xf32>
    %mul3A_1413 = arith.mulf %mul3A_1412, %mul3A_1399 : vector<1x256xf32>
    %mul3A_1414 = arith.constant -1.09254849 : f32
    %mul3A_1415 = vector.broadcast %mul3A_1414 : f32 to vector<1x256xf32>
    %mul3A_1416 = arith.mulf %mul3A_1415, %mul3A_1400 : vector<1x256xf32>
    %mul3A_1417 = arith.constant 2.000000e+00 : f32
    %mul3A_1418 = vector.broadcast %mul3A_1417 : f32 to vector<1x256xf32>
    %mul3A_1419 = arith.mulf %mul3A_1418, %mul3A_1398 : vector<1x256xf32>
    %sub3A_1420 = arith.subf %mul3A_1419, %mul3A_1396 : vector<1x256xf32>
    %sub3A_1421 = arith.subf %sub3A_1420, %mul3A_1397 : vector<1x256xf32>
    %mul3A_1422 = arith.constant 0.31539157 : f32
    %mul3A_1423 = vector.broadcast %mul3A_1422 : f32 to vector<1x256xf32>
    %mul3A_1424 = arith.mulf %mul3A_1423, %sub3A_1421 : vector<1x256xf32>
    %mul3A_1425 = arith.constant -1.09254849 : f32
    %mul3A_1426 = vector.broadcast %mul3A_1425 : f32 to vector<1x256xf32>
    %mul3A_1427 = arith.mulf %mul3A_1426, %mul3A_1401 : vector<1x256xf32>
    %sub3A_1428 = arith.subf %mul3A_1396, %mul3A_1397 : vector<1x256xf32>
    %mul3A_1429 = arith.constant 0.546274245 : f32
    %mul3A_1430 = vector.broadcast %mul3A_1429 : f32 to vector<1x256xf32>
    %mul3A_1431 = arith.mulf %mul3A_1430, %sub3A_1428 : vector<1x256xf32>
    %mul3A_1432 = arith.constant -0.590043604 : f32
    %mul3A_1433 = vector.broadcast %mul3A_1432 : f32 to vector<1x256xf32>
    %mul3A_1434 = arith.mulf %mul3A_1433, %slice3A_1394 : vector<1x256xf32>
    %mul3A_1435 = arith.constant 3.000000e+00 : f32
    %mul3A_1436 = vector.broadcast %mul3A_1435 : f32 to vector<1x256xf32>
    %mul3A_1437 = arith.mulf %mul3A_1436, %mul3A_1396 : vector<1x256xf32>
    %sub3A_1438 = arith.subf %mul3A_1437, %mul3A_1397 : vector<1x256xf32>
    %mul3A_1439 = arith.mulf %mul3A_1434, %sub3A_1438 : vector<1x256xf32>
    %mul3A_1440 = arith.constant 2.89061141 : f32
    %mul3A_1441 = vector.broadcast %mul3A_1440 : f32 to vector<1x256xf32>
    %mul3A_1442 = arith.mulf %mul3A_1441, %mul3A_1399 : vector<1x256xf32>
    %mul3A_1443 = arith.mulf %mul3A_1442, %slice3A_1395 : vector<1x256xf32>
    %mul3A_1444 = arith.constant -0.457045794 : f32
    %mul3A_1445 = vector.broadcast %mul3A_1444 : f32 to vector<1x256xf32>
    %mul3A_1446 = arith.mulf %mul3A_1445, %slice3A_1394 : vector<1x256xf32>
    %mul3A_1447 = arith.constant 4.000000e+00 : f32
    %mul3A_1448 = vector.broadcast %mul3A_1447 : f32 to vector<1x256xf32>
    %mul3A_1449 = arith.mulf %mul3A_1448, %mul3A_1398 : vector<1x256xf32>
    %sub3A_1450 = arith.subf %mul3A_1449, %mul3A_1396 : vector<1x256xf32>
    %sub3A_1451 = arith.subf %sub3A_1450, %mul3A_1397 : vector<1x256xf32>
    %mul3A_1452 = arith.mulf %mul3A_1446, %sub3A_1451 : vector<1x256xf32>
    %mul3A_1453 = arith.constant 0.373176336 : f32
    %mul3A_1454 = vector.broadcast %mul3A_1453 : f32 to vector<1x256xf32>
    %mul3A_1455 = arith.mulf %mul3A_1454, %slice3A_1395 : vector<1x256xf32>
    %mul3A_1456 = arith.constant 2.000000e+00 : f32
    %mul3A_1457 = vector.broadcast %mul3A_1456 : f32 to vector<1x256xf32>
    %mul3A_1458 = arith.mulf %mul3A_1457, %mul3A_1398 : vector<1x256xf32>
    %mul3A_1459 = arith.constant 3.000000e+00 : f32
    %mul3A_1460 = vector.broadcast %mul3A_1459 : f32 to vector<1x256xf32>
    %mul3A_1461 = arith.mulf %mul3A_1460, %mul3A_1396 : vector<1x256xf32>
    %sub3A_1462 = arith.subf %mul3A_1458, %mul3A_1461 : vector<1x256xf32>
    %mul3A_1463 = arith.constant 3.000000e+00 : f32
    %mul3A_1464 = vector.broadcast %mul3A_1463 : f32 to vector<1x256xf32>
    %mul3A_1465 = arith.mulf %mul3A_1464, %mul3A_1397 : vector<1x256xf32>
    %sub3A_1466 = arith.subf %sub3A_1462, %mul3A_1465 : vector<1x256xf32>
    %mul3A_1467 = arith.mulf %mul3A_1455, %sub3A_1466 : vector<1x256xf32>
    %mul3A_1468 = arith.constant -0.457045794 : f32
    %mul3A_1469 = vector.broadcast %mul3A_1468 : f32 to vector<1x256xf32>
    %mul3A_1470 = arith.mulf %mul3A_1469, %slice3A_1393 : vector<1x256xf32>
    %mul3A_1471 = arith.constant 4.000000e+00 : f32
    %mul3A_1472 = vector.broadcast %mul3A_1471 : f32 to vector<1x256xf32>
    %mul3A_1473 = arith.mulf %mul3A_1472, %mul3A_1398 : vector<1x256xf32>
    %sub3A_1474 = arith.subf %mul3A_1473, %mul3A_1396 : vector<1x256xf32>
    %sub3A_1475 = arith.subf %sub3A_1474, %mul3A_1397 : vector<1x256xf32>
    %mul3A_1476 = arith.mulf %mul3A_1470, %sub3A_1475 : vector<1x256xf32>
    %mul3A_1477 = arith.constant 1.44530571 : f32
    %mul3A_1478 = vector.broadcast %mul3A_1477 : f32 to vector<1x256xf32>
    %mul3A_1479 = arith.mulf %mul3A_1478, %slice3A_1395 : vector<1x256xf32>
    %sub3A_1480 = arith.subf %mul3A_1396, %mul3A_1397 : vector<1x256xf32>
    %mul3A_1481 = arith.mulf %mul3A_1479, %sub3A_1480 : vector<1x256xf32>
    %mul3A_1482 = arith.constant -0.590043604 : f32
    %mul3A_1483 = vector.broadcast %mul3A_1482 : f32 to vector<1x256xf32>
    %mul3A_1484 = arith.mulf %mul3A_1483, %slice3A_1393 : vector<1x256xf32>
    %sub3A_1485 = arith.subf %mul3A_1396, %mul3A_1397 : vector<1x256xf32>
    %sub3A_1486 = arith.subf %sub3A_1485, %mul3A_1398 : vector<1x256xf32>
    %mul3A_1487 = arith.mulf %mul3A_1484, %sub3A_1486 : vector<1x256xf32>
    %concatenate3A_1488 = tpu.concatenate %mul3A_1404, %mul3A_1407, %mul3A_1410, %mul3A_1413, %mul3A_1416, %mul3A_1424, %mul3A_1427, %mul3A_1431, %mul3A_1439, %mul3A_1443, %mul3A_1452, %mul3A_1467, %mul3A_1476, %mul3A_1481, %mul3A_1487 in 0 : vector<1x256xf32>, vector<1x256xf32>, vector<1x256xf32>, vector<1x256xf32>, vector<1x256xf32>, vector<1x256xf32>, vector<1x256xf32>, vector<1x256xf32>, vector<1x256xf32>, vector<1x256xf32>, vector<1x256xf32>, vector<1x256xf32>, vector<1x256xf32>, vector<1x256xf32>, vector<1x256xf32> -> vector<15x256xf32>
    %slice3A_1489 = vector.extract_strided_slice %get3A_67 {offsets = [0, 0, 2304], sizes = [1, 15, 256], strides = [1, 1, 1]} : vector<3x15x4096xf32> to vector<1x15x256xf32>
    %squeeze3A_1490 = vector.shape_cast %slice3A_1489 : vector<1x15x256xf32> to vector<15x256xf32>
    %mul3A_1491 = arith.mulf %concatenate3A_1488, %squeeze3A_1490 : vector<15x256xf32>
    %reduce_sum3A_1492 = arith.constant dense<0.000000e+00> : vector<256xf32>
    %reduce_sum3A_1493 = vector.multi_reduction <add>, %mul3A_1491, %reduce_sum3A_1492 [0] : vector<15x256xf32> to vector<256xf32>
    %broadcast_in_dim3A_1494 = vector.shape_cast %reduce_sum3A_1493 : vector<256xf32> to vector<1x256xf32>
    %slice3A_1495 = vector.extract_strided_slice %get3A_71 {offsets = [0, 0, 2304], sizes = [1, 1, 256], strides = [1, 1, 1]} : vector<3x1x4096xf32> to vector<1x1x256xf32>
    %squeeze3A_1496 = vector.shape_cast %slice3A_1495 : vector<1x1x256xf32> to vector<1x256xf32>
    %mul3A_1497 = arith.constant 0.282094806 : f32
    %mul3A_1498 = vector.broadcast %mul3A_1497 : f32 to vector<1x256xf32>
    %mul3A_1499 = arith.mulf %mul3A_1498, %squeeze3A_1496 : vector<1x256xf32>
    %add3A_1500 = arith.addf %broadcast_in_dim3A_1494, %mul3A_1499 : vector<1x256xf32>
    %slice3A_1501 = vector.extract_strided_slice %get3A_67 {offsets = [1, 0, 2304], sizes = [1, 15, 256], strides = [1, 1, 1]} : vector<3x15x4096xf32> to vector<1x15x256xf32>
    %squeeze3A_1502 = vector.shape_cast %slice3A_1501 : vector<1x15x256xf32> to vector<15x256xf32>
    %mul3A_1503 = arith.mulf %concatenate3A_1488, %squeeze3A_1502 : vector<15x256xf32>
    %reduce_sum3A_1504 = arith.constant dense<0.000000e+00> : vector<256xf32>
    %reduce_sum3A_1505 = vector.multi_reduction <add>, %mul3A_1503, %reduce_sum3A_1504 [0] : vector<15x256xf32> to vector<256xf32>
    %broadcast_in_dim3A_1506 = vector.shape_cast %reduce_sum3A_1505 : vector<256xf32> to vector<1x256xf32>
    %slice3A_1507 = vector.extract_strided_slice %get3A_71 {offsets = [1, 0, 2304], sizes = [1, 1, 256], strides = [1, 1, 1]} : vector<3x1x4096xf32> to vector<1x1x256xf32>
    %squeeze3A_1508 = vector.shape_cast %slice3A_1507 : vector<1x1x256xf32> to vector<1x256xf32>
    %mul3A_1509 = arith.constant 0.282094806 : f32
    %mul3A_1510 = vector.broadcast %mul3A_1509 : f32 to vector<1x256xf32>
    %mul3A_1511 = arith.mulf %mul3A_1510, %squeeze3A_1508 : vector<1x256xf32>
    %add3A_1512 = arith.addf %broadcast_in_dim3A_1506, %mul3A_1511 : vector<1x256xf32>
    %slice3A_1513 = vector.extract_strided_slice %get3A_67 {offsets = [2, 0, 2304], sizes = [1, 15, 256], strides = [1, 1, 1]} : vector<3x15x4096xf32> to vector<1x15x256xf32>
    %squeeze3A_1514 = vector.shape_cast %slice3A_1513 : vector<1x15x256xf32> to vector<15x256xf32>
    %mul3A_1515 = arith.mulf %concatenate3A_1488, %squeeze3A_1514 : vector<15x256xf32>
    %reduce_sum3A_1516 = arith.constant dense<0.000000e+00> : vector<256xf32>
    %reduce_sum3A_1517 = vector.multi_reduction <add>, %mul3A_1515, %reduce_sum3A_1516 [0] : vector<15x256xf32> to vector<256xf32>
    %broadcast_in_dim3A_1518 = vector.shape_cast %reduce_sum3A_1517 : vector<256xf32> to vector<1x256xf32>
    %slice3A_1519 = vector.extract_strided_slice %get3A_71 {offsets = [2, 0, 2304], sizes = [1, 1, 256], strides = [1, 1, 1]} : vector<3x1x4096xf32> to vector<1x1x256xf32>
    %squeeze3A_1520 = vector.shape_cast %slice3A_1519 : vector<1x1x256xf32> to vector<1x256xf32>
    %mul3A_1521 = arith.constant 0.282094806 : f32
    %mul3A_1522 = vector.broadcast %mul3A_1521 : f32 to vector<1x256xf32>
    %mul3A_1523 = arith.mulf %mul3A_1522, %squeeze3A_1520 : vector<1x256xf32>
    %add3A_1524 = arith.addf %broadcast_in_dim3A_1518, %mul3A_1523 : vector<1x256xf32>
    %concatenate3A_1525 = tpu.concatenate %add3A_1500, %add3A_1512, %add3A_1524 in 0 : vector<1x256xf32>, vector<1x256xf32>, vector<1x256xf32> -> vector<3x256xf32>
    %add3A_1526 = arith.constant 5.000000e-01 : f32
    %add3A_1527 = vector.broadcast %add3A_1526 : f32 to vector<3x256xf32>
    %add3A_1528 = arith.addf %concatenate3A_1525, %add3A_1527 : vector<3x256xf32>
    %max3A_1529 = arith.constant 0.000000e+00 : f32
    %max3A_1530 = vector.broadcast %max3A_1529 : f32 to vector<3x256xf32>
    %max3A_1531 = arith.maximumf %add3A_1528, %max3A_1530 : vector<3x256xf32>
    %swap3A_1532 = arith.constant 9 : index
    %swap3A_1533 = arith.constant 10 : index
    %swap3A_1534 = arith.constant 0 : index
    %swap3A_1535 = vector.load %arg8[%swap3A_1532, %swap3A_1533, %swap3A_1534] : memref<16x14x256xf32, #tpu.memory_space<vmem>>, vector<1x3x256xf32>
    %swap3A_1536 = vector.shape_cast %swap3A_1535 : vector<1x3x256xf32> to vector<3x256xf32>
    %swap3A_1537 = vector.shape_cast %max3A_1531 : vector<3x256xf32> to vector<1x3x256xf32>
    tpu.vector_store %arg8[%swap3A_1532, %swap3A_1533, %swap3A_1534], %swap3A_1537 {strides = array<i32>} : memref<16x14x256xf32, #tpu.memory_space<vmem>>, vector<1x3x256xf32>,
    %slice3A_1538 = vector.extract_strided_slice %mul3A_63 {offsets = [10, 0, 0], sizes = [1, 3, 256], strides = [1, 1, 1]} : vector<16x3x256xf32> to vector<1x3x256xf32>
    %squeeze3A_1539 = vector.shape_cast %slice3A_1538 : vector<1x3x256xf32> to vector<3x256xf32>
    %slice3A_1540 = vector.extract_strided_slice %squeeze3A_1539 {offsets = [0, 0], sizes = [1, 256], strides = [1, 1]} : vector<3x256xf32> to vector<1x256xf32>
    %slice3A_1541 = vector.extract_strided_slice %squeeze3A_1539 {offsets = [1, 0], sizes = [1, 256], strides = [1, 1]} : vector<3x256xf32> to vector<1x256xf32>
    %slice3A_1542 = vector.extract_strided_slice %squeeze3A_1539 {offsets = [2, 0], sizes = [1, 256], strides = [1, 1]} : vector<3x256xf32> to vector<1x256xf32>
    %mul3A_1543 = arith.mulf %slice3A_1540, %slice3A_1540 : vector<1x256xf32>
    %mul3A_1544 = arith.mulf %slice3A_1541, %slice3A_1541 : vector<1x256xf32>
    %mul3A_1545 = arith.mulf %slice3A_1542, %slice3A_1542 : vector<1x256xf32>
    %mul3A_1546 = arith.mulf %slice3A_1540, %slice3A_1541 : vector<1x256xf32>
    %mul3A_1547 = arith.mulf %slice3A_1541, %slice3A_1542 : vector<1x256xf32>
    %mul3A_1548 = arith.mulf %slice3A_1540, %slice3A_1542 : vector<1x256xf32>
    %mul3A_1549 = arith.constant -0.488602519 : f32
    %mul3A_1550 = vector.broadcast %mul3A_1549 : f32 to vector<1x256xf32>
    %mul3A_1551 = arith.mulf %mul3A_1550, %slice3A_1541 : vector<1x256xf32>
    %mul3A_1552 = arith.constant 0.488602519 : f32
    %mul3A_1553 = vector.broadcast %mul3A_1552 : f32 to vector<1x256xf32>
    %mul3A_1554 = arith.mulf %mul3A_1553, %slice3A_1542 : vector<1x256xf32>
    %mul3A_1555 = arith.constant -0.488602519 : f32
    %mul3A_1556 = vector.broadcast %mul3A_1555 : f32 to vector<1x256xf32>
    %mul3A_1557 = arith.mulf %mul3A_1556, %slice3A_1540 : vector<1x256xf32>
    %mul3A_1558 = arith.constant 1.09254849 : f32
    %mul3A_1559 = vector.broadcast %mul3A_1558 : f32 to vector<1x256xf32>
    %mul3A_1560 = arith.mulf %mul3A_1559, %mul3A_1546 : vector<1x256xf32>
    %mul3A_1561 = arith.constant -1.09254849 : f32
    %mul3A_1562 = vector.broadcast %mul3A_1561 : f32 to vector<1x256xf32>
    %mul3A_1563 = arith.mulf %mul3A_1562, %mul3A_1547 : vector<1x256xf32>
    %mul3A_1564 = arith.constant 2.000000e+00 : f32
    %mul3A_1565 = vector.broadcast %mul3A_1564 : f32 to vector<1x256xf32>
    %mul3A_1566 = arith.mulf %mul3A_1565, %mul3A_1545 : vector<1x256xf32>
    %sub3A_1567 = arith.subf %mul3A_1566, %mul3A_1543 : vector<1x256xf32>
    %sub3A_1568 = arith.subf %sub3A_1567, %mul3A_1544 : vector<1x256xf32>
    %mul3A_1569 = arith.constant 0.31539157 : f32
    %mul3A_1570 = vector.broadcast %mul3A_1569 : f32 to vector<1x256xf32>
    %mul3A_1571 = arith.mulf %mul3A_1570, %sub3A_1568 : vector<1x256xf32>
    %mul3A_1572 = arith.constant -1.09254849 : f32
    %mul3A_1573 = vector.broadcast %mul3A_1572 : f32 to vector<1x256xf32>
    %mul3A_1574 = arith.mulf %mul3A_1573, %mul3A_1548 : vector<1x256xf32>
    %sub3A_1575 = arith.subf %mul3A_1543, %mul3A_1544 : vector<1x256xf32>
    %mul3A_1576 = arith.constant 0.546274245 : f32
    %mul3A_1577 = vector.broadcast %mul3A_1576 : f32 to vector<1x256xf32>
    %mul3A_1578 = arith.mulf %mul3A_1577, %sub3A_1575 : vector<1x256xf32>
    %mul3A_1579 = arith.constant -0.590043604 : f32
    %mul3A_1580 = vector.broadcast %mul3A_1579 : f32 to vector<1x256xf32>
    %mul3A_1581 = arith.mulf %mul3A_1580, %slice3A_1541 : vector<1x256xf32>
    %mul3A_1582 = arith.constant 3.000000e+00 : f32
    %mul3A_1583 = vector.broadcast %mul3A_1582 : f32 to vector<1x256xf32>
    %mul3A_1584 = arith.mulf %mul3A_1583, %mul3A_1543 : vector<1x256xf32>
    %sub3A_1585 = arith.subf %mul3A_1584, %mul3A_1544 : vector<1x256xf32>
    %mul3A_1586 = arith.mulf %mul3A_1581, %sub3A_1585 : vector<1x256xf32>
    %mul3A_1587 = arith.constant 2.89061141 : f32
    %mul3A_1588 = vector.broadcast %mul3A_1587 : f32 to vector<1x256xf32>
    %mul3A_1589 = arith.mulf %mul3A_1588, %mul3A_1546 : vector<1x256xf32>
    %mul3A_1590 = arith.mulf %mul3A_1589, %slice3A_1542 : vector<1x256xf32>
    %mul3A_1591 = arith.constant -0.457045794 : f32
    %mul3A_1592 = vector.broadcast %mul3A_1591 : f32 to vector<1x256xf32>
    %mul3A_1593 = arith.mulf %mul3A_1592, %slice3A_1541 : vector<1x256xf32>
    %mul3A_1594 = arith.constant 4.000000e+00 : f32
    %mul3A_1595 = vector.broadcast %mul3A_1594 : f32 to vector<1x256xf32>
    %mul3A_1596 = arith.mulf %mul3A_1595, %mul3A_1545 : vector<1x256xf32>
    %sub3A_1597 = arith.subf %mul3A_1596, %mul3A_1543 : vector<1x256xf32>
    %sub3A_1598 = arith.subf %sub3A_1597, %mul3A_1544 : vector<1x256xf32>
    %mul3A_1599 = arith.mulf %mul3A_1593, %sub3A_1598 : vector<1x256xf32>
    %mul3A_1600 = arith.constant 0.373176336 : f32
    %mul3A_1601 = vector.broadcast %mul3A_1600 : f32 to vector<1x256xf32>
    %mul3A_1602 = arith.mulf %mul3A_1601, %slice3A_1542 : vector<1x256xf32>
    %mul3A_1603 = arith.constant 2.000000e+00 : f32
    %mul3A_1604 = vector.broadcast %mul3A_1603 : f32 to vector<1x256xf32>
    %mul3A_1605 = arith.mulf %mul3A_1604, %mul3A_1545 : vector<1x256xf32>
    %mul3A_1606 = arith.constant 3.000000e+00 : f32
    %mul3A_1607 = vector.broadcast %mul3A_1606 : f32 to vector<1x256xf32>
    %mul3A_1608 = arith.mulf %mul3A_1607, %mul3A_1543 : vector<1x256xf32>
    %sub3A_1609 = arith.subf %mul3A_1605, %mul3A_1608 : vector<1x256xf32>
    %mul3A_1610 = arith.constant 3.000000e+00 : f32
    %mul3A_1611 = vector.broadcast %mul3A_1610 : f32 to vector<1x256xf32>
    %mul3A_1612 = arith.mulf %mul3A_1611, %mul3A_1544 : vector<1x256xf32>
    %sub3A_1613 = arith.subf %sub3A_1609, %mul3A_1612 : vector<1x256xf32>
    %mul3A_1614 = arith.mulf %mul3A_1602, %sub3A_1613 : vector<1x256xf32>
    %mul3A_1615 = arith.constant -0.457045794 : f32
    %mul3A_1616 = vector.broadcast %mul3A_1615 : f32 to vector<1x256xf32>
    %mul3A_1617 = arith.mulf %mul3A_1616, %slice3A_1540 : vector<1x256xf32>
    %mul3A_1618 = arith.constant 4.000000e+00 : f32
    %mul3A_1619 = vector.broadcast %mul3A_1618 : f32 to vector<1x256xf32>
    %mul3A_1620 = arith.mulf %mul3A_1619, %mul3A_1545 : vector<1x256xf32>
    %sub3A_1621 = arith.subf %mul3A_1620, %mul3A_1543 : vector<1x256xf32>
    %sub3A_1622 = arith.subf %sub3A_1621, %mul3A_1544 : vector<1x256xf32>
    %mul3A_1623 = arith.mulf %mul3A_1617, %sub3A_1622 : vector<1x256xf32>
    %mul3A_1624 = arith.constant 1.44530571 : f32
    %mul3A_1625 = vector.broadcast %mul3A_1624 : f32 to vector<1x256xf32>
    %mul3A_1626 = arith.mulf %mul3A_1625, %slice3A_1542 : vector<1x256xf32>
    %sub3A_1627 = arith.subf %mul3A_1543, %mul3A_1544 : vector<1x256xf32>
    %mul3A_1628 = arith.mulf %mul3A_1626, %sub3A_1627 : vector<1x256xf32>
    %mul3A_1629 = arith.constant -0.590043604 : f32
    %mul3A_1630 = vector.broadcast %mul3A_1629 : f32 to vector<1x256xf32>
    %mul3A_1631 = arith.mulf %mul3A_1630, %slice3A_1540 : vector<1x256xf32>
    %sub3A_1632 = arith.subf %mul3A_1543, %mul3A_1544 : vector<1x256xf32>
    %sub3A_1633 = arith.subf %sub3A_1632, %mul3A_1545 : vector<1x256xf32>
    %mul3A_1634 = arith.mulf %mul3A_1631, %sub3A_1633 : vector<1x256xf32>
    %concatenate3A_1635 = tpu.concatenate %mul3A_1551, %mul3A_1554, %mul3A_1557, %mul3A_1560, %mul3A_1563, %mul3A_1571, %mul3A_1574, %mul3A_1578, %mul3A_1586, %mul3A_1590, %mul3A_1599, %mul3A_1614, %mul3A_1623, %mul3A_1628, %mul3A_1634 in 0 : vector<1x256xf32>, vector<1x256xf32>, vector<1x256xf32>, vector<1x256xf32>, vector<1x256xf32>, vector<1x256xf32>, vector<1x256xf32>, vector<1x256xf32>, vector<1x256xf32>, vector<1x256xf32>, vector<1x256xf32>, vector<1x256xf32>, vector<1x256xf32>, vector<1x256xf32>, vector<1x256xf32> -> vector<15x256xf32>
    %slice3A_1636 = vector.extract_strided_slice %get3A_67 {offsets = [0, 0, 2560], sizes = [1, 15, 256], strides = [1, 1, 1]} : vector<3x15x4096xf32> to vector<1x15x256xf32>
    %squeeze3A_1637 = vector.shape_cast %slice3A_1636 : vector<1x15x256xf32> to vector<15x256xf32>
    %mul3A_1638 = arith.mulf %concatenate3A_1635, %squeeze3A_1637 : vector<15x256xf32>
    %reduce_sum3A_1639 = arith.constant dense<0.000000e+00> : vector<256xf32>
    %reduce_sum3A_1640 = vector.multi_reduction <add>, %mul3A_1638, %reduce_sum3A_1639 [0] : vector<15x256xf32> to vector<256xf32>
    %broadcast_in_dim3A_1641 = vector.shape_cast %reduce_sum3A_1640 : vector<256xf32> to vector<1x256xf32>
    %slice3A_1642 = vector.extract_strided_slice %get3A_71 {offsets = [0, 0, 2560], sizes = [1, 1, 256], strides = [1, 1, 1]} : vector<3x1x4096xf32> to vector<1x1x256xf32>
    %squeeze3A_1643 = vector.shape_cast %slice3A_1642 : vector<1x1x256xf32> to vector<1x256xf32>
    %mul3A_1644 = arith.constant 0.282094806 : f32
    %mul3A_1645 = vector.broadcast %mul3A_1644 : f32 to vector<1x256xf32>
    %mul3A_1646 = arith.mulf %mul3A_1645, %squeeze3A_1643 : vector<1x256xf32>
    %add3A_1647 = arith.addf %broadcast_in_dim3A_1641, %mul3A_1646 : vector<1x256xf32>
    %slice3A_1648 = vector.extract_strided_slice %get3A_67 {offsets = [1, 0, 2560], sizes = [1, 15, 256], strides = [1, 1, 1]} : vector<3x15x4096xf32> to vector<1x15x256xf32>
    %squeeze3A_1649 = vector.shape_cast %slice3A_1648 : vector<1x15x256xf32> to vector<15x256xf32>
    %mul3A_1650 = arith.mulf %concatenate3A_1635, %squeeze3A_1649 : vector<15x256xf32>
    %reduce_sum3A_1651 = arith.constant dense<0.000000e+00> : vector<256xf32>
    %reduce_sum3A_1652 = vector.multi_reduction <add>, %mul3A_1650, %reduce_sum3A_1651 [0] : vector<15x256xf32> to vector<256xf32>
    %broadcast_in_dim3A_1653 = vector.shape_cast %reduce_sum3A_1652 : vector<256xf32> to vector<1x256xf32>
    %slice3A_1654 = vector.extract_strided_slice %get3A_71 {offsets = [1, 0, 2560], sizes = [1, 1, 256], strides = [1, 1, 1]} : vector<3x1x4096xf32> to vector<1x1x256xf32>
    %squeeze3A_1655 = vector.shape_cast %slice3A_1654 : vector<1x1x256xf32> to vector<1x256xf32>
    %mul3A_1656 = arith.constant 0.282094806 : f32
    %mul3A_1657 = vector.broadcast %mul3A_1656 : f32 to vector<1x256xf32>
    %mul3A_1658 = arith.mulf %mul3A_1657, %squeeze3A_1655 : vector<1x256xf32>
    %add3A_1659 = arith.addf %broadcast_in_dim3A_1653, %mul3A_1658 : vector<1x256xf32>
    %slice3A_1660 = vector.extract_strided_slice %get3A_67 {offsets = [2, 0, 2560], sizes = [1, 15, 256], strides = [1, 1, 1]} : vector<3x15x4096xf32> to vector<1x15x256xf32>
    %squeeze3A_1661 = vector.shape_cast %slice3A_1660 : vector<1x15x256xf32> to vector<15x256xf32>
    %mul3A_1662 = arith.mulf %concatenate3A_1635, %squeeze3A_1661 : vector<15x256xf32>
    %reduce_sum3A_1663 = arith.constant dense<0.000000e+00> : vector<256xf32>
    %reduce_sum3A_1664 = vector.multi_reduction <add>, %mul3A_1662, %reduce_sum3A_1663 [0] : vector<15x256xf32> to vector<256xf32>
    %broadcast_in_dim3A_1665 = vector.shape_cast %reduce_sum3A_1664 : vector<256xf32> to vector<1x256xf32>
    %slice3A_1666 = vector.extract_strided_slice %get3A_71 {offsets = [2, 0, 2560], sizes = [1, 1, 256], strides = [1, 1, 1]} : vector<3x1x4096xf32> to vector<1x1x256xf32>
    %squeeze3A_1667 = vector.shape_cast %slice3A_1666 : vector<1x1x256xf32> to vector<1x256xf32>
    %mul3A_1668 = arith.constant 0.282094806 : f32
    %mul3A_1669 = vector.broadcast %mul3A_1668 : f32 to vector<1x256xf32>
    %mul3A_1670 = arith.mulf %mul3A_1669, %squeeze3A_1667 : vector<1x256xf32>
    %add3A_1671 = arith.addf %broadcast_in_dim3A_1665, %mul3A_1670 : vector<1x256xf32>
    %concatenate3A_1672 = tpu.concatenate %add3A_1647, %add3A_1659, %add3A_1671 in 0 : vector<1x256xf32>, vector<1x256xf32>, vector<1x256xf32> -> vector<3x256xf32>
    %add3A_1673 = arith.constant 5.000000e-01 : f32
    %add3A_1674 = vector.broadcast %add3A_1673 : f32 to vector<3x256xf32>
    %add3A_1675 = arith.addf %concatenate3A_1672, %add3A_1674 : vector<3x256xf32>
    %max3A_1676 = arith.constant 0.000000e+00 : f32
    %max3A_1677 = vector.broadcast %max3A_1676 : f32 to vector<3x256xf32>
    %max3A_1678 = arith.maximumf %add3A_1675, %max3A_1677 : vector<3x256xf32>
    %swap3A_1679 = arith.constant 10 : index
    %swap3A_1680 = arith.constant 10 : index
    %swap3A_1681 = arith.constant 0 : index
    %swap3A_1682 = vector.load %arg8[%swap3A_1679, %swap3A_1680, %swap3A_1681] : memref<16x14x256xf32, #tpu.memory_space<vmem>>, vector<1x3x256xf32>
    %swap3A_1683 = vector.shape_cast %swap3A_1682 : vector<1x3x256xf32> to vector<3x256xf32>
    %swap3A_1684 = vector.shape_cast %max3A_1678 : vector<3x256xf32> to vector<1x3x256xf32>
    tpu.vector_store %arg8[%swap3A_1679, %swap3A_1680, %swap3A_1681], %swap3A_1684 {strides = array<i32>} : memref<16x14x256xf32, #tpu.memory_space<vmem>>, vector<1x3x256xf32>,
    %slice3A_1685 = vector.extract_strided_slice %mul3A_63 {offsets = [11, 0, 0], sizes = [1, 3, 256], strides = [1, 1, 1]} : vector<16x3x256xf32> to vector<1x3x256xf32>
    %squeeze3A_1686 = vector.shape_cast %slice3A_1685 : vector<1x3x256xf32> to vector<3x256xf32>
    %slice3A_1687 = vector.extract_strided_slice %squeeze3A_1686 {offsets = [0, 0], sizes = [1, 256], strides = [1, 1]} : vector<3x256xf32> to vector<1x256xf32>
    %slice3A_1688 = vector.extract_strided_slice %squeeze3A_1686 {offsets = [1, 0], sizes = [1, 256], strides = [1, 1]} : vector<3x256xf32> to vector<1x256xf32>
    %slice3A_1689 = vector.extract_strided_slice %squeeze3A_1686 {offsets = [2, 0], sizes = [1, 256], strides = [1, 1]} : vector<3x256xf32> to vector<1x256xf32>
    %mul3A_1690 = arith.mulf %slice3A_1687, %slice3A_1687 : vector<1x256xf32>
    %mul3A_1691 = arith.mulf %slice3A_1688, %slice3A_1688 : vector<1x256xf32>
    %mul3A_1692 = arith.mulf %slice3A_1689, %slice3A_1689 : vector<1x256xf32>
    %mul3A_1693 = arith.mulf %slice3A_1687, %slice3A_1688 : vector<1x256xf32>
    %mul3A_1694 = arith.mulf %slice3A_1688, %slice3A_1689 : vector<1x256xf32>
    %mul3A_1695 = arith.mulf %slice3A_1687, %slice3A_1689 : vector<1x256xf32>
    %mul3A_1696 = arith.constant -0.488602519 : f32
    %mul3A_1697 = vector.broadcast %mul3A_1696 : f32 to vector<1x256xf32>
    %mul3A_1698 = arith.mulf %mul3A_1697, %slice3A_1688 : vector<1x256xf32>
    %mul3A_1699 = arith.constant 0.488602519 : f32
    %mul3A_1700 = vector.broadcast %mul3A_1699 : f32 to vector<1x256xf32>
    %mul3A_1701 = arith.mulf %mul3A_1700, %slice3A_1689 : vector<1x256xf32>
    %mul3A_1702 = arith.constant -0.488602519 : f32
    %mul3A_1703 = vector.broadcast %mul3A_1702 : f32 to vector<1x256xf32>
    %mul3A_1704 = arith.mulf %mul3A_1703, %slice3A_1687 : vector<1x256xf32>
    %mul3A_1705 = arith.constant 1.09254849 : f32
    %mul3A_1706 = vector.broadcast %mul3A_1705 : f32 to vector<1x256xf32>
    %mul3A_1707 = arith.mulf %mul3A_1706, %mul3A_1693 : vector<1x256xf32>
    %mul3A_1708 = arith.constant -1.09254849 : f32
    %mul3A_1709 = vector.broadcast %mul3A_1708 : f32 to vector<1x256xf32>
    %mul3A_1710 = arith.mulf %mul3A_1709, %mul3A_1694 : vector<1x256xf32>
    %mul3A_1711 = arith.constant 2.000000e+00 : f32
    %mul3A_1712 = vector.broadcast %mul3A_1711 : f32 to vector<1x256xf32>
    %mul3A_1713 = arith.mulf %mul3A_1712, %mul3A_1692 : vector<1x256xf32>
    %sub3A_1714 = arith.subf %mul3A_1713, %mul3A_1690 : vector<1x256xf32>
    %sub3A_1715 = arith.subf %sub3A_1714, %mul3A_1691 : vector<1x256xf32>
    %mul3A_1716 = arith.constant 0.31539157 : f32
    %mul3A_1717 = vector.broadcast %mul3A_1716 : f32 to vector<1x256xf32>
    %mul3A_1718 = arith.mulf %mul3A_1717, %sub3A_1715 : vector<1x256xf32>
    %mul3A_1719 = arith.constant -1.09254849 : f32
    %mul3A_1720 = vector.broadcast %mul3A_1719 : f32 to vector<1x256xf32>
    %mul3A_1721 = arith.mulf %mul3A_1720, %mul3A_1695 : vector<1x256xf32>
    %sub3A_1722 = arith.subf %mul3A_1690, %mul3A_1691 : vector<1x256xf32>
    %mul3A_1723 = arith.constant 0.546274245 : f32
    %mul3A_1724 = vector.broadcast %mul3A_1723 : f32 to vector<1x256xf32>
    %mul3A_1725 = arith.mulf %mul3A_1724, %sub3A_1722 : vector<1x256xf32>
    %mul3A_1726 = arith.constant -0.590043604 : f32
    %mul3A_1727 = vector.broadcast %mul3A_1726 : f32 to vector<1x256xf32>
    %mul3A_1728 = arith.mulf %mul3A_1727, %slice3A_1688 : vector<1x256xf32>
    %mul3A_1729 = arith.constant 3.000000e+00 : f32
    %mul3A_1730 = vector.broadcast %mul3A_1729 : f32 to vector<1x256xf32>
    %mul3A_1731 = arith.mulf %mul3A_1730, %mul3A_1690 : vector<1x256xf32>
    %sub3A_1732 = arith.subf %mul3A_1731, %mul3A_1691 : vector<1x256xf32>
    %mul3A_1733 = arith.mulf %mul3A_1728, %sub3A_1732 : vector<1x256xf32>
    %mul3A_1734 = arith.constant 2.89061141 : f32
    %mul3A_1735 = vector.broadcast %mul3A_1734 : f32 to vector<1x256xf32>
    %mul3A_1736 = arith.mulf %mul3A_1735, %mul3A_1693 : vector<1x256xf32>
    %mul3A_1737 = arith.mulf %mul3A_1736, %slice3A_1689 : vector<1x256xf32>
    %mul3A_1738 = arith.constant -0.457045794 : f32
    %mul3A_1739 = vector.broadcast %mul3A_1738 : f32 to vector<1x256xf32>
    %mul3A_1740 = arith.mulf %mul3A_1739, %slice3A_1688 : vector<1x256xf32>
    %mul3A_1741 = arith.constant 4.000000e+00 : f32
    %mul3A_1742 = vector.broadcast %mul3A_1741 : f32 to vector<1x256xf32>
    %mul3A_1743 = arith.mulf %mul3A_1742, %mul3A_1692 : vector<1x256xf32>
    %sub3A_1744 = arith.subf %mul3A_1743, %mul3A_1690 : vector<1x256xf32>
    %sub3A_1745 = arith.subf %sub3A_1744, %mul3A_1691 : vector<1x256xf32>
    %mul3A_1746 = arith.mulf %mul3A_1740, %sub3A_1745 : vector<1x256xf32>
    %mul3A_1747 = arith.constant 0.373176336 : f32
    %mul3A_1748 = vector.broadcast %mul3A_1747 : f32 to vector<1x256xf32>
    %mul3A_1749 = arith.mulf %mul3A_1748, %slice3A_1689 : vector<1x256xf32>
    %mul3A_1750 = arith.constant 2.000000e+00 : f32
    %mul3A_1751 = vector.broadcast %mul3A_1750 : f32 to vector<1x256xf32>
    %mul3A_1752 = arith.mulf %mul3A_1751, %mul3A_1692 : vector<1x256xf32>
    %mul3A_1753 = arith.constant 3.000000e+00 : f32
    %mul3A_1754 = vector.broadcast %mul3A_1753 : f32 to vector<1x256xf32>
    %mul3A_1755 = arith.mulf %mul3A_1754, %mul3A_1690 : vector<1x256xf32>
    %sub3A_1756 = arith.subf %mul3A_1752, %mul3A_1755 : vector<1x256xf32>
    %mul3A_1757 = arith.constant 3.000000e+00 : f32
    %mul3A_1758 = vector.broadcast %mul3A_1757 : f32 to vector<1x256xf32>
    %mul3A_1759 = arith.mulf %mul3A_1758, %mul3A_1691 : vector<1x256xf32>
    %sub3A_1760 = arith.subf %sub3A_1756, %mul3A_1759 : vector<1x256xf32>
    %mul3A_1761 = arith.mulf %mul3A_1749, %sub3A_1760 : vector<1x256xf32>
    %mul3A_1762 = arith.constant -0.457045794 : f32
    %mul3A_1763 = vector.broadcast %mul3A_1762 : f32 to vector<1x256xf32>
    %mul3A_1764 = arith.mulf %mul3A_1763, %slice3A_1687 : vector<1x256xf32>
    %mul3A_1765 = arith.constant 4.000000e+00 : f32
    %mul3A_1766 = vector.broadcast %mul3A_1765 : f32 to vector<1x256xf32>
    %mul3A_1767 = arith.mulf %mul3A_1766, %mul3A_1692 : vector<1x256xf32>
    %sub3A_1768 = arith.subf %mul3A_1767, %mul3A_1690 : vector<1x256xf32>
    %sub3A_1769 = arith.subf %sub3A_1768, %mul3A_1691 : vector<1x256xf32>
    %mul3A_1770 = arith.mulf %mul3A_1764, %sub3A_1769 : vector<1x256xf32>
    %mul3A_1771 = arith.constant 1.44530571 : f32
    %mul3A_1772 = vector.broadcast %mul3A_1771 : f32 to vector<1x256xf32>
    %mul3A_1773 = arith.mulf %mul3A_1772, %slice3A_1689 : vector<1x256xf32>
    %sub3A_1774 = arith.subf %mul3A_1690, %mul3A_1691 : vector<1x256xf32>
    %mul3A_1775 = arith.mulf %mul3A_1773, %sub3A_1774 : vector<1x256xf32>
    %mul3A_1776 = arith.constant -0.590043604 : f32
    %mul3A_1777 = vector.broadcast %mul3A_1776 : f32 to vector<1x256xf32>
    %mul3A_1778 = arith.mulf %mul3A_1777, %slice3A_1687 : vector<1x256xf32>
    %sub3A_1779 = arith.subf %mul3A_1690, %mul3A_1691 : vector<1x256xf32>
    %sub3A_1780 = arith.subf %sub3A_1779, %mul3A_1692 : vector<1x256xf32>
    %mul3A_1781 = arith.mulf %mul3A_1778, %sub3A_1780 : vector<1x256xf32>
    %concatenate3A_1782 = tpu.concatenate %mul3A_1698, %mul3A_1701, %mul3A_1704, %mul3A_1707, %mul3A_1710, %mul3A_1718, %mul3A_1721, %mul3A_1725, %mul3A_1733, %mul3A_1737, %mul3A_1746, %mul3A_1761, %mul3A_1770, %mul3A_1775, %mul3A_1781 in 0 : vector<1x256xf32>, vector<1x256xf32>, vector<1x256xf32>, vector<1x256xf32>, vector<1x256xf32>, vector<1x256xf32>, vector<1x256xf32>, vector<1x256xf32>, vector<1x256xf32>, vector<1x256xf32>, vector<1x256xf32>, vector<1x256xf32>, vector<1x256xf32>, vector<1x256xf32>, vector<1x256xf32> -> vector<15x256xf32>
    %slice3A_1783 = vector.extract_strided_slice %get3A_67 {offsets = [0, 0, 2816], sizes = [1, 15, 256], strides = [1, 1, 1]} : vector<3x15x4096xf32> to vector<1x15x256xf32>
    %squeeze3A_1784 = vector.shape_cast %slice3A_1783 : vector<1x15x256xf32> to vector<15x256xf32>
    %mul3A_1785 = arith.mulf %concatenate3A_1782, %squeeze3A_1784 : vector<15x256xf32>
    %reduce_sum3A_1786 = arith.constant dense<0.000000e+00> : vector<256xf32>
    %reduce_sum3A_1787 = vector.multi_reduction <add>, %mul3A_1785, %reduce_sum3A_1786 [0] : vector<15x256xf32> to vector<256xf32>
    %broadcast_in_dim3A_1788 = vector.shape_cast %reduce_sum3A_1787 : vector<256xf32> to vector<1x256xf32>
    %slice3A_1789 = vector.extract_strided_slice %get3A_71 {offsets = [0, 0, 2816], sizes = [1, 1, 256], strides = [1, 1, 1]} : vector<3x1x4096xf32> to vector<1x1x256xf32>
    %squeeze3A_1790 = vector.shape_cast %slice3A_1789 : vector<1x1x256xf32> to vector<1x256xf32>
    %mul3A_1791 = arith.constant 0.282094806 : f32
    %mul3A_1792 = vector.broadcast %mul3A_1791 : f32 to vector<1x256xf32>
    %mul3A_1793 = arith.mulf %mul3A_1792, %squeeze3A_1790 : vector<1x256xf32>
    %add3A_1794 = arith.addf %broadcast_in_dim3A_1788, %mul3A_1793 : vector<1x256xf32>
    %slice3A_1795 = vector.extract_strided_slice %get3A_67 {offsets = [1, 0, 2816], sizes = [1, 15, 256], strides = [1, 1, 1]} : vector<3x15x4096xf32> to vector<1x15x256xf32>
    %squeeze3A_1796 = vector.shape_cast %slice3A_1795 : vector<1x15x256xf32> to vector<15x256xf32>
    %mul3A_1797 = arith.mulf %concatenate3A_1782, %squeeze3A_1796 : vector<15x256xf32>
    %reduce_sum3A_1798 = arith.constant dense<0.000000e+00> : vector<256xf32>
    %reduce_sum3A_1799 = vector.multi_reduction <add>, %mul3A_1797, %reduce_sum3A_1798 [0] : vector<15x256xf32> to vector<256xf32>
    %broadcast_in_dim3A_1800 = vector.shape_cast %reduce_sum3A_1799 : vector<256xf32> to vector<1x256xf32>
    %slice3A_1801 = vector.extract_strided_slice %get3A_71 {offsets = [1, 0, 2816], sizes = [1, 1, 256], strides = [1, 1, 1]} : vector<3x1x4096xf32> to vector<1x1x256xf32>
    %squeeze3A_1802 = vector.shape_cast %slice3A_1801 : vector<1x1x256xf32> to vector<1x256xf32>
    %mul3A_1803 = arith.constant 0.282094806 : f32
    %mul3A_1804 = vector.broadcast %mul3A_1803 : f32 to vector<1x256xf32>
    %mul3A_1805 = arith.mulf %mul3A_1804, %squeeze3A_1802 : vector<1x256xf32>
    %add3A_1806 = arith.addf %broadcast_in_dim3A_1800, %mul3A_1805 : vector<1x256xf32>
    %slice3A_1807 = vector.extract_strided_slice %get3A_67 {offsets = [2, 0, 2816], sizes = [1, 15, 256], strides = [1, 1, 1]} : vector<3x15x4096xf32> to vector<1x15x256xf32>
    %squeeze3A_1808 = vector.shape_cast %slice3A_1807 : vector<1x15x256xf32> to vector<15x256xf32>
    %mul3A_1809 = arith.mulf %concatenate3A_1782, %squeeze3A_1808 : vector<15x256xf32>
    %reduce_sum3A_1810 = arith.constant dense<0.000000e+00> : vector<256xf32>
    %reduce_sum3A_1811 = vector.multi_reduction <add>, %mul3A_1809, %reduce_sum3A_1810 [0] : vector<15x256xf32> to vector<256xf32>
    %broadcast_in_dim3A_1812 = vector.shape_cast %reduce_sum3A_1811 : vector<256xf32> to vector<1x256xf32>
    %slice3A_1813 = vector.extract_strided_slice %get3A_71 {offsets = [2, 0, 2816], sizes = [1, 1, 256], strides = [1, 1, 1]} : vector<3x1x4096xf32> to vector<1x1x256xf32>
    %squeeze3A_1814 = vector.shape_cast %slice3A_1813 : vector<1x1x256xf32> to vector<1x256xf32>
    %mul3A_1815 = arith.constant 0.282094806 : f32
    %mul3A_1816 = vector.broadcast %mul3A_1815 : f32 to vector<1x256xf32>
    %mul3A_1817 = arith.mulf %mul3A_1816, %squeeze3A_1814 : vector<1x256xf32>
    %add3A_1818 = arith.addf %broadcast_in_dim3A_1812, %mul3A_1817 : vector<1x256xf32>
    %concatenate3A_1819 = tpu.concatenate %add3A_1794, %add3A_1806, %add3A_1818 in 0 : vector<1x256xf32>, vector<1x256xf32>, vector<1x256xf32> -> vector<3x256xf32>
    %add3A_1820 = arith.constant 5.000000e-01 : f32
    %add3A_1821 = vector.broadcast %add3A_1820 : f32 to vector<3x256xf32>
    %add3A_1822 = arith.addf %concatenate3A_1819, %add3A_1821 : vector<3x256xf32>
    %max3A_1823 = arith.constant 0.000000e+00 : f32
    %max3A_1824 = vector.broadcast %max3A_1823 : f32 to vector<3x256xf32>
    %max3A_1825 = arith.maximumf %add3A_1822, %max3A_1824 : vector<3x256xf32>
    %swap3A_1826 = arith.constant 11 : index
    %swap3A_1827 = arith.constant 10 : index
    %swap3A_1828 = arith.constant 0 : index
    %swap3A_1829 = vector.load %arg8[%swap3A_1826, %swap3A_1827, %swap3A_1828] : memref<16x14x256xf32, #tpu.memory_space<vmem>>, vector<1x3x256xf32>
    %swap3A_1830 = vector.shape_cast %swap3A_1829 : vector<1x3x256xf32> to vector<3x256xf32>
    %swap3A_1831 = vector.shape_cast %max3A_1825 : vector<3x256xf32> to vector<1x3x256xf32>
    tpu.vector_store %arg8[%swap3A_1826, %swap3A_1827, %swap3A_1828], %swap3A_1831 {strides = array<i32>} : memref<16x14x256xf32, #tpu.memory_space<vmem>>, vector<1x3x256xf32>,
    %slice3A_1832 = vector.extract_strided_slice %mul3A_63 {offsets = [12, 0, 0], sizes = [1, 3, 256], strides = [1, 1, 1]} : vector<16x3x256xf32> to vector<1x3x256xf32>
    %squeeze3A_1833 = vector.shape_cast %slice3A_1832 : vector<1x3x256xf32> to vector<3x256xf32>
    %slice3A_1834 = vector.extract_strided_slice %squeeze3A_1833 {offsets = [0, 0], sizes = [1, 256], strides = [1, 1]} : vector<3x256xf32> to vector<1x256xf32>
    %slice3A_1835 = vector.extract_strided_slice %squeeze3A_1833 {offsets = [1, 0], sizes = [1, 256], strides = [1, 1]} : vector<3x256xf32> to vector<1x256xf32>
    %slice3A_1836 = vector.extract_strided_slice %squeeze3A_1833 {offsets = [2, 0], sizes = [1, 256], strides = [1, 1]} : vector<3x256xf32> to vector<1x256xf32>
    %mul3A_1837 = arith.mulf %slice3A_1834, %slice3A_1834 : vector<1x256xf32>
    %mul3A_1838 = arith.mulf %slice3A_1835, %slice3A_1835 : vector<1x256xf32>
    %mul3A_1839 = arith.mulf %slice3A_1836, %slice3A_1836 : vector<1x256xf32>
    %mul3A_1840 = arith.mulf %slice3A_1834, %slice3A_1835 : vector<1x256xf32>
    %mul3A_1841 = arith.mulf %slice3A_1835, %slice3A_1836 : vector<1x256xf32>
    %mul3A_1842 = arith.mulf %slice3A_1834, %slice3A_1836 : vector<1x256xf32>
    %mul3A_1843 = arith.constant -0.488602519 : f32
    %mul3A_1844 = vector.broadcast %mul3A_1843 : f32 to vector<1x256xf32>
    %mul3A_1845 = arith.mulf %mul3A_1844, %slice3A_1835 : vector<1x256xf32>
    %mul3A_1846 = arith.constant 0.488602519 : f32
    %mul3A_1847 = vector.broadcast %mul3A_1846 : f32 to vector<1x256xf32>
    %mul3A_1848 = arith.mulf %mul3A_1847, %slice3A_1836 : vector<1x256xf32>
    %mul3A_1849 = arith.constant -0.488602519 : f32
    %mul3A_1850 = vector.broadcast %mul3A_1849 : f32 to vector<1x256xf32>
    %mul3A_1851 = arith.mulf %mul3A_1850, %slice3A_1834 : vector<1x256xf32>
    %mul3A_1852 = arith.constant 1.09254849 : f32
    %mul3A_1853 = vector.broadcast %mul3A_1852 : f32 to vector<1x256xf32>
    %mul3A_1854 = arith.mulf %mul3A_1853, %mul3A_1840 : vector<1x256xf32>
    %mul3A_1855 = arith.constant -1.09254849 : f32
    %mul3A_1856 = vector.broadcast %mul3A_1855 : f32 to vector<1x256xf32>
    %mul3A_1857 = arith.mulf %mul3A_1856, %mul3A_1841 : vector<1x256xf32>
    %mul3A_1858 = arith.constant 2.000000e+00 : f32
    %mul3A_1859 = vector.broadcast %mul3A_1858 : f32 to vector<1x256xf32>
    %mul3A_1860 = arith.mulf %mul3A_1859, %mul3A_1839 : vector<1x256xf32>
    %sub3A_1861 = arith.subf %mul3A_1860, %mul3A_1837 : vector<1x256xf32>
    %sub3A_1862 = arith.subf %sub3A_1861, %mul3A_1838 : vector<1x256xf32>
    %mul3A_1863 = arith.constant 0.31539157 : f32
    %mul3A_1864 = vector.broadcast %mul3A_1863 : f32 to vector<1x256xf32>
    %mul3A_1865 = arith.mulf %mul3A_1864, %sub3A_1862 : vector<1x256xf32>
    %mul3A_1866 = arith.constant -1.09254849 : f32
    %mul3A_1867 = vector.broadcast %mul3A_1866 : f32 to vector<1x256xf32>
    %mul3A_1868 = arith.mulf %mul3A_1867, %mul3A_1842 : vector<1x256xf32>
    %sub3A_1869 = arith.subf %mul3A_1837, %mul3A_1838 : vector<1x256xf32>
    %mul3A_1870 = arith.constant 0.546274245 : f32
    %mul3A_1871 = vector.broadcast %mul3A_1870 : f32 to vector<1x256xf32>
    %mul3A_1872 = arith.mulf %mul3A_1871, %sub3A_1869 : vector<1x256xf32>
    %mul3A_1873 = arith.constant -0.590043604 : f32
    %mul3A_1874 = vector.broadcast %mul3A_1873 : f32 to vector<1x256xf32>
    %mul3A_1875 = arith.mulf %mul3A_1874, %slice3A_1835 : vector<1x256xf32>
    %mul3A_1876 = arith.constant 3.000000e+00 : f32
    %mul3A_1877 = vector.broadcast %mul3A_1876 : f32 to vector<1x256xf32>
    %mul3A_1878 = arith.mulf %mul3A_1877, %mul3A_1837 : vector<1x256xf32>
    %sub3A_1879 = arith.subf %mul3A_1878, %mul3A_1838 : vector<1x256xf32>
    %mul3A_1880 = arith.mulf %mul3A_1875, %sub3A_1879 : vector<1x256xf32>
    %mul3A_1881 = arith.constant 2.89061141 : f32
    %mul3A_1882 = vector.broadcast %mul3A_1881 : f32 to vector<1x256xf32>
    %mul3A_1883 = arith.mulf %mul3A_1882, %mul3A_1840 : vector<1x256xf32>
    %mul3A_1884 = arith.mulf %mul3A_1883, %slice3A_1836 : vector<1x256xf32>
    %mul3A_1885 = arith.constant -0.457045794 : f32
    %mul3A_1886 = vector.broadcast %mul3A_1885 : f32 to vector<1x256xf32>
    %mul3A_1887 = arith.mulf %mul3A_1886, %slice3A_1835 : vector<1x256xf32>
    %mul3A_1888 = arith.constant 4.000000e+00 : f32
    %mul3A_1889 = vector.broadcast %mul3A_1888 : f32 to vector<1x256xf32>
    %mul3A_1890 = arith.mulf %mul3A_1889, %mul3A_1839 : vector<1x256xf32>
    %sub3A_1891 = arith.subf %mul3A_1890, %mul3A_1837 : vector<1x256xf32>
    %sub3A_1892 = arith.subf %sub3A_1891, %mul3A_1838 : vector<1x256xf32>
    %mul3A_1893 = arith.mulf %mul3A_1887, %sub3A_1892 : vector<1x256xf32>
    %mul3A_1894 = arith.constant 0.373176336 : f32
    %mul3A_1895 = vector.broadcast %mul3A_1894 : f32 to vector<1x256xf32>
    %mul3A_1896 = arith.mulf %mul3A_1895, %slice3A_1836 : vector<1x256xf32>
    %mul3A_1897 = arith.constant 2.000000e+00 : f32
    %mul3A_1898 = vector.broadcast %mul3A_1897 : f32 to vector<1x256xf32>
    %mul3A_1899 = arith.mulf %mul3A_1898, %mul3A_1839 : vector<1x256xf32>
    %mul3A_1900 = arith.constant 3.000000e+00 : f32
    %mul3A_1901 = vector.broadcast %mul3A_1900 : f32 to vector<1x256xf32>
    %mul3A_1902 = arith.mulf %mul3A_1901, %mul3A_1837 : vector<1x256xf32>
    %sub3A_1903 = arith.subf %mul3A_1899, %mul3A_1902 : vector<1x256xf32>
    %mul3A_1904 = arith.constant 3.000000e+00 : f32
    %mul3A_1905 = vector.broadcast %mul3A_1904 : f32 to vector<1x256xf32>
    %mul3A_1906 = arith.mulf %mul3A_1905, %mul3A_1838 : vector<1x256xf32>
    %sub3A_1907 = arith.subf %sub3A_1903, %mul3A_1906 : vector<1x256xf32>
    %mul3A_1908 = arith.mulf %mul3A_1896, %sub3A_1907 : vector<1x256xf32>
    %mul3A_1909 = arith.constant -0.457045794 : f32
    %mul3A_1910 = vector.broadcast %mul3A_1909 : f32 to vector<1x256xf32>
    %mul3A_1911 = arith.mulf %mul3A_1910, %slice3A_1834 : vector<1x256xf32>
    %mul3A_1912 = arith.constant 4.000000e+00 : f32
    %mul3A_1913 = vector.broadcast %mul3A_1912 : f32 to vector<1x256xf32>
    %mul3A_1914 = arith.mulf %mul3A_1913, %mul3A_1839 : vector<1x256xf32>
    %sub3A_1915 = arith.subf %mul3A_1914, %mul3A_1837 : vector<1x256xf32>
    %sub3A_1916 = arith.subf %sub3A_1915, %mul3A_1838 : vector<1x256xf32>
    %mul3A_1917 = arith.mulf %mul3A_1911, %sub3A_1916 : vector<1x256xf32>
    %mul3A_1918 = arith.constant 1.44530571 : f32
    %mul3A_1919 = vector.broadcast %mul3A_1918 : f32 to vector<1x256xf32>
    %mul3A_1920 = arith.mulf %mul3A_1919, %slice3A_1836 : vector<1x256xf32>
    %sub3A_1921 = arith.subf %mul3A_1837, %mul3A_1838 : vector<1x256xf32>
    %mul3A_1922 = arith.mulf %mul3A_1920, %sub3A_1921 : vector<1x256xf32>
    %mul3A_1923 = arith.constant -0.590043604 : f32
    %mul3A_1924 = vector.broadcast %mul3A_1923 : f32 to vector<1x256xf32>
    %mul3A_1925 = arith.mulf %mul3A_1924, %slice3A_1834 : vector<1x256xf32>
    %sub3A_1926 = arith.subf %mul3A_1837, %mul3A_1838 : vector<1x256xf32>
    %sub3A_1927 = arith.subf %sub3A_1926, %mul3A_1839 : vector<1x256xf32>
    %mul3A_1928 = arith.mulf %mul3A_1925, %sub3A_1927 : vector<1x256xf32>
    %concatenate3A_1929 = tpu.concatenate %mul3A_1845, %mul3A_1848, %mul3A_1851, %mul3A_1854, %mul3A_1857, %mul3A_1865, %mul3A_1868, %mul3A_1872, %mul3A_1880, %mul3A_1884, %mul3A_1893, %mul3A_1908, %mul3A_1917, %mul3A_1922, %mul3A_1928 in 0 : vector<1x256xf32>, vector<1x256xf32>, vector<1x256xf32>, vector<1x256xf32>, vector<1x256xf32>, vector<1x256xf32>, vector<1x256xf32>, vector<1x256xf32>, vector<1x256xf32>, vector<1x256xf32>, vector<1x256xf32>, vector<1x256xf32>, vector<1x256xf32>, vector<1x256xf32>, vector<1x256xf32> -> vector<15x256xf32>
    %slice3A_1930 = vector.extract_strided_slice %get3A_67 {offsets = [0, 0, 3072], sizes = [1, 15, 256], strides = [1, 1, 1]} : vector<3x15x4096xf32> to vector<1x15x256xf32>
    %squeeze3A_1931 = vector.shape_cast %slice3A_1930 : vector<1x15x256xf32> to vector<15x256xf32>
    %mul3A_1932 = arith.mulf %concatenate3A_1929, %squeeze3A_1931 : vector<15x256xf32>
    %reduce_sum3A_1933 = arith.constant dense<0.000000e+00> : vector<256xf32>
    %reduce_sum3A_1934 = vector.multi_reduction <add>, %mul3A_1932, %reduce_sum3A_1933 [0] : vector<15x256xf32> to vector<256xf32>
    %broadcast_in_dim3A_1935 = vector.shape_cast %reduce_sum3A_1934 : vector<256xf32> to vector<1x256xf32>
    %slice3A_1936 = vector.extract_strided_slice %get3A_71 {offsets = [0, 0, 3072], sizes = [1, 1, 256], strides = [1, 1, 1]} : vector<3x1x4096xf32> to vector<1x1x256xf32>
    %squeeze3A_1937 = vector.shape_cast %slice3A_1936 : vector<1x1x256xf32> to vector<1x256xf32>
    %mul3A_1938 = arith.constant 0.282094806 : f32
    %mul3A_1939 = vector.broadcast %mul3A_1938 : f32 to vector<1x256xf32>
    %mul3A_1940 = arith.mulf %mul3A_1939, %squeeze3A_1937 : vector<1x256xf32>
    %add3A_1941 = arith.addf %broadcast_in_dim3A_1935, %mul3A_1940 : vector<1x256xf32>
    %slice3A_1942 = vector.extract_strided_slice %get3A_67 {offsets = [1, 0, 3072], sizes = [1, 15, 256], strides = [1, 1, 1]} : vector<3x15x4096xf32> to vector<1x15x256xf32>
    %squeeze3A_1943 = vector.shape_cast %slice3A_1942 : vector<1x15x256xf32> to vector<15x256xf32>
    %mul3A_1944 = arith.mulf %concatenate3A_1929, %squeeze3A_1943 : vector<15x256xf32>
    %reduce_sum3A_1945 = arith.constant dense<0.000000e+00> : vector<256xf32>
    %reduce_sum3A_1946 = vector.multi_reduction <add>, %mul3A_1944, %reduce_sum3A_1945 [0] : vector<15x256xf32> to vector<256xf32>
    %broadcast_in_dim3A_1947 = vector.shape_cast %reduce_sum3A_1946 : vector<256xf32> to vector<1x256xf32>
    %slice3A_1948 = vector.extract_strided_slice %get3A_71 {offsets = [1, 0, 3072], sizes = [1, 1, 256], strides = [1, 1, 1]} : vector<3x1x4096xf32> to vector<1x1x256xf32>
    %squeeze3A_1949 = vector.shape_cast %slice3A_1948 : vector<1x1x256xf32> to vector<1x256xf32>
    %mul3A_1950 = arith.constant 0.282094806 : f32
    %mul3A_1951 = vector.broadcast %mul3A_1950 : f32 to vector<1x256xf32>
    %mul3A_1952 = arith.mulf %mul3A_1951, %squeeze3A_1949 : vector<1x256xf32>
    %add3A_1953 = arith.addf %broadcast_in_dim3A_1947, %mul3A_1952 : vector<1x256xf32>
    %slice3A_1954 = vector.extract_strided_slice %get3A_67 {offsets = [2, 0, 3072], sizes = [1, 15, 256], strides = [1, 1, 1]} : vector<3x15x4096xf32> to vector<1x15x256xf32>
    %squeeze3A_1955 = vector.shape_cast %slice3A_1954 : vector<1x15x256xf32> to vector<15x256xf32>
    %mul3A_1956 = arith.mulf %concatenate3A_1929, %squeeze3A_1955 : vector<15x256xf32>
    %reduce_sum3A_1957 = arith.constant dense<0.000000e+00> : vector<256xf32>
    %reduce_sum3A_1958 = vector.multi_reduction <add>, %mul3A_1956, %reduce_sum3A_1957 [0] : vector<15x256xf32> to vector<256xf32>
    %broadcast_in_dim3A_1959 = vector.shape_cast %reduce_sum3A_1958 : vector<256xf32> to vector<1x256xf32>
    %slice3A_1960 = vector.extract_strided_slice %get3A_71 {offsets = [2, 0, 3072], sizes = [1, 1, 256], strides = [1, 1, 1]} : vector<3x1x4096xf32> to vector<1x1x256xf32>
    %squeeze3A_1961 = vector.shape_cast %slice3A_1960 : vector<1x1x256xf32> to vector<1x256xf32>
    %mul3A_1962 = arith.constant 0.282094806 : f32
    %mul3A_1963 = vector.broadcast %mul3A_1962 : f32 to vector<1x256xf32>
    %mul3A_1964 = arith.mulf %mul3A_1963, %squeeze3A_1961 : vector<1x256xf32>
    %add3A_1965 = arith.addf %broadcast_in_dim3A_1959, %mul3A_1964 : vector<1x256xf32>
    %concatenate3A_1966 = tpu.concatenate %add3A_1941, %add3A_1953, %add3A_1965 in 0 : vector<1x256xf32>, vector<1x256xf32>, vector<1x256xf32> -> vector<3x256xf32>
    %add3A_1967 = arith.constant 5.000000e-01 : f32
    %add3A_1968 = vector.broadcast %add3A_1967 : f32 to vector<3x256xf32>
    %add3A_1969 = arith.addf %concatenate3A_1966, %add3A_1968 : vector<3x256xf32>
    %max3A_1970 = arith.constant 0.000000e+00 : f32
    %max3A_1971 = vector.broadcast %max3A_1970 : f32 to vector<3x256xf32>
    %max3A_1972 = arith.maximumf %add3A_1969, %max3A_1971 : vector<3x256xf32>
    %swap3A_1973 = arith.constant 12 : index
    %swap3A_1974 = arith.constant 10 : index
    %swap3A_1975 = arith.constant 0 : index
    %swap3A_1976 = vector.load %arg8[%swap3A_1973, %swap3A_1974, %swap3A_1975] : memref<16x14x256xf32, #tpu.memory_space<vmem>>, vector<1x3x256xf32>
    %swap3A_1977 = vector.shape_cast %swap3A_1976 : vector<1x3x256xf32> to vector<3x256xf32>
    %swap3A_1978 = vector.shape_cast %max3A_1972 : vector<3x256xf32> to vector<1x3x256xf32>
    tpu.vector_store %arg8[%swap3A_1973, %swap3A_1974, %swap3A_1975], %swap3A_1978 {strides = array<i32>} : memref<16x14x256xf32, #tpu.memory_space<vmem>>, vector<1x3x256xf32>,
    %slice3A_1979 = vector.extract_strided_slice %mul3A_63 {offsets = [13, 0, 0], sizes = [1, 3, 256], strides = [1, 1, 1]} : vector<16x3x256xf32> to vector<1x3x256xf32>
    %squeeze3A_1980 = vector.shape_cast %slice3A_1979 : vector<1x3x256xf32> to vector<3x256xf32>
    %slice3A_1981 = vector.extract_strided_slice %squeeze3A_1980 {offsets = [0, 0], sizes = [1, 256], strides = [1, 1]} : vector<3x256xf32> to vector<1x256xf32>
    %slice3A_1982 = vector.extract_strided_slice %squeeze3A_1980 {offsets = [1, 0], sizes = [1, 256], strides = [1, 1]} : vector<3x256xf32> to vector<1x256xf32>
    %slice3A_1983 = vector.extract_strided_slice %squeeze3A_1980 {offsets = [2, 0], sizes = [1, 256], strides = [1, 1]} : vector<3x256xf32> to vector<1x256xf32>
    %mul3A_1984 = arith.mulf %slice3A_1981, %slice3A_1981 : vector<1x256xf32>
    %mul3A_1985 = arith.mulf %slice3A_1982, %slice3A_1982 : vector<1x256xf32>
    %mul3A_1986 = arith.mulf %slice3A_1983, %slice3A_1983 : vector<1x256xf32>
    %mul3A_1987 = arith.mulf %slice3A_1981, %slice3A_1982 : vector<1x256xf32>
    %mul3A_1988 = arith.mulf %slice3A_1982, %slice3A_1983 : vector<1x256xf32>
    %mul3A_1989 = arith.mulf %slice3A_1981, %slice3A_1983 : vector<1x256xf32>
    %mul3A_1990 = arith.constant -0.488602519 : f32
    %mul3A_1991 = vector.broadcast %mul3A_1990 : f32 to vector<1x256xf32>
    %mul3A_1992 = arith.mulf %mul3A_1991, %slice3A_1982 : vector<1x256xf32>
    %mul3A_1993 = arith.constant 0.488602519 : f32
    %mul3A_1994 = vector.broadcast %mul3A_1993 : f32 to vector<1x256xf32>
    %mul3A_1995 = arith.mulf %mul3A_1994, %slice3A_1983 : vector<1x256xf32>
    %mul3A_1996 = arith.constant -0.488602519 : f32
    %mul3A_1997 = vector.broadcast %mul3A_1996 : f32 to vector<1x256xf32>
    %mul3A_1998 = arith.mulf %mul3A_1997, %slice3A_1981 : vector<1x256xf32>
    %mul3A_1999 = arith.constant 1.09254849 : f32
    %mul3A_2000 = vector.broadcast %mul3A_1999 : f32 to vector<1x256xf32>
    %mul3A_2001 = arith.mulf %mul3A_2000, %mul3A_1987 : vector<1x256xf32>
    %mul3A_2002 = arith.constant -1.09254849 : f32
    %mul3A_2003 = vector.broadcast %mul3A_2002 : f32 to vector<1x256xf32>
    %mul3A_2004 = arith.mulf %mul3A_2003, %mul3A_1988 : vector<1x256xf32>
    %mul3A_2005 = arith.constant 2.000000e+00 : f32
    %mul3A_2006 = vector.broadcast %mul3A_2005 : f32 to vector<1x256xf32>
    %mul3A_2007 = arith.mulf %mul3A_2006, %mul3A_1986 : vector<1x256xf32>
    %sub3A_2008 = arith.subf %mul3A_2007, %mul3A_1984 : vector<1x256xf32>
    %sub3A_2009 = arith.subf %sub3A_2008, %mul3A_1985 : vector<1x256xf32>
    %mul3A_2010 = arith.constant 0.31539157 : f32
    %mul3A_2011 = vector.broadcast %mul3A_2010 : f32 to vector<1x256xf32>
    %mul3A_2012 = arith.mulf %mul3A_2011, %sub3A_2009 : vector<1x256xf32>
    %mul3A_2013 = arith.constant -1.09254849 : f32
    %mul3A_2014 = vector.broadcast %mul3A_2013 : f32 to vector<1x256xf32>
    %mul3A_2015 = arith.mulf %mul3A_2014, %mul3A_1989 : vector<1x256xf32>
    %sub3A_2016 = arith.subf %mul3A_1984, %mul3A_1985 : vector<1x256xf32>
    %mul3A_2017 = arith.constant 0.546274245 : f32
    %mul3A_2018 = vector.broadcast %mul3A_2017 : f32 to vector<1x256xf32>
    %mul3A_2019 = arith.mulf %mul3A_2018, %sub3A_2016 : vector<1x256xf32>
    %mul3A_2020 = arith.constant -0.590043604 : f32
    %mul3A_2021 = vector.broadcast %mul3A_2020 : f32 to vector<1x256xf32>
    %mul3A_2022 = arith.mulf %mul3A_2021, %slice3A_1982 : vector<1x256xf32>
    %mul3A_2023 = arith.constant 3.000000e+00 : f32
    %mul3A_2024 = vector.broadcast %mul3A_2023 : f32 to vector<1x256xf32>
    %mul3A_2025 = arith.mulf %mul3A_2024, %mul3A_1984 : vector<1x256xf32>
    %sub3A_2026 = arith.subf %mul3A_2025, %mul3A_1985 : vector<1x256xf32>
    %mul3A_2027 = arith.mulf %mul3A_2022, %sub3A_2026 : vector<1x256xf32>
    %mul3A_2028 = arith.constant 2.89061141 : f32
    %mul3A_2029 = vector.broadcast %mul3A_2028 : f32 to vector<1x256xf32>
    %mul3A_2030 = arith.mulf %mul3A_2029, %mul3A_1987 : vector<1x256xf32>
    %mul3A_2031 = arith.mulf %mul3A_2030, %slice3A_1983 : vector<1x256xf32>
    %mul3A_2032 = arith.constant -0.457045794 : f32
    %mul3A_2033 = vector.broadcast %mul3A_2032 : f32 to vector<1x256xf32>
    %mul3A_2034 = arith.mulf %mul3A_2033, %slice3A_1982 : vector<1x256xf32>
    %mul3A_2035 = arith.constant 4.000000e+00 : f32
    %mul3A_2036 = vector.broadcast %mul3A_2035 : f32 to vector<1x256xf32>
    %mul3A_2037 = arith.mulf %mul3A_2036, %mul3A_1986 : vector<1x256xf32>
    %sub3A_2038 = arith.subf %mul3A_2037, %mul3A_1984 : vector<1x256xf32>
    %sub3A_2039 = arith.subf %sub3A_2038, %mul3A_1985 : vector<1x256xf32>
    %mul3A_2040 = arith.mulf %mul3A_2034, %sub3A_2039 : vector<1x256xf32>
    %mul3A_2041 = arith.constant 0.373176336 : f32
    %mul3A_2042 = vector.broadcast %mul3A_2041 : f32 to vector<1x256xf32>
    %mul3A_2043 = arith.mulf %mul3A_2042, %slice3A_1983 : vector<1x256xf32>
    %mul3A_2044 = arith.constant 2.000000e+00 : f32
    %mul3A_2045 = vector.broadcast %mul3A_2044 : f32 to vector<1x256xf32>
    %mul3A_2046 = arith.mulf %mul3A_2045, %mul3A_1986 : vector<1x256xf32>
    %mul3A_2047 = arith.constant 3.000000e+00 : f32
    %mul3A_2048 = vector.broadcast %mul3A_2047 : f32 to vector<1x256xf32>
    %mul3A_2049 = arith.mulf %mul3A_2048, %mul3A_1984 : vector<1x256xf32>
    %sub3A_2050 = arith.subf %mul3A_2046, %mul3A_2049 : vector<1x256xf32>
    %mul3A_2051 = arith.constant 3.000000e+00 : f32
    %mul3A_2052 = vector.broadcast %mul3A_2051 : f32 to vector<1x256xf32>
    %mul3A_2053 = arith.mulf %mul3A_2052, %mul3A_1985 : vector<1x256xf32>
    %sub3A_2054 = arith.subf %sub3A_2050, %mul3A_2053 : vector<1x256xf32>
    %mul3A_2055 = arith.mulf %mul3A_2043, %sub3A_2054 : vector<1x256xf32>
    %mul3A_2056 = arith.constant -0.457045794 : f32
    %mul3A_2057 = vector.broadcast %mul3A_2056 : f32 to vector<1x256xf32>
    %mul3A_2058 = arith.mulf %mul3A_2057, %slice3A_1981 : vector<1x256xf32>
    %mul3A_2059 = arith.constant 4.000000e+00 : f32
    %mul3A_2060 = vector.broadcast %mul3A_2059 : f32 to vector<1x256xf32>
    %mul3A_2061 = arith.mulf %mul3A_2060, %mul3A_1986 : vector<1x256xf32>
    %sub3A_2062 = arith.subf %mul3A_2061, %mul3A_1984 : vector<1x256xf32>
    %sub3A_2063 = arith.subf %sub3A_2062, %mul3A_1985 : vector<1x256xf32>
    %mul3A_2064 = arith.mulf %mul3A_2058, %sub3A_2063 : vector<1x256xf32>
    %mul3A_2065 = arith.constant 1.44530571 : f32
    %mul3A_2066 = vector.broadcast %mul3A_2065 : f32 to vector<1x256xf32>
    %mul3A_2067 = arith.mulf %mul3A_2066, %slice3A_1983 : vector<1x256xf32>
    %sub3A_2068 = arith.subf %mul3A_1984, %mul3A_1985 : vector<1x256xf32>
    %mul3A_2069 = arith.mulf %mul3A_2067, %sub3A_2068 : vector<1x256xf32>
    %mul3A_2070 = arith.constant -0.590043604 : f32
    %mul3A_2071 = vector.broadcast %mul3A_2070 : f32 to vector<1x256xf32>
    %mul3A_2072 = arith.mulf %mul3A_2071, %slice3A_1981 : vector<1x256xf32>
    %sub3A_2073 = arith.subf %mul3A_1984, %mul3A_1985 : vector<1x256xf32>
    %sub3A_2074 = arith.subf %sub3A_2073, %mul3A_1986 : vector<1x256xf32>
    %mul3A_2075 = arith.mulf %mul3A_2072, %sub3A_2074 : vector<1x256xf32>
    %concatenate3A_2076 = tpu.concatenate %mul3A_1992, %mul3A_1995, %mul3A_1998, %mul3A_2001, %mul3A_2004, %mul3A_2012, %mul3A_2015, %mul3A_2019, %mul3A_2027, %mul3A_2031, %mul3A_2040, %mul3A_2055, %mul3A_2064, %mul3A_2069, %mul3A_2075 in 0 : vector<1x256xf32>, vector<1x256xf32>, vector<1x256xf32>, vector<1x256xf32>, vector<1x256xf32>, vector<1x256xf32>, vector<1x256xf32>, vector<1x256xf32>, vector<1x256xf32>, vector<1x256xf32>, vector<1x256xf32>, vector<1x256xf32>, vector<1x256xf32>, vector<1x256xf32>, vector<1x256xf32> -> vector<15x256xf32>
    %slice3A_2077 = vector.extract_strided_slice %get3A_67 {offsets = [0, 0, 3328], sizes = [1, 15, 256], strides = [1, 1, 1]} : vector<3x15x4096xf32> to vector<1x15x256xf32>
    %squeeze3A_2078 = vector.shape_cast %slice3A_2077 : vector<1x15x256xf32> to vector<15x256xf32>
    %mul3A_2079 = arith.mulf %concatenate3A_2076, %squeeze3A_2078 : vector<15x256xf32>
    %reduce_sum3A_2080 = arith.constant dense<0.000000e+00> : vector<256xf32>
    %reduce_sum3A_2081 = vector.multi_reduction <add>, %mul3A_2079, %reduce_sum3A_2080 [0] : vector<15x256xf32> to vector<256xf32>
    %broadcast_in_dim3A_2082 = vector.shape_cast %reduce_sum3A_2081 : vector<256xf32> to vector<1x256xf32>
    %slice3A_2083 = vector.extract_strided_slice %get3A_71 {offsets = [0, 0, 3328], sizes = [1, 1, 256], strides = [1, 1, 1]} : vector<3x1x4096xf32> to vector<1x1x256xf32>
    %squeeze3A_2084 = vector.shape_cast %slice3A_2083 : vector<1x1x256xf32> to vector<1x256xf32>
    %mul3A_2085 = arith.constant 0.282094806 : f32
    %mul3A_2086 = vector.broadcast %mul3A_2085 : f32 to vector<1x256xf32>
    %mul3A_2087 = arith.mulf %mul3A_2086, %squeeze3A_2084 : vector<1x256xf32>
    %add3A_2088 = arith.addf %broadcast_in_dim3A_2082, %mul3A_2087 : vector<1x256xf32>
    %slice3A_2089 = vector.extract_strided_slice %get3A_67 {offsets = [1, 0, 3328], sizes = [1, 15, 256], strides = [1, 1, 1]} : vector<3x15x4096xf32> to vector<1x15x256xf32>
    %squeeze3A_2090 = vector.shape_cast %slice3A_2089 : vector<1x15x256xf32> to vector<15x256xf32>
    %mul3A_2091 = arith.mulf %concatenate3A_2076, %squeeze3A_2090 : vector<15x256xf32>
    %reduce_sum3A_2092 = arith.constant dense<0.000000e+00> : vector<256xf32>
    %reduce_sum3A_2093 = vector.multi_reduction <add>, %mul3A_2091, %reduce_sum3A_2092 [0] : vector<15x256xf32> to vector<256xf32>
    %broadcast_in_dim3A_2094 = vector.shape_cast %reduce_sum3A_2093 : vector<256xf32> to vector<1x256xf32>
    %slice3A_2095 = vector.extract_strided_slice %get3A_71 {offsets = [1, 0, 3328], sizes = [1, 1, 256], strides = [1, 1, 1]} : vector<3x1x4096xf32> to vector<1x1x256xf32>
    %squeeze3A_2096 = vector.shape_cast %slice3A_2095 : vector<1x1x256xf32> to vector<1x256xf32>
    %mul3A_2097 = arith.constant 0.282094806 : f32
    %mul3A_2098 = vector.broadcast %mul3A_2097 : f32 to vector<1x256xf32>
    %mul3A_2099 = arith.mulf %mul3A_2098, %squeeze3A_2096 : vector<1x256xf32>
    %add3A_2100 = arith.addf %broadcast_in_dim3A_2094, %mul3A_2099 : vector<1x256xf32>
    %slice3A_2101 = vector.extract_strided_slice %get3A_67 {offsets = [2, 0, 3328], sizes = [1, 15, 256], strides = [1, 1, 1]} : vector<3x15x4096xf32> to vector<1x15x256xf32>
    %squeeze3A_2102 = vector.shape_cast %slice3A_2101 : vector<1x15x256xf32> to vector<15x256xf32>
    %mul3A_2103 = arith.mulf %concatenate3A_2076, %squeeze3A_2102 : vector<15x256xf32>
    %reduce_sum3A_2104 = arith.constant dense<0.000000e+00> : vector<256xf32>
    %reduce_sum3A_2105 = vector.multi_reduction <add>, %mul3A_2103, %reduce_sum3A_2104 [0] : vector<15x256xf32> to vector<256xf32>
    %broadcast_in_dim3A_2106 = vector.shape_cast %reduce_sum3A_2105 : vector<256xf32> to vector<1x256xf32>
    %slice3A_2107 = vector.extract_strided_slice %get3A_71 {offsets = [2, 0, 3328], sizes = [1, 1, 256], strides = [1, 1, 1]} : vector<3x1x4096xf32> to vector<1x1x256xf32>
    %squeeze3A_2108 = vector.shape_cast %slice3A_2107 : vector<1x1x256xf32> to vector<1x256xf32>
    %mul3A_2109 = arith.constant 0.282094806 : f32
    %mul3A_2110 = vector.broadcast %mul3A_2109 : f32 to vector<1x256xf32>
    %mul3A_2111 = arith.mulf %mul3A_2110, %squeeze3A_2108 : vector<1x256xf32>
    %add3A_2112 = arith.addf %broadcast_in_dim3A_2106, %mul3A_2111 : vector<1x256xf32>
    %concatenate3A_2113 = tpu.concatenate %add3A_2088, %add3A_2100, %add3A_2112 in 0 : vector<1x256xf32>, vector<1x256xf32>, vector<1x256xf32> -> vector<3x256xf32>
    %add3A_2114 = arith.constant 5.000000e-01 : f32
    %add3A_2115 = vector.broadcast %add3A_2114 : f32 to vector<3x256xf32>
    %add3A_2116 = arith.addf %concatenate3A_2113, %add3A_2115 : vector<3x256xf32>
    %max3A_2117 = arith.constant 0.000000e+00 : f32
    %max3A_2118 = vector.broadcast %max3A_2117 : f32 to vector<3x256xf32>
    %max3A_2119 = arith.maximumf %add3A_2116, %max3A_2118 : vector<3x256xf32>
    %swap3A_2120 = arith.constant 13 : index
    %swap3A_2121 = arith.constant 10 : index
    %swap3A_2122 = arith.constant 0 : index
    %swap3A_2123 = vector.load %arg8[%swap3A_2120, %swap3A_2121, %swap3A_2122] : memref<16x14x256xf32, #tpu.memory_space<vmem>>, vector<1x3x256xf32>
    %swap3A_2124 = vector.shape_cast %swap3A_2123 : vector<1x3x256xf32> to vector<3x256xf32>
    %swap3A_2125 = vector.shape_cast %max3A_2119 : vector<3x256xf32> to vector<1x3x256xf32>
    tpu.vector_store %arg8[%swap3A_2120, %swap3A_2121, %swap3A_2122], %swap3A_2125 {strides = array<i32>} : memref<16x14x256xf32, #tpu.memory_space<vmem>>, vector<1x3x256xf32>,
    %slice3A_2126 = vector.extract_strided_slice %mul3A_63 {offsets = [14, 0, 0], sizes = [1, 3, 256], strides = [1, 1, 1]} : vector<16x3x256xf32> to vector<1x3x256xf32>
    %squeeze3A_2127 = vector.shape_cast %slice3A_2126 : vector<1x3x256xf32> to vector<3x256xf32>
    %slice3A_2128 = vector.extract_strided_slice %squeeze3A_2127 {offsets = [0, 0], sizes = [1, 256], strides = [1, 1]} : vector<3x256xf32> to vector<1x256xf32>
    %slice3A_2129 = vector.extract_strided_slice %squeeze3A_2127 {offsets = [1, 0], sizes = [1, 256], strides = [1, 1]} : vector<3x256xf32> to vector<1x256xf32>
    %slice3A_2130 = vector.extract_strided_slice %squeeze3A_2127 {offsets = [2, 0], sizes = [1, 256], strides = [1, 1]} : vector<3x256xf32> to vector<1x256xf32>
    %mul3A_2131 = arith.mulf %slice3A_2128, %slice3A_2128 : vector<1x256xf32>
    %mul3A_2132 = arith.mulf %slice3A_2129, %slice3A_2129 : vector<1x256xf32>
    %mul3A_2133 = arith.mulf %slice3A_2130, %slice3A_2130 : vector<1x256xf32>
    %mul3A_2134 = arith.mulf %slice3A_2128, %slice3A_2129 : vector<1x256xf32>
    %mul3A_2135 = arith.mulf %slice3A_2129, %slice3A_2130 : vector<1x256xf32>
    %mul3A_2136 = arith.mulf %slice3A_2128, %slice3A_2130 : vector<1x256xf32>
    %mul3A_2137 = arith.constant -0.488602519 : f32
    %mul3A_2138 = vector.broadcast %mul3A_2137 : f32 to vector<1x256xf32>
    %mul3A_2139 = arith.mulf %mul3A_2138, %slice3A_2129 : vector<1x256xf32>
    %mul3A_2140 = arith.constant 0.488602519 : f32
    %mul3A_2141 = vector.broadcast %mul3A_2140 : f32 to vector<1x256xf32>
    %mul3A_2142 = arith.mulf %mul3A_2141, %slice3A_2130 : vector<1x256xf32>
    %mul3A_2143 = arith.constant -0.488602519 : f32
    %mul3A_2144 = vector.broadcast %mul3A_2143 : f32 to vector<1x256xf32>
    %mul3A_2145 = arith.mulf %mul3A_2144, %slice3A_2128 : vector<1x256xf32>
    %mul3A_2146 = arith.constant 1.09254849 : f32
    %mul3A_2147 = vector.broadcast %mul3A_2146 : f32 to vector<1x256xf32>
    %mul3A_2148 = arith.mulf %mul3A_2147, %mul3A_2134 : vector<1x256xf32>
    %mul3A_2149 = arith.constant -1.09254849 : f32
    %mul3A_2150 = vector.broadcast %mul3A_2149 : f32 to vector<1x256xf32>
    %mul3A_2151 = arith.mulf %mul3A_2150, %mul3A_2135 : vector<1x256xf32>
    %mul3A_2152 = arith.constant 2.000000e+00 : f32
    %mul3A_2153 = vector.broadcast %mul3A_2152 : f32 to vector<1x256xf32>
    %mul3A_2154 = arith.mulf %mul3A_2153, %mul3A_2133 : vector<1x256xf32>
    %sub3A_2155 = arith.subf %mul3A_2154, %mul3A_2131 : vector<1x256xf32>
    %sub3A_2156 = arith.subf %sub3A_2155, %mul3A_2132 : vector<1x256xf32>
    %mul3A_2157 = arith.constant 0.31539157 : f32
    %mul3A_2158 = vector.broadcast %mul3A_2157 : f32 to vector<1x256xf32>
    %mul3A_2159 = arith.mulf %mul3A_2158, %sub3A_2156 : vector<1x256xf32>
    %mul3A_2160 = arith.constant -1.09254849 : f32
    %mul3A_2161 = vector.broadcast %mul3A_2160 : f32 to vector<1x256xf32>
    %mul3A_2162 = arith.mulf %mul3A_2161, %mul3A_2136 : vector<1x256xf32>
    %sub3A_2163 = arith.subf %mul3A_2131, %mul3A_2132 : vector<1x256xf32>
    %mul3A_2164 = arith.constant 0.546274245 : f32
    %mul3A_2165 = vector.broadcast %mul3A_2164 : f32 to vector<1x256xf32>
    %mul3A_2166 = arith.mulf %mul3A_2165, %sub3A_2163 : vector<1x256xf32>
    %mul3A_2167 = arith.constant -0.590043604 : f32
    %mul3A_2168 = vector.broadcast %mul3A_2167 : f32 to vector<1x256xf32>
    %mul3A_2169 = arith.mulf %mul3A_2168, %slice3A_2129 : vector<1x256xf32>
    %mul3A_2170 = arith.constant 3.000000e+00 : f32
    %mul3A_2171 = vector.broadcast %mul3A_2170 : f32 to vector<1x256xf32>
    %mul3A_2172 = arith.mulf %mul3A_2171, %mul3A_2131 : vector<1x256xf32>
    %sub3A_2173 = arith.subf %mul3A_2172, %mul3A_2132 : vector<1x256xf32>
    %mul3A_2174 = arith.mulf %mul3A_2169, %sub3A_2173 : vector<1x256xf32>
    %mul3A_2175 = arith.constant 2.89061141 : f32
    %mul3A_2176 = vector.broadcast %mul3A_2175 : f32 to vector<1x256xf32>
    %mul3A_2177 = arith.mulf %mul3A_2176, %mul3A_2134 : vector<1x256xf32>
    %mul3A_2178 = arith.mulf %mul3A_2177, %slice3A_2130 : vector<1x256xf32>
    %mul3A_2179 = arith.constant -0.457045794 : f32
    %mul3A_2180 = vector.broadcast %mul3A_2179 : f32 to vector<1x256xf32>
    %mul3A_2181 = arith.mulf %mul3A_2180, %slice3A_2129 : vector<1x256xf32>
    %mul3A_2182 = arith.constant 4.000000e+00 : f32
    %mul3A_2183 = vector.broadcast %mul3A_2182 : f32 to vector<1x256xf32>
    %mul3A_2184 = arith.mulf %mul3A_2183, %mul3A_2133 : vector<1x256xf32>
    %sub3A_2185 = arith.subf %mul3A_2184, %mul3A_2131 : vector<1x256xf32>
    %sub3A_2186 = arith.subf %sub3A_2185, %mul3A_2132 : vector<1x256xf32>
    %mul3A_2187 = arith.mulf %mul3A_2181, %sub3A_2186 : vector<1x256xf32>
    %mul3A_2188 = arith.constant 0.373176336 : f32
    %mul3A_2189 = vector.broadcast %mul3A_2188 : f32 to vector<1x256xf32>
    %mul3A_2190 = arith.mulf %mul3A_2189, %slice3A_2130 : vector<1x256xf32>
    %mul3A_2191 = arith.constant 2.000000e+00 : f32
    %mul3A_2192 = vector.broadcast %mul3A_2191 : f32 to vector<1x256xf32>
    %mul3A_2193 = arith.mulf %mul3A_2192, %mul3A_2133 : vector<1x256xf32>
    %mul3A_2194 = arith.constant 3.000000e+00 : f32
    %mul3A_2195 = vector.broadcast %mul3A_2194 : f32 to vector<1x256xf32>
    %mul3A_2196 = arith.mulf %mul3A_2195, %mul3A_2131 : vector<1x256xf32>
    %sub3A_2197 = arith.subf %mul3A_2193, %mul3A_2196 : vector<1x256xf32>
    %mul3A_2198 = arith.constant 3.000000e+00 : f32
    %mul3A_2199 = vector.broadcast %mul3A_2198 : f32 to vector<1x256xf32>
    %mul3A_2200 = arith.mulf %mul3A_2199, %mul3A_2132 : vector<1x256xf32>
    %sub3A_2201 = arith.subf %sub3A_2197, %mul3A_2200 : vector<1x256xf32>
    %mul3A_2202 = arith.mulf %mul3A_2190, %sub3A_2201 : vector<1x256xf32>
    %mul3A_2203 = arith.constant -0.457045794 : f32
    %mul3A_2204 = vector.broadcast %mul3A_2203 : f32 to vector<1x256xf32>
    %mul3A_2205 = arith.mulf %mul3A_2204, %slice3A_2128 : vector<1x256xf32>
    %mul3A_2206 = arith.constant 4.000000e+00 : f32
    %mul3A_2207 = vector.broadcast %mul3A_2206 : f32 to vector<1x256xf32>
    %mul3A_2208 = arith.mulf %mul3A_2207, %mul3A_2133 : vector<1x256xf32>
    %sub3A_2209 = arith.subf %mul3A_2208, %mul3A_2131 : vector<1x256xf32>
    %sub3A_2210 = arith.subf %sub3A_2209, %mul3A_2132 : vector<1x256xf32>
    %mul3A_2211 = arith.mulf %mul3A_2205, %sub3A_2210 : vector<1x256xf32>
    %mul3A_2212 = arith.constant 1.44530571 : f32
    %mul3A_2213 = vector.broadcast %mul3A_2212 : f32 to vector<1x256xf32>
    %mul3A_2214 = arith.mulf %mul3A_2213, %slice3A_2130 : vector<1x256xf32>
    %sub3A_2215 = arith.subf %mul3A_2131, %mul3A_2132 : vector<1x256xf32>
    %mul3A_2216 = arith.mulf %mul3A_2214, %sub3A_2215 : vector<1x256xf32>
    %mul3A_2217 = arith.constant -0.590043604 : f32
    %mul3A_2218 = vector.broadcast %mul3A_2217 : f32 to vector<1x256xf32>
    %mul3A_2219 = arith.mulf %mul3A_2218, %slice3A_2128 : vector<1x256xf32>
    %sub3A_2220 = arith.subf %mul3A_2131, %mul3A_2132 : vector<1x256xf32>
    %sub3A_2221 = arith.subf %sub3A_2220, %mul3A_2133 : vector<1x256xf32>
    %mul3A_2222 = arith.mulf %mul3A_2219, %sub3A_2221 : vector<1x256xf32>
    %concatenate3A_2223 = tpu.concatenate %mul3A_2139, %mul3A_2142, %mul3A_2145, %mul3A_2148, %mul3A_2151, %mul3A_2159, %mul3A_2162, %mul3A_2166, %mul3A_2174, %mul3A_2178, %mul3A_2187, %mul3A_2202, %mul3A_2211, %mul3A_2216, %mul3A_2222 in 0 : vector<1x256xf32>, vector<1x256xf32>, vector<1x256xf32>, vector<1x256xf32>, vector<1x256xf32>, vector<1x256xf32>, vector<1x256xf32>, vector<1x256xf32>, vector<1x256xf32>, vector<1x256xf32>, vector<1x256xf32>, vector<1x256xf32>, vector<1x256xf32>, vector<1x256xf32>, vector<1x256xf32> -> vector<15x256xf32>
    %slice3A_2224 = vector.extract_strided_slice %get3A_67 {offsets = [0, 0, 3584], sizes = [1, 15, 256], strides = [1, 1, 1]} : vector<3x15x4096xf32> to vector<1x15x256xf32>
    %squeeze3A_2225 = vector.shape_cast %slice3A_2224 : vector<1x15x256xf32> to vector<15x256xf32>
    %mul3A_2226 = arith.mulf %concatenate3A_2223, %squeeze3A_2225 : vector<15x256xf32>
    %reduce_sum3A_2227 = arith.constant dense<0.000000e+00> : vector<256xf32>
    %reduce_sum3A_2228 = vector.multi_reduction <add>, %mul3A_2226, %reduce_sum3A_2227 [0] : vector<15x256xf32> to vector<256xf32>
    %broadcast_in_dim3A_2229 = vector.shape_cast %reduce_sum3A_2228 : vector<256xf32> to vector<1x256xf32>
    %slice3A_2230 = vector.extract_strided_slice %get3A_71 {offsets = [0, 0, 3584], sizes = [1, 1, 256], strides = [1, 1, 1]} : vector<3x1x4096xf32> to vector<1x1x256xf32>
    %squeeze3A_2231 = vector.shape_cast %slice3A_2230 : vector<1x1x256xf32> to vector<1x256xf32>
    %mul3A_2232 = arith.constant 0.282094806 : f32
    %mul3A_2233 = vector.broadcast %mul3A_2232 : f32 to vector<1x256xf32>
    %mul3A_2234 = arith.mulf %mul3A_2233, %squeeze3A_2231 : vector<1x256xf32>
    %add3A_2235 = arith.addf %broadcast_in_dim3A_2229, %mul3A_2234 : vector<1x256xf32>
    %slice3A_2236 = vector.extract_strided_slice %get3A_67 {offsets = [1, 0, 3584], sizes = [1, 15, 256], strides = [1, 1, 1]} : vector<3x15x4096xf32> to vector<1x15x256xf32>
    %squeeze3A_2237 = vector.shape_cast %slice3A_2236 : vector<1x15x256xf32> to vector<15x256xf32>
    %mul3A_2238 = arith.mulf %concatenate3A_2223, %squeeze3A_2237 : vector<15x256xf32>
    %reduce_sum3A_2239 = arith.constant dense<0.000000e+00> : vector<256xf32>
    %reduce_sum3A_2240 = vector.multi_reduction <add>, %mul3A_2238, %reduce_sum3A_2239 [0] : vector<15x256xf32> to vector<256xf32>
    %broadcast_in_dim3A_2241 = vector.shape_cast %reduce_sum3A_2240 : vector<256xf32> to vector<1x256xf32>
    %slice3A_2242 = vector.extract_strided_slice %get3A_71 {offsets = [1, 0, 3584], sizes = [1, 1, 256], strides = [1, 1, 1]} : vector<3x1x4096xf32> to vector<1x1x256xf32>
    %squeeze3A_2243 = vector.shape_cast %slice3A_2242 : vector<1x1x256xf32> to vector<1x256xf32>
    %mul3A_2244 = arith.constant 0.282094806 : f32
    %mul3A_2245 = vector.broadcast %mul3A_2244 : f32 to vector<1x256xf32>
    %mul3A_2246 = arith.mulf %mul3A_2245, %squeeze3A_2243 : vector<1x256xf32>
    %add3A_2247 = arith.addf %broadcast_in_dim3A_2241, %mul3A_2246 : vector<1x256xf32>
    %slice3A_2248 = vector.extract_strided_slice %get3A_67 {offsets = [2, 0, 3584], sizes = [1, 15, 256], strides = [1, 1, 1]} : vector<3x15x4096xf32> to vector<1x15x256xf32>
    %squeeze3A_2249 = vector.shape_cast %slice3A_2248 : vector<1x15x256xf32> to vector<15x256xf32>
    %mul3A_2250 = arith.mulf %concatenate3A_2223, %squeeze3A_2249 : vector<15x256xf32>
    %reduce_sum3A_2251 = arith.constant dense<0.000000e+00> : vector<256xf32>
    %reduce_sum3A_2252 = vector.multi_reduction <add>, %mul3A_2250, %reduce_sum3A_2251 [0] : vector<15x256xf32> to vector<256xf32>
    %broadcast_in_dim3A_2253 = vector.shape_cast %reduce_sum3A_2252 : vector<256xf32> to vector<1x256xf32>
    %slice3A_2254 = vector.extract_strided_slice %get3A_71 {offsets = [2, 0, 3584], sizes = [1, 1, 256], strides = [1, 1, 1]} : vector<3x1x4096xf32> to vector<1x1x256xf32>
    %squeeze3A_2255 = vector.shape_cast %slice3A_2254 : vector<1x1x256xf32> to vector<1x256xf32>
    %mul3A_2256 = arith.constant 0.282094806 : f32
    %mul3A_2257 = vector.broadcast %mul3A_2256 : f32 to vector<1x256xf32>
    %mul3A_2258 = arith.mulf %mul3A_2257, %squeeze3A_2255 : vector<1x256xf32>
    %add3A_2259 = arith.addf %broadcast_in_dim3A_2253, %mul3A_2258 : vector<1x256xf32>
    %concatenate3A_2260 = tpu.concatenate %add3A_2235, %add3A_2247, %add3A_2259 in 0 : vector<1x256xf32>, vector<1x256xf32>, vector<1x256xf32> -> vector<3x256xf32>
    %add3A_2261 = arith.constant 5.000000e-01 : f32
    %add3A_2262 = vector.broadcast %add3A_2261 : f32 to vector<3x256xf32>
    %add3A_2263 = arith.addf %concatenate3A_2260, %add3A_2262 : vector<3x256xf32>
    %max3A_2264 = arith.constant 0.000000e+00 : f32
    %max3A_2265 = vector.broadcast %max3A_2264 : f32 to vector<3x256xf32>
    %max3A_2266 = arith.maximumf %add3A_2263, %max3A_2265 : vector<3x256xf32>
    %swap3A_2267 = arith.constant 14 : index
    %swap3A_2268 = arith.constant 10 : index
    %swap3A_2269 = arith.constant 0 : index
    %swap3A_2270 = vector.load %arg8[%swap3A_2267, %swap3A_2268, %swap3A_2269] : memref<16x14x256xf32, #tpu.memory_space<vmem>>, vector<1x3x256xf32>
    %swap3A_2271 = vector.shape_cast %swap3A_2270 : vector<1x3x256xf32> to vector<3x256xf32>
    %swap3A_2272 = vector.shape_cast %max3A_2266 : vector<3x256xf32> to vector<1x3x256xf32>
    tpu.vector_store %arg8[%swap3A_2267, %swap3A_2268, %swap3A_2269], %swap3A_2272 {strides = array<i32>} : memref<16x14x256xf32, #tpu.memory_space<vmem>>, vector<1x3x256xf32>,
    %slice3A_2273 = vector.extract_strided_slice %mul3A_63 {offsets = [15, 0, 0], sizes = [1, 3, 256], strides = [1, 1, 1]} : vector<16x3x256xf32> to vector<1x3x256xf32>
    %squeeze3A_2274 = vector.shape_cast %slice3A_2273 : vector<1x3x256xf32> to vector<3x256xf32>
    %slice3A_2275 = vector.extract_strided_slice %squeeze3A_2274 {offsets = [0, 0], sizes = [1, 256], strides = [1, 1]} : vector<3x256xf32> to vector<1x256xf32>
    %slice3A_2276 = vector.extract_strided_slice %squeeze3A_2274 {offsets = [1, 0], sizes = [1, 256], strides = [1, 1]} : vector<3x256xf32> to vector<1x256xf32>
    %slice3A_2277 = vector.extract_strided_slice %squeeze3A_2274 {offsets = [2, 0], sizes = [1, 256], strides = [1, 1]} : vector<3x256xf32> to vector<1x256xf32>
    %mul3A_2278 = arith.mulf %slice3A_2275, %slice3A_2275 : vector<1x256xf32>
    %mul3A_2279 = arith.mulf %slice3A_2276, %slice3A_2276 : vector<1x256xf32>
    %mul3A_2280 = arith.mulf %slice3A_2277, %slice3A_2277 : vector<1x256xf32>
    %mul3A_2281 = arith.mulf %slice3A_2275, %slice3A_2276 : vector<1x256xf32>
    %mul3A_2282 = arith.mulf %slice3A_2276, %slice3A_2277 : vector<1x256xf32>
    %mul3A_2283 = arith.mulf %slice3A_2275, %slice3A_2277 : vector<1x256xf32>
    %mul3A_2284 = arith.constant -0.488602519 : f32
    %mul3A_2285 = vector.broadcast %mul3A_2284 : f32 to vector<1x256xf32>
    %mul3A_2286 = arith.mulf %mul3A_2285, %slice3A_2276 : vector<1x256xf32>
    %mul3A_2287 = arith.constant 0.488602519 : f32
    %mul3A_2288 = vector.broadcast %mul3A_2287 : f32 to vector<1x256xf32>
    %mul3A_2289 = arith.mulf %mul3A_2288, %slice3A_2277 : vector<1x256xf32>
    %mul3A_2290 = arith.constant -0.488602519 : f32
    %mul3A_2291 = vector.broadcast %mul3A_2290 : f32 to vector<1x256xf32>
    %mul3A_2292 = arith.mulf %mul3A_2291, %slice3A_2275 : vector<1x256xf32>
    %mul3A_2293 = arith.constant 1.09254849 : f32
    %mul3A_2294 = vector.broadcast %mul3A_2293 : f32 to vector<1x256xf32>
    %mul3A_2295 = arith.mulf %mul3A_2294, %mul3A_2281 : vector<1x256xf32>
    %mul3A_2296 = arith.constant -1.09254849 : f32
    %mul3A_2297 = vector.broadcast %mul3A_2296 : f32 to vector<1x256xf32>
    %mul3A_2298 = arith.mulf %mul3A_2297, %mul3A_2282 : vector<1x256xf32>
    %mul3A_2299 = arith.constant 2.000000e+00 : f32
    %mul3A_2300 = vector.broadcast %mul3A_2299 : f32 to vector<1x256xf32>
    %mul3A_2301 = arith.mulf %mul3A_2300, %mul3A_2280 : vector<1x256xf32>
    %sub3A_2302 = arith.subf %mul3A_2301, %mul3A_2278 : vector<1x256xf32>
    %sub3A_2303 = arith.subf %sub3A_2302, %mul3A_2279 : vector<1x256xf32>
    %mul3A_2304 = arith.constant 0.31539157 : f32
    %mul3A_2305 = vector.broadcast %mul3A_2304 : f32 to vector<1x256xf32>
    %mul3A_2306 = arith.mulf %mul3A_2305, %sub3A_2303 : vector<1x256xf32>
    %mul3A_2307 = arith.constant -1.09254849 : f32
    %mul3A_2308 = vector.broadcast %mul3A_2307 : f32 to vector<1x256xf32>
    %mul3A_2309 = arith.mulf %mul3A_2308, %mul3A_2283 : vector<1x256xf32>
    %sub3A_2310 = arith.subf %mul3A_2278, %mul3A_2279 : vector<1x256xf32>
    %mul3A_2311 = arith.constant 0.546274245 : f32
    %mul3A_2312 = vector.broadcast %mul3A_2311 : f32 to vector<1x256xf32>
    %mul3A_2313 = arith.mulf %mul3A_2312, %sub3A_2310 : vector<1x256xf32>
    %mul3A_2314 = arith.constant -0.590043604 : f32
    %mul3A_2315 = vector.broadcast %mul3A_2314 : f32 to vector<1x256xf32>
    %mul3A_2316 = arith.mulf %mul3A_2315, %slice3A_2276 : vector<1x256xf32>
    %mul3A_2317 = arith.constant 3.000000e+00 : f32
    %mul3A_2318 = vector.broadcast %mul3A_2317 : f32 to vector<1x256xf32>
    %mul3A_2319 = arith.mulf %mul3A_2318, %mul3A_2278 : vector<1x256xf32>
    %sub3A_2320 = arith.subf %mul3A_2319, %mul3A_2279 : vector<1x256xf32>
    %mul3A_2321 = arith.mulf %mul3A_2316, %sub3A_2320 : vector<1x256xf32>
    %mul3A_2322 = arith.constant 2.89061141 : f32
    %mul3A_2323 = vector.broadcast %mul3A_2322 : f32 to vector<1x256xf32>
    %mul3A_2324 = arith.mulf %mul3A_2323, %mul3A_2281 : vector<1x256xf32>
    %mul3A_2325 = arith.mulf %mul3A_2324, %slice3A_2277 : vector<1x256xf32>
    %mul3A_2326 = arith.constant -0.457045794 : f32
    %mul3A_2327 = vector.broadcast %mul3A_2326 : f32 to vector<1x256xf32>
    %mul3A_2328 = arith.mulf %mul3A_2327, %slice3A_2276 : vector<1x256xf32>
    %mul3A_2329 = arith.constant 4.000000e+00 : f32
    %mul3A_2330 = vector.broadcast %mul3A_2329 : f32 to vector<1x256xf32>
    %mul3A_2331 = arith.mulf %mul3A_2330, %mul3A_2280 : vector<1x256xf32>
    %sub3A_2332 = arith.subf %mul3A_2331, %mul3A_2278 : vector<1x256xf32>
    %sub3A_2333 = arith.subf %sub3A_2332, %mul3A_2279 : vector<1x256xf32>
    %mul3A_2334 = arith.mulf %mul3A_2328, %sub3A_2333 : vector<1x256xf32>
    %mul3A_2335 = arith.constant 0.373176336 : f32
    %mul3A_2336 = vector.broadcast %mul3A_2335 : f32 to vector<1x256xf32>
    %mul3A_2337 = arith.mulf %mul3A_2336, %slice3A_2277 : vector<1x256xf32>
    %mul3A_2338 = arith.constant 2.000000e+00 : f32
    %mul3A_2339 = vector.broadcast %mul3A_2338 : f32 to vector<1x256xf32>
    %mul3A_2340 = arith.mulf %mul3A_2339, %mul3A_2280 : vector<1x256xf32>
    %mul3A_2341 = arith.constant 3.000000e+00 : f32
    %mul3A_2342 = vector.broadcast %mul3A_2341 : f32 to vector<1x256xf32>
    %mul3A_2343 = arith.mulf %mul3A_2342, %mul3A_2278 : vector<1x256xf32>
    %sub3A_2344 = arith.subf %mul3A_2340, %mul3A_2343 : vector<1x256xf32>
    %mul3A_2345 = arith.constant 3.000000e+00 : f32
    %mul3A_2346 = vector.broadcast %mul3A_2345 : f32 to vector<1x256xf32>
    %mul3A_2347 = arith.mulf %mul3A_2346, %mul3A_2279 : vector<1x256xf32>
    %sub3A_2348 = arith.subf %sub3A_2344, %mul3A_2347 : vector<1x256xf32>
    %mul3A_2349 = arith.mulf %mul3A_2337, %sub3A_2348 : vector<1x256xf32>
    %mul3A_2350 = arith.constant -0.457045794 : f32
    %mul3A_2351 = vector.broadcast %mul3A_2350 : f32 to vector<1x256xf32>
    %mul3A_2352 = arith.mulf %mul3A_2351, %slice3A_2275 : vector<1x256xf32>
    %mul3A_2353 = arith.constant 4.000000e+00 : f32
    %mul3A_2354 = vector.broadcast %mul3A_2353 : f32 to vector<1x256xf32>
    %mul3A_2355 = arith.mulf %mul3A_2354, %mul3A_2280 : vector<1x256xf32>
    %sub3A_2356 = arith.subf %mul3A_2355, %mul3A_2278 : vector<1x256xf32>
    %sub3A_2357 = arith.subf %sub3A_2356, %mul3A_2279 : vector<1x256xf32>
    %mul3A_2358 = arith.mulf %mul3A_2352, %sub3A_2357 : vector<1x256xf32>
    %mul3A_2359 = arith.constant 1.44530571 : f32
    %mul3A_2360 = vector.broadcast %mul3A_2359 : f32 to vector<1x256xf32>
    %mul3A_2361 = arith.mulf %mul3A_2360, %slice3A_2277 : vector<1x256xf32>
    %sub3A_2362 = arith.subf %mul3A_2278, %mul3A_2279 : vector<1x256xf32>
    %mul3A_2363 = arith.mulf %mul3A_2361, %sub3A_2362 : vector<1x256xf32>
    %mul3A_2364 = arith.constant -0.590043604 : f32
    %mul3A_2365 = vector.broadcast %mul3A_2364 : f32 to vector<1x256xf32>
    %mul3A_2366 = arith.mulf %mul3A_2365, %slice3A_2275 : vector<1x256xf32>
    %sub3A_2367 = arith.subf %mul3A_2278, %mul3A_2279 : vector<1x256xf32>
    %sub3A_2368 = arith.subf %sub3A_2367, %mul3A_2280 : vector<1x256xf32>
    %mul3A_2369 = arith.mulf %mul3A_2366, %sub3A_2368 : vector<1x256xf32>
    %concatenate3A_2370 = tpu.concatenate %mul3A_2286, %mul3A_2289, %mul3A_2292, %mul3A_2295, %mul3A_2298, %mul3A_2306, %mul3A_2309, %mul3A_2313, %mul3A_2321, %mul3A_2325, %mul3A_2334, %mul3A_2349, %mul3A_2358, %mul3A_2363, %mul3A_2369 in 0 : vector<1x256xf32>, vector<1x256xf32>, vector<1x256xf32>, vector<1x256xf32>, vector<1x256xf32>, vector<1x256xf32>, vector<1x256xf32>, vector<1x256xf32>, vector<1x256xf32>, vector<1x256xf32>, vector<1x256xf32>, vector<1x256xf32>, vector<1x256xf32>, vector<1x256xf32>, vector<1x256xf32> -> vector<15x256xf32>
    %slice3A_2371 = vector.extract_strided_slice %get3A_67 {offsets = [0, 0, 3840], sizes = [1, 15, 256], strides = [1, 1, 1]} : vector<3x15x4096xf32> to vector<1x15x256xf32>
    %squeeze3A_2372 = vector.shape_cast %slice3A_2371 : vector<1x15x256xf32> to vector<15x256xf32>
    %mul3A_2373 = arith.mulf %concatenate3A_2370, %squeeze3A_2372 : vector<15x256xf32>
    %reduce_sum3A_2374 = arith.constant dense<0.000000e+00> : vector<256xf32>
    %reduce_sum3A_2375 = vector.multi_reduction <add>, %mul3A_2373, %reduce_sum3A_2374 [0] : vector<15x256xf32> to vector<256xf32>
    %broadcast_in_dim3A_2376 = vector.shape_cast %reduce_sum3A_2375 : vector<256xf32> to vector<1x256xf32>
    %slice3A_2377 = vector.extract_strided_slice %get3A_71 {offsets = [0, 0, 3840], sizes = [1, 1, 256], strides = [1, 1, 1]} : vector<3x1x4096xf32> to vector<1x1x256xf32>
    %squeeze3A_2378 = vector.shape_cast %slice3A_2377 : vector<1x1x256xf32> to vector<1x256xf32>
    %mul3A_2379 = arith.constant 0.282094806 : f32
    %mul3A_2380 = vector.broadcast %mul3A_2379 : f32 to vector<1x256xf32>
    %mul3A_2381 = arith.mulf %mul3A_2380, %squeeze3A_2378 : vector<1x256xf32>
    %add3A_2382 = arith.addf %broadcast_in_dim3A_2376, %mul3A_2381 : vector<1x256xf32>
    %slice3A_2383 = vector.extract_strided_slice %get3A_67 {offsets = [1, 0, 3840], sizes = [1, 15, 256], strides = [1, 1, 1]} : vector<3x15x4096xf32> to vector<1x15x256xf32>
    %squeeze3A_2384 = vector.shape_cast %slice3A_2383 : vector<1x15x256xf32> to vector<15x256xf32>
    %mul3A_2385 = arith.mulf %concatenate3A_2370, %squeeze3A_2384 : vector<15x256xf32>
    %reduce_sum3A_2386 = arith.constant dense<0.000000e+00> : vector<256xf32>
    %reduce_sum3A_2387 = vector.multi_reduction <add>, %mul3A_2385, %reduce_sum3A_2386 [0] : vector<15x256xf32> to vector<256xf32>
    %broadcast_in_dim3A_2388 = vector.shape_cast %reduce_sum3A_2387 : vector<256xf32> to vector<1x256xf32>
    %slice3A_2389 = vector.extract_strided_slice %get3A_71 {offsets = [1, 0, 3840], sizes = [1, 1, 256], strides = [1, 1, 1]} : vector<3x1x4096xf32> to vector<1x1x256xf32>
    %squeeze3A_2390 = vector.shape_cast %slice3A_2389 : vector<1x1x256xf32> to vector<1x256xf32>
    %mul3A_2391 = arith.constant 0.282094806 : f32
    %mul3A_2392 = vector.broadcast %mul3A_2391 : f32 to vector<1x256xf32>
    %mul3A_2393 = arith.mulf %mul3A_2392, %squeeze3A_2390 : vector<1x256xf32>
    %add3A_2394 = arith.addf %broadcast_in_dim3A_2388, %mul3A_2393 : vector<1x256xf32>
    %slice3A_2395 = vector.extract_strided_slice %get3A_67 {offsets = [2, 0, 3840], sizes = [1, 15, 256], strides = [1, 1, 1]} : vector<3x15x4096xf32> to vector<1x15x256xf32>
    %squeeze3A_2396 = vector.shape_cast %slice3A_2395 : vector<1x15x256xf32> to vector<15x256xf32>
    %mul3A_2397 = arith.mulf %concatenate3A_2370, %squeeze3A_2396 : vector<15x256xf32>
    %reduce_sum3A_2398 = arith.constant dense<0.000000e+00> : vector<256xf32>
    %reduce_sum3A_2399 = vector.multi_reduction <add>, %mul3A_2397, %reduce_sum3A_2398 [0] : vector<15x256xf32> to vector<256xf32>
    %broadcast_in_dim3A_2400 = vector.shape_cast %reduce_sum3A_2399 : vector<256xf32> to vector<1x256xf32>
    %slice3A_2401 = vector.extract_strided_slice %get3A_71 {offsets = [2, 0, 3840], sizes = [1, 1, 256], strides = [1, 1, 1]} : vector<3x1x4096xf32> to vector<1x1x256xf32>
    %squeeze3A_2402 = vector.shape_cast %slice3A_2401 : vector<1x1x256xf32> to vector<1x256xf32>
    %mul3A_2403 = arith.constant 0.282094806 : f32
    %mul3A_2404 = vector.broadcast %mul3A_2403 : f32 to vector<1x256xf32>
    %mul3A_2405 = arith.mulf %mul3A_2404, %squeeze3A_2402 : vector<1x256xf32>
    %add3A_2406 = arith.addf %broadcast_in_dim3A_2400, %mul3A_2405 : vector<1x256xf32>
    %concatenate3A_2407 = tpu.concatenate %add3A_2382, %add3A_2394, %add3A_2406 in 0 : vector<1x256xf32>, vector<1x256xf32>, vector<1x256xf32> -> vector<3x256xf32>
    %add3A_2408 = arith.constant 5.000000e-01 : f32
    %add3A_2409 = vector.broadcast %add3A_2408 : f32 to vector<3x256xf32>
    %add3A_2410 = arith.addf %concatenate3A_2407, %add3A_2409 : vector<3x256xf32>
    %max3A_2411 = arith.constant 0.000000e+00 : f32
    %max3A_2412 = vector.broadcast %max3A_2411 : f32 to vector<3x256xf32>
    %max3A_2413 = arith.maximumf %add3A_2410, %max3A_2412 : vector<3x256xf32>
    %swap3A_2414 = arith.constant 15 : index
    %swap3A_2415 = arith.constant 10 : index
    %swap3A_2416 = arith.constant 0 : index
    %swap3A_2417 = vector.load %arg8[%swap3A_2414, %swap3A_2415, %swap3A_2416] : memref<16x14x256xf32, #tpu.memory_space<vmem>>, vector<1x3x256xf32>
    %swap3A_2418 = vector.shape_cast %swap3A_2417 : vector<1x3x256xf32> to vector<3x256xf32>
    %swap3A_2419 = vector.shape_cast %max3A_2413 : vector<3x256xf32> to vector<1x3x256xf32>
    tpu.vector_store %arg8[%swap3A_2414, %swap3A_2415, %swap3A_2416], %swap3A_2419 {strides = array<i32>} : memref<16x14x256xf32, #tpu.memory_space<vmem>>, vector<1x3x256xf32>,
    return
  }
  func.func @transform_0(%arg0: i32) -> (i32, i32) {
    %c0_i32 = arith.constant 0 : i32
    %c0_i32_0 = arith.constant 0 : i32
    %c0_i32_1 = arith.constant 0 : i32
    return %c0_i32, %c0_i32_0 : i32, i32
  }
  func.func @transform_1(%arg0: i32) -> (i32, i32, i32) {
    %c0_i32 = arith.constant 0 : i32
    %c0_i32_0 = arith.constant 0 : i32
    %c0_i32_1 = arith.constant 0 : i32
    return %arg0, %c0_i32, %c0_i32_0 : i32, i32, i32
  }
  func.func @transform_2(%arg0: i32) -> (i32, i32, i32) {
    %c0_i32 = arith.constant 0 : i32
    %c0_i32_0 = arith.constant 0 : i32
    %c0_i32_1 = arith.constant 0 : i32
    return %arg0, %c0_i32, %c0_i32_0 : i32, i32, i32
  }
  func.func @transform_3(%arg0: i32) -> (i32, i32, i32) {
    %c0_i32 = arith.constant 0 : i32
    %c0_i32_0 = arith.constant 0 : i32
    %c0_i32_1 = arith.constant 0 : i32
    return %arg0, %c0_i32, %c0_i32_0 : i32, i32, i32
  }
  func.func @transform_4(%arg0: i32) -> (i32, i32, i32) {
    %c0_i32 = arith.constant 0 : i32
    %c0_i32_0 = arith.constant 0 : i32
    %c0_i32_1 = arith.constant 0 : i32
    return %c0_i32, %c0_i32_0, %arg0 : i32, i32, i32
  }
  func.func @transform_5(%arg0: i32) -> (i32, i32, i32) {
    %c0_i32 = arith.constant 0 : i32
    %c0_i32_0 = arith.constant 0 : i32
    %c0_i32_1 = arith.constant 0 : i32
    return %c0_i32, %c0_i32_0, %arg0 : i32, i32, i32
  }
  func.func @transform_6(%arg0: i32) -> (i32, i32, i32) {
    %c0_i32 = arith.constant 0 : i32
    %c0_i32_0 = arith.constant 0 : i32
    %c0_i32_1 = arith.constant 0 : i32
    return %arg0, %c0_i32, %c0_i32_0 : i32, i32, i32
  }
  func.func @transform_7(%arg0: i32) -> (i32, i32, i32) {
    %c0_i32 = arith.constant 0 : i32
    %c0_i32_0 = arith.constant 0 : i32
    %c0_i32_1 = arith.constant 0 : i32
    return %arg0, %c0_i32, %c0_i32_0 : i32, i32, i32
  }
}

</mosaic_0001>

<sc_bundles>
// kernel: kernel.5.cloned.1.call-start
scs
__scs_entry_jumppad:
0x0: {  	(pc) =	sbr.rel $0x88, $3  }
0x1: {  	(tag) =	ssettag $0x0;
	lr =	simm.s32 $0x1  }
0x2: {  	[smem:$0x3F96] =	sst lr;
	_ =	strace $0xD0000000  }
0x3: {  	_ = 	snop  }
0x4: {  	_ = 	snop  }
0x5: {  	_ = 	snop  }
0x6: {  	_ = 	snop  }
0x7: {  	_ = 	snop  }
__scs_overlays_trampoline_lowered:
0x8: {  	[smem:$0x3FA5] =	sst s0  }
0x9: {  	[smem:$0x3FA6] =	sst s1  }
0xa: {  	[smem:$0x3FA7] =	sst s2  }
0xb: {  	[smem:$0x3FA8] =	sst s3  }
0xc: {  	[smem:$0x3FA9] =	sst s4  }
0xd: {  	[smem:$0x3FAA] =	sst s5  }
0xe: {  	[smem:$0x3FAB] =	sst s6  }
0xf: {  	[smem:$0x3FAC] =	sst s7  }
0x10: {  	[smem:$0x3FAD] =	sst s8  }
0x11: {  	[smem:$0x3FAE] =	sst s9;
	s0 =	simm.s32 @!p0 $0x0  }
0x12: {  	s1 =	sld [smem:$0x3F94];
	s0 =	simm.s32 @p0 $0x1  }
0x13: {  	[smem:$0x3FAF] =	sst s0;
	s0 =	simm.s32 @!p1 $0x0  }
0x14: {  	s2 =	sld [smem:$0x3F93];
	s0 =	simm.s32 @p1 $0x1  }
0x15: {  	[smem:$0x3FB0] =	sst s0;
	s0 =	simm.s32 @!p2 $0x0  }
0x16: {  	s3 =	sld [smem:$0x3FDB];
	s0 =	simm.s32 @p2 $0x1  }
0x17: {  	s4 =	simm.s32 $0x1BF5;
	[smem:$0x3FB2] =	sst s0  }
0x18: {  	s0 =	sld [smem:$0x3F95];
	_ =	swait.ge [sflag:s4], $0x0  }
0x19: {  	s7 =	sld [smem:$0x3F96]  }
0x1a: {  	s8 =	sadd.s32 $0xFFFFE003, lr  }
0x1b: {  	s9 =	sadd.s32 $0xFFFFFEF7, lr;
	s5 =	simm.s32 $0xFFFFFFFF;
	p2 =	slt.u32 s8, $0xFFFFF086  }
0x1c: {  	p1 =	slt.u32 s9, $0xF7A;
	s5 =	simm.s32 @!p2 $0x0  }
0x1d: {  	s5 =	simm.s32 @p1 $0x1;
	p0 =	seq.s32 s7, s2  }
0x1e: {  	s7 =	smul.u32 @!p0 $0xF7A, s2;
	p2 =	seq.s32 @!p0 s5, $0x0  }
0x1f: {  	s9 =	smul.u32 $0xF7A, s1;
	s8 =	simm.s32 @!p0 $0x1BF5;
	p2 =	por !p2, p0  }
0x20: {  	[sflag:s8] =	ssyncset.s32 @!p0 $0xFFFFF086;
	s6 =	sadd.s32 @!p0 s3, s7;
	s7 =	simm.s32 @!p0 $0x108  }
0x21: {  	s3 =	sadd.s32 s3, s9;
	s6 =	sadd.s32 @!p0 $0x88, s6;
	s7 =	simm.s32 @p2 $0x1082  }
0x22: {  	[simem:s7], [sflag:s8] =	dma.local @!p0 [hbm:s6], $0xF7A  }
0x23: {  	s9 =	sor.u32 $0xD0000000, s2;
	s6 =	simm.s32 $0x108;
	_ =	swait.ge @!p0 [sflag:s8], $0x0  }
0x24: {  	s3 =	sadd.s32 $0x88, s3;
	s6 =	simm.s32 @!p1 $0x1082;
	[sflag:s4] =	ssyncset.s32 $0xFFFFF086  }
0x25: {  	[simem:s6], [sflag:s4] =	dma.local [hbm:s3], $0xF7A  }
0x26: {  	[smem:$0x3F96] =	sst s1;
	(tag) =	ssettag s2;
	_ =	strace s9  }
0x27: {  	s1 =	sld [smem:$0x3FA6]  }
0x28: {  	s2 =	sld [smem:$0x3FA7]  }
0x29: {  	s4 =	sld [smem:$0x3FA9]  }
0x2a: {  	p0 =	seq.s32 s5, $0x0;
	s5 =	sld [smem:$0x3FAA]  }
0x2b: {  	s6 =	sld [smem:$0x3FAB]  }
0x2c: {  	s7 =	sld [smem:$0x3FAC]  }
0x2d: {  	s3 =	simm.s32 $0x108;
	s8 =	sld [smem:$0x3FAD]  }
0x2e: {  	s3 =	simm.s32 @!p0 $0x1082;
	s9 =	sld [smem:$0x3FAE]  }
0x2f: {  	lr =	sadd.s32 s0, s3;
	s0 =	sld [smem:$0x3FA5]  }
0x30: {  	s3 =	sld [smem:$0x3FA8]  }
0x31: {  	[smem:$0x3FB1] =	sst s10  }
0x32: {  	s10 =	sld [smem:$0x3FAF];
	_ =	sdelay $0x3  }
0x33: {  	p0 =	seq.s32 s10, $0x1;
	s10 =	sld [smem:$0x3FB1];
	_ =	sdelay $0x3  }
0x34: {  	[smem:$0x3FB1] =	sst s10  }
0x35: {  	s10 =	sld [smem:$0x3FB0];
	_ =	sdelay $0x3  }
0x36: {  	p1 =	seq.s32 s10, $0x1;
	s10 =	sld [smem:$0x3FB1];
	_ =	sdelay $0x3  }
0x37: {  	[smem:$0x3FB1] =	sst s10  }
0x38: {  	s10 =	sld [smem:$0x3FB2]  }
0x39: {  	_ = 	snop;
	(pc) =	sbr.ind lr, $3  }
0x3a: {  	_ = 	snop  }
0x3b: {  	_ = 	snop  }
0x3c: {  	p2 =	seq.s32 s10, $0x1;
	s10 =	sld [smem:$0x3FB1]  }
0x3d: {  	_ =	shalt  }
0x3e: {  	_ =	shalt  }
0x3f: {  	_ =	shalt  }
0x40: {  	_ =	shalt  }
0x41: {  	_ =	shalt  }
0x42: {  	_ =	shalt  }
0x43: {  	_ =	shalt  }
0x44: {  	_ =	shalt  }
0x45: {  	_ =	shalt  }
0x46: {  	_ =	shalt  }
0x47: {  	_ =	shalt  }
0x48: {  	_ =	shalt  }
0x49: {  	_ =	shalt  }
0x4a: {  	_ =	shalt  }
0x4b: {  	_ =	shalt  }
0x4c: {  	_ =	shalt  }
0x4d: {  	_ =	shalt  }
0x4e: {  	_ =	shalt  }
0x4f: {  	_ =	shalt  }
0x50: {  	_ =	shalt  }
0x51: {  	_ =	shalt  }
0x52: {  	_ =	shalt  }
0x53: {  	_ =	shalt  }
0x54: {  	_ =	shalt  }
0x55: {  	_ =	shalt  }
0x56: {  	_ =	shalt  }
0x57: {  	_ =	shalt  }
0x58: {  	_ =	shalt  }
0x59: {  	_ =	shalt  }
0x5a: {  	_ =	shalt  }
0x5b: {  	_ =	shalt  }
0x5c: {  	_ =	shalt  }
0x5d: {  	_ =	shalt  }
0x5e: {  	_ =	shalt  }
0x5f: {  	_ =	shalt  }
0x60: {  	_ =	shalt  }
0x61: {  	_ =	shalt  }
0x62: {  	_ =	shalt  }
0x63: {  	_ =	shalt  }
0x64: {  	_ =	shalt  }
0x65: {  	_ =	shalt  }
0x66: {  	_ =	shalt  }
0x67: {  	_ =	shalt  }
0x68: {  	_ =	shalt  }
0x69: {  	_ =	shalt  }
0x6a: {  	_ =	shalt  }
0x6b: {  	_ =	shalt  }
0x6c: {  	_ =	shalt  }
0x6d: {  	_ =	shalt  }
0x6e: {  	_ =	shalt  }
0x6f: {  	_ =	shalt  }
0x70: {  	_ =	shalt  }
0x71: {  	_ =	shalt  }
0x72: {  	_ =	shalt  }
0x73: {  	_ =	shalt  }
0x74: {  	_ =	shalt  }
0x75: {  	_ =	shalt  }
0x76: {  	_ =	shalt  }
0x77: {  	_ =	shalt  }
0x78: {  	_ =	shalt  }
0x79: {  	_ =	shalt  }
0x7a: {  	_ =	shalt  }
0x7b: {  	_ =	shalt  }
0x7c: {  	_ =	shalt  }
0x7d: {  	_ =	shalt  }
0x7e: {  	_ =	shalt  }
0x7f: {  	_ =	shalt  }
0x80: {  	_ =	shalt  }
0x81: {  	_ =	shalt  }
0x82: {  	_ =	shalt  }
0x83: {  	_ =	shalt  }
0x84: {  	_ =	shalt  }
0x85: {  	_ =	shalt  }
0x86: {  	_ =	shalt  }
0x87: {  	_ =	shalt  }
.Lfunc_end0:
.L_simem_size_0:
called_computation_lowered:
.L_overlay_start_0:
0x88: {  	s2 =	sld [smem:$0x3FD9]  }
0x89: {  	s3 =	sld [smem:$0x3FFE];
	_ =	sdelay $0x1  }
0x8a: {  	s1 =	srdreg.scid  }
0x8b: {  	s0 =	sand.u32 $0x1, s1  }
0x8c: {  	s15 =	sshll.u32 s0, $0xA;
	s2 =	sadd.s32 s3, s2  }
0x8d: {  	s2 =	sadd.s32 s2, s15  }
0x8e: {  	[smem:$0x3FBD] =	sst s2  }
0x8f: {  	_ = 	snop  }
0x90: {  	s2 =	sld [smem:$0x3FD0];
	_ =	sdelay $0x2  }
0x91: {  	s4 =	simm.s32 $0xA;
	s5 =	simm.s32 $0x10;
	s16 =	sld [smem:$0x3FC7]  }
0x92: {  	[smem:s5], [sflag:s4] =	dma.local [hbm:s2], $0x1  }
0x93: {  	_ =	swait.eq [sflag:s4], $0x1  }
0x94: {  	s17 =	sld [smem:$0x10]  }
0x95: {  	s18 =	sld [smem:$0x11];
	[sflag:s4] =	ssyncset.done $0x0  }
0x96: {  	s6 =	sld [smem:$0x16];
	[sflag:s4] =	ssyncadd.s32 $0xFFFFFFFF  }
0x97: {  	s19 =	sld [smem:$0x17];
	(tm) =	ssettm $0x1  }
0x98: {  	s7 =	sld [smem:$0x3FFB];
	_ =	sdelay $0x3  }
0x99: {  	_ =	strace s7  }
0x9a: {  	s7 =	sld [smem:$0x3FFC];
	_ =	sdelay $0x3  }
0x9b: {  	_ =	strace s7  }
0x9c: {  	s7 =	sld [smem:$0x3FFD];
	_ =	sdelay $0x3  }
0x9d: {  	_ =	strace s7  }
0x9e: {  	_ =	strace $0x8FFFFFFF  }
0x9f: {  	s20 =	sld [smem:$0x3FDB];
	_ =	sdelay $0x1  }
0xa0: {  	s8 =	simm.s32 $_scs_section_size  }
0xa1: {  	s9 =	simm.s32 $_size__tile_overlayer_lowered;
	s10 =	simm.s32 $_tile_overlayer_lowered  }
0xa2: {  	s23 =	simm.s32 $0x1BFF;
	s22 =	sshll.u32 s10, $0x1;
	s7 =	sadd.s32 s8, s20  }
0xa3: {  	s11 =	simm.s32 $0x0;
	s21 =	sshll.u32 s9, $0x1;
	s9 =	sadd.s32 s22, s7  }
0xa4: {  	[timem:s11], [sflag:s23] =	dma.local [hbm:s9], s21  }
0xa5: {  	_ =	swait.ge [sflag:s23], s21  }
0xa6: {  	s8 =	ssub.s32 $0x0, s21;
	[sflag:s23] =	ssyncset.done $0x0  }
0xa7: {  	[sflag:s23] =	ssyncadd.s32 s8;
	_ =	sdelay $0x1  }
0xa8: {  	s24 =	simm.s32 $0x1B8B  }
0xa9: {  	_ =	swait.ge [sflag:s24], $0x1  }
0xaa: {  	[sflag:s24] =	ssyncset.done $0x0  }
0xab: {  	s25 =	simm.s32 $0x1B8E;
	[sflag:s24] =	ssyncadd.s32 $0xFFFFFFFF  }
0xac: {  	s26 =	simm.s32 $execute0_lowered;
	[smem:$0x3FD2] =	sst s25  }
0xad: {  	s8 =	sshll.u32 s26, $0x1;
	_ =	strace $0x80000046;
	[dreg:$0x1] =	wrdreg $0xFFFFFFFF  }
0xae: {  	s28 =	simm.s32 $_size_execute0_lowered;
	s7 =	sadd.s32 s7, s8;
	[dreg:$0x0] =	wrdreg $0x0  }
0xaf: {  	s8 =	sshll.u32 s28, $0x1;
	[dreg:$0x2] =	wrdreg s7  }
0xb0: {  	[dreg:$0x3] =	wrdreg s8  }
0xb1: {  	[dreg:$0x4] =	wrdreg $0xC0  }
0xb2: {  	_ =	task [dreg:s11], $0x5FFFF  }
0xb3: {  	[dreg:$0x1] =	wrdreg $0xFFFFFFFF  }
0xb4: {  	[dreg:$0x0] =	wrdreg $0x60  }
0xb5: {  	[dreg:$0x2] =	wrdreg s19  }
0xb6: {  	[dreg:$0x3] =	wrdreg s16  }
0xb7: {  	[dreg:$0x4] =	wrdreg s6  }
0xb8: {  	[dreg:$0x5] =	wrdreg s17  }
0xb9: {  	[dreg:$0x6] =	wrdreg s18  }
0xba: {  	[dreg:$0x7] =	wrdreg $0x9  }
0xbb: {  	_ =	task.clear_ibuf [dreg:s11], $0x8FFFF;
	_ =	strace $0x90000046  }
0xbc: {  	s29 =	simm.s32 $0x9;
	_ =	strace $0x80000048  }
0xbd: {  	_ =	swait.ge [sflag:s29], $0x1  }
0xbe: {  	[sflag:s29] =	ssyncadd.s32 $0xFFFFFFFF  }
0xbf: {  	_ =	strace $0x90000048  }
0xc0: {  	_ =	sfence  }
0xc1: {  	s30 =	sld [smem:$0x0];
	_ =	sdelay $0x2  }
0xc2: {  	s31 =	sshll.u32 s1, $0xD;
	s1 =	sshrl.u32 s1, $0x2  }
0xc3: {  	s3 =	sand.u32 $0x4000, s31;
	s1 =	sadd.s32 s1, s30  }
0xc4: {  	s0 =	sor.u32 s3, s0;
	s1 =	sshll.u32 s1, $0x11  }
0xc5: {  	s0 =	sor.u32 s1, s0  }
0xc6: {  	s0 =	sadd.s32 $0x8F2B, s0  }
0xc7: {  	[sflag:s0] =	ssyncadd.remote.s32 $0x1  }
0xc8: {  	_ =	sfence.sel $0xFFFF  }
0xc9: {  	[dreg:$0x0] =	wrdreg $0xFFFFFFFF;
	(pc) =	sbr.abs _section_cstart, $3  }
0xca: {  	[dreg:$0x1] =	wrdreg $0xFFFFFFFF  }
0xcb: {  	_ =	task.clear_ibuf [dreg:s11], $0x2FFFF;
	_ =	strace $0x9FFFFFFF  }
0xcc: {  	(tm) =	ssettm $0x7FFFFFFF  }
0xcd: {  	_ =	shalt  }
tec
execute0_lowered:
.L_overlay_start_1:
0x0: {  	(tag) =	ssettag $0x1  }
0x1: {  	s2 =	srdreg.scid  }
0x2: {  	s7 =	sand.u32 $0x1, s2;
	s2 =	stileid.u32  }
0x3: {  	s8 =	sor.u32 s2, s7  }
0x4: {  	s0 =	rddreg [dreg:$0x0];
	p0 =	sne.s32 s8, $0x0  }
.Ltmp0:
0x5: {  	s1 =	rddreg [dreg:$0x1];
	(pc) =	sbr.rel @p0 .LBB2_7-.Ltmp0, $4  }
0x6: {  	s3 =	rddreg [dreg:$0x2]  }
0x7: {  	s5 =	rddreg [dreg:$0x3]  }
0x8: {  	s6 =	rddreg [dreg:$0x4]  }
0x9: {  	s4 =	rddreg [dreg:$0x5];
	_ =	strace $0x80000047  }
0xa: {  	v0 =	vimm.s32 $0xEDCBA987;
	v1 =	vimm.s32 $0x65432100;
	v2 =	vimm.s32 $0x54321000  }
0xb: {  	v3 =	vimm.s32 $0xDCBA9876;
	v4 =	vimm.s32 $0xBA987654;
	v5 =	vimm.s32 $0x32100000  }
0xc: {  	v6 =	vimm.s32 $0xE40000;
	vm0 =	vmmov $0x3;
	vm1 =	vmmov $0xf  }
0xd: {  	v0 =	vunpack.c.l.s4.s8 v0;
	v1 =	vunpack.c.l.s4.s8 v1;
	v3 =	vunpack.c.l.s4.s8 v3  }
0xe: {  	v2 =	vunpack.c.l.s4.s8 v2;
	v4 =	vunpack.c.l.s4.s8 v4;
	v5 =	vunpack.c.l.s4.s8 v5  }
0xf: {  	v6 =	vunpack.c.l.s2.s4 v6;
	v0 =	vunpack.c.0.s8.s32 v0;
	v3 =	vunpack.c.0.s8.s32 v3  }
0x10: {  	v1 =	vunpack.c.0.s8.s32 v1;
	v2 =	vunpack.c.0.s8.s32 v2;
	v4 =	vunpack.c.0.s8.s32 v4  }
0x11: {  	v5 =	vunpack.c.0.s8.s32 v5;
	v6 =	vunpack.c.l.s4.s8 v6;
	v3 =	vand.u32 $0xF, v3  }
0x12: {  	s7 =	ssub.s32 $0x2, s7;
	v0 =	vand.u32 $0xF, v0;
	v2 =	vcombine.low v2, v3;
	v3 =	vand.u32 $0xF, v4  }
0x13: {  	s9 =	simm.s32 $0x3;
	s10 =	simm.s32 $0x4000;
	s11 =	simm.s32 $0x800;
	v6 =	vunpack.c.0.s8.s32 v6;
	v3 =	vcombine.low v5, v3;
	v5 =	vimm.s32 $0x7060504  }
0x14: {  	vm2 =	vcmask $0x3F30;
	s12 =	simm.s32 $0x5880;
	s13 =	simm.s32 $0x5000;
	s14 =	simm.s32 $0x1;
	v0 =	vcombine.low v1, v0;
	v5 =	vunpack.c.0.s8.s32 v5  }
0x15: {  	s15 =	simm.s32 $0x2;
	s16 =	simm.s32 $0x5800;
	s8 =	sshrl.u32 s7, $0x1;
	v1 =	vimm.s32 $0x0;
	v4 =	vlaneseq.u32;
	v6 =	vand.u32 $0x3, v6  }
0x16: {  	s17 =	simm.s32 $0x0;
	s7 =	ssub.s32 s7, s8;
	s8 =	simm.s32 $0x0;
	v5 =	vsel vm2, v5, v6;
	vm2 =	vmmov $0xff;
	v6 =	vimm.s32 $0xF  }
.LBB2_2:
0x17: {  	[tilespmem:s8], [sflag:$0x3] =	stream.linear.gather [hbm4b:s0+s8], $0x4000, $0x38;
	[tilespmem:$0x6080] =	vst v63  }
0x18: {  	_ =	swait.ge [sflag:s9], $0x4000  }
0x19: {  	[sflag:s9] =	ssyncset.done $0x0  }
0x1a: {  	[sflag:s9] =	ssyncadd.s32 $0xFFFFC000  }
0x1b: {  	[tilespmem:s10], [sflag:$0x3] =	stream.linear.gather [hbm4b:s1+s8], $0x800, $0x38;
	[tilespmem:$0x6080] =	vst v63  }
0x1c: {  	_ =	swait.ge [sflag:s9], $0x800  }
0x1d: {  	[sflag:s9] =	ssyncset.done $0x0  }
0x1e: {  	s18 =	sand.u32 $0x70, s8;
	s19 =	sand.u32 $0x3C00, s8;
	[sflag:s9] =	ssyncadd.s32 $0xFFFFF800  }
0x1f: {  	s18 =	sor.u32 s18, s19;
	[tilespmem:$0x5800] =	vst v1  }
0x20: {  	v7 =	vld [tilespmem:s18+$0x80]  }
0x21: {  	v8 =	vld [tilespmem:s18+$0x0]  }
0x22: {  	v9 =	vld [tilespmem:s18+$0x100]  }
0x23: {  	v10 =	vld [tilespmem:s18+$0x180]  }
0x24: {  	v11 =	vld [tilespmem:s18+$0x200]  }
0x25: {  	v12 =	vld [tilespmem:s18+$0x280]  }
0x26: {  	vm3 =	vge.f32 v7, $0.0e+00;
	vm4 =	vge.f32 v8, $0.0e+00  }
0x27: {  	vm5 =	vge.f32 v9, $0.0e+00;
	vm3 =	vmand vm4, vm3  }
0x28: {  	vm13 =	vge.f32 v10, $0.0e+00;
	vm3 =	vmand vm3, vm5  }
0x29: {  	vm14 =	vge.f32 v11, $0.0e+00;
	vm3 =	vmand vm3, vm13  }
0x2a: {  	vm15 =	vge.f32 v12, $0.0e+00;
	vm3 =	vmand vm3, vm14  }
0x2b: {  	vm3 =	vmand vm3, vm15  }
0x2c: {  	s18 =	simm.s32 $0x4800;
	v7 =	vsel vm3, $0x1, v1  }
0x2d: {  	[tilespmem:s18+$0x0] =	vst v7  }
0x2e: {  	s20 =	simm.s32 $0x0;
	s19 =	simm.s32 $0x10;
	v8 =	vld [tilespmem:$0x5800]  }
.LBB2_3:
0x2f: {  	_ =	sdelay $0x2  }
0x30: {  	p0 =	sne.s32 s19, $0x7F0;
	s20 =	sadd.s32 $0x80, s20;
	s18 =	sadd.s32 $0x10, s18  }
0x31: {  	s21 =	sand.u32 $0x70, s19;
	s19 =	sadd.s32 $0x10, s19;
	s22 =	sand.u32 $0x3C00, s20;
	v7 =	vadd.s32 v7, v8  }
0x32: {  	s21 =	sor.u32 s21, s22;
	[tilespmem:$0x5800] =	vst v7  }
0x33: {  	v7 =	vld [tilespmem:s21+$0x100]  }
0x34: {  	v8 =	vld [tilespmem:s21+$0x80]  }
0x35: {  	v9 =	vld [tilespmem:s21+$0x0]  }
0x36: {  	v10 =	vld [tilespmem:s21+$0x180]  }
0x37: {  	v11 =	vld [tilespmem:s21+$0x200]  }
0x38: {  	v12 =	vld [tilespmem:s21+$0x280]  }
0x39: {  	vm3 =	vge.f32 v8, $0.0e+00  }
0x3a: {  	vm5 =	vge.f32 v7, $0.0e+00;
	vm4 =	vge.f32 v9, $0.0e+00  }
0x3b: {  	vm3 =	vmand vm4, vm3;
	vm4 =	vge.f32 v10, $0.0e+00  }
0x3c: {  	vm3 =	vmand vm3, vm5;
	vm5 =	vge.f32 v11, $0.0e+00  }
0x3d: {  	vm3 =	vmand vm3, vm4;
	vm4 =	vge.f32 v12, $0.0e+00  }
.Ltmp1:
0x3e: {  	vm3 =	vmand vm3, vm5;
	(pc) =	sbr.rel @p0 .LBB2_3-.Ltmp1, $4  }
0x3f: {  	vm3 =	vmand vm3, vm4  }
0x40: {  	v7 =	vsel vm3, $0x1, v1  }
0x41: {  	[tilespmem:s18+$0x0] =	vst v7  }
0x42: {  	v8 =	vld [tilespmem:$0x5800]  }
0x43: {  	_ =	sdelay $0x3  }
0x44: {  	v7 =	vadd.s32 v7, v8  }
0x45: {  	v8 =	vperm.xlane v7, v0  }
0x46: {  	vm3 =	veq.s32 v4, $0x0  }
0x47: {  	v8 =	vsel vm3, $0x0, v8  }
0x48: {  	v8 =	vadd.s32 v7, v8  }
0x49: {  	v9 =	vperm.xlane v8, v2;
	_ =	sdelay $0x1  }
0x4a: {  	v9 =	vsel vm0, $0x0, v9  }
0x4b: {  	v8 =	vadd.s32 v9, v8  }
0x4c: {  	v9 =	vperm.xlane v8, v3;
	_ =	sdelay $0x1  }
0x4d: {  	v9 =	vsel vm1, $0x0, v9  }
0x4e: {  	v8 =	vadd.s32 v9, v8  }
0x4f: {  	v9 =	vperm.xlane v8, v5;
	_ =	sdelay $0x1  }
0x50: {  	v9 =	vsel vm2, $0x0, v9  }
0x51: {  	v8 =	vadd.s32 v9, v8  }
0x52: {  	v8 =	vperm.xlane v8, v6  }
0x53: {  	[tilespmem:$0x5800] =	vst v7  }
0x54: {  	s18 =	simm.s32 $0x4800;
	[tilespmem:$0x5800] =	vst v8  }
0x55: {  	v7 =	vld [tilespmem:s18+$0x0];
	_ =	sdelay $0x4  }
0x56: {  	v9 =	vperm.xlane v7, v0;
	_ =	sdelay $0x1  }
0x57: {  	v9 =	vsel vm3, $0x0, v9  }
0x58: {  	v9 =	vadd.s32 v7, v9  }
0x59: {  	v10 =	vperm.xlane v9, v2;
	_ =	sdelay $0x1  }
0x5a: {  	v10 =	vsel vm0, $0x0, v10  }
0x5b: {  	v9 =	vadd.s32 v10, v9  }
0x5c: {  	v10 =	vperm.xlane v9, v3;
	_ =	sdelay $0x1  }
0x5d: {  	v10 =	vsel vm1, $0x0, v10  }
0x5e: {  	v9 =	vadd.s32 v10, v9  }
0x5f: {  	v10 =	vperm.xlane v9, v5;
	_ =	sdelay $0x1  }
0x60: {  	v10 =	vsel vm2, $0x0, v10  }
0x61: {  	v11 =	vimm.s32 $0x0;
	v9 =	vadd.s32 v10, v9  }
0x62: {  	v10 =	vadd.s32 v9, v11;
	v12 =	vsub.s32 v8, v9  }
0x63: {  	vm4 =	vgt.s32 v7, $0x0;
	v7 =	vadd.s32 $0xFFFFFFFF, v10;
	v10 =	vadd.s32 v4, v12  }
0x64: {  	s20 =	simm.s32 $0x0;
	s18 =	simm.s32 $0x5880;
	v9 =	vperm.xlane v9, v6;
	v7 =	vsel vm4, v7, v10  }
0x65: {  	s19 =	simm.s32 $0x5000;
	[tilespmem:s18+$0x0] =	vst v7;
	v7 =	vor.u32 s20, v4  }
0x66: {  	s21 =	simm.s32 $0x4810;
	v8 =	vsub.s32 v8, v9;
	[tilespmem:s19+$0x0] =	vst v7  }
0x67: {  	s22 =	simm.s32 $0x20;
	s20 =	simm.s32 $0x10;
	v8 =	vadd.s32 $0x10, v8;
	v7 =	vadd.s32 v11, v9;
	v9 =	vld [tilespmem:s21+$0x0]  }
.LBB2_5:
0x68: {  	p0 =	sne.s32 s22, $0x7F0;
	_ =	sdelay $0x3  }
0x69: {  	vm4 =	vgt.s32 v9, $0x0;
	v10 =	vperm.xlane v9, v0;
	_ =	sdelay $0x1  }
0x6a: {  	v10 =	vsel vm3, $0x0, v10  }
0x6b: {  	v9 =	vadd.s32 v9, v10  }
0x6c: {  	v10 =	vperm.xlane v9, v2;
	_ =	sdelay $0x1  }
0x6d: {  	v10 =	vsel vm0, $0x0, v10  }
0x6e: {  	v9 =	vadd.s32 v10, v9  }
0x6f: {  	v10 =	vperm.xlane v9, v3;
	_ =	sdelay $0x1  }
0x70: {  	v10 =	vsel vm1, $0x0, v10  }
0x71: {  	v9 =	vadd.s32 v10, v9  }
0x72: {  	v10 =	vperm.xlane v9, v5;
	_ =	sdelay $0x1  }
0x73: {  	v10 =	vsel vm2, $0x0, v10  }
0x74: {  	v9 =	vadd.s32 v10, v9  }
0x75: {  	v10 =	vadd.s32 v9, v7;
	v11 =	vsub.s32 v8, v9;
	v9 =	vperm.xlane v9, v6  }
.Ltmp2:
0x76: {  	v10 =	vadd.s32 $0xFFFFFFFF, v10;
	v11 =	vadd.s32 v4, v11;
	(pc) =	sbr.rel @p0 .LBB2_5-.Ltmp2, $4  }
0x77: {  	s18 =	sadd.s32 $0x10, s18;
	v10 =	vsel vm4, v10, v11;
	v7 =	vadd.s32 v7, v9;
	v8 =	vsub.s32 v8, v9  }
0x78: {  	s19 =	sadd.s32 $0x10, s19;
	v9 =	vor.u32 s20, v4;
	s20 =	smov.u32 s22;
	[tilespmem:s18+$0x0] =	vst v10;
	v8 =	vadd.s32 $0x10, v8  }
0x79: {  	s21 =	sadd.s32 $0x10, s21;
	[tilespmem:s19+$0x0] =	vst v9  }
0x7a: {  	s22 =	sadd.s32 $0x10, s22;
	v9 =	vld [tilespmem:s21+$0x0]  }
0x7b: {  	_ =	sdelay $0x3  }
0x7c: {  	v10 =	vperm.xlane v9, v0;
	_ =	sdelay $0x1  }
0x7d: {  	v10 =	vsel vm3, $0x0, v10  }
0x7e: {  	v10 =	vadd.s32 v9, v10  }
0x7f: {  	v11 =	vperm.xlane v10, v2;
	_ =	sdelay $0x1  }
0x80: {  	v11 =	vsel vm0, $0x0, v11  }
0x81: {  	v10 =	vadd.s32 v11, v10  }
0x82: {  	v11 =	vperm.xlane v10, v3;
	_ =	sdelay $0x1  }
0x83: {  	v11 =	vsel vm1, $0x0, v11  }
0x84: {  	v10 =	vadd.s32 v11, v10  }
0x85: {  	v11 =	vperm.xlane v10, v5;
	_ =	sdelay $0x1  }
0x86: {  	v11 =	vsel vm2, $0x0, v11  }
0x87: {  	v10 =	vadd.s32 v11, v10  }
0x88: {  	v7 =	vadd.s32 v10, v7;
	v8 =	vsub.s32 v8, v10  }
0x89: {  	vm3 =	vgt.s32 v9, $0x0;
	v7 =	vadd.s32 $0xFFFFFFFF, v7;
	v8 =	vadd.s32 v4, v8  }
0x8a: {  	s18 =	sadd.s32 $0x10, s18;
	v7 =	vsel vm3, v7, v8  }
0x8b: {  	s31 =	sadd.s32 $0x10, s19;
	[tilespmem:s18+$0x0] =	vst v7;
	v7 =	vor.u32 s20, v4  }
0x8c: {  	[tilespmem:s31+$0x0] =	vst v7  }
0x8d: {  	[hbm4b:s3+s11] =	stream.indirect.scatter [tilespmem:s13], [sflag:$0x1], $0x1, s12, s11, $0xb8;
	[tilespmem:$0x6080] =	vst v63  }
0x8e: {  	_ =	swait.ge [sflag:s14], $0x800  }
0x8f: {  	[sflag:s14] =	ssyncset.done $0x0  }
0x90: {  	[sflag:s14] =	ssyncadd.s32 $0xFFFFF800  }
0x91: {  	[hbm4b:s5+s11] =	stream.indirect.scatter [tilespmem:s10], [sflag:$0x2], $0x1, s12, s11, $0xb8;
	[tilespmem:$0x6080] =	vst v63  }
0x92: {  	s17 =	sadd.s32 $0x1, s17;
	_ =	swait.ge [sflag:s15], $0x800  }
0x93: {  	p0 =	sne.s32 s17, s7;
	[sflag:s15] =	ssyncset.done $0x0  }
.Ltmp3:
0x94: {  	[sflag:s15] =	ssyncadd.s32 $0xFFFFF800;
	(pc) =	sbr.rel @p0 .LBB2_2-.Ltmp3, $4  }
0x95: {  	[hbm4b:s6+s8] =	stream.linear.scatter [tilespmem:s16], [sflag:$0x3], $0x80, $0x38;
	[tilespmem:$0x6080] =	vst v63  }
0x96: {  	_ =	swait.ge [sflag:s9], $0x80  }
0x97: {  	[sflag:s9] =	ssyncset.done $0x0  }
0x98: {  	[sflag:s9] =	ssyncadd.s32 $0xFFFFFF80  }
.LBB2_7:
0x99: {  	_ =	sfence.sel $0x180000  }
0x9a: {  	[bflag:$0x0] =	sbarrier.arrive $0xFFFF  }
0x9b: {  	p0 =	sne.s32 s2, $0x0;
	_ =	strace $0x90000047  }
0x9c: {  	s0 =	sadd.s32 @!p0 $0x100000, s4;
	[bflag:$0x2] =	sbarrier.arrive $0xFFFF  }
0x9d: {  	[sflag:s0] =	ssyncadd.tile.s32 @!p0 $0x1;
	_ =	shalt  }
.Lfunc_end2:
_tile_overlayer_lowered:
.L_overlay_start_2:
0x9e: {  	(tag) =	ssettag $0x2  }
0x9f: {  	s0 =	rddreg [dreg:$0x0];
	s2 =	stileid.u32  }
0xa0: {  	s1 =	rddreg [dreg:$0x1];
	p0 =	sne.s32 s2, $0x0  }
0xa1: {  	s3 =	rddreg [dreg:$0x2];
	[bflag:$0x3] =	sbarrier.arrive $0xFFFF;
	s2 =	simm.s32 @!p0 $0x1C03  }
0xa2: {  	[timem:s3], [sflag:s2] =	dma.local @!p0 [hbm:s0], s1  }
0xa3: {  	s0 =	simm.s32 @!p0 $0x3  }
0xa4: {  	_ =	swait.ge @!p0 [sflag:s0], s1  }
0xa5: {  	s1 =	ssub.s32 @!p0 $0x0, s1;
	[sflag:s0] =	ssyncset.done @!p0 $0x0  }
0xa6: {  	[sflag:s0] =	ssyncadd.s32 @!p0 s1  }
0xa7: {  	[bflag:$0x3] =	sbarrier.arrive $0xFFFF  }
0xa8: {  	_ =	shalt  }

</sc_bundles>
